<compile_context>
chip_gen: v7x
topology: tpu7x:2x2x1
jax: 0.10.2.dev20260603
libtpu: 0.0.44.dev20260713+nightly
codegen_flags: <defaults>
</compile_context>

<pallas_src>
import functools

import jax
import jax.numpy as jnp
from jax import lax
from jax.experimental import pallas as pl
from jax.experimental.pallas import tpu as pltpu
from jax.experimental.pallas import tpu_sc as plsc

NUM_CORES = 2
NUM_SUBCORES = 16


def _pick_chunk(per_tile):
    for ch in (128, 120, 112, 104, 96, 88, 80, 72, 64, 56, 48, 40, 32, 24, 16, 8):
        if per_tile % ch == 0:
            return ch
    return 1


def _sc_mesh():
    return plsc.VectorSubcoreMesh(
        core_axis_name="c", subcore_axis_name="s",
        num_cores=NUM_CORES, num_subcores=NUM_SUBCORES)


def _make_gather(n, r, d, dtype=jnp.float32):
    per_tile = r // NUM_SUBCORES
    ch = _pick_chunk(per_tile)
    n_ch = per_tile // ch
    assert n_ch % 2 == 0

    @functools.partial(
        pl.kernel, mesh=_sc_mesh(),
        out_type=jax.ShapeDtypeStruct((2, r, d), dtype),
        scratch_types=[
            pltpu.VMEM((2, 1, ch), jnp.int32),
            pltpu.VMEM((ch, d), dtype),
            pltpu.VMEM((ch, d), dtype),
            pltpu.SemaphoreType.DMA,
            pltpu.SemaphoreType.DMA,
            pltpu.SemaphoreType.DMA,
            pltpu.SemaphoreType.DMA,
            pltpu.SemaphoreType.DMA,
            pltpu.SemaphoreType.DMA,
        ],
    )
    def gather_k(table, idx4_s, idx4_o, out, idxb, rows0, rows1,
                 si0, si1, sg0, sg1, sw0, sw1):
        c = lax.axis_index("c")
        s = lax.axis_index("s")
        tile_base = s * per_tile
        rows = (rows0, rows1)
        si = (si0, si1)
        sg = (sg0, sg1)
        sw = (sw0, sw1)

        def run(idx4):
            pltpu.sync_copy(idx4.at[s, 0], idxb.at[0])
            pltpu.async_copy(table.at[idxb.at[0, 0]], rows[0], sg[0])
            pltpu.async_copy(idx4.at[s, 1], idxb.at[1], si[1])

            def wait_idx(par):
                pltpu.make_async_copy(
                    idx4.at[s, 0], idxb.at[par], si[par]).wait()

            def wait_gather(par):
                pltpu.make_async_copy(
                    table.at[idxb.at[par, 0]], rows[par], sg[par]).wait()

            def wait_wb(par):
                pltpu.make_async_copy(
                    rows[par], out.at[c, pl.ds(tile_base, ch)],
                    sw[par]).wait()

            def body(t, carry):
                for par in range(2):
                    b = 2 * t + par
                    base = pl.multiple_of(tile_base + b * ch, 8)
                    prev_base = pl.multiple_of(tile_base + (b - 1) * ch, 8)
                    pl.when(b >= 1)(lambda par=par: wait_idx(par))
                    pl.when(b >= 1)(lambda par=par: wait_gather(1 - par))

                    def wb_prev(par=par, prev_base=prev_base):
                        pltpu.async_copy(
                            rows[1 - par],
                            out.at[c, pl.ds(prev_base, ch)], sw[1 - par])
                    pl.when(b >= 1)(wb_prev)
                    pl.when(b >= 2)(lambda par=par: wait_wb(par))

                    def fire(par=par):
                        pltpu.async_copy(table.at[idxb.at[par, 0]],
                                         rows[par], sg[par])
                    pl.when(b >= 1)(fire)

                    def prefetch(par=par, b=b):
                        pltpu.async_copy(idx4.at[s, b + 1],
                                         idxb.at[1 - par], si[1 - par])
                    pl.when(jnp.logical_and(b >= 1, b + 1 < n_ch))(prefetch)
                return carry

            lax.fori_loop(0, n_ch // 2, body, 0)
            wait_gather(1)
            last_base = pl.multiple_of(tile_base + (n_ch - 1) * ch, 8)
            pltpu.async_copy(rows[1], out.at[c, pl.ds(last_base, ch)], sw[1])
            wait_wb(0)
            wait_wb(1)

        pl.when(c == 0)(lambda: run(idx4_s))
        pl.when(c == 1)(lambda: run(idx4_o))

    return gather_k


def _make_scatter(n, r, d):
    per_tile = r // NUM_SUBCORES
    ch = _pick_chunk(per_tile)
    n_ch = per_tile // ch
    assert n_ch % 2 == 0

    @functools.partial(
        pl.kernel, mesh=_sc_mesh(),
        out_type=jax.ShapeDtypeStruct((2, n, d), jnp.float32),
        scratch_types=[
            pltpu.VMEM((2, 1, ch), jnp.int32),
            pltpu.VMEM((ch, d), jnp.float32),
            pltpu.VMEM((ch, d), jnp.float32),
            pltpu.VMEM_SHARED((n, d), jnp.float32),
            pltpu.SemaphoreType.DMA,
            pltpu.SemaphoreType.DMA,
            pltpu.SemaphoreType.DMA,
            pltpu.SemaphoreType.DMA,
            pltpu.SemaphoreType.DMA,
            pltpu.SemaphoreType.DMA,
        ],
    )
    def scatter_k(msg2, idx4_s, idx4_o, zeros_nd, out, idxb, buf0, buf1,
                  acc, si0, si1, sa0, sa1, sm0, sm1):
        c = lax.axis_index("c")
        s = lax.axis_index("s")
        pl.when(s == 0)(lambda: pltpu.sync_copy(zeros_nd, acc))
        plsc.subcore_barrier()

        tile_base = s * per_tile
        bufs = (buf0, buf1)
        si = (si0, si1)
        sa = (sa0, sa1)
        sm = (sm0, sm1)

        def drain_add(par):
            pltpu.make_async_copy(
                bufs[par], acc.at[idxb.at[par, 0]], sa[par]).wait()

        def run(idx4):
            pltpu.sync_copy(idx4.at[s, 0], idxb.at[0])
            pltpu.sync_copy(msg2.at[c, pl.ds(tile_base, ch)], bufs[0])
            pltpu.async_copy(idx4.at[s, 1], idxb.at[1], si[1])
            pltpu.async_copy(msg2.at[c, pl.ds(
                pl.multiple_of(tile_base + ch, 8), ch)], bufs[1], sm[1])

            def wait_idx(par):
                pltpu.make_async_copy(
                    idx4.at[s, 0], idxb.at[par], si[par]).wait()

            def wait_msg(par):
                pltpu.make_async_copy(
                    msg2.at[c, pl.ds(tile_base, ch)], bufs[par],
                    sm[par]).wait()

            def body(t, carry):
                for par in range(2):
                    b = 2 * t + par
                    pl.when(b >= 1)(lambda par=par: wait_idx(par))
                    pl.when(b >= 1)(lambda par=par: wait_msg(par))
                    pl.when(b >= 1)(lambda par=par: drain_add(1 - par))
                    pltpu.async_copy(bufs[par], acc.at[idxb.at[par, 0]],
                                     sa[par], add=True)

                    def prefetch(par=par, b=b):
                        nbase = pl.multiple_of(tile_base + (b + 1) * ch, 8)
                        pltpu.async_copy(idx4.at[s, b + 1],
                                         idxb.at[1 - par], si[1 - par])
                        pltpu.async_copy(msg2.at[c, pl.ds(nbase, ch)],
                                         bufs[1 - par], sm[1 - par])
                    pl.when(jnp.logical_and(b >= 1, b + 1 < n_ch))(prefetch)
                return carry

            lax.fori_loop(0, n_ch // 2, body, 0)
            drain_add(1)

        pl.when(c == 0)(lambda: run(idx4_s))
        pl.when(c == 1)(lambda: run(idx4_o))

        plsc.subcore_barrier()
        pl.when(s == 0)(lambda: pltpu.sync_copy(acc, out.at[c]))

    return scatter_k


def _edge_body(ab, p, wev, bev, wve, bve, wih, whh, bih, bhh, msg, pnew):
    d = p.shape[-1]
    a = ab[0]
    b = ab[1]
    x = p[...]
    bf = jnp.bfloat16
    a16 = a.astype(bf)
    b16 = b.astype(bf)
    x16 = x.astype(bf)
    wev16 = wev[...].astype(bf)
    wve16 = wve[...].astype(bf)
    wev1 = wev16[0:d, :]
    wev2 = wev16[d:2 * d, :]
    wve1 = wve16[0:d, :]
    wve2 = wve16[d:2 * d, :]
    dot = functools.partial(jnp.dot, preferred_element_type=jnp.float32)

    g2 = dot(x16, wev2) + bev[...]
    gs = jax.nn.sigmoid(dot(a16, wev1) + g2)
    go = jax.nn.sigmoid(dot(b16, wev1) + g2)
    msg[0] = gs * x
    msg[1] = go * x

    pv = dot(x16, wve1) + bve[...]
    ps = jax.nn.sigmoid(pv + dot(a16, wve2)) * a
    po = jax.nn.sigmoid(pv + dot(b16, wve2)) * b
    gin = ps + po

    gi = dot(gin.astype(bf), wih[...].astype(bf)) + bih[...]
    gh = dot(x16, whh[...].astype(bf)) + bhh[...]
    rr = jax.nn.sigmoid(gi[:, 0:d] + gh[:, 0:d])
    zz = jax.nn.sigmoid(gi[:, d:2 * d] + gh[:, d:2 * d])
    nn = jnp.tanh(gi[:, 2 * d:3 * d] + rr * gh[:, 2 * d:3 * d])
    pnew[...] = (1.0 - zz) * nn + zz * x


def _make_edge(r, d, blk):
    grid = r // blk
    full = lambda i: (0, 0)
    return pl.pallas_call(
        _edge_body,
        grid=(grid,),
        in_specs=[
            pl.BlockSpec((2, blk, d), lambda i: (0, i, 0)),
            pl.BlockSpec((blk, d), lambda i: (i, 0)),
            pl.BlockSpec((2 * d, d), full),
            pl.BlockSpec((1, d), full),
            pl.BlockSpec((2 * d, d), full),
            pl.BlockSpec((1, d), full),
            pl.BlockSpec((d, 3 * d), full),
            pl.BlockSpec((d, 3 * d), full),
            pl.BlockSpec((1, 3 * d), full),
            pl.BlockSpec((1, 3 * d), full),
        ],
        out_specs=[
            pl.BlockSpec((2, blk, d), lambda i: (0, i, 0)),
            pl.BlockSpec((blk, d), lambda i: (i, 0)),
        ],
        out_shape=[
            jax.ShapeDtypeStruct((2, r, d), jnp.float32),
            jax.ShapeDtypeStruct((r, d), jnp.float32),
        ],
        compiler_params=pltpu.CompilerParams(
            dimension_semantics=("arbitrary",)),
    )


def _node_body(acc, cnt, xo, wih, whh, bih, bhh, xnew):
    d = xo.shape[-1]
    inv_s = 1.0 / jnp.maximum(cnt[0][:, 0:1], 1.0)
    inv_o = 1.0 / jnp.maximum(cnt[1][:, 0:1], 1.0)
    gin = acc[0] * inv_s + acc[1] * inv_o
    h = xo[...]
    dot = functools.partial(jnp.dot, preferred_element_type=jnp.float32)
    gi = dot(gin, wih[...]) + bih[...]
    gh = dot(h, whh[...]) + bhh[...]
    rr = jax.nn.sigmoid(gi[:, 0:d] + gh[:, 0:d])
    zz = jax.nn.sigmoid(gi[:, d:2 * d] + gh[:, d:2 * d])
    nn = jnp.tanh(gi[:, 2 * d:3 * d] + rr * gh[:, 2 * d:3 * d])
    xnew[...] = (1.0 - zz) * nn + zz * h


def _make_node(n, d, w, blk):
    grid = n // blk
    full = lambda i: (0, 0)
    return pl.pallas_call(
        _node_body,
        grid=(grid,),
        in_specs=[
            pl.BlockSpec((2, blk, d), lambda i: (0, i, 0)),
            pl.BlockSpec((2, blk, w), lambda i: (0, i, 0)),
            pl.BlockSpec((blk, d), lambda i: (i, 0)),
            pl.BlockSpec((d, 3 * d), full),
            pl.BlockSpec((d, 3 * d), full),
            pl.BlockSpec((1, 3 * d), full),
            pl.BlockSpec((1, 3 * d), full),
        ],
        out_specs=pl.BlockSpec((blk, d), lambda i: (i, 0)),
        out_shape=jax.ShapeDtypeStruct((n, d), jnp.float32),
        compiler_params=pltpu.CompilerParams(
            dimension_semantics=("arbitrary",)),
    )


def _pick_blk(total, cap):
    for blk in (cap, 4000, 3200, 2560, 2000, 1600, 1280, 1000, 800, 640,
                500, 400, 320, 250, 200, 160, 128, 100, 80, 64, 40, 32, 16, 8):
        if blk <= cap and total % blk == 0:
            return blk
    return 8


T_ITERS = 2


def kernel(x_obj, x_pred, pair_idxs, W_ev, b_ev, W_ve, b_ve, W_ih, W_hh, b_ih, b_hh):
    n, d = x_obj.shape
    r = x_pred.shape[0]

    per_tile = r // NUM_SUBCORES
    ch = _pick_chunk(per_tile)
    n_ch = per_tile // ch
    idx_s = pair_idxs[:, 0].astype(jnp.int32).reshape(
        NUM_SUBCORES, n_ch, 1, ch)
    idx_o = pair_idxs[:, 1].astype(jnp.int32).reshape(
        NUM_SUBCORES, n_ch, 1, ch)

    gather = _make_gather(n, r, d)
    scatter = _make_scatter(n, r, d)
    edge = _make_edge(r, d, _pick_blk(r, 2000))
    node = _make_node(n, d, d, _pick_blk(n, 2000))

    zeros_nd = jnp.zeros((n, d), jnp.float32)

    bev = b_ev.reshape(1, d)
    bve = b_ve.reshape(1, d)
    bih = b_ih.reshape(1, 3 * d)
    bhh = b_hh.reshape(1, 3 * d)

    ones2 = jnp.ones((2, r, d), jnp.float32)
    cnt2 = scatter(ones2, idx_s, idx_o, zeros_nd)

    def step(carry, _):
        xo, xp = carry
        ab = gather(xo, idx_s, idx_o)
        msg2, xp_new = edge(ab, xp, W_ev, bev, W_ve, bve,
                            W_ih, W_hh, bih, bhh)
        acc = scatter(msg2, idx_s, idx_o, zeros_nd)
        xo_new = node(acc, cnt2, xo, W_ih, W_hh, bih, bhh)
        return (xo_new, xp_new), 0

    (x_obj, x_pred), _ = lax.scan(step, (x_obj, x_pred), None, length=T_ITERS)
    return (x_obj, x_pred)

# --- scband reference (transcript-rebuilt; emitter-appended) ---
"""Pipeline reference for scband-imp-56788057588234 (READ-ONLY COPY).

The authoritative reference and input builder live on the scoring server;
editing this copy changes nothing except your own understanding.
"""

import jax, jax.numpy as jnp
import numpy as np

T_STEPS = 2


def _gate(target, source, W, b):
    # message gate: sigmoid(fc(cat(target, source))) * source
    g = jax.nn.sigmoid(jnp.concatenate([target, source], axis=-1) @ W + b)
    return g * source


def _gru_cell(x, h, W_ih, W_hh, b_ih, b_hh):
    gi = x @ W_ih + b_ih
    gh = h @ W_hh + b_hh
    i_r, i_z, i_n = jnp.split(gi, 3, axis=-1)
    h_r, h_z, h_n = jnp.split(gh, 3, axis=-1)
    r = jax.nn.sigmoid(i_r + h_r)
    z = jax.nn.sigmoid(i_z + h_z)
    n = jnp.tanh(i_n + r * h_n)
    return (1.0 - z) * n + z * h


def setup_inputs(seed: int = 0) -> dict:
    key = jax.random.key(seed)
    ks = jax.random.split(key, 12)
    N, R, D = 10000, 320000, 128
    s = 0.05
    x_obj = jax.random.normal(ks[0], (N, D), dtype=jnp.float32)
    x_pred = jax.random.normal(ks[1], (R, D), dtype=jnp.float32)
    pair_idxs = jax.random.randint(ks[2], (R, 2), 0, N)
    W_ev = jax.random.normal(ks[3], (2 * D, D), dtype=jnp.float32) * s
    b_ev = jnp.zeros((D,), dtype=jnp.float32)
    W_ve = jax.random.normal(ks[4], (2 * D, D), dtype=jnp.float32) * s
    b_ve = jnp.zeros((D,), dtype=jnp.float32)
    W_ih = jax.random.normal(ks[5], (D, 3 * D), dtype=jnp.float32) * s
    W_hh = jax.random.normal(ks[6], (D, 3 * D), dtype=jnp.float32) * s
    b_ih = jnp.zeros((3 * D,), dtype=jnp.float32)
    b_hh = jnp.zeros((3 * D,), dtype=jnp.float32)
    return {"x_obj": x_obj, "x_pred": x_pred, "pair_idxs": pair_idxs,
            "W_ev": W_ev, "b_ev": b_ev, "W_ve": W_ve, "b_ve": b_ve,
            "W_ih": W_ih, "W_hh": W_hh, "b_ih": b_ih, "b_hh": b_hh}


def reference(x_obj, x_pred, pair_idxs, W_ev, b_ev, W_ve, b_ve, W_ih, W_hh, b_ih, b_hh):
    N = x_obj.shape[0]
    idxs_subj = pair_idxs[:, 0]
    idxs_obj = pair_idxs[:, 1]
    ones = jnp.ones((pair_idxs.shape[0],), dtype=jnp.float32)
    cnt_subj = jnp.maximum(jax.ops.segment_sum(ones, idxs_subj, num_segments=N), 1.0)
    cnt_obj = jnp.maximum(jax.ops.segment_sum(ones, idxs_obj, num_segments=N), 1.0)
    for _ in range(T_STEPS):
        # update object features: aggregate gated edge->vertex messages
        tgt_s = jnp.take(x_obj, idxs_subj, axis=0)
        msg_s = _gate(tgt_s, x_pred, W_ev, b_ev)
        x_subj_message = jax.ops.segment_sum(msg_s, idxs_subj, num_segments=N) / cnt_subj[:, None]
        tgt_o = jnp.take(x_obj, idxs_obj, axis=0)
        msg_o = _gate(tgt_o, x_pred, W_ev, b_ev)
        x_obj_message = jax.ops.segment_sum(msg_o, idxs_obj, num_segments=N) / cnt_obj[:, None]
        gru_input_object = x_subj_message + x_obj_message
        x_obj_updated = _gru_cell(gru_input_object, x_obj, W_ih, W_hh, b_ih, b_hh)
        # update predicate features: gather vertex->edge gated messages
        fea_sub2pred = jnp.take(x_obj, idxs_subj, axis=0)
        fea_obj2pred = jnp.take(x_obj, idxs_obj, axis=0)
        pred_subj = _gate(x_pred, fea_sub2pred, W_ve, b_ve)
        pred_obj = _gate(x_pred, fea_obj2pred, W_ve, b_ve)
        gru_input_phrase = pred_subj + pred_obj
        x_pred_updated = _gru_cell(gru_input_phrase, x_pred, W_ih, W_hh, b_ih, b_hh)
        x_obj, x_pred = x_obj_updated, x_pred_updated
    return (x_obj, x_pred)

if __name__ == "__main__":
    import jax
    _d = setup_inputs()
    print(jax.jit(kernel)(*tuple(_d.values())))

</pallas_src>

<mosaic_0001>
#map = affine_map<(d0, d1) -> (0, 0, 0)>
#map1 = affine_map<(d0, d1) -> (0, 0, 0, 0)>
#map2 = affine_map<(d0, d1) -> (0, 0)>
module attributes {stable_mosaic.version = 14 : i64} {
  func.func @scatter_k(%arg0: i32, %arg1: i32, %arg2: memref<2x320000x128xf32, #tpu.memory_space<hbm>>, %arg3: memref<16x250x1x80xi32, #tpu.memory_space<hbm>>, %arg4: memref<16x250x1x80xi32, #tpu.memory_space<hbm>>, %arg5: memref<10000x128xf32, #tpu.memory_space<hbm>>, %arg6: memref<2x10000x128xf32, #tpu.memory_space<hbm>>, %arg7: memref<2x1x80xi32, #tpu.memory_space<vmem>>, %arg8: memref<80x128xf32, #tpu.memory_space<vmem>>, %arg9: memref<80x128xf32, #tpu.memory_space<vmem>>, %arg10: memref<10000x128xf32, #tpu.memory_space<vmem_shared>>, %arg11: memref<!tpu.dma_semaphore, #tpu.memory_space<semaphore_mem>>, %arg12: memref<!tpu.dma_semaphore, #tpu.memory_space<semaphore_mem>>, %arg13: memref<!tpu.dma_semaphore, #tpu.memory_space<semaphore_mem>>, %arg14: memref<!tpu.dma_semaphore, #tpu.memory_space<semaphore_mem>>, %arg15: memref<!tpu.dma_semaphore, #tpu.memory_space<semaphore_mem>>, %arg16: memref<!tpu.dma_semaphore, #tpu.memory_space<semaphore_mem>>) attributes {dimension_semantics = [#tpu.dimension_semantics<core_parallel>, #tpu.dimension_semantics<subcore_parallel>], iteration_bounds = array<i64: 2, 16>, scalar_prefetch = 0 : i64, scratch_operands = 10 : i64, tpu.core_type = #tpu.core_type<sc_vector_subcore>, window_params = [{transform_indices = #map}, {transform_indices = #map1}, {transform_indices = #map1}, {transform_indices = #map2}, {transform_indices = #map}]} {
    %eq3A = arith.constant 0 : i32
    %eq3A_0 = arith.cmpi eq, %arg1, %eq3A : i32
    %convert_element_type3A = arith.extui %eq3A_0 : i1 to i32
    %cond3A = arith.constant 0 : i32
    %cond3A_1 = arith.cmpi ne, %convert_element_type3A, %cond3A : i32
    scf.if %cond3A_1 {
      "tpu.region"() ({
        %run_scoped3A = tpu.sem_alloc : memref<!tpu.dma_semaphore, #tpu.memory_space<semaphore_mem>>
        tpu.enqueue_dma source(%arg5 : memref<10000x128xf32, #tpu.memory_space<hbm>>) target(%arg10 : memref<10000x128xf32, #tpu.memory_space<vmem_shared>>) target_semaphore(%run_scoped3A : memref<!tpu.dma_semaphore, #tpu.memory_space<semaphore_mem>>)
        tpu.wait_dma2 semaphore(%run_scoped3A : memref<!tpu.dma_semaphore, #tpu.memory_space<semaphore_mem>>) src(%arg5 : memref<10000x128xf32, #tpu.memory_space<hbm>>) dst(%arg10 : memref<10000x128xf32, #tpu.memory_space<vmem_shared>>)
        tpu.yield
      }) : () -> ()
    } else {
    }
    %barrier3A = arith.constant 0 : index
    tpu.barrier barrier_id(%barrier3A)
    %mul3A = arith.constant 20000 : i32
    %mul3A_2 = arith.muli %arg1, %mul3A : i32
    %eq3A_3 = arith.constant 0 : i32
    %eq3A_4 = arith.cmpi eq, %arg0, %eq3A_3 : i32
    %convert_element_type3A_5 = arith.extui %eq3A_4 : i1 to i32
    %cond3A_6 = arith.constant 0 : i32
    %cond3A_7 = arith.cmpi ne, %convert_element_type3A_5, %cond3A_6 : i32
    scf.if %cond3A_7 {
      %run_scoped3A = arith.constant 0 : i32
      %run_scoped3A_19 = arith.constant 0 : i32
      "tpu.region"() ({
        %run_scoped3A_56 = tpu.sem_alloc : memref<!tpu.dma_semaphore, #tpu.memory_space<semaphore_mem>>
        %dma_start3A_57 = arith.constant 0 : i32
        %dma_start3A_58 = arith.constant 0 : i32
        %dma_start3A_59 = tpu.memref_slice %arg7[%run_scoped3A_19, %dma_start3A_57, %dma_start3A_58] : memref<2x1x80xi32, #tpu.memory_space<vmem>> -> memref<1x1x80xi32, #tpu.memory_space<vmem>>
        %dma_start3A_60 = tpu.memref_squeeze %dma_start3A_59 : memref<1x1x80xi32, #tpu.memory_space<vmem>> -> memref<1x80xi32, #tpu.memory_space<vmem>>
        %dma_start3A_61 = arith.constant 0 : i32
        %dma_start3A_62 = arith.constant 0 : i32
        %dma_start3A_63 = tpu.memref_slice %arg3[%arg1, %run_scoped3A, %dma_start3A_61, %dma_start3A_62] : memref<16x250x1x80xi32, #tpu.memory_space<hbm>> -> memref<1x1x1x80xi32, #tpu.memory_space<hbm>>
        %dma_start3A_64 = tpu.memref_squeeze %dma_start3A_63 : memref<1x1x1x80xi32, #tpu.memory_space<hbm>> -> memref<1x80xi32, #tpu.memory_space<hbm>>
        %dma_start3A_65 = arith.constant 0 : i32
        %dma_start3A_66 = arith.constant 0 : i32
        %dma_start3A_67 = tpu.memref_slice %arg7[%run_scoped3A_19, %dma_start3A_65, %dma_start3A_66] : memref<2x1x80xi32, #tpu.memory_space<vmem>> -> memref<1x1x80xi32, #tpu.memory_space<vmem>>
        %dma_start3A_68 = tpu.memref_squeeze %dma_start3A_67 : memref<1x1x80xi32, #tpu.memory_space<vmem>> -> memref<1x80xi32, #tpu.memory_space<vmem>>
        %dma_start3A_69 = arith.constant 0 : i32
        %dma_start3A_70 = arith.constant 0 : i32
        %dma_start3A_71 = tpu.memref_slice %arg3[%arg1, %run_scoped3A, %dma_start3A_69, %dma_start3A_70] : memref<16x250x1x80xi32, #tpu.memory_space<hbm>> -> memref<1x1x1x80xi32, #tpu.memory_space<hbm>>
        %dma_start3A_72 = tpu.memref_squeeze %dma_start3A_71 : memref<1x1x1x80xi32, #tpu.memory_space<hbm>> -> memref<1x80xi32, #tpu.memory_space<hbm>>
        tpu.enqueue_dma source(%dma_start3A_72 : memref<1x80xi32, #tpu.memory_space<hbm>>) target(%dma_start3A_68 : memref<1x80xi32, #tpu.memory_space<vmem>>) target_semaphore(%run_scoped3A_56 : memref<!tpu.dma_semaphore, #tpu.memory_space<semaphore_mem>>)
        %dma_wait3A_73 = arith.constant 0 : i32
        %dma_wait3A_74 = arith.constant 0 : i32
        %dma_wait3A_75 = tpu.memref_slice %arg7[%run_scoped3A_19, %dma_wait3A_73, %dma_wait3A_74] : memref<2x1x80xi32, #tpu.memory_space<vmem>> -> memref<1x1x80xi32, #tpu.memory_space<vmem>>
        %dma_wait3A_76 = tpu.memref_squeeze %dma_wait3A_75 : memref<1x1x80xi32, #tpu.memory_space<vmem>> -> memref<1x80xi32, #tpu.memory_space<vmem>>
        %dma_wait3A_77 = arith.constant 0 : i32
        %dma_wait3A_78 = arith.constant 0 : i32
        %dma_wait3A_79 = tpu.memref_slice %arg3[%arg1, %run_scoped3A, %dma_wait3A_77, %dma_wait3A_78] : memref<16x250x1x80xi32, #tpu.memory_space<hbm>> -> memref<1x1x1x80xi32, #tpu.memory_space<hbm>>
        %dma_wait3A_80 = tpu.memref_squeeze %dma_wait3A_79 : memref<1x1x1x80xi32, #tpu.memory_space<hbm>> -> memref<1x80xi32, #tpu.memory_space<hbm>>
        %dma_wait3A_81 = arith.constant 0 : i32
        %dma_wait3A_82 = arith.constant 0 : i32
        %dma_wait3A_83 = tpu.memref_slice %arg7[%run_scoped3A_19, %dma_wait3A_81, %dma_wait3A_82] : memref<2x1x80xi32, #tpu.memory_space<vmem>> -> memref<1x1x80xi32, #tpu.memory_space<vmem>>
        %dma_wait3A_84 = tpu.memref_squeeze %dma_wait3A_83 : memref<1x1x80xi32, #tpu.memory_space<vmem>> -> memref<1x80xi32, #tpu.memory_space<vmem>>
        %dma_wait3A_85 = arith.constant 0 : i32
        %dma_wait3A_86 = arith.constant 0 : i32
        %dma_wait3A_87 = tpu.memref_slice %arg3[%arg1, %run_scoped3A, %dma_wait3A_85, %dma_wait3A_86] : memref<16x250x1x80xi32, #tpu.memory_space<hbm>> -> memref<1x1x1x80xi32, #tpu.memory_space<hbm>>
        %dma_wait3A_88 = tpu.memref_squeeze %dma_wait3A_87 : memref<1x1x1x80xi32, #tpu.memory_space<hbm>> -> memref<1x80xi32, #tpu.memory_space<hbm>>
        tpu.wait_dma2 semaphore(%run_scoped3A_56 : memref<!tpu.dma_semaphore, #tpu.memory_space<semaphore_mem>>) src(%dma_wait3A_88 : memref<1x80xi32, #tpu.memory_space<hbm>>) dst(%dma_wait3A_84 : memref<1x80xi32, #tpu.memory_space<vmem>>)
        tpu.yield
      }) : () -> ()
      "tpu.region"() ({
        %run_scoped3A_56 = tpu.sem_alloc : memref<!tpu.dma_semaphore, #tpu.memory_space<semaphore_mem>>
        %dma_start3A_57 = arith.constant 0 : i32
        %dma_start3A_58 = tpu.memref_slice %arg2[%arg0, %mul3A_2, %dma_start3A_57] : memref<2x320000x128xf32, #tpu.memory_space<hbm>> -> memref<1x80x128xf32, #tpu.memory_space<hbm>>
        %dma_start3A_59 = tpu.memref_squeeze %dma_start3A_58 : memref<1x80x128xf32, #tpu.memory_space<hbm>> -> memref<80x128xf32, #tpu.memory_space<hbm>>
        %dma_start3A_60 = arith.constant 0 : i32
        %dma_start3A_61 = tpu.memref_slice %arg2[%arg0, %mul3A_2, %dma_start3A_60] : memref<2x320000x128xf32, #tpu.memory_space<hbm>> -> memref<1x80x128xf32, #tpu.memory_space<hbm>>
        %dma_start3A_62 = tpu.memref_squeeze %dma_start3A_61 : memref<1x80x128xf32, #tpu.memory_space<hbm>> -> memref<80x128xf32, #tpu.memory_space<hbm>>
        tpu.enqueue_dma source(%dma_start3A_62 : memref<80x128xf32, #tpu.memory_space<hbm>>) target(%arg8 : memref<80x128xf32, #tpu.memory_space<vmem>>) target_semaphore(%run_scoped3A_56 : memref<!tpu.dma_semaphore, #tpu.memory_space<semaphore_mem>>)
        %dma_wait3A_63 = arith.constant 0 : i32
        %dma_wait3A_64 = tpu.memref_slice %arg2[%arg0, %mul3A_2, %dma_wait3A_63] : memref<2x320000x128xf32, #tpu.memory_space<hbm>> -> memref<1x80x128xf32, #tpu.memory_space<hbm>>
        %dma_wait3A_65 = tpu.memref_squeeze %dma_wait3A_64 : memref<1x80x128xf32, #tpu.memory_space<hbm>> -> memref<80x128xf32, #tpu.memory_space<hbm>>
        %dma_wait3A_66 = arith.constant 0 : i32
        %dma_wait3A_67 = tpu.memref_slice %arg2[%arg0, %mul3A_2, %dma_wait3A_66] : memref<2x320000x128xf32, #tpu.memory_space<hbm>> -> memref<1x80x128xf32, #tpu.memory_space<hbm>>
        %dma_wait3A_68 = tpu.memref_squeeze %dma_wait3A_67 : memref<1x80x128xf32, #tpu.memory_space<hbm>> -> memref<80x128xf32, #tpu.memory_space<hbm>>
        tpu.wait_dma2 semaphore(%run_scoped3A_56 : memref<!tpu.dma_semaphore, #tpu.memory_space<semaphore_mem>>) src(%dma_wait3A_68 : memref<80x128xf32, #tpu.memory_space<hbm>>) dst(%arg8 : memref<80x128xf32, #tpu.memory_space<vmem>>)
        tpu.yield
      }) : () -> ()
      %dma_start3A = arith.constant 1 : i32
      %dma_start3A_20 = arith.constant 1 : i32
      %dma_start3A_21 = arith.constant 0 : i32
      %dma_start3A_22 = arith.constant 0 : i32
      %dma_start3A_23 = tpu.memref_slice %arg7[%dma_start3A_20, %dma_start3A_21, %dma_start3A_22] : memref<2x1x80xi32, #tpu.memory_space<vmem>> -> memref<1x1x80xi32, #tpu.memory_space<vmem>>
      %dma_start3A_24 = tpu.memref_squeeze %dma_start3A_23 : memref<1x1x80xi32, #tpu.memory_space<vmem>> -> memref<1x80xi32, #tpu.memory_space<vmem>>
      %dma_start3A_25 = arith.constant 0 : i32
      %dma_start3A_26 = arith.constant 0 : i32
      %dma_start3A_27 = tpu.memref_slice %arg3[%arg1, %dma_start3A, %dma_start3A_25, %dma_start3A_26] : memref<16x250x1x80xi32, #tpu.memory_space<hbm>> -> memref<1x1x1x80xi32, #tpu.memory_space<hbm>>
      %dma_start3A_28 = tpu.memref_squeeze %dma_start3A_27 : memref<1x1x1x80xi32, #tpu.memory_space<hbm>> -> memref<1x80xi32, #tpu.memory_space<hbm>>
      %dma_start3A_29 = arith.constant 0 : i32
      %dma_start3A_30 = arith.constant 0 : i32
      %dma_start3A_31 = tpu.memref_slice %arg7[%dma_start3A_20, %dma_start3A_29, %dma_start3A_30] : memref<2x1x80xi32, #tpu.memory_space<vmem>> -> memref<1x1x80xi32, #tpu.memory_space<vmem>>
      %dma_start3A_32 = tpu.memref_squeeze %dma_start3A_31 : memref<1x1x80xi32, #tpu.memory_space<vmem>> -> memref<1x80xi32, #tpu.memory_space<vmem>>
      %dma_start3A_33 = arith.constant 0 : i32
      %dma_start3A_34 = arith.constant 0 : i32
      %dma_start3A_35 = tpu.memref_slice %arg3[%arg1, %dma_start3A, %dma_start3A_33, %dma_start3A_34] : memref<16x250x1x80xi32, #tpu.memory_space<hbm>> -> memref<1x1x1x80xi32, #tpu.memory_space<hbm>>
      %dma_start3A_36 = tpu.memref_squeeze %dma_start3A_35 : memref<1x1x1x80xi32, #tpu.memory_space<hbm>> -> memref<1x80xi32, #tpu.memory_space<hbm>>
      tpu.enqueue_dma source(%dma_start3A_36 : memref<1x80xi32, #tpu.memory_space<hbm>>) target(%dma_start3A_32 : memref<1x80xi32, #tpu.memory_space<vmem>>) target_semaphore(%arg12 : memref<!tpu.dma_semaphore, #tpu.memory_space<semaphore_mem>>)
      %add3A = arith.constant 80 : i32
      %add3A_37 = arith.addi %mul3A_2, %add3A : i32
      %multiple_of3A = tpu.assume_multiple %add3A_37, 8 : i32
      %dma_start3A_38 = arith.constant 0 : i32
      %dma_start3A_39 = tpu.memref_slice %arg2[%arg0, %multiple_of3A, %dma_start3A_38] : memref<2x320000x128xf32, #tpu.memory_space<hbm>> -> memref<1x80x128xf32, #tpu.memory_space<hbm>>
      %dma_start3A_40 = tpu.memref_squeeze %dma_start3A_39 : memref<1x80x128xf32, #tpu.memory_space<hbm>> -> memref<80x128xf32, #tpu.memory_space<hbm>>
      %dma_start3A_41 = arith.constant 0 : i32
      %dma_start3A_42 = tpu.memref_slice %arg2[%arg0, %multiple_of3A, %dma_start3A_41] : memref<2x320000x128xf32, #tpu.memory_space<hbm>> -> memref<1x80x128xf32, #tpu.memory_space<hbm>>
      %dma_start3A_43 = tpu.memref_squeeze %dma_start3A_42 : memref<1x80x128xf32, #tpu.memory_space<hbm>> -> memref<80x128xf32, #tpu.memory_space<hbm>>
      tpu.enqueue_dma source(%dma_start3A_43 : memref<80x128xf32, #tpu.memory_space<hbm>>) target(%arg9 : memref<80x128xf32, #tpu.memory_space<vmem>>) target_semaphore(%arg16 : memref<!tpu.dma_semaphore, #tpu.memory_space<semaphore_mem>>)
      %scan3A = arith.constant 0 : i32
      %scan3A_44 = arith.constant 0 : i32
      %scan3A_45 = arith.constant 125 : i32
      %scan3A_46 = arith.addi %scan3A_44, %scan3A_45 : i32
      %scan3A_47 = arith.constant 1 : i32
      scf.for %scan3A_56 = %scan3A_44 to %scan3A_46 step %scan3A_47  : i32 {
        %mul3A_57 = arith.constant 2 : i32
        %mul3A_58 = arith.muli %mul3A_57, %scan3A_56 : i32
        %add3A_59 = arith.constant 0 : i32
        %add3A_60 = arith.addi %mul3A_58, %add3A_59 : i32
        %ge3A = arith.constant 1 : i32
        %ge3A_61 = arith.cmpi sge, %add3A_60, %ge3A : i32
        %convert_element_type3A_62 = arith.extui %ge3A_61 : i1 to i32
        %cond3A_63 = arith.constant 0 : i32
        %cond3A_64 = arith.cmpi ne, %convert_element_type3A_62, %cond3A_63 : i32
        scf.if %cond3A_64 {
          %dma_wait3A_128 = arith.constant 0 : i32
          %dma_wait3A_129 = arith.constant 0 : i32
          %dma_wait3A_130 = arith.constant 0 : i32
          %dma_wait3A_131 = arith.constant 0 : i32
          %dma_wait3A_132 = tpu.memref_slice %arg7[%dma_wait3A_129, %dma_wait3A_130, %dma_wait3A_131] : memref<2x1x80xi32, #tpu.memory_space<vmem>> -> memref<1x1x80xi32, #tpu.memory_space<vmem>>
          %dma_wait3A_133 = tpu.memref_squeeze %dma_wait3A_132 : memref<1x1x80xi32, #tpu.memory_space<vmem>> -> memref<1x80xi32, #tpu.memory_space<vmem>>
          %dma_wait3A_134 = arith.constant 0 : i32
          %dma_wait3A_135 = arith.constant 0 : i32
          %dma_wait3A_136 = tpu.memref_slice %arg3[%arg1, %dma_wait3A_128, %dma_wait3A_134, %dma_wait3A_135] : memref<16x250x1x80xi32, #tpu.memory_space<hbm>> -> memref<1x1x1x80xi32, #tpu.memory_space<hbm>>
          %dma_wait3A_137 = tpu.memref_squeeze %dma_wait3A_136 : memref<1x1x1x80xi32, #tpu.memory_space<hbm>> -> memref<1x80xi32, #tpu.memory_space<hbm>>
          %dma_wait3A_138 = arith.constant 0 : i32
          %dma_wait3A_139 = arith.constant 0 : i32
          %dma_wait3A_140 = tpu.memref_slice %arg7[%dma_wait3A_129, %dma_wait3A_138, %dma_wait3A_139] : memref<2x1x80xi32, #tpu.memory_space<vmem>> -> memref<1x1x80xi32, #tpu.memory_space<vmem>>
          %dma_wait3A_141 = tpu.memref_squeeze %dma_wait3A_140 : memref<1x1x80xi32, #tpu.memory_space<vmem>> -> memref<1x80xi32, #tpu.memory_space<vmem>>
          %dma_wait3A_142 = arith.constant 0 : i32
          %dma_wait3A_143 = arith.constant 0 : i32
          %dma_wait3A_144 = tpu.memref_slice %arg3[%arg1, %dma_wait3A_128, %dma_wait3A_142, %dma_wait3A_143] : memref<16x250x1x80xi32, #tpu.memory_space<hbm>> -> memref<1x1x1x80xi32, #tpu.memory_space<hbm>>
          %dma_wait3A_145 = tpu.memref_squeeze %dma_wait3A_144 : memref<1x1x1x80xi32, #tpu.memory_space<hbm>> -> memref<1x80xi32, #tpu.memory_space<hbm>>
          tpu.wait_dma2 semaphore(%arg11 : memref<!tpu.dma_semaphore, #tpu.memory_space<semaphore_mem>>) src(%dma_wait3A_145 : memref<1x80xi32, #tpu.memory_space<hbm>>) dst(%dma_wait3A_141 : memref<1x80xi32, #tpu.memory_space<vmem>>)
        } else {
        }
        %ge3A_65 = arith.constant 1 : i32
        %ge3A_66 = arith.cmpi sge, %add3A_60, %ge3A_65 : i32
        %convert_element_type3A_67 = arith.extui %ge3A_66 : i1 to i32
        %cond3A_68 = arith.constant 0 : i32
        %cond3A_69 = arith.cmpi ne, %convert_element_type3A_67, %cond3A_68 : i32
        scf.if %cond3A_69 {
          %dma_wait3A_128 = arith.constant 0 : i32
          %dma_wait3A_129 = tpu.memref_slice %arg2[%arg0, %mul3A_2, %dma_wait3A_128] : memref<2x320000x128xf32, #tpu.memory_space<hbm>> -> memref<1x80x128xf32, #tpu.memory_space<hbm>>
          %dma_wait3A_130 = tpu.memref_squeeze %dma_wait3A_129 : memref<1x80x128xf32, #tpu.memory_space<hbm>> -> memref<80x128xf32, #tpu.memory_space<hbm>>
          %dma_wait3A_131 = arith.constant 0 : i32
          %dma_wait3A_132 = tpu.memref_slice %arg2[%arg0, %mul3A_2, %dma_wait3A_131] : memref<2x320000x128xf32, #tpu.memory_space<hbm>> -> memref<1x80x128xf32, #tpu.memory_space<hbm>>
          %dma_wait3A_133 = tpu.memref_squeeze %dma_wait3A_132 : memref<1x80x128xf32, #tpu.memory_space<hbm>> -> memref<80x128xf32, #tpu.memory_space<hbm>>
          tpu.wait_dma2 semaphore(%arg15 : memref<!tpu.dma_semaphore, #tpu.memory_space<semaphore_mem>>) src(%dma_wait3A_133 : memref<80x128xf32, #tpu.memory_space<hbm>>) dst(%arg8 : memref<80x128xf32, #tpu.memory_space<vmem>>)
        } else {
        }
        %ge3A_70 = arith.constant 1 : i32
        %ge3A_71 = arith.cmpi sge, %add3A_60, %ge3A_70 : i32
        %convert_element_type3A_72 = arith.extui %ge3A_71 : i1 to i32
        %cond3A_73 = arith.constant 0 : i32
        %cond3A_74 = arith.cmpi ne, %convert_element_type3A_72, %cond3A_73 : i32
        scf.if %cond3A_74 {
          %dma_wait3A_128 = arith.constant 1 : i32
          %dma_wait3A_129 = arith.constant 0 : i32
          %dma_wait3A_130 = arith.constant 0 : i32
          %dma_wait3A_131 = tpu.memref_slice %arg7[%dma_wait3A_128, %dma_wait3A_129, %dma_wait3A_130] : memref<2x1x80xi32, #tpu.memory_space<vmem>> -> memref<1x1x80xi32, #tpu.memory_space<vmem>>
          %dma_wait3A_132 = tpu.memref_squeeze %dma_wait3A_131 : memref<1x1x80xi32, #tpu.memory_space<vmem>> -> memref<80xi32, #tpu.memory_space<vmem>>
          %dma_wait3A_133 = arith.constant 0 : i32
          %dma_wait3A_134 = arith.constant 0 : i32
          %dma_wait3A_135 = tpu.memref_slice %arg10[%dma_wait3A_133, %dma_wait3A_134] : memref<10000x128xf32, #tpu.memory_space<vmem_shared>> -> memref<10000x128xf32, #tpu.memory_space<vmem_shared>>
          tpu.wait_indirect_dma semaphore(%arg14 : memref<!tpu.dma_semaphore, #tpu.memory_space<semaphore_mem>>) src(%arg9 : memref<80x128xf32, #tpu.memory_space<vmem>>) dst(%dma_wait3A_135 : memref<10000x128xf32, #tpu.memory_space<vmem_shared>>)
        } else {
        }
        %dma_start3A_75 = arith.constant 0 : i32
        %dma_start3A_76 = arith.constant 0 : i32
        %dma_start3A_77 = arith.constant 0 : i32
        %dma_start3A_78 = tpu.memref_slice %arg7[%dma_start3A_75, %dma_start3A_76, %dma_start3A_77] : memref<2x1x80xi32, #tpu.memory_space<vmem>> -> memref<1x1x80xi32, #tpu.memory_space<vmem>>
        %dma_start3A_79 = tpu.memref_squeeze %dma_start3A_78 : memref<1x1x80xi32, #tpu.memory_space<vmem>> -> memref<80xi32, #tpu.memory_space<vmem>>
        %dma_start3A_80 = arith.constant 0 : i32
        %dma_start3A_81 = arith.constant 0 : i32
        %dma_start3A_82 = tpu.memref_slice %arg10[%dma_start3A_80, %dma_start3A_81] : memref<10000x128xf32, #tpu.memory_space<vmem_shared>> -> memref<10000x128xf32, #tpu.memory_space<vmem_shared>>
        tpu.enqueue_indirect_dma source(%arg8 : memref<80x128xf32, #tpu.memory_space<vmem>>) target(%dma_start3A_82 : memref<10000x128xf32, #tpu.memory_space<vmem_shared>>) offsets(%dma_start3A_79 : memref<80xi32, #tpu.memory_space<vmem>>) semaphore(%arg13 : memref<!tpu.dma_semaphore, #tpu.memory_space<semaphore_mem>>) {add = true}
        %ge3A_83 = arith.constant 1 : i32
        %ge3A_84 = arith.cmpi sge, %add3A_60, %ge3A_83 : i32
        %add3A_85 = arith.constant 1 : i32
        %add3A_86 = arith.addi %add3A_60, %add3A_85 : i32
        %lt3A = arith.constant 250 : i32
        %lt3A_87 = arith.cmpi slt, %add3A_86, %lt3A : i32
        %and3A = arith.andi %ge3A_84, %lt3A_87 : i1
        %convert_element_type3A_88 = arith.extui %and3A : i1 to i32
        %cond3A_89 = arith.constant 0 : i32
        %cond3A_90 = arith.cmpi ne, %convert_element_type3A_88, %cond3A_89 : i32
        scf.if %cond3A_90 {
          %add3A_128 = arith.constant 1 : i32
          %add3A_129 = arith.addi %add3A_60, %add3A_128 : i32
          %mul3A_130 = arith.constant 80 : i32
          %mul3A_131 = arith.muli %add3A_129, %mul3A_130 : i32
          %add3A_132 = arith.addi %mul3A_2, %mul3A_131 : i32
          %multiple_of3A_133 = tpu.assume_multiple %add3A_132, 8 : i32
          %add3A_134 = arith.constant 1 : i32
          %add3A_135 = arith.addi %add3A_60, %add3A_134 : i32
          %dma_start3A_136 = arith.constant 1 : i32
          %dma_start3A_137 = arith.constant 0 : i32
          %dma_start3A_138 = arith.constant 0 : i32
          %dma_start3A_139 = tpu.memref_slice %arg7[%dma_start3A_136, %dma_start3A_137, %dma_start3A_138] : memref<2x1x80xi32, #tpu.memory_space<vmem>> -> memref<1x1x80xi32, #tpu.memory_space<vmem>>
          %dma_start3A_140 = tpu.memref_squeeze %dma_start3A_139 : memref<1x1x80xi32, #tpu.memory_space<vmem>> -> memref<1x80xi32, #tpu.memory_space<vmem>>
          %dma_start3A_141 = arith.constant 0 : i32
          %dma_start3A_142 = arith.constant 0 : i32
          %dma_start3A_143 = tpu.memref_slice %arg3[%arg1, %add3A_135, %dma_start3A_141, %dma_start3A_142] : memref<16x250x1x80xi32, #tpu.memory_space<hbm>> -> memref<1x1x1x80xi32, #tpu.memory_space<hbm>>
          %dma_start3A_144 = tpu.memref_squeeze %dma_start3A_143 : memref<1x1x1x80xi32, #tpu.memory_space<hbm>> -> memref<1x80xi32, #tpu.memory_space<hbm>>
          %dma_start3A_145 = arith.constant 0 : i32
          %dma_start3A_146 = arith.constant 0 : i32
          %dma_start3A_147 = tpu.memref_slice %arg7[%dma_start3A_136, %dma_start3A_145, %dma_start3A_146] : memref<2x1x80xi32, #tpu.memory_space<vmem>> -> memref<1x1x80xi32, #tpu.memory_space<vmem>>
          %dma_start3A_148 = tpu.memref_squeeze %dma_start3A_147 : memref<1x1x80xi32, #tpu.memory_space<vmem>> -> memref<1x80xi32, #tpu.memory_space<vmem>>
          %dma_start3A_149 = arith.constant 0 : i32
          %dma_start3A_150 = arith.constant 0 : i32
          %dma_start3A_151 = tpu.memref_slice %arg3[%arg1, %add3A_135, %dma_start3A_149, %dma_start3A_150] : memref<16x250x1x80xi32, #tpu.memory_space<hbm>> -> memref<1x1x1x80xi32, #tpu.memory_space<hbm>>
          %dma_start3A_152 = tpu.memref_squeeze %dma_start3A_151 : memref<1x1x1x80xi32, #tpu.memory_space<hbm>> -> memref<1x80xi32, #tpu.memory_space<hbm>>
          tpu.enqueue_dma source(%dma_start3A_152 : memref<1x80xi32, #tpu.memory_space<hbm>>) target(%dma_start3A_148 : memref<1x80xi32, #tpu.memory_space<vmem>>) target_semaphore(%arg12 : memref<!tpu.dma_semaphore, #tpu.memory_space<semaphore_mem>>)
          %dma_start3A_153 = arith.constant 0 : i32
          %dma_start3A_154 = tpu.memref_slice %arg2[%arg0, %multiple_of3A_133, %dma_start3A_153] : memref<2x320000x128xf32, #tpu.memory_space<hbm>> -> memref<1x80x128xf32, #tpu.memory_space<hbm>>
          %dma_start3A_155 = tpu.memref_squeeze %dma_start3A_154 : memref<1x80x128xf32, #tpu.memory_space<hbm>> -> memref<80x128xf32, #tpu.memory_space<hbm>>
          %dma_start3A_156 = arith.constant 0 : i32
          %dma_start3A_157 = tpu.memref_slice %arg2[%arg0, %multiple_of3A_133, %dma_start3A_156] : memref<2x320000x128xf32, #tpu.memory_space<hbm>> -> memref<1x80x128xf32, #tpu.memory_space<hbm>>
          %dma_start3A_158 = tpu.memref_squeeze %dma_start3A_157 : memref<1x80x128xf32, #tpu.memory_space<hbm>> -> memref<80x128xf32, #tpu.memory_space<hbm>>
          tpu.enqueue_dma source(%dma_start3A_158 : memref<80x128xf32, #tpu.memory_space<hbm>>) target(%arg9 : memref<80x128xf32, #tpu.memory_space<vmem>>) target_semaphore(%arg16 : memref<!tpu.dma_semaphore, #tpu.memory_space<semaphore_mem>>)
        } else {
        }
        %mul3A_91 = arith.constant 2 : i32
        %mul3A_92 = arith.muli %mul3A_91, %scan3A_56 : i32
        %add3A_93 = arith.constant 1 : i32
        %add3A_94 = arith.addi %mul3A_92, %add3A_93 : i32
        %ge3A_95 = arith.constant 1 : i32
        %ge3A_96 = arith.cmpi sge, %add3A_94, %ge3A_95 : i32
        %convert_element_type3A_97 = arith.extui %ge3A_96 : i1 to i32
        %cond3A_98 = arith.constant 0 : i32
        %cond3A_99 = arith.cmpi ne, %convert_element_type3A_97, %cond3A_98 : i32
        scf.if %cond3A_99 {
          %dma_wait3A_128 = arith.constant 0 : i32
          %dma_wait3A_129 = arith.constant 1 : i32
          %dma_wait3A_130 = arith.constant 0 : i32
          %dma_wait3A_131 = arith.constant 0 : i32
          %dma_wait3A_132 = tpu.memref_slice %arg7[%dma_wait3A_129, %dma_wait3A_130, %dma_wait3A_131] : memref<2x1x80xi32, #tpu.memory_space<vmem>> -> memref<1x1x80xi32, #tpu.memory_space<vmem>>
          %dma_wait3A_133 = tpu.memref_squeeze %dma_wait3A_132 : memref<1x1x80xi32, #tpu.memory_space<vmem>> -> memref<1x80xi32, #tpu.memory_space<vmem>>
          %dma_wait3A_134 = arith.constant 0 : i32
          %dma_wait3A_135 = arith.constant 0 : i32
          %dma_wait3A_136 = tpu.memref_slice %arg3[%arg1, %dma_wait3A_128, %dma_wait3A_134, %dma_wait3A_135] : memref<16x250x1x80xi32, #tpu.memory_space<hbm>> -> memref<1x1x1x80xi32, #tpu.memory_space<hbm>>
          %dma_wait3A_137 = tpu.memref_squeeze %dma_wait3A_136 : memref<1x1x1x80xi32, #tpu.memory_space<hbm>> -> memref<1x80xi32, #tpu.memory_space<hbm>>
          %dma_wait3A_138 = arith.constant 0 : i32
          %dma_wait3A_139 = arith.constant 0 : i32
          %dma_wait3A_140 = tpu.memref_slice %arg7[%dma_wait3A_129, %dma_wait3A_138, %dma_wait3A_139] : memref<2x1x80xi32, #tpu.memory_space<vmem>> -> memref<1x1x80xi32, #tpu.memory_space<vmem>>
          %dma_wait3A_141 = tpu.memref_squeeze %dma_wait3A_140 : memref<1x1x80xi32, #tpu.memory_space<vmem>> -> memref<1x80xi32, #tpu.memory_space<vmem>>
          %dma_wait3A_142 = arith.constant 0 : i32
          %dma_wait3A_143 = arith.constant 0 : i32
          %dma_wait3A_144 = tpu.memref_slice %arg3[%arg1, %dma_wait3A_128, %dma_wait3A_142, %dma_wait3A_143] : memref<16x250x1x80xi32, #tpu.memory_space<hbm>> -> memref<1x1x1x80xi32, #tpu.memory_space<hbm>>
          %dma_wait3A_145 = tpu.memref_squeeze %dma_wait3A_144 : memref<1x1x1x80xi32, #tpu.memory_space<hbm>> -> memref<1x80xi32, #tpu.memory_space<hbm>>
          tpu.wait_dma2 semaphore(%arg12 : memref<!tpu.dma_semaphore, #tpu.memory_space<semaphore_mem>>) src(%dma_wait3A_145 : memref<1x80xi32, #tpu.memory_space<hbm>>) dst(%dma_wait3A_141 : memref<1x80xi32, #tpu.memory_space<vmem>>)
        } else {
        }
        %ge3A_100 = arith.constant 1 : i32
        %ge3A_101 = arith.cmpi sge, %add3A_94, %ge3A_100 : i32
        %convert_element_type3A_102 = arith.extui %ge3A_101 : i1 to i32
        %cond3A_103 = arith.constant 0 : i32
        %cond3A_104 = arith.cmpi ne, %convert_element_type3A_102, %cond3A_103 : i32
        scf.if %cond3A_104 {
          %dma_wait3A_128 = arith.constant 0 : i32
          %dma_wait3A_129 = tpu.memref_slice %arg2[%arg0, %mul3A_2, %dma_wait3A_128] : memref<2x320000x128xf32, #tpu.memory_space<hbm>> -> memref<1x80x128xf32, #tpu.memory_space<hbm>>
          %dma_wait3A_130 = tpu.memref_squeeze %dma_wait3A_129 : memref<1x80x128xf32, #tpu.memory_space<hbm>> -> memref<80x128xf32, #tpu.memory_space<hbm>>
          %dma_wait3A_131 = arith.constant 0 : i32
          %dma_wait3A_132 = tpu.memref_slice %arg2[%arg0, %mul3A_2, %dma_wait3A_131] : memref<2x320000x128xf32, #tpu.memory_space<hbm>> -> memref<1x80x128xf32, #tpu.memory_space<hbm>>
          %dma_wait3A_133 = tpu.memref_squeeze %dma_wait3A_132 : memref<1x80x128xf32, #tpu.memory_space<hbm>> -> memref<80x128xf32, #tpu.memory_space<hbm>>
          tpu.wait_dma2 semaphore(%arg16 : memref<!tpu.dma_semaphore, #tpu.memory_space<semaphore_mem>>) src(%dma_wait3A_133 : memref<80x128xf32, #tpu.memory_space<hbm>>) dst(%arg9 : memref<80x128xf32, #tpu.memory_space<vmem>>)
        } else {
        }
        %ge3A_105 = arith.constant 1 : i32
        %ge3A_106 = arith.cmpi sge, %add3A_94, %ge3A_105 : i32
        %convert_element_type3A_107 = arith.extui %ge3A_106 : i1 to i32
        %cond3A_108 = arith.constant 0 : i32
        %cond3A_109 = arith.cmpi ne, %convert_element_type3A_107, %cond3A_108 : i32
        scf.if %cond3A_109 {
          %dma_wait3A_128 = arith.constant 0 : i32
          %dma_wait3A_129 = arith.constant 0 : i32
          %dma_wait3A_130 = arith.constant 0 : i32
          %dma_wait3A_131 = tpu.memref_slice %arg7[%dma_wait3A_128, %dma_wait3A_129, %dma_wait3A_130] : memref<2x1x80xi32, #tpu.memory_space<vmem>> -> memref<1x1x80xi32, #tpu.memory_space<vmem>>
          %dma_wait3A_132 = tpu.memref_squeeze %dma_wait3A_131 : memref<1x1x80xi32, #tpu.memory_space<vmem>> -> memref<80xi32, #tpu.memory_space<vmem>>
          %dma_wait3A_133 = arith.constant 0 : i32
          %dma_wait3A_134 = arith.constant 0 : i32
          %dma_wait3A_135 = tpu.memref_slice %arg10[%dma_wait3A_133, %dma_wait3A_134] : memref<10000x128xf32, #tpu.memory_space<vmem_shared>> -> memref<10000x128xf32, #tpu.memory_space<vmem_shared>>
          tpu.wait_indirect_dma semaphore(%arg13 : memref<!tpu.dma_semaphore, #tpu.memory_space<semaphore_mem>>) src(%arg8 : memref<80x128xf32, #tpu.memory_space<vmem>>) dst(%dma_wait3A_135 : memref<10000x128xf32, #tpu.memory_space<vmem_shared>>)
        } else {
        }
        %dma_start3A_110 = arith.constant 1 : i32
        %dma_start3A_111 = arith.constant 0 : i32
        %dma_start3A_112 = arith.constant 0 : i32
        %dma_start3A_113 = tpu.memref_slice %arg7[%dma_start3A_110, %dma_start3A_111, %dma_start3A_112] : memref<2x1x80xi32, #tpu.memory_space<vmem>> -> memref<1x1x80xi32, #tpu.memory_space<vmem>>
        %dma_start3A_114 = tpu.memref_squeeze %dma_start3A_113 : memref<1x1x80xi32, #tpu.memory_space<vmem>> -> memref<80xi32, #tpu.memory_space<vmem>>
        %dma_start3A_115 = arith.constant 0 : i32
        %dma_start3A_116 = arith.constant 0 : i32
        %dma_start3A_117 = tpu.memref_slice %arg10[%dma_start3A_115, %dma_start3A_116] : memref<10000x128xf32, #tpu.memory_space<vmem_shared>> -> memref<10000x128xf32, #tpu.memory_space<vmem_shared>>
        tpu.enqueue_indirect_dma source(%arg9 : memref<80x128xf32, #tpu.memory_space<vmem>>) target(%dma_start3A_117 : memref<10000x128xf32, #tpu.memory_space<vmem_shared>>) offsets(%dma_start3A_114 : memref<80xi32, #tpu.memory_space<vmem>>) semaphore(%arg14 : memref<!tpu.dma_semaphore, #tpu.memory_space<semaphore_mem>>) {add = true}
        %ge3A_118 = arith.constant 1 : i32
        %ge3A_119 = arith.cmpi sge, %add3A_94, %ge3A_118 : i32
        %add3A_120 = arith.constant 1 : i32
        %add3A_121 = arith.addi %add3A_94, %add3A_120 : i32
        %lt3A_122 = arith.constant 250 : i32
        %lt3A_123 = arith.cmpi slt, %add3A_121, %lt3A_122 : i32
        %and3A_124 = arith.andi %ge3A_119, %lt3A_123 : i1
        %convert_element_type3A_125 = arith.extui %and3A_124 : i1 to i32
        %cond3A_126 = arith.constant 0 : i32
        %cond3A_127 = arith.cmpi ne, %convert_element_type3A_125, %cond3A_126 : i32
        scf.if %cond3A_127 {
          %add3A_128 = arith.constant 1 : i32
          %add3A_129 = arith.addi %add3A_94, %add3A_128 : i32
          %mul3A_130 = arith.constant 80 : i32
          %mul3A_131 = arith.muli %add3A_129, %mul3A_130 : i32
          %add3A_132 = arith.addi %mul3A_2, %mul3A_131 : i32
          %multiple_of3A_133 = tpu.assume_multiple %add3A_132, 8 : i32
          %add3A_134 = arith.constant 1 : i32
          %add3A_135 = arith.addi %add3A_94, %add3A_134 : i32
          %dma_start3A_136 = arith.constant 0 : i32
          %dma_start3A_137 = arith.constant 0 : i32
          %dma_start3A_138 = arith.constant 0 : i32
          %dma_start3A_139 = tpu.memref_slice %arg7[%dma_start3A_136, %dma_start3A_137, %dma_start3A_138] : memref<2x1x80xi32, #tpu.memory_space<vmem>> -> memref<1x1x80xi32, #tpu.memory_space<vmem>>
          %dma_start3A_140 = tpu.memref_squeeze %dma_start3A_139 : memref<1x1x80xi32, #tpu.memory_space<vmem>> -> memref<1x80xi32, #tpu.memory_space<vmem>>
          %dma_start3A_141 = arith.constant 0 : i32
          %dma_start3A_142 = arith.constant 0 : i32
          %dma_start3A_143 = tpu.memref_slice %arg3[%arg1, %add3A_135, %dma_start3A_141, %dma_start3A_142] : memref<16x250x1x80xi32, #tpu.memory_space<hbm>> -> memref<1x1x1x80xi32, #tpu.memory_space<hbm>>
          %dma_start3A_144 = tpu.memref_squeeze %dma_start3A_143 : memref<1x1x1x80xi32, #tpu.memory_space<hbm>> -> memref<1x80xi32, #tpu.memory_space<hbm>>
          %dma_start3A_145 = arith.constant 0 : i32
          %dma_start3A_146 = arith.constant 0 : i32
          %dma_start3A_147 = tpu.memref_slice %arg7[%dma_start3A_136, %dma_start3A_145, %dma_start3A_146] : memref<2x1x80xi32, #tpu.memory_space<vmem>> -> memref<1x1x80xi32, #tpu.memory_space<vmem>>
          %dma_start3A_148 = tpu.memref_squeeze %dma_start3A_147 : memref<1x1x80xi32, #tpu.memory_space<vmem>> -> memref<1x80xi32, #tpu.memory_space<vmem>>
          %dma_start3A_149 = arith.constant 0 : i32
          %dma_start3A_150 = arith.constant 0 : i32
          %dma_start3A_151 = tpu.memref_slice %arg3[%arg1, %add3A_135, %dma_start3A_149, %dma_start3A_150] : memref<16x250x1x80xi32, #tpu.memory_space<hbm>> -> memref<1x1x1x80xi32, #tpu.memory_space<hbm>>
          %dma_start3A_152 = tpu.memref_squeeze %dma_start3A_151 : memref<1x1x1x80xi32, #tpu.memory_space<hbm>> -> memref<1x80xi32, #tpu.memory_space<hbm>>
          tpu.enqueue_dma source(%dma_start3A_152 : memref<1x80xi32, #tpu.memory_space<hbm>>) target(%dma_start3A_148 : memref<1x80xi32, #tpu.memory_space<vmem>>) target_semaphore(%arg11 : memref<!tpu.dma_semaphore, #tpu.memory_space<semaphore_mem>>)
          %dma_start3A_153 = arith.constant 0 : i32
          %dma_start3A_154 = tpu.memref_slice %arg2[%arg0, %multiple_of3A_133, %dma_start3A_153] : memref<2x320000x128xf32, #tpu.memory_space<hbm>> -> memref<1x80x128xf32, #tpu.memory_space<hbm>>
          %dma_start3A_155 = tpu.memref_squeeze %dma_start3A_154 : memref<1x80x128xf32, #tpu.memory_space<hbm>> -> memref<80x128xf32, #tpu.memory_space<hbm>>
          %dma_start3A_156 = arith.constant 0 : i32
          %dma_start3A_157 = tpu.memref_slice %arg2[%arg0, %multiple_of3A_133, %dma_start3A_156] : memref<2x320000x128xf32, #tpu.memory_space<hbm>> -> memref<1x80x128xf32, #tpu.memory_space<hbm>>
          %dma_start3A_158 = tpu.memref_squeeze %dma_start3A_157 : memref<1x80x128xf32, #tpu.memory_space<hbm>> -> memref<80x128xf32, #tpu.memory_space<hbm>>
          tpu.enqueue_dma source(%dma_start3A_158 : memref<80x128xf32, #tpu.memory_space<hbm>>) target(%arg8 : memref<80x128xf32, #tpu.memory_space<vmem>>) target_semaphore(%arg15 : memref<!tpu.dma_semaphore, #tpu.memory_space<semaphore_mem>>)
        } else {
        }
      }
      %scan3A_48 = arith.constant 125 : i32
      %dma_wait3A = arith.constant 1 : i32
      %dma_wait3A_49 = arith.constant 0 : i32
      %dma_wait3A_50 = arith.constant 0 : i32
      %dma_wait3A_51 = tpu.memref_slice %arg7[%dma_wait3A, %dma_wait3A_49, %dma_wait3A_50] : memref<2x1x80xi32, #tpu.memory_space<vmem>> -> memref<1x1x80xi32, #tpu.memory_space<vmem>>
      %dma_wait3A_52 = tpu.memref_squeeze %dma_wait3A_51 : memref<1x1x80xi32, #tpu.memory_space<vmem>> -> memref<80xi32, #tpu.memory_space<vmem>>
      %dma_wait3A_53 = arith.constant 0 : i32
      %dma_wait3A_54 = arith.constant 0 : i32
      %dma_wait3A_55 = tpu.memref_slice %arg10[%dma_wait3A_53, %dma_wait3A_54] : memref<10000x128xf32, #tpu.memory_space<vmem_shared>> -> memref<10000x128xf32, #tpu.memory_space<vmem_shared>>
      tpu.wait_indirect_dma semaphore(%arg14 : memref<!tpu.dma_semaphore, #tpu.memory_space<semaphore_mem>>) src(%arg9 : memref<80x128xf32, #tpu.memory_space<vmem>>) dst(%dma_wait3A_55 : memref<10000x128xf32, #tpu.memory_space<vmem_shared>>)
    } else {
    }
    %eq3A_8 = arith.constant 1 : i32
    %eq3A_9 = arith.cmpi eq, %arg0, %eq3A_8 : i32
    %convert_element_type3A_10 = arith.extui %eq3A_9 : i1 to i32
    %cond3A_11 = arith.constant 0 : i32
    %cond3A_12 = arith.cmpi ne, %convert_element_type3A_10, %cond3A_11 : i32
    scf.if %cond3A_12 {
      %run_scoped3A = arith.constant 0 : i32
      %run_scoped3A_19 = arith.constant 0 : i32
      "tpu.region"() ({
        %run_scoped3A_56 = tpu.sem_alloc : memref<!tpu.dma_semaphore, #tpu.memory_space<semaphore_mem>>
        %dma_start3A_57 = arith.constant 0 : i32
        %dma_start3A_58 = arith.constant 0 : i32
        %dma_start3A_59 = tpu.memref_slice %arg7[%run_scoped3A_19, %dma_start3A_57, %dma_start3A_58] : memref<2x1x80xi32, #tpu.memory_space<vmem>> -> memref<1x1x80xi32, #tpu.memory_space<vmem>>
        %dma_start3A_60 = tpu.memref_squeeze %dma_start3A_59 : memref<1x1x80xi32, #tpu.memory_space<vmem>> -> memref<1x80xi32, #tpu.memory_space<vmem>>
        %dma_start3A_61 = arith.constant 0 : i32
        %dma_start3A_62 = arith.constant 0 : i32
        %dma_start3A_63 = tpu.memref_slice %arg4[%arg1, %run_scoped3A, %dma_start3A_61, %dma_start3A_62] : memref<16x250x1x80xi32, #tpu.memory_space<hbm>> -> memref<1x1x1x80xi32, #tpu.memory_space<hbm>>
        %dma_start3A_64 = tpu.memref_squeeze %dma_start3A_63 : memref<1x1x1x80xi32, #tpu.memory_space<hbm>> -> memref<1x80xi32, #tpu.memory_space<hbm>>
        %dma_start3A_65 = arith.constant 0 : i32
        %dma_start3A_66 = arith.constant 0 : i32
        %dma_start3A_67 = tpu.memref_slice %arg7[%run_scoped3A_19, %dma_start3A_65, %dma_start3A_66] : memref<2x1x80xi32, #tpu.memory_space<vmem>> -> memref<1x1x80xi32, #tpu.memory_space<vmem>>
        %dma_start3A_68 = tpu.memref_squeeze %dma_start3A_67 : memref<1x1x80xi32, #tpu.memory_space<vmem>> -> memref<1x80xi32, #tpu.memory_space<vmem>>
        %dma_start3A_69 = arith.constant 0 : i32
        %dma_start3A_70 = arith.constant 0 : i32
        %dma_start3A_71 = tpu.memref_slice %arg4[%arg1, %run_scoped3A, %dma_start3A_69, %dma_start3A_70] : memref<16x250x1x80xi32, #tpu.memory_space<hbm>> -> memref<1x1x1x80xi32, #tpu.memory_space<hbm>>
        %dma_start3A_72 = tpu.memref_squeeze %dma_start3A_71 : memref<1x1x1x80xi32, #tpu.memory_space<hbm>> -> memref<1x80xi32, #tpu.memory_space<hbm>>
        tpu.enqueue_dma source(%dma_start3A_72 : memref<1x80xi32, #tpu.memory_space<hbm>>) target(%dma_start3A_68 : memref<1x80xi32, #tpu.memory_space<vmem>>) target_semaphore(%run_scoped3A_56 : memref<!tpu.dma_semaphore, #tpu.memory_space<semaphore_mem>>)
        %dma_wait3A_73 = arith.constant 0 : i32
        %dma_wait3A_74 = arith.constant 0 : i32
        %dma_wait3A_75 = tpu.memref_slice %arg7[%run_scoped3A_19, %dma_wait3A_73, %dma_wait3A_74] : memref<2x1x80xi32, #tpu.memory_space<vmem>> -> memref<1x1x80xi32, #tpu.memory_space<vmem>>
        %dma_wait3A_76 = tpu.memref_squeeze %dma_wait3A_75 : memref<1x1x80xi32, #tpu.memory_space<vmem>> -> memref<1x80xi32, #tpu.memory_space<vmem>>
        %dma_wait3A_77 = arith.constant 0 : i32
        %dma_wait3A_78 = arith.constant 0 : i32
        %dma_wait3A_79 = tpu.memref_slice %arg4[%arg1, %run_scoped3A, %dma_wait3A_77, %dma_wait3A_78] : memref<16x250x1x80xi32, #tpu.memory_space<hbm>> -> memref<1x1x1x80xi32, #tpu.memory_space<hbm>>
        %dma_wait3A_80 = tpu.memref_squeeze %dma_wait3A_79 : memref<1x1x1x80xi32, #tpu.memory_space<hbm>> -> memref<1x80xi32, #tpu.memory_space<hbm>>
        %dma_wait3A_81 = arith.constant 0 : i32
        %dma_wait3A_82 = arith.constant 0 : i32
        %dma_wait3A_83 = tpu.memref_slice %arg7[%run_scoped3A_19, %dma_wait3A_81, %dma_wait3A_82] : memref<2x1x80xi32, #tpu.memory_space<vmem>> -> memref<1x1x80xi32, #tpu.memory_space<vmem>>
        %dma_wait3A_84 = tpu.memref_squeeze %dma_wait3A_83 : memref<1x1x80xi32, #tpu.memory_space<vmem>> -> memref<1x80xi32, #tpu.memory_space<vmem>>
        %dma_wait3A_85 = arith.constant 0 : i32
        %dma_wait3A_86 = arith.constant 0 : i32
        %dma_wait3A_87 = tpu.memref_slice %arg4[%arg1, %run_scoped3A, %dma_wait3A_85, %dma_wait3A_86] : memref<16x250x1x80xi32, #tpu.memory_space<hbm>> -> memref<1x1x1x80xi32, #tpu.memory_space<hbm>>
        %dma_wait3A_88 = tpu.memref_squeeze %dma_wait3A_87 : memref<1x1x1x80xi32, #tpu.memory_space<hbm>> -> memref<1x80xi32, #tpu.memory_space<hbm>>
        tpu.wait_dma2 semaphore(%run_scoped3A_56 : memref<!tpu.dma_semaphore, #tpu.memory_space<semaphore_mem>>) src(%dma_wait3A_88 : memref<1x80xi32, #tpu.memory_space<hbm>>) dst(%dma_wait3A_84 : memref<1x80xi32, #tpu.memory_space<vmem>>)
        tpu.yield
      }) : () -> ()
      "tpu.region"() ({
        %run_scoped3A_56 = tpu.sem_alloc : memref<!tpu.dma_semaphore, #tpu.memory_space<semaphore_mem>>
        %dma_start3A_57 = arith.constant 0 : i32
        %dma_start3A_58 = tpu.memref_slice %arg2[%arg0, %mul3A_2, %dma_start3A_57] : memref<2x320000x128xf32, #tpu.memory_space<hbm>> -> memref<1x80x128xf32, #tpu.memory_space<hbm>>
        %dma_start3A_59 = tpu.memref_squeeze %dma_start3A_58 : memref<1x80x128xf32, #tpu.memory_space<hbm>> -> memref<80x128xf32, #tpu.memory_space<hbm>>
        %dma_start3A_60 = arith.constant 0 : i32
        %dma_start3A_61 = tpu.memref_slice %arg2[%arg0, %mul3A_2, %dma_start3A_60] : memref<2x320000x128xf32, #tpu.memory_space<hbm>> -> memref<1x80x128xf32, #tpu.memory_space<hbm>>
        %dma_start3A_62 = tpu.memref_squeeze %dma_start3A_61 : memref<1x80x128xf32, #tpu.memory_space<hbm>> -> memref<80x128xf32, #tpu.memory_space<hbm>>
        tpu.enqueue_dma source(%dma_start3A_62 : memref<80x128xf32, #tpu.memory_space<hbm>>) target(%arg8 : memref<80x128xf32, #tpu.memory_space<vmem>>) target_semaphore(%run_scoped3A_56 : memref<!tpu.dma_semaphore, #tpu.memory_space<semaphore_mem>>)
        %dma_wait3A_63 = arith.constant 0 : i32
        %dma_wait3A_64 = tpu.memref_slice %arg2[%arg0, %mul3A_2, %dma_wait3A_63] : memref<2x320000x128xf32, #tpu.memory_space<hbm>> -> memref<1x80x128xf32, #tpu.memory_space<hbm>>
        %dma_wait3A_65 = tpu.memref_squeeze %dma_wait3A_64 : memref<1x80x128xf32, #tpu.memory_space<hbm>> -> memref<80x128xf32, #tpu.memory_space<hbm>>
        %dma_wait3A_66 = arith.constant 0 : i32
        %dma_wait3A_67 = tpu.memref_slice %arg2[%arg0, %mul3A_2, %dma_wait3A_66] : memref<2x320000x128xf32, #tpu.memory_space<hbm>> -> memref<1x80x128xf32, #tpu.memory_space<hbm>>
        %dma_wait3A_68 = tpu.memref_squeeze %dma_wait3A_67 : memref<1x80x128xf32, #tpu.memory_space<hbm>> -> memref<80x128xf32, #tpu.memory_space<hbm>>
        tpu.wait_dma2 semaphore(%run_scoped3A_56 : memref<!tpu.dma_semaphore, #tpu.memory_space<semaphore_mem>>) src(%dma_wait3A_68 : memref<80x128xf32, #tpu.memory_space<hbm>>) dst(%arg8 : memref<80x128xf32, #tpu.memory_space<vmem>>)
        tpu.yield
      }) : () -> ()
      %dma_start3A = arith.constant 1 : i32
      %dma_start3A_20 = arith.constant 1 : i32
      %dma_start3A_21 = arith.constant 0 : i32
      %dma_start3A_22 = arith.constant 0 : i32
      %dma_start3A_23 = tpu.memref_slice %arg7[%dma_start3A_20, %dma_start3A_21, %dma_start3A_22] : memref<2x1x80xi32, #tpu.memory_space<vmem>> -> memref<1x1x80xi32, #tpu.memory_space<vmem>>
      %dma_start3A_24 = tpu.memref_squeeze %dma_start3A_23 : memref<1x1x80xi32, #tpu.memory_space<vmem>> -> memref<1x80xi32, #tpu.memory_space<vmem>>
      %dma_start3A_25 = arith.constant 0 : i32
      %dma_start3A_26 = arith.constant 0 : i32
      %dma_start3A_27 = tpu.memref_slice %arg4[%arg1, %dma_start3A, %dma_start3A_25, %dma_start3A_26] : memref<16x250x1x80xi32, #tpu.memory_space<hbm>> -> memref<1x1x1x80xi32, #tpu.memory_space<hbm>>
      %dma_start3A_28 = tpu.memref_squeeze %dma_start3A_27 : memref<1x1x1x80xi32, #tpu.memory_space<hbm>> -> memref<1x80xi32, #tpu.memory_space<hbm>>
      %dma_start3A_29 = arith.constant 0 : i32
      %dma_start3A_30 = arith.constant 0 : i32
      %dma_start3A_31 = tpu.memref_slice %arg7[%dma_start3A_20, %dma_start3A_29, %dma_start3A_30] : memref<2x1x80xi32, #tpu.memory_space<vmem>> -> memref<1x1x80xi32, #tpu.memory_space<vmem>>
      %dma_start3A_32 = tpu.memref_squeeze %dma_start3A_31 : memref<1x1x80xi32, #tpu.memory_space<vmem>> -> memref<1x80xi32, #tpu.memory_space<vmem>>
      %dma_start3A_33 = arith.constant 0 : i32
      %dma_start3A_34 = arith.constant 0 : i32
      %dma_start3A_35 = tpu.memref_slice %arg4[%arg1, %dma_start3A, %dma_start3A_33, %dma_start3A_34] : memref<16x250x1x80xi32, #tpu.memory_space<hbm>> -> memref<1x1x1x80xi32, #tpu.memory_space<hbm>>
      %dma_start3A_36 = tpu.memref_squeeze %dma_start3A_35 : memref<1x1x1x80xi32, #tpu.memory_space<hbm>> -> memref<1x80xi32, #tpu.memory_space<hbm>>
      tpu.enqueue_dma source(%dma_start3A_36 : memref<1x80xi32, #tpu.memory_space<hbm>>) target(%dma_start3A_32 : memref<1x80xi32, #tpu.memory_space<vmem>>) target_semaphore(%arg12 : memref<!tpu.dma_semaphore, #tpu.memory_space<semaphore_mem>>)
      %add3A = arith.constant 80 : i32
      %add3A_37 = arith.addi %mul3A_2, %add3A : i32
      %multiple_of3A = tpu.assume_multiple %add3A_37, 8 : i32
      %dma_start3A_38 = arith.constant 0 : i32
      %dma_start3A_39 = tpu.memref_slice %arg2[%arg0, %multiple_of3A, %dma_start3A_38] : memref<2x320000x128xf32, #tpu.memory_space<hbm>> -> memref<1x80x128xf32, #tpu.memory_space<hbm>>
      %dma_start3A_40 = tpu.memref_squeeze %dma_start3A_39 : memref<1x80x128xf32, #tpu.memory_space<hbm>> -> memref<80x128xf32, #tpu.memory_space<hbm>>
      %dma_start3A_41 = arith.constant 0 : i32
      %dma_start3A_42 = tpu.memref_slice %arg2[%arg0, %multiple_of3A, %dma_start3A_41] : memref<2x320000x128xf32, #tpu.memory_space<hbm>> -> memref<1x80x128xf32, #tpu.memory_space<hbm>>
      %dma_start3A_43 = tpu.memref_squeeze %dma_start3A_42 : memref<1x80x128xf32, #tpu.memory_space<hbm>> -> memref<80x128xf32, #tpu.memory_space<hbm>>
      tpu.enqueue_dma source(%dma_start3A_43 : memref<80x128xf32, #tpu.memory_space<hbm>>) target(%arg9 : memref<80x128xf32, #tpu.memory_space<vmem>>) target_semaphore(%arg16 : memref<!tpu.dma_semaphore, #tpu.memory_space<semaphore_mem>>)
      %scan3A = arith.constant 0 : i32
      %scan3A_44 = arith.constant 0 : i32
      %scan3A_45 = arith.constant 125 : i32
      %scan3A_46 = arith.addi %scan3A_44, %scan3A_45 : i32
      %scan3A_47 = arith.constant 1 : i32
      scf.for %scan3A_56 = %scan3A_44 to %scan3A_46 step %scan3A_47  : i32 {
        %mul3A_57 = arith.constant 2 : i32
        %mul3A_58 = arith.muli %mul3A_57, %scan3A_56 : i32
        %add3A_59 = arith.constant 0 : i32
        %add3A_60 = arith.addi %mul3A_58, %add3A_59 : i32
        %ge3A = arith.constant 1 : i32
        %ge3A_61 = arith.cmpi sge, %add3A_60, %ge3A : i32
        %convert_element_type3A_62 = arith.extui %ge3A_61 : i1 to i32
        %cond3A_63 = arith.constant 0 : i32
        %cond3A_64 = arith.cmpi ne, %convert_element_type3A_62, %cond3A_63 : i32
        scf.if %cond3A_64 {
          %dma_wait3A_128 = arith.constant 0 : i32
          %dma_wait3A_129 = arith.constant 0 : i32
          %dma_wait3A_130 = arith.constant 0 : i32
          %dma_wait3A_131 = arith.constant 0 : i32
          %dma_wait3A_132 = tpu.memref_slice %arg7[%dma_wait3A_129, %dma_wait3A_130, %dma_wait3A_131] : memref<2x1x80xi32, #tpu.memory_space<vmem>> -> memref<1x1x80xi32, #tpu.memory_space<vmem>>
          %dma_wait3A_133 = tpu.memref_squeeze %dma_wait3A_132 : memref<1x1x80xi32, #tpu.memory_space<vmem>> -> memref<1x80xi32, #tpu.memory_space<vmem>>
          %dma_wait3A_134 = arith.constant 0 : i32
          %dma_wait3A_135 = arith.constant 0 : i32
          %dma_wait3A_136 = tpu.memref_slice %arg4[%arg1, %dma_wait3A_128, %dma_wait3A_134, %dma_wait3A_135] : memref<16x250x1x80xi32, #tpu.memory_space<hbm>> -> memref<1x1x1x80xi32, #tpu.memory_space<hbm>>
          %dma_wait3A_137 = tpu.memref_squeeze %dma_wait3A_136 : memref<1x1x1x80xi32, #tpu.memory_space<hbm>> -> memref<1x80xi32, #tpu.memory_space<hbm>>
          %dma_wait3A_138 = arith.constant 0 : i32
          %dma_wait3A_139 = arith.constant 0 : i32
          %dma_wait3A_140 = tpu.memref_slice %arg7[%dma_wait3A_129, %dma_wait3A_138, %dma_wait3A_139] : memref<2x1x80xi32, #tpu.memory_space<vmem>> -> memref<1x1x80xi32, #tpu.memory_space<vmem>>
          %dma_wait3A_141 = tpu.memref_squeeze %dma_wait3A_140 : memref<1x1x80xi32, #tpu.memory_space<vmem>> -> memref<1x80xi32, #tpu.memory_space<vmem>>
          %dma_wait3A_142 = arith.constant 0 : i32
          %dma_wait3A_143 = arith.constant 0 : i32
          %dma_wait3A_144 = tpu.memref_slice %arg4[%arg1, %dma_wait3A_128, %dma_wait3A_142, %dma_wait3A_143] : memref<16x250x1x80xi32, #tpu.memory_space<hbm>> -> memref<1x1x1x80xi32, #tpu.memory_space<hbm>>
          %dma_wait3A_145 = tpu.memref_squeeze %dma_wait3A_144 : memref<1x1x1x80xi32, #tpu.memory_space<hbm>> -> memref<1x80xi32, #tpu.memory_space<hbm>>
          tpu.wait_dma2 semaphore(%arg11 : memref<!tpu.dma_semaphore, #tpu.memory_space<semaphore_mem>>) src(%dma_wait3A_145 : memref<1x80xi32, #tpu.memory_space<hbm>>) dst(%dma_wait3A_141 : memref<1x80xi32, #tpu.memory_space<vmem>>)
        } else {
        }
        %ge3A_65 = arith.constant 1 : i32
        %ge3A_66 = arith.cmpi sge, %add3A_60, %ge3A_65 : i32
        %convert_element_type3A_67 = arith.extui %ge3A_66 : i1 to i32
        %cond3A_68 = arith.constant 0 : i32
        %cond3A_69 = arith.cmpi ne, %convert_element_type3A_67, %cond3A_68 : i32
        scf.if %cond3A_69 {
          %dma_wait3A_128 = arith.constant 0 : i32
          %dma_wait3A_129 = tpu.memref_slice %arg2[%arg0, %mul3A_2, %dma_wait3A_128] : memref<2x320000x128xf32, #tpu.memory_space<hbm>> -> memref<1x80x128xf32, #tpu.memory_space<hbm>>
          %dma_wait3A_130 = tpu.memref_squeeze %dma_wait3A_129 : memref<1x80x128xf32, #tpu.memory_space<hbm>> -> memref<80x128xf32, #tpu.memory_space<hbm>>
          %dma_wait3A_131 = arith.constant 0 : i32
          %dma_wait3A_132 = tpu.memref_slice %arg2[%arg0, %mul3A_2, %dma_wait3A_131] : memref<2x320000x128xf32, #tpu.memory_space<hbm>> -> memref<1x80x128xf32, #tpu.memory_space<hbm>>
          %dma_wait3A_133 = tpu.memref_squeeze %dma_wait3A_132 : memref<1x80x128xf32, #tpu.memory_space<hbm>> -> memref<80x128xf32, #tpu.memory_space<hbm>>
          tpu.wait_dma2 semaphore(%arg15 : memref<!tpu.dma_semaphore, #tpu.memory_space<semaphore_mem>>) src(%dma_wait3A_133 : memref<80x128xf32, #tpu.memory_space<hbm>>) dst(%arg8 : memref<80x128xf32, #tpu.memory_space<vmem>>)
        } else {
        }
        %ge3A_70 = arith.constant 1 : i32
        %ge3A_71 = arith.cmpi sge, %add3A_60, %ge3A_70 : i32
        %convert_element_type3A_72 = arith.extui %ge3A_71 : i1 to i32
        %cond3A_73 = arith.constant 0 : i32
        %cond3A_74 = arith.cmpi ne, %convert_element_type3A_72, %cond3A_73 : i32
        scf.if %cond3A_74 {
          %dma_wait3A_128 = arith.constant 1 : i32
          %dma_wait3A_129 = arith.constant 0 : i32
          %dma_wait3A_130 = arith.constant 0 : i32
          %dma_wait3A_131 = tpu.memref_slice %arg7[%dma_wait3A_128, %dma_wait3A_129, %dma_wait3A_130] : memref<2x1x80xi32, #tpu.memory_space<vmem>> -> memref<1x1x80xi32, #tpu.memory_space<vmem>>
          %dma_wait3A_132 = tpu.memref_squeeze %dma_wait3A_131 : memref<1x1x80xi32, #tpu.memory_space<vmem>> -> memref<80xi32, #tpu.memory_space<vmem>>
          %dma_wait3A_133 = arith.constant 0 : i32
          %dma_wait3A_134 = arith.constant 0 : i32
          %dma_wait3A_135 = tpu.memref_slice %arg10[%dma_wait3A_133, %dma_wait3A_134] : memref<10000x128xf32, #tpu.memory_space<vmem_shared>> -> memref<10000x128xf32, #tpu.memory_space<vmem_shared>>
          tpu.wait_indirect_dma semaphore(%arg14 : memref<!tpu.dma_semaphore, #tpu.memory_space<semaphore_mem>>) src(%arg9 : memref<80x128xf32, #tpu.memory_space<vmem>>) dst(%dma_wait3A_135 : memref<10000x128xf32, #tpu.memory_space<vmem_shared>>)
        } else {
        }
        %dma_start3A_75 = arith.constant 0 : i32
        %dma_start3A_76 = arith.constant 0 : i32
        %dma_start3A_77 = arith.constant 0 : i32
        %dma_start3A_78 = tpu.memref_slice %arg7[%dma_start3A_75, %dma_start3A_76, %dma_start3A_77] : memref<2x1x80xi32, #tpu.memory_space<vmem>> -> memref<1x1x80xi32, #tpu.memory_space<vmem>>
        %dma_start3A_79 = tpu.memref_squeeze %dma_start3A_78 : memref<1x1x80xi32, #tpu.memory_space<vmem>> -> memref<80xi32, #tpu.memory_space<vmem>>
        %dma_start3A_80 = arith.constant 0 : i32
        %dma_start3A_81 = arith.constant 0 : i32
        %dma_start3A_82 = tpu.memref_slice %arg10[%dma_start3A_80, %dma_start3A_81] : memref<10000x128xf32, #tpu.memory_space<vmem_shared>> -> memref<10000x128xf32, #tpu.memory_space<vmem_shared>>
        tpu.enqueue_indirect_dma source(%arg8 : memref<80x128xf32, #tpu.memory_space<vmem>>) target(%dma_start3A_82 : memref<10000x128xf32, #tpu.memory_space<vmem_shared>>) offsets(%dma_start3A_79 : memref<80xi32, #tpu.memory_space<vmem>>) semaphore(%arg13 : memref<!tpu.dma_semaphore, #tpu.memory_space<semaphore_mem>>) {add = true}
        %ge3A_83 = arith.constant 1 : i32
        %ge3A_84 = arith.cmpi sge, %add3A_60, %ge3A_83 : i32
        %add3A_85 = arith.constant 1 : i32
        %add3A_86 = arith.addi %add3A_60, %add3A_85 : i32
        %lt3A = arith.constant 250 : i32
        %lt3A_87 = arith.cmpi slt, %add3A_86, %lt3A : i32
        %and3A = arith.andi %ge3A_84, %lt3A_87 : i1
        %convert_element_type3A_88 = arith.extui %and3A : i1 to i32
        %cond3A_89 = arith.constant 0 : i32
        %cond3A_90 = arith.cmpi ne, %convert_element_type3A_88, %cond3A_89 : i32
        scf.if %cond3A_90 {
          %add3A_128 = arith.constant 1 : i32
          %add3A_129 = arith.addi %add3A_60, %add3A_128 : i32
          %mul3A_130 = arith.constant 80 : i32
          %mul3A_131 = arith.muli %add3A_129, %mul3A_130 : i32
          %add3A_132 = arith.addi %mul3A_2, %mul3A_131 : i32
          %multiple_of3A_133 = tpu.assume_multiple %add3A_132, 8 : i32
          %add3A_134 = arith.constant 1 : i32
          %add3A_135 = arith.addi %add3A_60, %add3A_134 : i32
          %dma_start3A_136 = arith.constant 1 : i32
          %dma_start3A_137 = arith.constant 0 : i32
          %dma_start3A_138 = arith.constant 0 : i32
          %dma_start3A_139 = tpu.memref_slice %arg7[%dma_start3A_136, %dma_start3A_137, %dma_start3A_138] : memref<2x1x80xi32, #tpu.memory_space<vmem>> -> memref<1x1x80xi32, #tpu.memory_space<vmem>>
          %dma_start3A_140 = tpu.memref_squeeze %dma_start3A_139 : memref<1x1x80xi32, #tpu.memory_space<vmem>> -> memref<1x80xi32, #tpu.memory_space<vmem>>
          %dma_start3A_141 = arith.constant 0 : i32
          %dma_start3A_142 = arith.constant 0 : i32
          %dma_start3A_143 = tpu.memref_slice %arg4[%arg1, %add3A_135, %dma_start3A_141, %dma_start3A_142] : memref<16x250x1x80xi32, #tpu.memory_space<hbm>> -> memref<1x1x1x80xi32, #tpu.memory_space<hbm>>
          %dma_start3A_144 = tpu.memref_squeeze %dma_start3A_143 : memref<1x1x1x80xi32, #tpu.memory_space<hbm>> -> memref<1x80xi32, #tpu.memory_space<hbm>>
          %dma_start3A_145 = arith.constant 0 : i32
          %dma_start3A_146 = arith.constant 0 : i32
          %dma_start3A_147 = tpu.memref_slice %arg7[%dma_start3A_136, %dma_start3A_145, %dma_start3A_146] : memref<2x1x80xi32, #tpu.memory_space<vmem>> -> memref<1x1x80xi32, #tpu.memory_space<vmem>>
          %dma_start3A_148 = tpu.memref_squeeze %dma_start3A_147 : memref<1x1x80xi32, #tpu.memory_space<vmem>> -> memref<1x80xi32, #tpu.memory_space<vmem>>
          %dma_start3A_149 = arith.constant 0 : i32
          %dma_start3A_150 = arith.constant 0 : i32
          %dma_start3A_151 = tpu.memref_slice %arg4[%arg1, %add3A_135, %dma_start3A_149, %dma_start3A_150] : memref<16x250x1x80xi32, #tpu.memory_space<hbm>> -> memref<1x1x1x80xi32, #tpu.memory_space<hbm>>
          %dma_start3A_152 = tpu.memref_squeeze %dma_start3A_151 : memref<1x1x1x80xi32, #tpu.memory_space<hbm>> -> memref<1x80xi32, #tpu.memory_space<hbm>>
          tpu.enqueue_dma source(%dma_start3A_152 : memref<1x80xi32, #tpu.memory_space<hbm>>) target(%dma_start3A_148 : memref<1x80xi32, #tpu.memory_space<vmem>>) target_semaphore(%arg12 : memref<!tpu.dma_semaphore, #tpu.memory_space<semaphore_mem>>)
          %dma_start3A_153 = arith.constant 0 : i32
          %dma_start3A_154 = tpu.memref_slice %arg2[%arg0, %multiple_of3A_133, %dma_start3A_153] : memref<2x320000x128xf32, #tpu.memory_space<hbm>> -> memref<1x80x128xf32, #tpu.memory_space<hbm>>
          %dma_start3A_155 = tpu.memref_squeeze %dma_start3A_154 : memref<1x80x128xf32, #tpu.memory_space<hbm>> -> memref<80x128xf32, #tpu.memory_space<hbm>>
          %dma_start3A_156 = arith.constant 0 : i32
          %dma_start3A_157 = tpu.memref_slice %arg2[%arg0, %multiple_of3A_133, %dma_start3A_156] : memref<2x320000x128xf32, #tpu.memory_space<hbm>> -> memref<1x80x128xf32, #tpu.memory_space<hbm>>
          %dma_start3A_158 = tpu.memref_squeeze %dma_start3A_157 : memref<1x80x128xf32, #tpu.memory_space<hbm>> -> memref<80x128xf32, #tpu.memory_space<hbm>>
          tpu.enqueue_dma source(%dma_start3A_158 : memref<80x128xf32, #tpu.memory_space<hbm>>) target(%arg9 : memref<80x128xf32, #tpu.memory_space<vmem>>) target_semaphore(%arg16 : memref<!tpu.dma_semaphore, #tpu.memory_space<semaphore_mem>>)
        } else {
        }
        %mul3A_91 = arith.constant 2 : i32
        %mul3A_92 = arith.muli %mul3A_91, %scan3A_56 : i32
        %add3A_93 = arith.constant 1 : i32
        %add3A_94 = arith.addi %mul3A_92, %add3A_93 : i32
        %ge3A_95 = arith.constant 1 : i32
        %ge3A_96 = arith.cmpi sge, %add3A_94, %ge3A_95 : i32
        %convert_element_type3A_97 = arith.extui %ge3A_96 : i1 to i32
        %cond3A_98 = arith.constant 0 : i32
        %cond3A_99 = arith.cmpi ne, %convert_element_type3A_97, %cond3A_98 : i32
        scf.if %cond3A_99 {
          %dma_wait3A_128 = arith.constant 0 : i32
          %dma_wait3A_129 = arith.constant 1 : i32
          %dma_wait3A_130 = arith.constant 0 : i32
          %dma_wait3A_131 = arith.constant 0 : i32
          %dma_wait3A_132 = tpu.memref_slice %arg7[%dma_wait3A_129, %dma_wait3A_130, %dma_wait3A_131] : memref<2x1x80xi32, #tpu.memory_space<vmem>> -> memref<1x1x80xi32, #tpu.memory_space<vmem>>
          %dma_wait3A_133 = tpu.memref_squeeze %dma_wait3A_132 : memref<1x1x80xi32, #tpu.memory_space<vmem>> -> memref<1x80xi32, #tpu.memory_space<vmem>>
          %dma_wait3A_134 = arith.constant 0 : i32
          %dma_wait3A_135 = arith.constant 0 : i32
          %dma_wait3A_136 = tpu.memref_slice %arg4[%arg1, %dma_wait3A_128, %dma_wait3A_134, %dma_wait3A_135] : memref<16x250x1x80xi32, #tpu.memory_space<hbm>> -> memref<1x1x1x80xi32, #tpu.memory_space<hbm>>
          %dma_wait3A_137 = tpu.memref_squeeze %dma_wait3A_136 : memref<1x1x1x80xi32, #tpu.memory_space<hbm>> -> memref<1x80xi32, #tpu.memory_space<hbm>>
          %dma_wait3A_138 = arith.constant 0 : i32
          %dma_wait3A_139 = arith.constant 0 : i32
          %dma_wait3A_140 = tpu.memref_slice %arg7[%dma_wait3A_129, %dma_wait3A_138, %dma_wait3A_139] : memref<2x1x80xi32, #tpu.memory_space<vmem>> -> memref<1x1x80xi32, #tpu.memory_space<vmem>>
          %dma_wait3A_141 = tpu.memref_squeeze %dma_wait3A_140 : memref<1x1x80xi32, #tpu.memory_space<vmem>> -> memref<1x80xi32, #tpu.memory_space<vmem>>
          %dma_wait3A_142 = arith.constant 0 : i32
          %dma_wait3A_143 = arith.constant 0 : i32
          %dma_wait3A_144 = tpu.memref_slice %arg4[%arg1, %dma_wait3A_128, %dma_wait3A_142, %dma_wait3A_143] : memref<16x250x1x80xi32, #tpu.memory_space<hbm>> -> memref<1x1x1x80xi32, #tpu.memory_space<hbm>>
          %dma_wait3A_145 = tpu.memref_squeeze %dma_wait3A_144 : memref<1x1x1x80xi32, #tpu.memory_space<hbm>> -> memref<1x80xi32, #tpu.memory_space<hbm>>
          tpu.wait_dma2 semaphore(%arg12 : memref<!tpu.dma_semaphore, #tpu.memory_space<semaphore_mem>>) src(%dma_wait3A_145 : memref<1x80xi32, #tpu.memory_space<hbm>>) dst(%dma_wait3A_141 : memref<1x80xi32, #tpu.memory_space<vmem>>)
        } else {
        }
        %ge3A_100 = arith.constant 1 : i32
        %ge3A_101 = arith.cmpi sge, %add3A_94, %ge3A_100 : i32
        %convert_element_type3A_102 = arith.extui %ge3A_101 : i1 to i32
        %cond3A_103 = arith.constant 0 : i32
        %cond3A_104 = arith.cmpi ne, %convert_element_type3A_102, %cond3A_103 : i32
        scf.if %cond3A_104 {
          %dma_wait3A_128 = arith.constant 0 : i32
          %dma_wait3A_129 = tpu.memref_slice %arg2[%arg0, %mul3A_2, %dma_wait3A_128] : memref<2x320000x128xf32, #tpu.memory_space<hbm>> -> memref<1x80x128xf32, #tpu.memory_space<hbm>>
          %dma_wait3A_130 = tpu.memref_squeeze %dma_wait3A_129 : memref<1x80x128xf32, #tpu.memory_space<hbm>> -> memref<80x128xf32, #tpu.memory_space<hbm>>
          %dma_wait3A_131 = arith.constant 0 : i32
          %dma_wait3A_132 = tpu.memref_slice %arg2[%arg0, %mul3A_2, %dma_wait3A_131] : memref<2x320000x128xf32, #tpu.memory_space<hbm>> -> memref<1x80x128xf32, #tpu.memory_space<hbm>>
          %dma_wait3A_133 = tpu.memref_squeeze %dma_wait3A_132 : memref<1x80x128xf32, #tpu.memory_space<hbm>> -> memref<80x128xf32, #tpu.memory_space<hbm>>
          tpu.wait_dma2 semaphore(%arg16 : memref<!tpu.dma_semaphore, #tpu.memory_space<semaphore_mem>>) src(%dma_wait3A_133 : memref<80x128xf32, #tpu.memory_space<hbm>>) dst(%arg9 : memref<80x128xf32, #tpu.memory_space<vmem>>)
        } else {
        }
        %ge3A_105 = arith.constant 1 : i32
        %ge3A_106 = arith.cmpi sge, %add3A_94, %ge3A_105 : i32
        %convert_element_type3A_107 = arith.extui %ge3A_106 : i1 to i32
        %cond3A_108 = arith.constant 0 : i32
        %cond3A_109 = arith.cmpi ne, %convert_element_type3A_107, %cond3A_108 : i32
        scf.if %cond3A_109 {
          %dma_wait3A_128 = arith.constant 0 : i32
          %dma_wait3A_129 = arith.constant 0 : i32
          %dma_wait3A_130 = arith.constant 0 : i32
          %dma_wait3A_131 = tpu.memref_slice %arg7[%dma_wait3A_128, %dma_wait3A_129, %dma_wait3A_130] : memref<2x1x80xi32, #tpu.memory_space<vmem>> -> memref<1x1x80xi32, #tpu.memory_space<vmem>>
          %dma_wait3A_132 = tpu.memref_squeeze %dma_wait3A_131 : memref<1x1x80xi32, #tpu.memory_space<vmem>> -> memref<80xi32, #tpu.memory_space<vmem>>
          %dma_wait3A_133 = arith.constant 0 : i32
          %dma_wait3A_134 = arith.constant 0 : i32
          %dma_wait3A_135 = tpu.memref_slice %arg10[%dma_wait3A_133, %dma_wait3A_134] : memref<10000x128xf32, #tpu.memory_space<vmem_shared>> -> memref<10000x128xf32, #tpu.memory_space<vmem_shared>>
          tpu.wait_indirect_dma semaphore(%arg13 : memref<!tpu.dma_semaphore, #tpu.memory_space<semaphore_mem>>) src(%arg8 : memref<80x128xf32, #tpu.memory_space<vmem>>) dst(%dma_wait3A_135 : memref<10000x128xf32, #tpu.memory_space<vmem_shared>>)
        } else {
        }
        %dma_start3A_110 = arith.constant 1 : i32
        %dma_start3A_111 = arith.constant 0 : i32
        %dma_start3A_112 = arith.constant 0 : i32
        %dma_start3A_113 = tpu.memref_slice %arg7[%dma_start3A_110, %dma_start3A_111, %dma_start3A_112] : memref<2x1x80xi32, #tpu.memory_space<vmem>> -> memref<1x1x80xi32, #tpu.memory_space<vmem>>
        %dma_start3A_114 = tpu.memref_squeeze %dma_start3A_113 : memref<1x1x80xi32, #tpu.memory_space<vmem>> -> memref<80xi32, #tpu.memory_space<vmem>>
        %dma_start3A_115 = arith.constant 0 : i32
        %dma_start3A_116 = arith.constant 0 : i32
        %dma_start3A_117 = tpu.memref_slice %arg10[%dma_start3A_115, %dma_start3A_116] : memref<10000x128xf32, #tpu.memory_space<vmem_shared>> -> memref<10000x128xf32, #tpu.memory_space<vmem_shared>>
        tpu.enqueue_indirect_dma source(%arg9 : memref<80x128xf32, #tpu.memory_space<vmem>>) target(%dma_start3A_117 : memref<10000x128xf32, #tpu.memory_space<vmem_shared>>) offsets(%dma_start3A_114 : memref<80xi32, #tpu.memory_space<vmem>>) semaphore(%arg14 : memref<!tpu.dma_semaphore, #tpu.memory_space<semaphore_mem>>) {add = true}
        %ge3A_118 = arith.constant 1 : i32
        %ge3A_119 = arith.cmpi sge, %add3A_94, %ge3A_118 : i32
        %add3A_120 = arith.constant 1 : i32
        %add3A_121 = arith.addi %add3A_94, %add3A_120 : i32
        %lt3A_122 = arith.constant 250 : i32
        %lt3A_123 = arith.cmpi slt, %add3A_121, %lt3A_122 : i32
        %and3A_124 = arith.andi %ge3A_119, %lt3A_123 : i1
        %convert_element_type3A_125 = arith.extui %and3A_124 : i1 to i32
        %cond3A_126 = arith.constant 0 : i32
        %cond3A_127 = arith.cmpi ne, %convert_element_type3A_125, %cond3A_126 : i32
        scf.if %cond3A_127 {
          %add3A_128 = arith.constant 1 : i32
          %add3A_129 = arith.addi %add3A_94, %add3A_128 : i32
          %mul3A_130 = arith.constant 80 : i32
          %mul3A_131 = arith.muli %add3A_129, %mul3A_130 : i32
          %add3A_132 = arith.addi %mul3A_2, %mul3A_131 : i32
          %multiple_of3A_133 = tpu.assume_multiple %add3A_132, 8 : i32
          %add3A_134 = arith.constant 1 : i32
          %add3A_135 = arith.addi %add3A_94, %add3A_134 : i32
          %dma_start3A_136 = arith.constant 0 : i32
          %dma_start3A_137 = arith.constant 0 : i32
          %dma_start3A_138 = arith.constant 0 : i32
          %dma_start3A_139 = tpu.memref_slice %arg7[%dma_start3A_136, %dma_start3A_137, %dma_start3A_138] : memref<2x1x80xi32, #tpu.memory_space<vmem>> -> memref<1x1x80xi32, #tpu.memory_space<vmem>>
          %dma_start3A_140 = tpu.memref_squeeze %dma_start3A_139 : memref<1x1x80xi32, #tpu.memory_space<vmem>> -> memref<1x80xi32, #tpu.memory_space<vmem>>
          %dma_start3A_141 = arith.constant 0 : i32
          %dma_start3A_142 = arith.constant 0 : i32
          %dma_start3A_143 = tpu.memref_slice %arg4[%arg1, %add3A_135, %dma_start3A_141, %dma_start3A_142] : memref<16x250x1x80xi32, #tpu.memory_space<hbm>> -> memref<1x1x1x80xi32, #tpu.memory_space<hbm>>
          %dma_start3A_144 = tpu.memref_squeeze %dma_start3A_143 : memref<1x1x1x80xi32, #tpu.memory_space<hbm>> -> memref<1x80xi32, #tpu.memory_space<hbm>>
          %dma_start3A_145 = arith.constant 0 : i32
          %dma_start3A_146 = arith.constant 0 : i32
          %dma_start3A_147 = tpu.memref_slice %arg7[%dma_start3A_136, %dma_start3A_145, %dma_start3A_146] : memref<2x1x80xi32, #tpu.memory_space<vmem>> -> memref<1x1x80xi32, #tpu.memory_space<vmem>>
          %dma_start3A_148 = tpu.memref_squeeze %dma_start3A_147 : memref<1x1x80xi32, #tpu.memory_space<vmem>> -> memref<1x80xi32, #tpu.memory_space<vmem>>
          %dma_start3A_149 = arith.constant 0 : i32
          %dma_start3A_150 = arith.constant 0 : i32
          %dma_start3A_151 = tpu.memref_slice %arg4[%arg1, %add3A_135, %dma_start3A_149, %dma_start3A_150] : memref<16x250x1x80xi32, #tpu.memory_space<hbm>> -> memref<1x1x1x80xi32, #tpu.memory_space<hbm>>
          %dma_start3A_152 = tpu.memref_squeeze %dma_start3A_151 : memref<1x1x1x80xi32, #tpu.memory_space<hbm>> -> memref<1x80xi32, #tpu.memory_space<hbm>>
          tpu.enqueue_dma source(%dma_start3A_152 : memref<1x80xi32, #tpu.memory_space<hbm>>) target(%dma_start3A_148 : memref<1x80xi32, #tpu.memory_space<vmem>>) target_semaphore(%arg11 : memref<!tpu.dma_semaphore, #tpu.memory_space<semaphore_mem>>)
          %dma_start3A_153 = arith.constant 0 : i32
          %dma_start3A_154 = tpu.memref_slice %arg2[%arg0, %multiple_of3A_133, %dma_start3A_153] : memref<2x320000x128xf32, #tpu.memory_space<hbm>> -> memref<1x80x128xf32, #tpu.memory_space<hbm>>
          %dma_start3A_155 = tpu.memref_squeeze %dma_start3A_154 : memref<1x80x128xf32, #tpu.memory_space<hbm>> -> memref<80x128xf32, #tpu.memory_space<hbm>>
          %dma_start3A_156 = arith.constant 0 : i32
          %dma_start3A_157 = tpu.memref_slice %arg2[%arg0, %multiple_of3A_133, %dma_start3A_156] : memref<2x320000x128xf32, #tpu.memory_space<hbm>> -> memref<1x80x128xf32, #tpu.memory_space<hbm>>
          %dma_start3A_158 = tpu.memref_squeeze %dma_start3A_157 : memref<1x80x128xf32, #tpu.memory_space<hbm>> -> memref<80x128xf32, #tpu.memory_space<hbm>>
          tpu.enqueue_dma source(%dma_start3A_158 : memref<80x128xf32, #tpu.memory_space<hbm>>) target(%arg8 : memref<80x128xf32, #tpu.memory_space<vmem>>) target_semaphore(%arg15 : memref<!tpu.dma_semaphore, #tpu.memory_space<semaphore_mem>>)
        } else {
        }
      }
      %scan3A_48 = arith.constant 125 : i32
      %dma_wait3A = arith.constant 1 : i32
      %dma_wait3A_49 = arith.constant 0 : i32
      %dma_wait3A_50 = arith.constant 0 : i32
      %dma_wait3A_51 = tpu.memref_slice %arg7[%dma_wait3A, %dma_wait3A_49, %dma_wait3A_50] : memref<2x1x80xi32, #tpu.memory_space<vmem>> -> memref<1x1x80xi32, #tpu.memory_space<vmem>>
      %dma_wait3A_52 = tpu.memref_squeeze %dma_wait3A_51 : memref<1x1x80xi32, #tpu.memory_space<vmem>> -> memref<80xi32, #tpu.memory_space<vmem>>
      %dma_wait3A_53 = arith.constant 0 : i32
      %dma_wait3A_54 = arith.constant 0 : i32
      %dma_wait3A_55 = tpu.memref_slice %arg10[%dma_wait3A_53, %dma_wait3A_54] : memref<10000x128xf32, #tpu.memory_space<vmem_shared>> -> memref<10000x128xf32, #tpu.memory_space<vmem_shared>>
      tpu.wait_indirect_dma semaphore(%arg14 : memref<!tpu.dma_semaphore, #tpu.memory_space<semaphore_mem>>) src(%arg9 : memref<80x128xf32, #tpu.memory_space<vmem>>) dst(%dma_wait3A_55 : memref<10000x128xf32, #tpu.memory_space<vmem_shared>>)
    } else {
    }
    %barrier3A_13 = arith.constant 0 : index
    tpu.barrier barrier_id(%barrier3A_13)
    %eq3A_14 = arith.constant 0 : i32
    %eq3A_15 = arith.cmpi eq, %arg1, %eq3A_14 : i32
    %convert_element_type3A_16 = arith.extui %eq3A_15 : i1 to i32
    %cond3A_17 = arith.constant 0 : i32
    %cond3A_18 = arith.cmpi ne, %convert_element_type3A_16, %cond3A_17 : i32
    scf.if %cond3A_18 {
      "tpu.region"() ({
        %run_scoped3A = tpu.sem_alloc : memref<!tpu.dma_semaphore, #tpu.memory_space<semaphore_mem>>
        %dma_start3A = arith.constant 0 : i32
        %dma_start3A_19 = arith.constant 0 : i32
        %dma_start3A_20 = tpu.memref_slice %arg6[%arg0, %dma_start3A, %dma_start3A_19] : memref<2x10000x128xf32, #tpu.memory_space<hbm>> -> memref<1x10000x128xf32, #tpu.memory_space<hbm>>
        %dma_start3A_21 = tpu.memref_squeeze %dma_start3A_20 : memref<1x10000x128xf32, #tpu.memory_space<hbm>> -> memref<10000x128xf32, #tpu.memory_space<hbm>>
        tpu.enqueue_dma source(%arg10 : memref<10000x128xf32, #tpu.memory_space<vmem_shared>>) target(%dma_start3A_21 : memref<10000x128xf32, #tpu.memory_space<hbm>>) target_semaphore(%run_scoped3A : memref<!tpu.dma_semaphore, #tpu.memory_space<semaphore_mem>>)
        %dma_wait3A = arith.constant 0 : i32
        %dma_wait3A_22 = arith.constant 0 : i32
        %dma_wait3A_23 = tpu.memref_slice %arg6[%arg0, %dma_wait3A, %dma_wait3A_22] : memref<2x10000x128xf32, #tpu.memory_space<hbm>> -> memref<1x10000x128xf32, #tpu.memory_space<hbm>>
        %dma_wait3A_24 = tpu.memref_squeeze %dma_wait3A_23 : memref<1x10000x128xf32, #tpu.memory_space<hbm>> -> memref<10000x128xf32, #tpu.memory_space<hbm>>
        tpu.wait_dma2 semaphore(%run_scoped3A : memref<!tpu.dma_semaphore, #tpu.memory_space<semaphore_mem>>) src(%arg10 : memref<10000x128xf32, #tpu.memory_space<vmem_shared>>) dst(%dma_wait3A_24 : memref<10000x128xf32, #tpu.memory_space<hbm>>)
        tpu.yield
      }) : () -> ()
    } else {
    }
    return
  }
}

#map = affine_map<(d0, d1) -> (0, 0)>
#map1 = affine_map<(d0, d1) -> (0, 0, 0, 0)>
#map2 = affine_map<(d0, d1) -> (0, 0, 0)>
module attributes {stable_mosaic.version = 14 : i64} {
  func.func @gather_k(%arg0: i32, %arg1: i32, %arg2: memref<10000x128xf32, #tpu.memory_space<hbm>>, %arg3: memref<16x250x1x80xi32, #tpu.memory_space<hbm>>, %arg4: memref<16x250x1x80xi32, #tpu.memory_space<hbm>>, %arg5: memref<2x320000x128xf32, #tpu.memory_space<hbm>>, %arg6: memref<2x1x80xi32, #tpu.memory_space<vmem>>, %arg7: memref<80x128xf32, #tpu.memory_space<vmem>>, %arg8: memref<80x128xf32, #tpu.memory_space<vmem>>, %arg9: memref<!tpu.dma_semaphore, #tpu.memory_space<semaphore_mem>>, %arg10: memref<!tpu.dma_semaphore, #tpu.memory_space<semaphore_mem>>, %arg11: memref<!tpu.dma_semaphore, #tpu.memory_space<semaphore_mem>>, %arg12: memref<!tpu.dma_semaphore, #tpu.memory_space<semaphore_mem>>, %arg13: memref<!tpu.dma_semaphore, #tpu.memory_space<semaphore_mem>>, %arg14: memref<!tpu.dma_semaphore, #tpu.memory_space<semaphore_mem>>) attributes {dimension_semantics = [#tpu.dimension_semantics<core_parallel>, #tpu.dimension_semantics<subcore_parallel>], iteration_bounds = array<i64: 2, 16>, scalar_prefetch = 0 : i64, scratch_operands = 9 : i64, tpu.core_type = #tpu.core_type<sc_vector_subcore>, window_params = [{transform_indices = #map}, {transform_indices = #map1}, {transform_indices = #map1}, {transform_indices = #map2}]} {
    %mul3A = arith.constant 20000 : i32
    %mul3A_0 = arith.muli %arg1, %mul3A : i32
    %eq3A = arith.constant 0 : i32
    %eq3A_1 = arith.cmpi eq, %arg0, %eq3A : i32
    %convert_element_type3A = arith.extui %eq3A_1 : i1 to i32
    %cond3A = arith.constant 0 : i32
    %cond3A_2 = arith.cmpi ne, %convert_element_type3A, %cond3A : i32
    scf.if %cond3A_2 {
      %run_scoped3A = arith.constant 0 : i32
      %run_scoped3A_8 = arith.constant 0 : i32
      "tpu.region"() ({
        %run_scoped3A_65 = tpu.sem_alloc : memref<!tpu.dma_semaphore, #tpu.memory_space<semaphore_mem>>
        %dma_start3A_66 = arith.constant 0 : i32
        %dma_start3A_67 = arith.constant 0 : i32
        %dma_start3A_68 = tpu.memref_slice %arg6[%run_scoped3A_8, %dma_start3A_66, %dma_start3A_67] : memref<2x1x80xi32, #tpu.memory_space<vmem>> -> memref<1x1x80xi32, #tpu.memory_space<vmem>>
        %dma_start3A_69 = tpu.memref_squeeze %dma_start3A_68 : memref<1x1x80xi32, #tpu.memory_space<vmem>> -> memref<1x80xi32, #tpu.memory_space<vmem>>
        %dma_start3A_70 = arith.constant 0 : i32
        %dma_start3A_71 = arith.constant 0 : i32
        %dma_start3A_72 = tpu.memref_slice %arg3[%arg1, %run_scoped3A, %dma_start3A_70, %dma_start3A_71] : memref<16x250x1x80xi32, #tpu.memory_space<hbm>> -> memref<1x1x1x80xi32, #tpu.memory_space<hbm>>
        %dma_start3A_73 = tpu.memref_squeeze %dma_start3A_72 : memref<1x1x1x80xi32, #tpu.memory_space<hbm>> -> memref<1x80xi32, #tpu.memory_space<hbm>>
        %dma_start3A_74 = arith.constant 0 : i32
        %dma_start3A_75 = arith.constant 0 : i32
        %dma_start3A_76 = tpu.memref_slice %arg6[%run_scoped3A_8, %dma_start3A_74, %dma_start3A_75] : memref<2x1x80xi32, #tpu.memory_space<vmem>> -> memref<1x1x80xi32, #tpu.memory_space<vmem>>
        %dma_start3A_77 = tpu.memref_squeeze %dma_start3A_76 : memref<1x1x80xi32, #tpu.memory_space<vmem>> -> memref<1x80xi32, #tpu.memory_space<vmem>>
        %dma_start3A_78 = arith.constant 0 : i32
        %dma_start3A_79 = arith.constant 0 : i32
        %dma_start3A_80 = tpu.memref_slice %arg3[%arg1, %run_scoped3A, %dma_start3A_78, %dma_start3A_79] : memref<16x250x1x80xi32, #tpu.memory_space<hbm>> -> memref<1x1x1x80xi32, #tpu.memory_space<hbm>>
        %dma_start3A_81 = tpu.memref_squeeze %dma_start3A_80 : memref<1x1x1x80xi32, #tpu.memory_space<hbm>> -> memref<1x80xi32, #tpu.memory_space<hbm>>
        tpu.enqueue_dma source(%dma_start3A_81 : memref<1x80xi32, #tpu.memory_space<hbm>>) target(%dma_start3A_77 : memref<1x80xi32, #tpu.memory_space<vmem>>) target_semaphore(%run_scoped3A_65 : memref<!tpu.dma_semaphore, #tpu.memory_space<semaphore_mem>>)
        %dma_wait3A_82 = arith.constant 0 : i32
        %dma_wait3A_83 = arith.constant 0 : i32
        %dma_wait3A_84 = tpu.memref_slice %arg6[%run_scoped3A_8, %dma_wait3A_82, %dma_wait3A_83] : memref<2x1x80xi32, #tpu.memory_space<vmem>> -> memref<1x1x80xi32, #tpu.memory_space<vmem>>
        %dma_wait3A_85 = tpu.memref_squeeze %dma_wait3A_84 : memref<1x1x80xi32, #tpu.memory_space<vmem>> -> memref<1x80xi32, #tpu.memory_space<vmem>>
        %dma_wait3A_86 = arith.constant 0 : i32
        %dma_wait3A_87 = arith.constant 0 : i32
        %dma_wait3A_88 = tpu.memref_slice %arg3[%arg1, %run_scoped3A, %dma_wait3A_86, %dma_wait3A_87] : memref<16x250x1x80xi32, #tpu.memory_space<hbm>> -> memref<1x1x1x80xi32, #tpu.memory_space<hbm>>
        %dma_wait3A_89 = tpu.memref_squeeze %dma_wait3A_88 : memref<1x1x1x80xi32, #tpu.memory_space<hbm>> -> memref<1x80xi32, #tpu.memory_space<hbm>>
        %dma_wait3A_90 = arith.constant 0 : i32
        %dma_wait3A_91 = arith.constant 0 : i32
        %dma_wait3A_92 = tpu.memref_slice %arg6[%run_scoped3A_8, %dma_wait3A_90, %dma_wait3A_91] : memref<2x1x80xi32, #tpu.memory_space<vmem>> -> memref<1x1x80xi32, #tpu.memory_space<vmem>>
        %dma_wait3A_93 = tpu.memref_squeeze %dma_wait3A_92 : memref<1x1x80xi32, #tpu.memory_space<vmem>> -> memref<1x80xi32, #tpu.memory_space<vmem>>
        %dma_wait3A_94 = arith.constant 0 : i32
        %dma_wait3A_95 = arith.constant 0 : i32
        %dma_wait3A_96 = tpu.memref_slice %arg3[%arg1, %run_scoped3A, %dma_wait3A_94, %dma_wait3A_95] : memref<16x250x1x80xi32, #tpu.memory_space<hbm>> -> memref<1x1x1x80xi32, #tpu.memory_space<hbm>>
        %dma_wait3A_97 = tpu.memref_squeeze %dma_wait3A_96 : memref<1x1x1x80xi32, #tpu.memory_space<hbm>> -> memref<1x80xi32, #tpu.memory_space<hbm>>
        tpu.wait_dma2 semaphore(%run_scoped3A_65 : memref<!tpu.dma_semaphore, #tpu.memory_space<semaphore_mem>>) src(%dma_wait3A_97 : memref<1x80xi32, #tpu.memory_space<hbm>>) dst(%dma_wait3A_93 : memref<1x80xi32, #tpu.memory_space<vmem>>)
        tpu.yield
      }) : () -> ()
      %dma_start3A = arith.constant 0 : i32
      %dma_start3A_9 = arith.constant 0 : i32
      %dma_start3A_10 = arith.constant 0 : i32
      %dma_start3A_11 = tpu.memref_slice %arg6[%dma_start3A, %dma_start3A_9, %dma_start3A_10] : memref<2x1x80xi32, #tpu.memory_space<vmem>> -> memref<1x1x80xi32, #tpu.memory_space<vmem>>
      %dma_start3A_12 = tpu.memref_squeeze %dma_start3A_11 : memref<1x1x80xi32, #tpu.memory_space<vmem>> -> memref<80xi32, #tpu.memory_space<vmem>>
      %dma_start3A_13 = arith.constant 0 : i32
      %dma_start3A_14 = arith.constant 0 : i32
      %dma_start3A_15 = tpu.memref_slice %arg2[%dma_start3A_13, %dma_start3A_14] : memref<10000x128xf32, #tpu.memory_space<hbm>> -> memref<10000x128xf32, #tpu.memory_space<hbm>>
      tpu.enqueue_indirect_dma source(%dma_start3A_15 : memref<10000x128xf32, #tpu.memory_space<hbm>>) target(%arg7 : memref<80x128xf32, #tpu.memory_space<vmem>>) offsets(%dma_start3A_12 : memref<80xi32, #tpu.memory_space<vmem>>) semaphore(%arg11 : memref<!tpu.dma_semaphore, #tpu.memory_space<semaphore_mem>>)
      %dma_start3A_16 = arith.constant 1 : i32
      %dma_start3A_17 = arith.constant 1 : i32
      %dma_start3A_18 = arith.constant 0 : i32
      %dma_start3A_19 = arith.constant 0 : i32
      %dma_start3A_20 = tpu.memref_slice %arg6[%dma_start3A_17, %dma_start3A_18, %dma_start3A_19] : memref<2x1x80xi32, #tpu.memory_space<vmem>> -> memref<1x1x80xi32, #tpu.memory_space<vmem>>
      %dma_start3A_21 = tpu.memref_squeeze %dma_start3A_20 : memref<1x1x80xi32, #tpu.memory_space<vmem>> -> memref<1x80xi32, #tpu.memory_space<vmem>>
      %dma_start3A_22 = arith.constant 0 : i32
      %dma_start3A_23 = arith.constant 0 : i32
      %dma_start3A_24 = tpu.memref_slice %arg3[%arg1, %dma_start3A_16, %dma_start3A_22, %dma_start3A_23] : memref<16x250x1x80xi32, #tpu.memory_space<hbm>> -> memref<1x1x1x80xi32, #tpu.memory_space<hbm>>
      %dma_start3A_25 = tpu.memref_squeeze %dma_start3A_24 : memref<1x1x1x80xi32, #tpu.memory_space<hbm>> -> memref<1x80xi32, #tpu.memory_space<hbm>>
      %dma_start3A_26 = arith.constant 0 : i32
      %dma_start3A_27 = arith.constant 0 : i32
      %dma_start3A_28 = tpu.memref_slice %arg6[%dma_start3A_17, %dma_start3A_26, %dma_start3A_27] : memref<2x1x80xi32, #tpu.memory_space<vmem>> -> memref<1x1x80xi32, #tpu.memory_space<vmem>>
      %dma_start3A_29 = tpu.memref_squeeze %dma_start3A_28 : memref<1x1x80xi32, #tpu.memory_space<vmem>> -> memref<1x80xi32, #tpu.memory_space<vmem>>
      %dma_start3A_30 = arith.constant 0 : i32
      %dma_start3A_31 = arith.constant 0 : i32
      %dma_start3A_32 = tpu.memref_slice %arg3[%arg1, %dma_start3A_16, %dma_start3A_30, %dma_start3A_31] : memref<16x250x1x80xi32, #tpu.memory_space<hbm>> -> memref<1x1x1x80xi32, #tpu.memory_space<hbm>>
      %dma_start3A_33 = tpu.memref_squeeze %dma_start3A_32 : memref<1x1x1x80xi32, #tpu.memory_space<hbm>> -> memref<1x80xi32, #tpu.memory_space<hbm>>
      tpu.enqueue_dma source(%dma_start3A_33 : memref<1x80xi32, #tpu.memory_space<hbm>>) target(%dma_start3A_29 : memref<1x80xi32, #tpu.memory_space<vmem>>) target_semaphore(%arg10 : memref<!tpu.dma_semaphore, #tpu.memory_space<semaphore_mem>>)
      %scan3A = arith.constant 0 : i32
      %scan3A_34 = arith.constant 0 : i32
      %scan3A_35 = arith.constant 125 : i32
      %scan3A_36 = arith.addi %scan3A_34, %scan3A_35 : i32
      %scan3A_37 = arith.constant 1 : i32
      scf.for %scan3A_65 = %scan3A_34 to %scan3A_36 step %scan3A_37  : i32 {
        %mul3A_66 = arith.constant 2 : i32
        %mul3A_67 = arith.muli %mul3A_66, %scan3A_65 : i32
        %add3A_68 = arith.constant 0 : i32
        %add3A_69 = arith.addi %mul3A_67, %add3A_68 : i32
        %mul3A_70 = arith.constant 80 : i32
        %mul3A_71 = arith.muli %add3A_69, %mul3A_70 : i32
        %add3A_72 = arith.addi %mul3A_0, %mul3A_71 : i32
        %multiple_of3A_73 = tpu.assume_multiple %add3A_72, 8 : i32
        %sub3A = arith.constant 1 : i32
        %sub3A_74 = arith.subi %add3A_69, %sub3A : i32
        %mul3A_75 = arith.constant 80 : i32
        %mul3A_76 = arith.muli %sub3A_74, %mul3A_75 : i32
        %add3A_77 = arith.addi %mul3A_0, %mul3A_76 : i32
        %multiple_of3A_78 = tpu.assume_multiple %add3A_77, 8 : i32
        %ge3A = arith.constant 1 : i32
        %ge3A_79 = arith.cmpi sge, %add3A_69, %ge3A : i32
        %convert_element_type3A_80 = arith.extui %ge3A_79 : i1 to i32
        %cond3A_81 = arith.constant 0 : i32
        %cond3A_82 = arith.cmpi ne, %convert_element_type3A_80, %cond3A_81 : i32
        scf.if %cond3A_82 {
          %dma_wait3A_160 = arith.constant 0 : i32
          %dma_wait3A_161 = arith.constant 0 : i32
          %dma_wait3A_162 = arith.constant 0 : i32
          %dma_wait3A_163 = arith.constant 0 : i32
          %dma_wait3A_164 = tpu.memref_slice %arg6[%dma_wait3A_161, %dma_wait3A_162, %dma_wait3A_163] : memref<2x1x80xi32, #tpu.memory_space<vmem>> -> memref<1x1x80xi32, #tpu.memory_space<vmem>>
          %dma_wait3A_165 = tpu.memref_squeeze %dma_wait3A_164 : memref<1x1x80xi32, #tpu.memory_space<vmem>> -> memref<1x80xi32, #tpu.memory_space<vmem>>
          %dma_wait3A_166 = arith.constant 0 : i32
          %dma_wait3A_167 = arith.constant 0 : i32
          %dma_wait3A_168 = tpu.memref_slice %arg3[%arg1, %dma_wait3A_160, %dma_wait3A_166, %dma_wait3A_167] : memref<16x250x1x80xi32, #tpu.memory_space<hbm>> -> memref<1x1x1x80xi32, #tpu.memory_space<hbm>>
          %dma_wait3A_169 = tpu.memref_squeeze %dma_wait3A_168 : memref<1x1x1x80xi32, #tpu.memory_space<hbm>> -> memref<1x80xi32, #tpu.memory_space<hbm>>
          %dma_wait3A_170 = arith.constant 0 : i32
          %dma_wait3A_171 = arith.constant 0 : i32
          %dma_wait3A_172 = tpu.memref_slice %arg6[%dma_wait3A_161, %dma_wait3A_170, %dma_wait3A_171] : memref<2x1x80xi32, #tpu.memory_space<vmem>> -> memref<1x1x80xi32, #tpu.memory_space<vmem>>
          %dma_wait3A_173 = tpu.memref_squeeze %dma_wait3A_172 : memref<1x1x80xi32, #tpu.memory_space<vmem>> -> memref<1x80xi32, #tpu.memory_space<vmem>>
          %dma_wait3A_174 = arith.constant 0 : i32
          %dma_wait3A_175 = arith.constant 0 : i32
          %dma_wait3A_176 = tpu.memref_slice %arg3[%arg1, %dma_wait3A_160, %dma_wait3A_174, %dma_wait3A_175] : memref<16x250x1x80xi32, #tpu.memory_space<hbm>> -> memref<1x1x1x80xi32, #tpu.memory_space<hbm>>
          %dma_wait3A_177 = tpu.memref_squeeze %dma_wait3A_176 : memref<1x1x1x80xi32, #tpu.memory_space<hbm>> -> memref<1x80xi32, #tpu.memory_space<hbm>>
          tpu.wait_dma2 semaphore(%arg9 : memref<!tpu.dma_semaphore, #tpu.memory_space<semaphore_mem>>) src(%dma_wait3A_177 : memref<1x80xi32, #tpu.memory_space<hbm>>) dst(%dma_wait3A_173 : memref<1x80xi32, #tpu.memory_space<vmem>>)
        } else {
        }
        %ge3A_83 = arith.constant 1 : i32
        %ge3A_84 = arith.cmpi sge, %add3A_69, %ge3A_83 : i32
        %convert_element_type3A_85 = arith.extui %ge3A_84 : i1 to i32
        %cond3A_86 = arith.constant 0 : i32
        %cond3A_87 = arith.cmpi ne, %convert_element_type3A_85, %cond3A_86 : i32
        scf.if %cond3A_87 {
          %dma_wait3A_160 = arith.constant 1 : i32
          %dma_wait3A_161 = arith.constant 0 : i32
          %dma_wait3A_162 = arith.constant 0 : i32
          %dma_wait3A_163 = tpu.memref_slice %arg6[%dma_wait3A_160, %dma_wait3A_161, %dma_wait3A_162] : memref<2x1x80xi32, #tpu.memory_space<vmem>> -> memref<1x1x80xi32, #tpu.memory_space<vmem>>
          %dma_wait3A_164 = tpu.memref_squeeze %dma_wait3A_163 : memref<1x1x80xi32, #tpu.memory_space<vmem>> -> memref<80xi32, #tpu.memory_space<vmem>>
          %dma_wait3A_165 = arith.constant 0 : i32
          %dma_wait3A_166 = arith.constant 0 : i32
          %dma_wait3A_167 = tpu.memref_slice %arg2[%dma_wait3A_165, %dma_wait3A_166] : memref<10000x128xf32, #tpu.memory_space<hbm>> -> memref<10000x128xf32, #tpu.memory_space<hbm>>
          tpu.wait_indirect_dma semaphore(%arg12 : memref<!tpu.dma_semaphore, #tpu.memory_space<semaphore_mem>>) src(%dma_wait3A_167 : memref<10000x128xf32, #tpu.memory_space<hbm>>) dst(%arg8 : memref<80x128xf32, #tpu.memory_space<vmem>>)
        } else {
        }
        %ge3A_88 = arith.constant 1 : i32
        %ge3A_89 = arith.cmpi sge, %add3A_69, %ge3A_88 : i32
        %convert_element_type3A_90 = arith.extui %ge3A_89 : i1 to i32
        %cond3A_91 = arith.constant 0 : i32
        %cond3A_92 = arith.cmpi ne, %convert_element_type3A_90, %cond3A_91 : i32
        scf.if %cond3A_92 {
          %dma_start3A_160 = arith.constant 0 : i32
          %dma_start3A_161 = tpu.memref_slice %arg5[%arg0, %multiple_of3A_78, %dma_start3A_160] : memref<2x320000x128xf32, #tpu.memory_space<hbm>> -> memref<1x80x128xf32, #tpu.memory_space<hbm>>
          %dma_start3A_162 = tpu.memref_squeeze %dma_start3A_161 : memref<1x80x128xf32, #tpu.memory_space<hbm>> -> memref<80x128xf32, #tpu.memory_space<hbm>>
          %dma_start3A_163 = arith.constant 0 : i32
          %dma_start3A_164 = tpu.memref_slice %arg5[%arg0, %multiple_of3A_78, %dma_start3A_163] : memref<2x320000x128xf32, #tpu.memory_space<hbm>> -> memref<1x80x128xf32, #tpu.memory_space<hbm>>
          %dma_start3A_165 = tpu.memref_squeeze %dma_start3A_164 : memref<1x80x128xf32, #tpu.memory_space<hbm>> -> memref<80x128xf32, #tpu.memory_space<hbm>>
          tpu.enqueue_dma source(%arg8 : memref<80x128xf32, #tpu.memory_space<vmem>>) target(%dma_start3A_165 : memref<80x128xf32, #tpu.memory_space<hbm>>) target_semaphore(%arg14 : memref<!tpu.dma_semaphore, #tpu.memory_space<semaphore_mem>>)
        } else {
        }
        %ge3A_93 = arith.constant 2 : i32
        %ge3A_94 = arith.cmpi sge, %add3A_69, %ge3A_93 : i32
        %convert_element_type3A_95 = arith.extui %ge3A_94 : i1 to i32
        %cond3A_96 = arith.constant 0 : i32
        %cond3A_97 = arith.cmpi ne, %convert_element_type3A_95, %cond3A_96 : i32
        scf.if %cond3A_97 {
          %dma_wait3A_160 = arith.constant 0 : i32
          %dma_wait3A_161 = tpu.memref_slice %arg5[%arg0, %mul3A_0, %dma_wait3A_160] : memref<2x320000x128xf32, #tpu.memory_space<hbm>> -> memref<1x80x128xf32, #tpu.memory_space<hbm>>
          %dma_wait3A_162 = tpu.memref_squeeze %dma_wait3A_161 : memref<1x80x128xf32, #tpu.memory_space<hbm>> -> memref<80x128xf32, #tpu.memory_space<hbm>>
          %dma_wait3A_163 = arith.constant 0 : i32
          %dma_wait3A_164 = tpu.memref_slice %arg5[%arg0, %mul3A_0, %dma_wait3A_163] : memref<2x320000x128xf32, #tpu.memory_space<hbm>> -> memref<1x80x128xf32, #tpu.memory_space<hbm>>
          %dma_wait3A_165 = tpu.memref_squeeze %dma_wait3A_164 : memref<1x80x128xf32, #tpu.memory_space<hbm>> -> memref<80x128xf32, #tpu.memory_space<hbm>>
          tpu.wait_dma2 semaphore(%arg13 : memref<!tpu.dma_semaphore, #tpu.memory_space<semaphore_mem>>) src(%arg7 : memref<80x128xf32, #tpu.memory_space<vmem>>) dst(%dma_wait3A_165 : memref<80x128xf32, #tpu.memory_space<hbm>>)
        } else {
        }
        %ge3A_98 = arith.constant 1 : i32
        %ge3A_99 = arith.cmpi sge, %add3A_69, %ge3A_98 : i32
        %convert_element_type3A_100 = arith.extui %ge3A_99 : i1 to i32
        %cond3A_101 = arith.constant 0 : i32
        %cond3A_102 = arith.cmpi ne, %convert_element_type3A_100, %cond3A_101 : i32
        scf.if %cond3A_102 {
          %dma_start3A_160 = arith.constant 0 : i32
          %dma_start3A_161 = arith.constant 0 : i32
          %dma_start3A_162 = arith.constant 0 : i32
          %dma_start3A_163 = tpu.memref_slice %arg6[%dma_start3A_160, %dma_start3A_161, %dma_start3A_162] : memref<2x1x80xi32, #tpu.memory_space<vmem>> -> memref<1x1x80xi32, #tpu.memory_space<vmem>>
          %dma_start3A_164 = tpu.memref_squeeze %dma_start3A_163 : memref<1x1x80xi32, #tpu.memory_space<vmem>> -> memref<80xi32, #tpu.memory_space<vmem>>
          %dma_start3A_165 = arith.constant 0 : i32
          %dma_start3A_166 = arith.constant 0 : i32
          %dma_start3A_167 = tpu.memref_slice %arg2[%dma_start3A_165, %dma_start3A_166] : memref<10000x128xf32, #tpu.memory_space<hbm>> -> memref<10000x128xf32, #tpu.memory_space<hbm>>
          tpu.enqueue_indirect_dma source(%dma_start3A_167 : memref<10000x128xf32, #tpu.memory_space<hbm>>) target(%arg7 : memref<80x128xf32, #tpu.memory_space<vmem>>) offsets(%dma_start3A_164 : memref<80xi32, #tpu.memory_space<vmem>>) semaphore(%arg11 : memref<!tpu.dma_semaphore, #tpu.memory_space<semaphore_mem>>)
        } else {
        }
        %ge3A_103 = arith.constant 1 : i32
        %ge3A_104 = arith.cmpi sge, %add3A_69, %ge3A_103 : i32
        %add3A_105 = arith.constant 1 : i32
        %add3A_106 = arith.addi %add3A_69, %add3A_105 : i32
        %lt3A = arith.constant 250 : i32
        %lt3A_107 = arith.cmpi slt, %add3A_106, %lt3A : i32
        %and3A = arith.andi %ge3A_104, %lt3A_107 : i1
        %convert_element_type3A_108 = arith.extui %and3A : i1 to i32
        %cond3A_109 = arith.constant 0 : i32
        %cond3A_110 = arith.cmpi ne, %convert_element_type3A_108, %cond3A_109 : i32
        scf.if %cond3A_110 {
          %add3A_160 = arith.constant 1 : i32
          %add3A_161 = arith.addi %add3A_69, %add3A_160 : i32
          %dma_start3A_162 = arith.constant 1 : i32
          %dma_start3A_163 = arith.constant 0 : i32
          %dma_start3A_164 = arith.constant 0 : i32
          %dma_start3A_165 = tpu.memref_slice %arg6[%dma_start3A_162, %dma_start3A_163, %dma_start3A_164] : memref<2x1x80xi32, #tpu.memory_space<vmem>> -> memref<1x1x80xi32, #tpu.memory_space<vmem>>
          %dma_start3A_166 = tpu.memref_squeeze %dma_start3A_165 : memref<1x1x80xi32, #tpu.memory_space<vmem>> -> memref<1x80xi32, #tpu.memory_space<vmem>>
          %dma_start3A_167 = arith.constant 0 : i32
          %dma_start3A_168 = arith.constant 0 : i32
          %dma_start3A_169 = tpu.memref_slice %arg3[%arg1, %add3A_161, %dma_start3A_167, %dma_start3A_168] : memref<16x250x1x80xi32, #tpu.memory_space<hbm>> -> memref<1x1x1x80xi32, #tpu.memory_space<hbm>>
          %dma_start3A_170 = tpu.memref_squeeze %dma_start3A_169 : memref<1x1x1x80xi32, #tpu.memory_space<hbm>> -> memref<1x80xi32, #tpu.memory_space<hbm>>
          %dma_start3A_171 = arith.constant 0 : i32
          %dma_start3A_172 = arith.constant 0 : i32
          %dma_start3A_173 = tpu.memref_slice %arg6[%dma_start3A_162, %dma_start3A_171, %dma_start3A_172] : memref<2x1x80xi32, #tpu.memory_space<vmem>> -> memref<1x1x80xi32, #tpu.memory_space<vmem>>
          %dma_start3A_174 = tpu.memref_squeeze %dma_start3A_173 : memref<1x1x80xi32, #tpu.memory_space<vmem>> -> memref<1x80xi32, #tpu.memory_space<vmem>>
          %dma_start3A_175 = arith.constant 0 : i32
          %dma_start3A_176 = arith.constant 0 : i32
          %dma_start3A_177 = tpu.memref_slice %arg3[%arg1, %add3A_161, %dma_start3A_175, %dma_start3A_176] : memref<16x250x1x80xi32, #tpu.memory_space<hbm>> -> memref<1x1x1x80xi32, #tpu.memory_space<hbm>>
          %dma_start3A_178 = tpu.memref_squeeze %dma_start3A_177 : memref<1x1x1x80xi32, #tpu.memory_space<hbm>> -> memref<1x80xi32, #tpu.memory_space<hbm>>
          tpu.enqueue_dma source(%dma_start3A_178 : memref<1x80xi32, #tpu.memory_space<hbm>>) target(%dma_start3A_174 : memref<1x80xi32, #tpu.memory_space<vmem>>) target_semaphore(%arg10 : memref<!tpu.dma_semaphore, #tpu.memory_space<semaphore_mem>>)
        } else {
        }
        %mul3A_111 = arith.constant 2 : i32
        %mul3A_112 = arith.muli %mul3A_111, %scan3A_65 : i32
        %add3A_113 = arith.constant 1 : i32
        %add3A_114 = arith.addi %mul3A_112, %add3A_113 : i32
        %mul3A_115 = arith.constant 80 : i32
        %mul3A_116 = arith.muli %add3A_114, %mul3A_115 : i32
        %add3A_117 = arith.addi %mul3A_0, %mul3A_116 : i32
        %multiple_of3A_118 = tpu.assume_multiple %add3A_117, 8 : i32
        %sub3A_119 = arith.constant 1 : i32
        %sub3A_120 = arith.subi %add3A_114, %sub3A_119 : i32
        %mul3A_121 = arith.constant 80 : i32
        %mul3A_122 = arith.muli %sub3A_120, %mul3A_121 : i32
        %add3A_123 = arith.addi %mul3A_0, %mul3A_122 : i32
        %multiple_of3A_124 = tpu.assume_multiple %add3A_123, 8 : i32
        %ge3A_125 = arith.constant 1 : i32
        %ge3A_126 = arith.cmpi sge, %add3A_114, %ge3A_125 : i32
        %convert_element_type3A_127 = arith.extui %ge3A_126 : i1 to i32
        %cond3A_128 = arith.constant 0 : i32
        %cond3A_129 = arith.cmpi ne, %convert_element_type3A_127, %cond3A_128 : i32
        scf.if %cond3A_129 {
          %dma_wait3A_160 = arith.constant 0 : i32
          %dma_wait3A_161 = arith.constant 1 : i32
          %dma_wait3A_162 = arith.constant 0 : i32
          %dma_wait3A_163 = arith.constant 0 : i32
          %dma_wait3A_164 = tpu.memref_slice %arg6[%dma_wait3A_161, %dma_wait3A_162, %dma_wait3A_163] : memref<2x1x80xi32, #tpu.memory_space<vmem>> -> memref<1x1x80xi32, #tpu.memory_space<vmem>>
          %dma_wait3A_165 = tpu.memref_squeeze %dma_wait3A_164 : memref<1x1x80xi32, #tpu.memory_space<vmem>> -> memref<1x80xi32, #tpu.memory_space<vmem>>
          %dma_wait3A_166 = arith.constant 0 : i32
          %dma_wait3A_167 = arith.constant 0 : i32
          %dma_wait3A_168 = tpu.memref_slice %arg3[%arg1, %dma_wait3A_160, %dma_wait3A_166, %dma_wait3A_167] : memref<16x250x1x80xi32, #tpu.memory_space<hbm>> -> memref<1x1x1x80xi32, #tpu.memory_space<hbm>>
          %dma_wait3A_169 = tpu.memref_squeeze %dma_wait3A_168 : memref<1x1x1x80xi32, #tpu.memory_space<hbm>> -> memref<1x80xi32, #tpu.memory_space<hbm>>
          %dma_wait3A_170 = arith.constant 0 : i32
          %dma_wait3A_171 = arith.constant 0 : i32
          %dma_wait3A_172 = tpu.memref_slice %arg6[%dma_wait3A_161, %dma_wait3A_170, %dma_wait3A_171] : memref<2x1x80xi32, #tpu.memory_space<vmem>> -> memref<1x1x80xi32, #tpu.memory_space<vmem>>
          %dma_wait3A_173 = tpu.memref_squeeze %dma_wait3A_172 : memref<1x1x80xi32, #tpu.memory_space<vmem>> -> memref<1x80xi32, #tpu.memory_space<vmem>>
          %dma_wait3A_174 = arith.constant 0 : i32
          %dma_wait3A_175 = arith.constant 0 : i32
          %dma_wait3A_176 = tpu.memref_slice %arg3[%arg1, %dma_wait3A_160, %dma_wait3A_174, %dma_wait3A_175] : memref<16x250x1x80xi32, #tpu.memory_space<hbm>> -> memref<1x1x1x80xi32, #tpu.memory_space<hbm>>
          %dma_wait3A_177 = tpu.memref_squeeze %dma_wait3A_176 : memref<1x1x1x80xi32, #tpu.memory_space<hbm>> -> memref<1x80xi32, #tpu.memory_space<hbm>>
          tpu.wait_dma2 semaphore(%arg10 : memref<!tpu.dma_semaphore, #tpu.memory_space<semaphore_mem>>) src(%dma_wait3A_177 : memref<1x80xi32, #tpu.memory_space<hbm>>) dst(%dma_wait3A_173 : memref<1x80xi32, #tpu.memory_space<vmem>>)
        } else {
        }
        %ge3A_130 = arith.constant 1 : i32
        %ge3A_131 = arith.cmpi sge, %add3A_114, %ge3A_130 : i32
        %convert_element_type3A_132 = arith.extui %ge3A_131 : i1 to i32
        %cond3A_133 = arith.constant 0 : i32
        %cond3A_134 = arith.cmpi ne, %convert_element_type3A_132, %cond3A_133 : i32
        scf.if %cond3A_134 {
          %dma_wait3A_160 = arith.constant 0 : i32
          %dma_wait3A_161 = arith.constant 0 : i32
          %dma_wait3A_162 = arith.constant 0 : i32
          %dma_wait3A_163 = tpu.memref_slice %arg6[%dma_wait3A_160, %dma_wait3A_161, %dma_wait3A_162] : memref<2x1x80xi32, #tpu.memory_space<vmem>> -> memref<1x1x80xi32, #tpu.memory_space<vmem>>
          %dma_wait3A_164 = tpu.memref_squeeze %dma_wait3A_163 : memref<1x1x80xi32, #tpu.memory_space<vmem>> -> memref<80xi32, #tpu.memory_space<vmem>>
          %dma_wait3A_165 = arith.constant 0 : i32
          %dma_wait3A_166 = arith.constant 0 : i32
          %dma_wait3A_167 = tpu.memref_slice %arg2[%dma_wait3A_165, %dma_wait3A_166] : memref<10000x128xf32, #tpu.memory_space<hbm>> -> memref<10000x128xf32, #tpu.memory_space<hbm>>
          tpu.wait_indirect_dma semaphore(%arg11 : memref<!tpu.dma_semaphore, #tpu.memory_space<semaphore_mem>>) src(%dma_wait3A_167 : memref<10000x128xf32, #tpu.memory_space<hbm>>) dst(%arg7 : memref<80x128xf32, #tpu.memory_space<vmem>>)
        } else {
        }
        %ge3A_135 = arith.constant 1 : i32
        %ge3A_136 = arith.cmpi sge, %add3A_114, %ge3A_135 : i32
        %convert_element_type3A_137 = arith.extui %ge3A_136 : i1 to i32
        %cond3A_138 = arith.constant 0 : i32
        %cond3A_139 = arith.cmpi ne, %convert_element_type3A_137, %cond3A_138 : i32
        scf.if %cond3A_139 {
          %dma_start3A_160 = arith.constant 0 : i32
          %dma_start3A_161 = tpu.memref_slice %arg5[%arg0, %multiple_of3A_124, %dma_start3A_160] : memref<2x320000x128xf32, #tpu.memory_space<hbm>> -> memref<1x80x128xf32, #tpu.memory_space<hbm>>
          %dma_start3A_162 = tpu.memref_squeeze %dma_start3A_161 : memref<1x80x128xf32, #tpu.memory_space<hbm>> -> memref<80x128xf32, #tpu.memory_space<hbm>>
          %dma_start3A_163 = arith.constant 0 : i32
          %dma_start3A_164 = tpu.memref_slice %arg5[%arg0, %multiple_of3A_124, %dma_start3A_163] : memref<2x320000x128xf32, #tpu.memory_space<hbm>> -> memref<1x80x128xf32, #tpu.memory_space<hbm>>
          %dma_start3A_165 = tpu.memref_squeeze %dma_start3A_164 : memref<1x80x128xf32, #tpu.memory_space<hbm>> -> memref<80x128xf32, #tpu.memory_space<hbm>>
          tpu.enqueue_dma source(%arg7 : memref<80x128xf32, #tpu.memory_space<vmem>>) target(%dma_start3A_165 : memref<80x128xf32, #tpu.memory_space<hbm>>) target_semaphore(%arg13 : memref<!tpu.dma_semaphore, #tpu.memory_space<semaphore_mem>>)
        } else {
        }
        %ge3A_140 = arith.constant 2 : i32
        %ge3A_141 = arith.cmpi sge, %add3A_114, %ge3A_140 : i32
        %convert_element_type3A_142 = arith.extui %ge3A_141 : i1 to i32
        %cond3A_143 = arith.constant 0 : i32
        %cond3A_144 = arith.cmpi ne, %convert_element_type3A_142, %cond3A_143 : i32
        scf.if %cond3A_144 {
          %dma_wait3A_160 = arith.constant 0 : i32
          %dma_wait3A_161 = tpu.memref_slice %arg5[%arg0, %mul3A_0, %dma_wait3A_160] : memref<2x320000x128xf32, #tpu.memory_space<hbm>> -> memref<1x80x128xf32, #tpu.memory_space<hbm>>
          %dma_wait3A_162 = tpu.memref_squeeze %dma_wait3A_161 : memref<1x80x128xf32, #tpu.memory_space<hbm>> -> memref<80x128xf32, #tpu.memory_space<hbm>>
          %dma_wait3A_163 = arith.constant 0 : i32
          %dma_wait3A_164 = tpu.memref_slice %arg5[%arg0, %mul3A_0, %dma_wait3A_163] : memref<2x320000x128xf32, #tpu.memory_space<hbm>> -> memref<1x80x128xf32, #tpu.memory_space<hbm>>
          %dma_wait3A_165 = tpu.memref_squeeze %dma_wait3A_164 : memref<1x80x128xf32, #tpu.memory_space<hbm>> -> memref<80x128xf32, #tpu.memory_space<hbm>>
          tpu.wait_dma2 semaphore(%arg14 : memref<!tpu.dma_semaphore, #tpu.memory_space<semaphore_mem>>) src(%arg8 : memref<80x128xf32, #tpu.memory_space<vmem>>) dst(%dma_wait3A_165 : memref<80x128xf32, #tpu.memory_space<hbm>>)
        } else {
        }
        %ge3A_145 = arith.constant 1 : i32
        %ge3A_146 = arith.cmpi sge, %add3A_114, %ge3A_145 : i32
        %convert_element_type3A_147 = arith.extui %ge3A_146 : i1 to i32
        %cond3A_148 = arith.constant 0 : i32
        %cond3A_149 = arith.cmpi ne, %convert_element_type3A_147, %cond3A_148 : i32
        scf.if %cond3A_149 {
          %dma_start3A_160 = arith.constant 1 : i32
          %dma_start3A_161 = arith.constant 0 : i32
          %dma_start3A_162 = arith.constant 0 : i32
          %dma_start3A_163 = tpu.memref_slice %arg6[%dma_start3A_160, %dma_start3A_161, %dma_start3A_162] : memref<2x1x80xi32, #tpu.memory_space<vmem>> -> memref<1x1x80xi32, #tpu.memory_space<vmem>>
          %dma_start3A_164 = tpu.memref_squeeze %dma_start3A_163 : memref<1x1x80xi32, #tpu.memory_space<vmem>> -> memref<80xi32, #tpu.memory_space<vmem>>
          %dma_start3A_165 = arith.constant 0 : i32
          %dma_start3A_166 = arith.constant 0 : i32
          %dma_start3A_167 = tpu.memref_slice %arg2[%dma_start3A_165, %dma_start3A_166] : memref<10000x128xf32, #tpu.memory_space<hbm>> -> memref<10000x128xf32, #tpu.memory_space<hbm>>
          tpu.enqueue_indirect_dma source(%dma_start3A_167 : memref<10000x128xf32, #tpu.memory_space<hbm>>) target(%arg8 : memref<80x128xf32, #tpu.memory_space<vmem>>) offsets(%dma_start3A_164 : memref<80xi32, #tpu.memory_space<vmem>>) semaphore(%arg12 : memref<!tpu.dma_semaphore, #tpu.memory_space<semaphore_mem>>)
        } else {
        }
        %ge3A_150 = arith.constant 1 : i32
        %ge3A_151 = arith.cmpi sge, %add3A_114, %ge3A_150 : i32
        %add3A_152 = arith.constant 1 : i32
        %add3A_153 = arith.addi %add3A_114, %add3A_152 : i32
        %lt3A_154 = arith.constant 250 : i32
        %lt3A_155 = arith.cmpi slt, %add3A_153, %lt3A_154 : i32
        %and3A_156 = arith.andi %ge3A_151, %lt3A_155 : i1
        %convert_element_type3A_157 = arith.extui %and3A_156 : i1 to i32
        %cond3A_158 = arith.constant 0 : i32
        %cond3A_159 = arith.cmpi ne, %convert_element_type3A_157, %cond3A_158 : i32
        scf.if %cond3A_159 {
          %add3A_160 = arith.constant 1 : i32
          %add3A_161 = arith.addi %add3A_114, %add3A_160 : i32
          %dma_start3A_162 = arith.constant 0 : i32
          %dma_start3A_163 = arith.constant 0 : i32
          %dma_start3A_164 = arith.constant 0 : i32
          %dma_start3A_165 = tpu.memref_slice %arg6[%dma_start3A_162, %dma_start3A_163, %dma_start3A_164] : memref<2x1x80xi32, #tpu.memory_space<vmem>> -> memref<1x1x80xi32, #tpu.memory_space<vmem>>
          %dma_start3A_166 = tpu.memref_squeeze %dma_start3A_165 : memref<1x1x80xi32, #tpu.memory_space<vmem>> -> memref<1x80xi32, #tpu.memory_space<vmem>>
          %dma_start3A_167 = arith.constant 0 : i32
          %dma_start3A_168 = arith.constant 0 : i32
          %dma_start3A_169 = tpu.memref_slice %arg3[%arg1, %add3A_161, %dma_start3A_167, %dma_start3A_168] : memref<16x250x1x80xi32, #tpu.memory_space<hbm>> -> memref<1x1x1x80xi32, #tpu.memory_space<hbm>>
          %dma_start3A_170 = tpu.memref_squeeze %dma_start3A_169 : memref<1x1x1x80xi32, #tpu.memory_space<hbm>> -> memref<1x80xi32, #tpu.memory_space<hbm>>
          %dma_start3A_171 = arith.constant 0 : i32
          %dma_start3A_172 = arith.constant 0 : i32
          %dma_start3A_173 = tpu.memref_slice %arg6[%dma_start3A_162, %dma_start3A_171, %dma_start3A_172] : memref<2x1x80xi32, #tpu.memory_space<vmem>> -> memref<1x1x80xi32, #tpu.memory_space<vmem>>
          %dma_start3A_174 = tpu.memref_squeeze %dma_start3A_173 : memref<1x1x80xi32, #tpu.memory_space<vmem>> -> memref<1x80xi32, #tpu.memory_space<vmem>>
          %dma_start3A_175 = arith.constant 0 : i32
          %dma_start3A_176 = arith.constant 0 : i32
          %dma_start3A_177 = tpu.memref_slice %arg3[%arg1, %add3A_161, %dma_start3A_175, %dma_start3A_176] : memref<16x250x1x80xi32, #tpu.memory_space<hbm>> -> memref<1x1x1x80xi32, #tpu.memory_space<hbm>>
          %dma_start3A_178 = tpu.memref_squeeze %dma_start3A_177 : memref<1x1x1x80xi32, #tpu.memory_space<hbm>> -> memref<1x80xi32, #tpu.memory_space<hbm>>
          tpu.enqueue_dma source(%dma_start3A_178 : memref<1x80xi32, #tpu.memory_space<hbm>>) target(%dma_start3A_174 : memref<1x80xi32, #tpu.memory_space<vmem>>) target_semaphore(%arg9 : memref<!tpu.dma_semaphore, #tpu.memory_space<semaphore_mem>>)
        } else {
        }
      }
      %scan3A_38 = arith.constant 125 : i32
      %dma_wait3A = arith.constant 1 : i32
      %dma_wait3A_39 = arith.constant 0 : i32
      %dma_wait3A_40 = arith.constant 0 : i32
      %dma_wait3A_41 = tpu.memref_slice %arg6[%dma_wait3A, %dma_wait3A_39, %dma_wait3A_40] : memref<2x1x80xi32, #tpu.memory_space<vmem>> -> memref<1x1x80xi32, #tpu.memory_space<vmem>>
      %dma_wait3A_42 = tpu.memref_squeeze %dma_wait3A_41 : memref<1x1x80xi32, #tpu.memory_space<vmem>> -> memref<80xi32, #tpu.memory_space<vmem>>
      %dma_wait3A_43 = arith.constant 0 : i32
      %dma_wait3A_44 = arith.constant 0 : i32
      %dma_wait3A_45 = tpu.memref_slice %arg2[%dma_wait3A_43, %dma_wait3A_44] : memref<10000x128xf32, #tpu.memory_space<hbm>> -> memref<10000x128xf32, #tpu.memory_space<hbm>>
      tpu.wait_indirect_dma semaphore(%arg12 : memref<!tpu.dma_semaphore, #tpu.memory_space<semaphore_mem>>) src(%dma_wait3A_45 : memref<10000x128xf32, #tpu.memory_space<hbm>>) dst(%arg8 : memref<80x128xf32, #tpu.memory_space<vmem>>)
      %add3A = arith.constant 19920 : i32
      %add3A_46 = arith.addi %mul3A_0, %add3A : i32
      %multiple_of3A = tpu.assume_multiple %add3A_46, 8 : i32
      %dma_start3A_47 = arith.constant 0 : i32
      %dma_start3A_48 = tpu.memref_slice %arg5[%arg0, %multiple_of3A, %dma_start3A_47] : memref<2x320000x128xf32, #tpu.memory_space<hbm>> -> memref<1x80x128xf32, #tpu.memory_space<hbm>>
      %dma_start3A_49 = tpu.memref_squeeze %dma_start3A_48 : memref<1x80x128xf32, #tpu.memory_space<hbm>> -> memref<80x128xf32, #tpu.memory_space<hbm>>
      %dma_start3A_50 = arith.constant 0 : i32
      %dma_start3A_51 = tpu.memref_slice %arg5[%arg0, %multiple_of3A, %dma_start3A_50] : memref<2x320000x128xf32, #tpu.memory_space<hbm>> -> memref<1x80x128xf32, #tpu.memory_space<hbm>>
      %dma_start3A_52 = tpu.memref_squeeze %dma_start3A_51 : memref<1x80x128xf32, #tpu.memory_space<hbm>> -> memref<80x128xf32, #tpu.memory_space<hbm>>
      tpu.enqueue_dma source(%arg8 : memref<80x128xf32, #tpu.memory_space<vmem>>) target(%dma_start3A_52 : memref<80x128xf32, #tpu.memory_space<hbm>>) target_semaphore(%arg14 : memref<!tpu.dma_semaphore, #tpu.memory_space<semaphore_mem>>)
      %dma_wait3A_53 = arith.constant 0 : i32
      %dma_wait3A_54 = tpu.memref_slice %arg5[%arg0, %mul3A_0, %dma_wait3A_53] : memref<2x320000x128xf32, #tpu.memory_space<hbm>> -> memref<1x80x128xf32, #tpu.memory_space<hbm>>
      %dma_wait3A_55 = tpu.memref_squeeze %dma_wait3A_54 : memref<1x80x128xf32, #tpu.memory_space<hbm>> -> memref<80x128xf32, #tpu.memory_space<hbm>>
      %dma_wait3A_56 = arith.constant 0 : i32
      %dma_wait3A_57 = tpu.memref_slice %arg5[%arg0, %mul3A_0, %dma_wait3A_56] : memref<2x320000x128xf32, #tpu.memory_space<hbm>> -> memref<1x80x128xf32, #tpu.memory_space<hbm>>
      %dma_wait3A_58 = tpu.memref_squeeze %dma_wait3A_57 : memref<1x80x128xf32, #tpu.memory_space<hbm>> -> memref<80x128xf32, #tpu.memory_space<hbm>>
      tpu.wait_dma2 semaphore(%arg13 : memref<!tpu.dma_semaphore, #tpu.memory_space<semaphore_mem>>) src(%arg7 : memref<80x128xf32, #tpu.memory_space<vmem>>) dst(%dma_wait3A_58 : memref<80x128xf32, #tpu.memory_space<hbm>>)
      %dma_wait3A_59 = arith.constant 0 : i32
      %dma_wait3A_60 = tpu.memref_slice %arg5[%arg0, %mul3A_0, %dma_wait3A_59] : memref<2x320000x128xf32, #tpu.memory_space<hbm>> -> memref<1x80x128xf32, #tpu.memory_space<hbm>>
      %dma_wait3A_61 = tpu.memref_squeeze %dma_wait3A_60 : memref<1x80x128xf32, #tpu.memory_space<hbm>> -> memref<80x128xf32, #tpu.memory_space<hbm>>
      %dma_wait3A_62 = arith.constant 0 : i32
      %dma_wait3A_63 = tpu.memref_slice %arg5[%arg0, %mul3A_0, %dma_wait3A_62] : memref<2x320000x128xf32, #tpu.memory_space<hbm>> -> memref<1x80x128xf32, #tpu.memory_space<hbm>>
      %dma_wait3A_64 = tpu.memref_squeeze %dma_wait3A_63 : memref<1x80x128xf32, #tpu.memory_space<hbm>> -> memref<80x128xf32, #tpu.memory_space<hbm>>
      tpu.wait_dma2 semaphore(%arg14 : memref<!tpu.dma_semaphore, #tpu.memory_space<semaphore_mem>>) src(%arg8 : memref<80x128xf32, #tpu.memory_space<vmem>>) dst(%dma_wait3A_64 : memref<80x128xf32, #tpu.memory_space<hbm>>)
    } else {
    }
    %eq3A_3 = arith.constant 1 : i32
    %eq3A_4 = arith.cmpi eq, %arg0, %eq3A_3 : i32
    %convert_element_type3A_5 = arith.extui %eq3A_4 : i1 to i32
    %cond3A_6 = arith.constant 0 : i32
    %cond3A_7 = arith.cmpi ne, %convert_element_type3A_5, %cond3A_6 : i32
    scf.if %cond3A_7 {
      %run_scoped3A = arith.constant 0 : i32
      %run_scoped3A_8 = arith.constant 0 : i32
      "tpu.region"() ({
        %run_scoped3A_65 = tpu.sem_alloc : memref<!tpu.dma_semaphore, #tpu.memory_space<semaphore_mem>>
        %dma_start3A_66 = arith.constant 0 : i32
        %dma_start3A_67 = arith.constant 0 : i32
        %dma_start3A_68 = tpu.memref_slice %arg6[%run_scoped3A_8, %dma_start3A_66, %dma_start3A_67] : memref<2x1x80xi32, #tpu.memory_space<vmem>> -> memref<1x1x80xi32, #tpu.memory_space<vmem>>
        %dma_start3A_69 = tpu.memref_squeeze %dma_start3A_68 : memref<1x1x80xi32, #tpu.memory_space<vmem>> -> memref<1x80xi32, #tpu.memory_space<vmem>>
        %dma_start3A_70 = arith.constant 0 : i32
        %dma_start3A_71 = arith.constant 0 : i32
        %dma_start3A_72 = tpu.memref_slice %arg4[%arg1, %run_scoped3A, %dma_start3A_70, %dma_start3A_71] : memref<16x250x1x80xi32, #tpu.memory_space<hbm>> -> memref<1x1x1x80xi32, #tpu.memory_space<hbm>>
        %dma_start3A_73 = tpu.memref_squeeze %dma_start3A_72 : memref<1x1x1x80xi32, #tpu.memory_space<hbm>> -> memref<1x80xi32, #tpu.memory_space<hbm>>
        %dma_start3A_74 = arith.constant 0 : i32
        %dma_start3A_75 = arith.constant 0 : i32
        %dma_start3A_76 = tpu.memref_slice %arg6[%run_scoped3A_8, %dma_start3A_74, %dma_start3A_75] : memref<2x1x80xi32, #tpu.memory_space<vmem>> -> memref<1x1x80xi32, #tpu.memory_space<vmem>>
        %dma_start3A_77 = tpu.memref_squeeze %dma_start3A_76 : memref<1x1x80xi32, #tpu.memory_space<vmem>> -> memref<1x80xi32, #tpu.memory_space<vmem>>
        %dma_start3A_78 = arith.constant 0 : i32
        %dma_start3A_79 = arith.constant 0 : i32
        %dma_start3A_80 = tpu.memref_slice %arg4[%arg1, %run_scoped3A, %dma_start3A_78, %dma_start3A_79] : memref<16x250x1x80xi32, #tpu.memory_space<hbm>> -> memref<1x1x1x80xi32, #tpu.memory_space<hbm>>
        %dma_start3A_81 = tpu.memref_squeeze %dma_start3A_80 : memref<1x1x1x80xi32, #tpu.memory_space<hbm>> -> memref<1x80xi32, #tpu.memory_space<hbm>>
        tpu.enqueue_dma source(%dma_start3A_81 : memref<1x80xi32, #tpu.memory_space<hbm>>) target(%dma_start3A_77 : memref<1x80xi32, #tpu.memory_space<vmem>>) target_semaphore(%run_scoped3A_65 : memref<!tpu.dma_semaphore, #tpu.memory_space<semaphore_mem>>)
        %dma_wait3A_82 = arith.constant 0 : i32
        %dma_wait3A_83 = arith.constant 0 : i32
        %dma_wait3A_84 = tpu.memref_slice %arg6[%run_scoped3A_8, %dma_wait3A_82, %dma_wait3A_83] : memref<2x1x80xi32, #tpu.memory_space<vmem>> -> memref<1x1x80xi32, #tpu.memory_space<vmem>>
        %dma_wait3A_85 = tpu.memref_squeeze %dma_wait3A_84 : memref<1x1x80xi32, #tpu.memory_space<vmem>> -> memref<1x80xi32, #tpu.memory_space<vmem>>
        %dma_wait3A_86 = arith.constant 0 : i32
        %dma_wait3A_87 = arith.constant 0 : i32
        %dma_wait3A_88 = tpu.memref_slice %arg4[%arg1, %run_scoped3A, %dma_wait3A_86, %dma_wait3A_87] : memref<16x250x1x80xi32, #tpu.memory_space<hbm>> -> memref<1x1x1x80xi32, #tpu.memory_space<hbm>>
        %dma_wait3A_89 = tpu.memref_squeeze %dma_wait3A_88 : memref<1x1x1x80xi32, #tpu.memory_space<hbm>> -> memref<1x80xi32, #tpu.memory_space<hbm>>
        %dma_wait3A_90 = arith.constant 0 : i32
        %dma_wait3A_91 = arith.constant 0 : i32
        %dma_wait3A_92 = tpu.memref_slice %arg6[%run_scoped3A_8, %dma_wait3A_90, %dma_wait3A_91] : memref<2x1x80xi32, #tpu.memory_space<vmem>> -> memref<1x1x80xi32, #tpu.memory_space<vmem>>
        %dma_wait3A_93 = tpu.memref_squeeze %dma_wait3A_92 : memref<1x1x80xi32, #tpu.memory_space<vmem>> -> memref<1x80xi32, #tpu.memory_space<vmem>>
        %dma_wait3A_94 = arith.constant 0 : i32
        %dma_wait3A_95 = arith.constant 0 : i32
        %dma_wait3A_96 = tpu.memref_slice %arg4[%arg1, %run_scoped3A, %dma_wait3A_94, %dma_wait3A_95] : memref<16x250x1x80xi32, #tpu.memory_space<hbm>> -> memref<1x1x1x80xi32, #tpu.memory_space<hbm>>
        %dma_wait3A_97 = tpu.memref_squeeze %dma_wait3A_96 : memref<1x1x1x80xi32, #tpu.memory_space<hbm>> -> memref<1x80xi32, #tpu.memory_space<hbm>>
        tpu.wait_dma2 semaphore(%run_scoped3A_65 : memref<!tpu.dma_semaphore, #tpu.memory_space<semaphore_mem>>) src(%dma_wait3A_97 : memref<1x80xi32, #tpu.memory_space<hbm>>) dst(%dma_wait3A_93 : memref<1x80xi32, #tpu.memory_space<vmem>>)
        tpu.yield
      }) : () -> ()
      %dma_start3A = arith.constant 0 : i32
      %dma_start3A_9 = arith.constant 0 : i32
      %dma_start3A_10 = arith.constant 0 : i32
      %dma_start3A_11 = tpu.memref_slice %arg6[%dma_start3A, %dma_start3A_9, %dma_start3A_10] : memref<2x1x80xi32, #tpu.memory_space<vmem>> -> memref<1x1x80xi32, #tpu.memory_space<vmem>>
      %dma_start3A_12 = tpu.memref_squeeze %dma_start3A_11 : memref<1x1x80xi32, #tpu.memory_space<vmem>> -> memref<80xi32, #tpu.memory_space<vmem>>
      %dma_start3A_13 = arith.constant 0 : i32
      %dma_start3A_14 = arith.constant 0 : i32
      %dma_start3A_15 = tpu.memref_slice %arg2[%dma_start3A_13, %dma_start3A_14] : memref<10000x128xf32, #tpu.memory_space<hbm>> -> memref<10000x128xf32, #tpu.memory_space<hbm>>
      tpu.enqueue_indirect_dma source(%dma_start3A_15 : memref<10000x128xf32, #tpu.memory_space<hbm>>) target(%arg7 : memref<80x128xf32, #tpu.memory_space<vmem>>) offsets(%dma_start3A_12 : memref<80xi32, #tpu.memory_space<vmem>>) semaphore(%arg11 : memref<!tpu.dma_semaphore, #tpu.memory_space<semaphore_mem>>)
      %dma_start3A_16 = arith.constant 1 : i32
      %dma_start3A_17 = arith.constant 1 : i32
      %dma_start3A_18 = arith.constant 0 : i32
      %dma_start3A_19 = arith.constant 0 : i32
      %dma_start3A_20 = tpu.memref_slice %arg6[%dma_start3A_17, %dma_start3A_18, %dma_start3A_19] : memref<2x1x80xi32, #tpu.memory_space<vmem>> -> memref<1x1x80xi32, #tpu.memory_space<vmem>>
      %dma_start3A_21 = tpu.memref_squeeze %dma_start3A_20 : memref<1x1x80xi32, #tpu.memory_space<vmem>> -> memref<1x80xi32, #tpu.memory_space<vmem>>
      %dma_start3A_22 = arith.constant 0 : i32
      %dma_start3A_23 = arith.constant 0 : i32
      %dma_start3A_24 = tpu.memref_slice %arg4[%arg1, %dma_start3A_16, %dma_start3A_22, %dma_start3A_23] : memref<16x250x1x80xi32, #tpu.memory_space<hbm>> -> memref<1x1x1x80xi32, #tpu.memory_space<hbm>>
      %dma_start3A_25 = tpu.memref_squeeze %dma_start3A_24 : memref<1x1x1x80xi32, #tpu.memory_space<hbm>> -> memref<1x80xi32, #tpu.memory_space<hbm>>
      %dma_start3A_26 = arith.constant 0 : i32
      %dma_start3A_27 = arith.constant 0 : i32
      %dma_start3A_28 = tpu.memref_slice %arg6[%dma_start3A_17, %dma_start3A_26, %dma_start3A_27] : memref<2x1x80xi32, #tpu.memory_space<vmem>> -> memref<1x1x80xi32, #tpu.memory_space<vmem>>
      %dma_start3A_29 = tpu.memref_squeeze %dma_start3A_28 : memref<1x1x80xi32, #tpu.memory_space<vmem>> -> memref<1x80xi32, #tpu.memory_space<vmem>>
      %dma_start3A_30 = arith.constant 0 : i32
      %dma_start3A_31 = arith.constant 0 : i32
      %dma_start3A_32 = tpu.memref_slice %arg4[%arg1, %dma_start3A_16, %dma_start3A_30, %dma_start3A_31] : memref<16x250x1x80xi32, #tpu.memory_space<hbm>> -> memref<1x1x1x80xi32, #tpu.memory_space<hbm>>
      %dma_start3A_33 = tpu.memref_squeeze %dma_start3A_32 : memref<1x1x1x80xi32, #tpu.memory_space<hbm>> -> memref<1x80xi32, #tpu.memory_space<hbm>>
      tpu.enqueue_dma source(%dma_start3A_33 : memref<1x80xi32, #tpu.memory_space<hbm>>) target(%dma_start3A_29 : memref<1x80xi32, #tpu.memory_space<vmem>>) target_semaphore(%arg10 : memref<!tpu.dma_semaphore, #tpu.memory_space<semaphore_mem>>)
      %scan3A = arith.constant 0 : i32
      %scan3A_34 = arith.constant 0 : i32
      %scan3A_35 = arith.constant 125 : i32
      %scan3A_36 = arith.addi %scan3A_34, %scan3A_35 : i32
      %scan3A_37 = arith.constant 1 : i32
      scf.for %scan3A_65 = %scan3A_34 to %scan3A_36 step %scan3A_37  : i32 {
        %mul3A_66 = arith.constant 2 : i32
        %mul3A_67 = arith.muli %mul3A_66, %scan3A_65 : i32
        %add3A_68 = arith.constant 0 : i32
        %add3A_69 = arith.addi %mul3A_67, %add3A_68 : i32
        %mul3A_70 = arith.constant 80 : i32
        %mul3A_71 = arith.muli %add3A_69, %mul3A_70 : i32
        %add3A_72 = arith.addi %mul3A_0, %mul3A_71 : i32
        %multiple_of3A_73 = tpu.assume_multiple %add3A_72, 8 : i32
        %sub3A = arith.constant 1 : i32
        %sub3A_74 = arith.subi %add3A_69, %sub3A : i32
        %mul3A_75 = arith.constant 80 : i32
        %mul3A_76 = arith.muli %sub3A_74, %mul3A_75 : i32
        %add3A_77 = arith.addi %mul3A_0, %mul3A_76 : i32
        %multiple_of3A_78 = tpu.assume_multiple %add3A_77, 8 : i32
        %ge3A = arith.constant 1 : i32
        %ge3A_79 = arith.cmpi sge, %add3A_69, %ge3A : i32
        %convert_element_type3A_80 = arith.extui %ge3A_79 : i1 to i32
        %cond3A_81 = arith.constant 0 : i32
        %cond3A_82 = arith.cmpi ne, %convert_element_type3A_80, %cond3A_81 : i32
        scf.if %cond3A_82 {
          %dma_wait3A_160 = arith.constant 0 : i32
          %dma_wait3A_161 = arith.constant 0 : i32
          %dma_wait3A_162 = arith.constant 0 : i32
          %dma_wait3A_163 = arith.constant 0 : i32
          %dma_wait3A_164 = tpu.memref_slice %arg6[%dma_wait3A_161, %dma_wait3A_162, %dma_wait3A_163] : memref<2x1x80xi32, #tpu.memory_space<vmem>> -> memref<1x1x80xi32, #tpu.memory_space<vmem>>
          %dma_wait3A_165 = tpu.memref_squeeze %dma_wait3A_164 : memref<1x1x80xi32, #tpu.memory_space<vmem>> -> memref<1x80xi32, #tpu.memory_space<vmem>>
          %dma_wait3A_166 = arith.constant 0 : i32
          %dma_wait3A_167 = arith.constant 0 : i32
          %dma_wait3A_168 = tpu.memref_slice %arg4[%arg1, %dma_wait3A_160, %dma_wait3A_166, %dma_wait3A_167] : memref<16x250x1x80xi32, #tpu.memory_space<hbm>> -> memref<1x1x1x80xi32, #tpu.memory_space<hbm>>
          %dma_wait3A_169 = tpu.memref_squeeze %dma_wait3A_168 : memref<1x1x1x80xi32, #tpu.memory_space<hbm>> -> memref<1x80xi32, #tpu.memory_space<hbm>>
          %dma_wait3A_170 = arith.constant 0 : i32
          %dma_wait3A_171 = arith.constant 0 : i32
          %dma_wait3A_172 = tpu.memref_slice %arg6[%dma_wait3A_161, %dma_wait3A_170, %dma_wait3A_171] : memref<2x1x80xi32, #tpu.memory_space<vmem>> -> memref<1x1x80xi32, #tpu.memory_space<vmem>>
          %dma_wait3A_173 = tpu.memref_squeeze %dma_wait3A_172 : memref<1x1x80xi32, #tpu.memory_space<vmem>> -> memref<1x80xi32, #tpu.memory_space<vmem>>
          %dma_wait3A_174 = arith.constant 0 : i32
          %dma_wait3A_175 = arith.constant 0 : i32
          %dma_wait3A_176 = tpu.memref_slice %arg4[%arg1, %dma_wait3A_160, %dma_wait3A_174, %dma_wait3A_175] : memref<16x250x1x80xi32, #tpu.memory_space<hbm>> -> memref<1x1x1x80xi32, #tpu.memory_space<hbm>>
          %dma_wait3A_177 = tpu.memref_squeeze %dma_wait3A_176 : memref<1x1x1x80xi32, #tpu.memory_space<hbm>> -> memref<1x80xi32, #tpu.memory_space<hbm>>
          tpu.wait_dma2 semaphore(%arg9 : memref<!tpu.dma_semaphore, #tpu.memory_space<semaphore_mem>>) src(%dma_wait3A_177 : memref<1x80xi32, #tpu.memory_space<hbm>>) dst(%dma_wait3A_173 : memref<1x80xi32, #tpu.memory_space<vmem>>)
        } else {
        }
        %ge3A_83 = arith.constant 1 : i32
        %ge3A_84 = arith.cmpi sge, %add3A_69, %ge3A_83 : i32
        %convert_element_type3A_85 = arith.extui %ge3A_84 : i1 to i32
        %cond3A_86 = arith.constant 0 : i32
        %cond3A_87 = arith.cmpi ne, %convert_element_type3A_85, %cond3A_86 : i32
        scf.if %cond3A_87 {
          %dma_wait3A_160 = arith.constant 1 : i32
          %dma_wait3A_161 = arith.constant 0 : i32
          %dma_wait3A_162 = arith.constant 0 : i32
          %dma_wait3A_163 = tpu.memref_slice %arg6[%dma_wait3A_160, %dma_wait3A_161, %dma_wait3A_162] : memref<2x1x80xi32, #tpu.memory_space<vmem>> -> memref<1x1x80xi32, #tpu.memory_space<vmem>>
          %dma_wait3A_164 = tpu.memref_squeeze %dma_wait3A_163 : memref<1x1x80xi32, #tpu.memory_space<vmem>> -> memref<80xi32, #tpu.memory_space<vmem>>
          %dma_wait3A_165 = arith.constant 0 : i32
          %dma_wait3A_166 = arith.constant 0 : i32
          %dma_wait3A_167 = tpu.memref_slice %arg2[%dma_wait3A_165, %dma_wait3A_166] : memref<10000x128xf32, #tpu.memory_space<hbm>> -> memref<10000x128xf32, #tpu.memory_space<hbm>>
          tpu.wait_indirect_dma semaphore(%arg12 : memref<!tpu.dma_semaphore, #tpu.memory_space<semaphore_mem>>) src(%dma_wait3A_167 : memref<10000x128xf32, #tpu.memory_space<hbm>>) dst(%arg8 : memref<80x128xf32, #tpu.memory_space<vmem>>)
        } else {
        }
        %ge3A_88 = arith.constant 1 : i32
        %ge3A_89 = arith.cmpi sge, %add3A_69, %ge3A_88 : i32
        %convert_element_type3A_90 = arith.extui %ge3A_89 : i1 to i32
        %cond3A_91 = arith.constant 0 : i32
        %cond3A_92 = arith.cmpi ne, %convert_element_type3A_90, %cond3A_91 : i32
        scf.if %cond3A_92 {
          %dma_start3A_160 = arith.constant 0 : i32
          %dma_start3A_161 = tpu.memref_slice %arg5[%arg0, %multiple_of3A_78, %dma_start3A_160] : memref<2x320000x128xf32, #tpu.memory_space<hbm>> -> memref<1x80x128xf32, #tpu.memory_space<hbm>>
          %dma_start3A_162 = tpu.memref_squeeze %dma_start3A_161 : memref<1x80x128xf32, #tpu.memory_space<hbm>> -> memref<80x128xf32, #tpu.memory_space<hbm>>
          %dma_start3A_163 = arith.constant 0 : i32
          %dma_start3A_164 = tpu.memref_slice %arg5[%arg0, %multiple_of3A_78, %dma_start3A_163] : memref<2x320000x128xf32, #tpu.memory_space<hbm>> -> memref<1x80x128xf32, #tpu.memory_space<hbm>>
          %dma_start3A_165 = tpu.memref_squeeze %dma_start3A_164 : memref<1x80x128xf32, #tpu.memory_space<hbm>> -> memref<80x128xf32, #tpu.memory_space<hbm>>
          tpu.enqueue_dma source(%arg8 : memref<80x128xf32, #tpu.memory_space<vmem>>) target(%dma_start3A_165 : memref<80x128xf32, #tpu.memory_space<hbm>>) target_semaphore(%arg14 : memref<!tpu.dma_semaphore, #tpu.memory_space<semaphore_mem>>)
        } else {
        }
        %ge3A_93 = arith.constant 2 : i32
        %ge3A_94 = arith.cmpi sge, %add3A_69, %ge3A_93 : i32
        %convert_element_type3A_95 = arith.extui %ge3A_94 : i1 to i32
        %cond3A_96 = arith.constant 0 : i32
        %cond3A_97 = arith.cmpi ne, %convert_element_type3A_95, %cond3A_96 : i32
        scf.if %cond3A_97 {
          %dma_wait3A_160 = arith.constant 0 : i32
          %dma_wait3A_161 = tpu.memref_slice %arg5[%arg0, %mul3A_0, %dma_wait3A_160] : memref<2x320000x128xf32, #tpu.memory_space<hbm>> -> memref<1x80x128xf32, #tpu.memory_space<hbm>>
          %dma_wait3A_162 = tpu.memref_squeeze %dma_wait3A_161 : memref<1x80x128xf32, #tpu.memory_space<hbm>> -> memref<80x128xf32, #tpu.memory_space<hbm>>
          %dma_wait3A_163 = arith.constant 0 : i32
          %dma_wait3A_164 = tpu.memref_slice %arg5[%arg0, %mul3A_0, %dma_wait3A_163] : memref<2x320000x128xf32, #tpu.memory_space<hbm>> -> memref<1x80x128xf32, #tpu.memory_space<hbm>>
          %dma_wait3A_165 = tpu.memref_squeeze %dma_wait3A_164 : memref<1x80x128xf32, #tpu.memory_space<hbm>> -> memref<80x128xf32, #tpu.memory_space<hbm>>
          tpu.wait_dma2 semaphore(%arg13 : memref<!tpu.dma_semaphore, #tpu.memory_space<semaphore_mem>>) src(%arg7 : memref<80x128xf32, #tpu.memory_space<vmem>>) dst(%dma_wait3A_165 : memref<80x128xf32, #tpu.memory_space<hbm>>)
        } else {
        }
        %ge3A_98 = arith.constant 1 : i32
        %ge3A_99 = arith.cmpi sge, %add3A_69, %ge3A_98 : i32
        %convert_element_type3A_100 = arith.extui %ge3A_99 : i1 to i32
        %cond3A_101 = arith.constant 0 : i32
        %cond3A_102 = arith.cmpi ne, %convert_element_type3A_100, %cond3A_101 : i32
        scf.if %cond3A_102 {
          %dma_start3A_160 = arith.constant 0 : i32
          %dma_start3A_161 = arith.constant 0 : i32
          %dma_start3A_162 = arith.constant 0 : i32
          %dma_start3A_163 = tpu.memref_slice %arg6[%dma_start3A_160, %dma_start3A_161, %dma_start3A_162] : memref<2x1x80xi32, #tpu.memory_space<vmem>> -> memref<1x1x80xi32, #tpu.memory_space<vmem>>
          %dma_start3A_164 = tpu.memref_squeeze %dma_start3A_163 : memref<1x1x80xi32, #tpu.memory_space<vmem>> -> memref<80xi32, #tpu.memory_space<vmem>>
          %dma_start3A_165 = arith.constant 0 : i32
          %dma_start3A_166 = arith.constant 0 : i32
          %dma_start3A_167 = tpu.memref_slice %arg2[%dma_start3A_165, %dma_start3A_166] : memref<10000x128xf32, #tpu.memory_space<hbm>> -> memref<10000x128xf32, #tpu.memory_space<hbm>>
          tpu.enqueue_indirect_dma source(%dma_start3A_167 : memref<10000x128xf32, #tpu.memory_space<hbm>>) target(%arg7 : memref<80x128xf32, #tpu.memory_space<vmem>>) offsets(%dma_start3A_164 : memref<80xi32, #tpu.memory_space<vmem>>) semaphore(%arg11 : memref<!tpu.dma_semaphore, #tpu.memory_space<semaphore_mem>>)
        } else {
        }
        %ge3A_103 = arith.constant 1 : i32
        %ge3A_104 = arith.cmpi sge, %add3A_69, %ge3A_103 : i32
        %add3A_105 = arith.constant 1 : i32
        %add3A_106 = arith.addi %add3A_69, %add3A_105 : i32
        %lt3A = arith.constant 250 : i32
        %lt3A_107 = arith.cmpi slt, %add3A_106, %lt3A : i32
        %and3A = arith.andi %ge3A_104, %lt3A_107 : i1
        %convert_element_type3A_108 = arith.extui %and3A : i1 to i32
        %cond3A_109 = arith.constant 0 : i32
        %cond3A_110 = arith.cmpi ne, %convert_element_type3A_108, %cond3A_109 : i32
        scf.if %cond3A_110 {
          %add3A_160 = arith.constant 1 : i32
          %add3A_161 = arith.addi %add3A_69, %add3A_160 : i32
          %dma_start3A_162 = arith.constant 1 : i32
          %dma_start3A_163 = arith.constant 0 : i32
          %dma_start3A_164 = arith.constant 0 : i32
          %dma_start3A_165 = tpu.memref_slice %arg6[%dma_start3A_162, %dma_start3A_163, %dma_start3A_164] : memref<2x1x80xi32, #tpu.memory_space<vmem>> -> memref<1x1x80xi32, #tpu.memory_space<vmem>>
          %dma_start3A_166 = tpu.memref_squeeze %dma_start3A_165 : memref<1x1x80xi32, #tpu.memory_space<vmem>> -> memref<1x80xi32, #tpu.memory_space<vmem>>
          %dma_start3A_167 = arith.constant 0 : i32
          %dma_start3A_168 = arith.constant 0 : i32
          %dma_start3A_169 = tpu.memref_slice %arg4[%arg1, %add3A_161, %dma_start3A_167, %dma_start3A_168] : memref<16x250x1x80xi32, #tpu.memory_space<hbm>> -> memref<1x1x1x80xi32, #tpu.memory_space<hbm>>
          %dma_start3A_170 = tpu.memref_squeeze %dma_start3A_169 : memref<1x1x1x80xi32, #tpu.memory_space<hbm>> -> memref<1x80xi32, #tpu.memory_space<hbm>>
          %dma_start3A_171 = arith.constant 0 : i32
          %dma_start3A_172 = arith.constant 0 : i32
          %dma_start3A_173 = tpu.memref_slice %arg6[%dma_start3A_162, %dma_start3A_171, %dma_start3A_172] : memref<2x1x80xi32, #tpu.memory_space<vmem>> -> memref<1x1x80xi32, #tpu.memory_space<vmem>>
          %dma_start3A_174 = tpu.memref_squeeze %dma_start3A_173 : memref<1x1x80xi32, #tpu.memory_space<vmem>> -> memref<1x80xi32, #tpu.memory_space<vmem>>
          %dma_start3A_175 = arith.constant 0 : i32
          %dma_start3A_176 = arith.constant 0 : i32
          %dma_start3A_177 = tpu.memref_slice %arg4[%arg1, %add3A_161, %dma_start3A_175, %dma_start3A_176] : memref<16x250x1x80xi32, #tpu.memory_space<hbm>> -> memref<1x1x1x80xi32, #tpu.memory_space<hbm>>
          %dma_start3A_178 = tpu.memref_squeeze %dma_start3A_177 : memref<1x1x1x80xi32, #tpu.memory_space<hbm>> -> memref<1x80xi32, #tpu.memory_space<hbm>>
          tpu.enqueue_dma source(%dma_start3A_178 : memref<1x80xi32, #tpu.memory_space<hbm>>) target(%dma_start3A_174 : memref<1x80xi32, #tpu.memory_space<vmem>>) target_semaphore(%arg10 : memref<!tpu.dma_semaphore, #tpu.memory_space<semaphore_mem>>)
        } else {
        }
        %mul3A_111 = arith.constant 2 : i32
        %mul3A_112 = arith.muli %mul3A_111, %scan3A_65 : i32
        %add3A_113 = arith.constant 1 : i32
        %add3A_114 = arith.addi %mul3A_112, %add3A_113 : i32
        %mul3A_115 = arith.constant 80 : i32
        %mul3A_116 = arith.muli %add3A_114, %mul3A_115 : i32
        %add3A_117 = arith.addi %mul3A_0, %mul3A_116 : i32
        %multiple_of3A_118 = tpu.assume_multiple %add3A_117, 8 : i32
        %sub3A_119 = arith.constant 1 : i32
        %sub3A_120 = arith.subi %add3A_114, %sub3A_119 : i32
        %mul3A_121 = arith.constant 80 : i32
        %mul3A_122 = arith.muli %sub3A_120, %mul3A_121 : i32
        %add3A_123 = arith.addi %mul3A_0, %mul3A_122 : i32
        %multiple_of3A_124 = tpu.assume_multiple %add3A_123, 8 : i32
        %ge3A_125 = arith.constant 1 : i32
        %ge3A_126 = arith.cmpi sge, %add3A_114, %ge3A_125 : i32
        %convert_element_type3A_127 = arith.extui %ge3A_126 : i1 to i32
        %cond3A_128 = arith.constant 0 : i32
        %cond3A_129 = arith.cmpi ne, %convert_element_type3A_127, %cond3A_128 : i32
        scf.if %cond3A_129 {
          %dma_wait3A_160 = arith.constant 0 : i32
          %dma_wait3A_161 = arith.constant 1 : i32
          %dma_wait3A_162 = arith.constant 0 : i32
          %dma_wait3A_163 = arith.constant 0 : i32
          %dma_wait3A_164 = tpu.memref_slice %arg6[%dma_wait3A_161, %dma_wait3A_162, %dma_wait3A_163] : memref<2x1x80xi32, #tpu.memory_space<vmem>> -> memref<1x1x80xi32, #tpu.memory_space<vmem>>
          %dma_wait3A_165 = tpu.memref_squeeze %dma_wait3A_164 : memref<1x1x80xi32, #tpu.memory_space<vmem>> -> memref<1x80xi32, #tpu.memory_space<vmem>>
          %dma_wait3A_166 = arith.constant 0 : i32
          %dma_wait3A_167 = arith.constant 0 : i32
          %dma_wait3A_168 = tpu.memref_slice %arg4[%arg1, %dma_wait3A_160, %dma_wait3A_166, %dma_wait3A_167] : memref<16x250x1x80xi32, #tpu.memory_space<hbm>> -> memref<1x1x1x80xi32, #tpu.memory_space<hbm>>
          %dma_wait3A_169 = tpu.memref_squeeze %dma_wait3A_168 : memref<1x1x1x80xi32, #tpu.memory_space<hbm>> -> memref<1x80xi32, #tpu.memory_space<hbm>>
          %dma_wait3A_170 = arith.constant 0 : i32
          %dma_wait3A_171 = arith.constant 0 : i32
          %dma_wait3A_172 = tpu.memref_slice %arg6[%dma_wait3A_161, %dma_wait3A_170, %dma_wait3A_171] : memref<2x1x80xi32, #tpu.memory_space<vmem>> -> memref<1x1x80xi32, #tpu.memory_space<vmem>>
          %dma_wait3A_173 = tpu.memref_squeeze %dma_wait3A_172 : memref<1x1x80xi32, #tpu.memory_space<vmem>> -> memref<1x80xi32, #tpu.memory_space<vmem>>
          %dma_wait3A_174 = arith.constant 0 : i32
          %dma_wait3A_175 = arith.constant 0 : i32
          %dma_wait3A_176 = tpu.memref_slice %arg4[%arg1, %dma_wait3A_160, %dma_wait3A_174, %dma_wait3A_175] : memref<16x250x1x80xi32, #tpu.memory_space<hbm>> -> memref<1x1x1x80xi32, #tpu.memory_space<hbm>>
          %dma_wait3A_177 = tpu.memref_squeeze %dma_wait3A_176 : memref<1x1x1x80xi32, #tpu.memory_space<hbm>> -> memref<1x80xi32, #tpu.memory_space<hbm>>
          tpu.wait_dma2 semaphore(%arg10 : memref<!tpu.dma_semaphore, #tpu.memory_space<semaphore_mem>>) src(%dma_wait3A_177 : memref<1x80xi32, #tpu.memory_space<hbm>>) dst(%dma_wait3A_173 : memref<1x80xi32, #tpu.memory_space<vmem>>)
        } else {
        }
        %ge3A_130 = arith.constant 1 : i32
        %ge3A_131 = arith.cmpi sge, %add3A_114, %ge3A_130 : i32
        %convert_element_type3A_132 = arith.extui %ge3A_131 : i1 to i32
        %cond3A_133 = arith.constant 0 : i32
        %cond3A_134 = arith.cmpi ne, %convert_element_type3A_132, %cond3A_133 : i32
        scf.if %cond3A_134 {
          %dma_wait3A_160 = arith.constant 0 : i32
          %dma_wait3A_161 = arith.constant 0 : i32
          %dma_wait3A_162 = arith.constant 0 : i32
          %dma_wait3A_163 = tpu.memref_slice %arg6[%dma_wait3A_160, %dma_wait3A_161, %dma_wait3A_162] : memref<2x1x80xi32, #tpu.memory_space<vmem>> -> memref<1x1x80xi32, #tpu.memory_space<vmem>>
          %dma_wait3A_164 = tpu.memref_squeeze %dma_wait3A_163 : memref<1x1x80xi32, #tpu.memory_space<vmem>> -> memref<80xi32, #tpu.memory_space<vmem>>
          %dma_wait3A_165 = arith.constant 0 : i32
          %dma_wait3A_166 = arith.constant 0 : i32
          %dma_wait3A_167 = tpu.memref_slice %arg2[%dma_wait3A_165, %dma_wait3A_166] : memref<10000x128xf32, #tpu.memory_space<hbm>> -> memref<10000x128xf32, #tpu.memory_space<hbm>>
          tpu.wait_indirect_dma semaphore(%arg11 : memref<!tpu.dma_semaphore, #tpu.memory_space<semaphore_mem>>) src(%dma_wait3A_167 : memref<10000x128xf32, #tpu.memory_space<hbm>>) dst(%arg7 : memref<80x128xf32, #tpu.memory_space<vmem>>)
        } else {
        }
        %ge3A_135 = arith.constant 1 : i32
        %ge3A_136 = arith.cmpi sge, %add3A_114, %ge3A_135 : i32
        %convert_element_type3A_137 = arith.extui %ge3A_136 : i1 to i32
        %cond3A_138 = arith.constant 0 : i32
        %cond3A_139 = arith.cmpi ne, %convert_element_type3A_137, %cond3A_138 : i32
        scf.if %cond3A_139 {
          %dma_start3A_160 = arith.constant 0 : i32
          %dma_start3A_161 = tpu.memref_slice %arg5[%arg0, %multiple_of3A_124, %dma_start3A_160] : memref<2x320000x128xf32, #tpu.memory_space<hbm>> -> memref<1x80x128xf32, #tpu.memory_space<hbm>>
          %dma_start3A_162 = tpu.memref_squeeze %dma_start3A_161 : memref<1x80x128xf32, #tpu.memory_space<hbm>> -> memref<80x128xf32, #tpu.memory_space<hbm>>
          %dma_start3A_163 = arith.constant 0 : i32
          %dma_start3A_164 = tpu.memref_slice %arg5[%arg0, %multiple_of3A_124, %dma_start3A_163] : memref<2x320000x128xf32, #tpu.memory_space<hbm>> -> memref<1x80x128xf32, #tpu.memory_space<hbm>>
          %dma_start3A_165 = tpu.memref_squeeze %dma_start3A_164 : memref<1x80x128xf32, #tpu.memory_space<hbm>> -> memref<80x128xf32, #tpu.memory_space<hbm>>
          tpu.enqueue_dma source(%arg7 : memref<80x128xf32, #tpu.memory_space<vmem>>) target(%dma_start3A_165 : memref<80x128xf32, #tpu.memory_space<hbm>>) target_semaphore(%arg13 : memref<!tpu.dma_semaphore, #tpu.memory_space<semaphore_mem>>)
        } else {
        }
        %ge3A_140 = arith.constant 2 : i32
        %ge3A_141 = arith.cmpi sge, %add3A_114, %ge3A_140 : i32
        %convert_element_type3A_142 = arith.extui %ge3A_141 : i1 to i32
        %cond3A_143 = arith.constant 0 : i32
        %cond3A_144 = arith.cmpi ne, %convert_element_type3A_142, %cond3A_143 : i32
        scf.if %cond3A_144 {
          %dma_wait3A_160 = arith.constant 0 : i32
          %dma_wait3A_161 = tpu.memref_slice %arg5[%arg0, %mul3A_0, %dma_wait3A_160] : memref<2x320000x128xf32, #tpu.memory_space<hbm>> -> memref<1x80x128xf32, #tpu.memory_space<hbm>>
          %dma_wait3A_162 = tpu.memref_squeeze %dma_wait3A_161 : memref<1x80x128xf32, #tpu.memory_space<hbm>> -> memref<80x128xf32, #tpu.memory_space<hbm>>
          %dma_wait3A_163 = arith.constant 0 : i32
          %dma_wait3A_164 = tpu.memref_slice %arg5[%arg0, %mul3A_0, %dma_wait3A_163] : memref<2x320000x128xf32, #tpu.memory_space<hbm>> -> memref<1x80x128xf32, #tpu.memory_space<hbm>>
          %dma_wait3A_165 = tpu.memref_squeeze %dma_wait3A_164 : memref<1x80x128xf32, #tpu.memory_space<hbm>> -> memref<80x128xf32, #tpu.memory_space<hbm>>
          tpu.wait_dma2 semaphore(%arg14 : memref<!tpu.dma_semaphore, #tpu.memory_space<semaphore_mem>>) src(%arg8 : memref<80x128xf32, #tpu.memory_space<vmem>>) dst(%dma_wait3A_165 : memref<80x128xf32, #tpu.memory_space<hbm>>)
        } else {
        }
        %ge3A_145 = arith.constant 1 : i32
        %ge3A_146 = arith.cmpi sge, %add3A_114, %ge3A_145 : i32
        %convert_element_type3A_147 = arith.extui %ge3A_146 : i1 to i32
        %cond3A_148 = arith.constant 0 : i32
        %cond3A_149 = arith.cmpi ne, %convert_element_type3A_147, %cond3A_148 : i32
        scf.if %cond3A_149 {
          %dma_start3A_160 = arith.constant 1 : i32
          %dma_start3A_161 = arith.constant 0 : i32
          %dma_start3A_162 = arith.constant 0 : i32
          %dma_start3A_163 = tpu.memref_slice %arg6[%dma_start3A_160, %dma_start3A_161, %dma_start3A_162] : memref<2x1x80xi32, #tpu.memory_space<vmem>> -> memref<1x1x80xi32, #tpu.memory_space<vmem>>
          %dma_start3A_164 = tpu.memref_squeeze %dma_start3A_163 : memref<1x1x80xi32, #tpu.memory_space<vmem>> -> memref<80xi32, #tpu.memory_space<vmem>>
          %dma_start3A_165 = arith.constant 0 : i32
          %dma_start3A_166 = arith.constant 0 : i32
          %dma_start3A_167 = tpu.memref_slice %arg2[%dma_start3A_165, %dma_start3A_166] : memref<10000x128xf32, #tpu.memory_space<hbm>> -> memref<10000x128xf32, #tpu.memory_space<hbm>>
          tpu.enqueue_indirect_dma source(%dma_start3A_167 : memref<10000x128xf32, #tpu.memory_space<hbm>>) target(%arg8 : memref<80x128xf32, #tpu.memory_space<vmem>>) offsets(%dma_start3A_164 : memref<80xi32, #tpu.memory_space<vmem>>) semaphore(%arg12 : memref<!tpu.dma_semaphore, #tpu.memory_space<semaphore_mem>>)
        } else {
        }
        %ge3A_150 = arith.constant 1 : i32
        %ge3A_151 = arith.cmpi sge, %add3A_114, %ge3A_150 : i32
        %add3A_152 = arith.constant 1 : i32
        %add3A_153 = arith.addi %add3A_114, %add3A_152 : i32
        %lt3A_154 = arith.constant 250 : i32
        %lt3A_155 = arith.cmpi slt, %add3A_153, %lt3A_154 : i32
        %and3A_156 = arith.andi %ge3A_151, %lt3A_155 : i1
        %convert_element_type3A_157 = arith.extui %and3A_156 : i1 to i32
        %cond3A_158 = arith.constant 0 : i32
        %cond3A_159 = arith.cmpi ne, %convert_element_type3A_157, %cond3A_158 : i32
        scf.if %cond3A_159 {
          %add3A_160 = arith.constant 1 : i32
          %add3A_161 = arith.addi %add3A_114, %add3A_160 : i32
          %dma_start3A_162 = arith.constant 0 : i32
          %dma_start3A_163 = arith.constant 0 : i32
          %dma_start3A_164 = arith.constant 0 : i32
          %dma_start3A_165 = tpu.memref_slice %arg6[%dma_start3A_162, %dma_start3A_163, %dma_start3A_164] : memref<2x1x80xi32, #tpu.memory_space<vmem>> -> memref<1x1x80xi32, #tpu.memory_space<vmem>>
          %dma_start3A_166 = tpu.memref_squeeze %dma_start3A_165 : memref<1x1x80xi32, #tpu.memory_space<vmem>> -> memref<1x80xi32, #tpu.memory_space<vmem>>
          %dma_start3A_167 = arith.constant 0 : i32
          %dma_start3A_168 = arith.constant 0 : i32
          %dma_start3A_169 = tpu.memref_slice %arg4[%arg1, %add3A_161, %dma_start3A_167, %dma_start3A_168] : memref<16x250x1x80xi32, #tpu.memory_space<hbm>> -> memref<1x1x1x80xi32, #tpu.memory_space<hbm>>
          %dma_start3A_170 = tpu.memref_squeeze %dma_start3A_169 : memref<1x1x1x80xi32, #tpu.memory_space<hbm>> -> memref<1x80xi32, #tpu.memory_space<hbm>>
          %dma_start3A_171 = arith.constant 0 : i32
          %dma_start3A_172 = arith.constant 0 : i32
          %dma_start3A_173 = tpu.memref_slice %arg6[%dma_start3A_162, %dma_start3A_171, %dma_start3A_172] : memref<2x1x80xi32, #tpu.memory_space<vmem>> -> memref<1x1x80xi32, #tpu.memory_space<vmem>>
          %dma_start3A_174 = tpu.memref_squeeze %dma_start3A_173 : memref<1x1x80xi32, #tpu.memory_space<vmem>> -> memref<1x80xi32, #tpu.memory_space<vmem>>
          %dma_start3A_175 = arith.constant 0 : i32
          %dma_start3A_176 = arith.constant 0 : i32
          %dma_start3A_177 = tpu.memref_slice %arg4[%arg1, %add3A_161, %dma_start3A_175, %dma_start3A_176] : memref<16x250x1x80xi32, #tpu.memory_space<hbm>> -> memref<1x1x1x80xi32, #tpu.memory_space<hbm>>
          %dma_start3A_178 = tpu.memref_squeeze %dma_start3A_177 : memref<1x1x1x80xi32, #tpu.memory_space<hbm>> -> memref<1x80xi32, #tpu.memory_space<hbm>>
          tpu.enqueue_dma source(%dma_start3A_178 : memref<1x80xi32, #tpu.memory_space<hbm>>) target(%dma_start3A_174 : memref<1x80xi32, #tpu.memory_space<vmem>>) target_semaphore(%arg9 : memref<!tpu.dma_semaphore, #tpu.memory_space<semaphore_mem>>)
        } else {
        }
      }
      %scan3A_38 = arith.constant 125 : i32
      %dma_wait3A = arith.constant 1 : i32
      %dma_wait3A_39 = arith.constant 0 : i32
      %dma_wait3A_40 = arith.constant 0 : i32
      %dma_wait3A_41 = tpu.memref_slice %arg6[%dma_wait3A, %dma_wait3A_39, %dma_wait3A_40] : memref<2x1x80xi32, #tpu.memory_space<vmem>> -> memref<1x1x80xi32, #tpu.memory_space<vmem>>
      %dma_wait3A_42 = tpu.memref_squeeze %dma_wait3A_41 : memref<1x1x80xi32, #tpu.memory_space<vmem>> -> memref<80xi32, #tpu.memory_space<vmem>>
      %dma_wait3A_43 = arith.constant 0 : i32
      %dma_wait3A_44 = arith.constant 0 : i32
      %dma_wait3A_45 = tpu.memref_slice %arg2[%dma_wait3A_43, %dma_wait3A_44] : memref<10000x128xf32, #tpu.memory_space<hbm>> -> memref<10000x128xf32, #tpu.memory_space<hbm>>
      tpu.wait_indirect_dma semaphore(%arg12 : memref<!tpu.dma_semaphore, #tpu.memory_space<semaphore_mem>>) src(%dma_wait3A_45 : memref<10000x128xf32, #tpu.memory_space<hbm>>) dst(%arg8 : memref<80x128xf32, #tpu.memory_space<vmem>>)
      %add3A = arith.constant 19920 : i32
      %add3A_46 = arith.addi %mul3A_0, %add3A : i32
      %multiple_of3A = tpu.assume_multiple %add3A_46, 8 : i32
      %dma_start3A_47 = arith.constant 0 : i32
      %dma_start3A_48 = tpu.memref_slice %arg5[%arg0, %multiple_of3A, %dma_start3A_47] : memref<2x320000x128xf32, #tpu.memory_space<hbm>> -> memref<1x80x128xf32, #tpu.memory_space<hbm>>
      %dma_start3A_49 = tpu.memref_squeeze %dma_start3A_48 : memref<1x80x128xf32, #tpu.memory_space<hbm>> -> memref<80x128xf32, #tpu.memory_space<hbm>>
      %dma_start3A_50 = arith.constant 0 : i32
      %dma_start3A_51 = tpu.memref_slice %arg5[%arg0, %multiple_of3A, %dma_start3A_50] : memref<2x320000x128xf32, #tpu.memory_space<hbm>> -> memref<1x80x128xf32, #tpu.memory_space<hbm>>
      %dma_start3A_52 = tpu.memref_squeeze %dma_start3A_51 : memref<1x80x128xf32, #tpu.memory_space<hbm>> -> memref<80x128xf32, #tpu.memory_space<hbm>>
      tpu.enqueue_dma source(%arg8 : memref<80x128xf32, #tpu.memory_space<vmem>>) target(%dma_start3A_52 : memref<80x128xf32, #tpu.memory_space<hbm>>) target_semaphore(%arg14 : memref<!tpu.dma_semaphore, #tpu.memory_space<semaphore_mem>>)
      %dma_wait3A_53 = arith.constant 0 : i32
      %dma_wait3A_54 = tpu.memref_slice %arg5[%arg0, %mul3A_0, %dma_wait3A_53] : memref<2x320000x128xf32, #tpu.memory_space<hbm>> -> memref<1x80x128xf32, #tpu.memory_space<hbm>>
      %dma_wait3A_55 = tpu.memref_squeeze %dma_wait3A_54 : memref<1x80x128xf32, #tpu.memory_space<hbm>> -> memref<80x128xf32, #tpu.memory_space<hbm>>
      %dma_wait3A_56 = arith.constant 0 : i32
      %dma_wait3A_57 = tpu.memref_slice %arg5[%arg0, %mul3A_0, %dma_wait3A_56] : memref<2x320000x128xf32, #tpu.memory_space<hbm>> -> memref<1x80x128xf32, #tpu.memory_space<hbm>>
      %dma_wait3A_58 = tpu.memref_squeeze %dma_wait3A_57 : memref<1x80x128xf32, #tpu.memory_space<hbm>> -> memref<80x128xf32, #tpu.memory_space<hbm>>
      tpu.wait_dma2 semaphore(%arg13 : memref<!tpu.dma_semaphore, #tpu.memory_space<semaphore_mem>>) src(%arg7 : memref<80x128xf32, #tpu.memory_space<vmem>>) dst(%dma_wait3A_58 : memref<80x128xf32, #tpu.memory_space<hbm>>)
      %dma_wait3A_59 = arith.constant 0 : i32
      %dma_wait3A_60 = tpu.memref_slice %arg5[%arg0, %mul3A_0, %dma_wait3A_59] : memref<2x320000x128xf32, #tpu.memory_space<hbm>> -> memref<1x80x128xf32, #tpu.memory_space<hbm>>
      %dma_wait3A_61 = tpu.memref_squeeze %dma_wait3A_60 : memref<1x80x128xf32, #tpu.memory_space<hbm>> -> memref<80x128xf32, #tpu.memory_space<hbm>>
      %dma_wait3A_62 = arith.constant 0 : i32
      %dma_wait3A_63 = tpu.memref_slice %arg5[%arg0, %mul3A_0, %dma_wait3A_62] : memref<2x320000x128xf32, #tpu.memory_space<hbm>> -> memref<1x80x128xf32, #tpu.memory_space<hbm>>
      %dma_wait3A_64 = tpu.memref_squeeze %dma_wait3A_63 : memref<1x80x128xf32, #tpu.memory_space<hbm>> -> memref<80x128xf32, #tpu.memory_space<hbm>>
      tpu.wait_dma2 semaphore(%arg14 : memref<!tpu.dma_semaphore, #tpu.memory_space<semaphore_mem>>) src(%arg8 : memref<80x128xf32, #tpu.memory_space<vmem>>) dst(%dma_wait3A_64 : memref<80x128xf32, #tpu.memory_space<hbm>>)
    } else {
    }
    return
  }
}

#map = affine_map<(d0, d1) -> (0, 0, 0)>
#map1 = affine_map<(d0, d1) -> (0, 0, 0, 0)>
#map2 = affine_map<(d0, d1) -> (0, 0)>
module attributes {stable_mosaic.version = 14 : i64} {
  func.func @scatter_k(%arg0: i32, %arg1: i32, %arg2: memref<2x320000x128xf32, #tpu.memory_space<hbm>>, %arg3: memref<16x250x1x80xi32, #tpu.memory_space<hbm>>, %arg4: memref<16x250x1x80xi32, #tpu.memory_space<hbm>>, %arg5: memref<10000x128xf32, #tpu.memory_space<hbm>>, %arg6: memref<2x10000x128xf32, #tpu.memory_space<hbm>>, %arg7: memref<2x1x80xi32, #tpu.memory_space<vmem>>, %arg8: memref<80x128xf32, #tpu.memory_space<vmem>>, %arg9: memref<80x128xf32, #tpu.memory_space<vmem>>, %arg10: memref<10000x128xf32, #tpu.memory_space<vmem_shared>>, %arg11: memref<!tpu.dma_semaphore, #tpu.memory_space<semaphore_mem>>, %arg12: memref<!tpu.dma_semaphore, #tpu.memory_space<semaphore_mem>>, %arg13: memref<!tpu.dma_semaphore, #tpu.memory_space<semaphore_mem>>, %arg14: memref<!tpu.dma_semaphore, #tpu.memory_space<semaphore_mem>>, %arg15: memref<!tpu.dma_semaphore, #tpu.memory_space<semaphore_mem>>, %arg16: memref<!tpu.dma_semaphore, #tpu.memory_space<semaphore_mem>>) attributes {dimension_semantics = [#tpu.dimension_semantics<core_parallel>, #tpu.dimension_semantics<subcore_parallel>], iteration_bounds = array<i64: 2, 16>, scalar_prefetch = 0 : i64, scratch_operands = 10 : i64, tpu.core_type = #tpu.core_type<sc_vector_subcore>, window_params = [{transform_indices = #map}, {transform_indices = #map1}, {transform_indices = #map1}, {transform_indices = #map2}, {transform_indices = #map}]} {
    %eq3A = arith.constant 0 : i32
    %eq3A_0 = arith.cmpi eq, %arg1, %eq3A : i32
    %convert_element_type3A = arith.extui %eq3A_0 : i1 to i32
    %cond3A = arith.constant 0 : i32
    %cond3A_1 = arith.cmpi ne, %convert_element_type3A, %cond3A : i32
    scf.if %cond3A_1 {
      "tpu.region"() ({
        %run_scoped3A = tpu.sem_alloc : memref<!tpu.dma_semaphore, #tpu.memory_space<semaphore_mem>>
        tpu.enqueue_dma source(%arg5 : memref<10000x128xf32, #tpu.memory_space<hbm>>) target(%arg10 : memref<10000x128xf32, #tpu.memory_space<vmem_shared>>) target_semaphore(%run_scoped3A : memref<!tpu.dma_semaphore, #tpu.memory_space<semaphore_mem>>)
        tpu.wait_dma2 semaphore(%run_scoped3A : memref<!tpu.dma_semaphore, #tpu.memory_space<semaphore_mem>>) src(%arg5 : memref<10000x128xf32, #tpu.memory_space<hbm>>) dst(%arg10 : memref<10000x128xf32, #tpu.memory_space<vmem_shared>>)
        tpu.yield
      }) : () -> ()
    } else {
    }
    %barrier3A = arith.constant 0 : index
    tpu.barrier barrier_id(%barrier3A)
    %mul3A = arith.constant 20000 : i32
    %mul3A_2 = arith.muli %arg1, %mul3A : i32
    %eq3A_3 = arith.constant 0 : i32
    %eq3A_4 = arith.cmpi eq, %arg0, %eq3A_3 : i32
    %convert_element_type3A_5 = arith.extui %eq3A_4 : i1 to i32
    %cond3A_6 = arith.constant 0 : i32
    %cond3A_7 = arith.cmpi ne, %convert_element_type3A_5, %cond3A_6 : i32
    scf.if %cond3A_7 {
      %run_scoped3A = arith.constant 0 : i32
      %run_scoped3A_19 = arith.constant 0 : i32
      "tpu.region"() ({
        %run_scoped3A_56 = tpu.sem_alloc : memref<!tpu.dma_semaphore, #tpu.memory_space<semaphore_mem>>
        %dma_start3A_57 = arith.constant 0 : i32
        %dma_start3A_58 = arith.constant 0 : i32
        %dma_start3A_59 = tpu.memref_slice %arg7[%run_scoped3A_19, %dma_start3A_57, %dma_start3A_58] : memref<2x1x80xi32, #tpu.memory_space<vmem>> -> memref<1x1x80xi32, #tpu.memory_space<vmem>>
        %dma_start3A_60 = tpu.memref_squeeze %dma_start3A_59 : memref<1x1x80xi32, #tpu.memory_space<vmem>> -> memref<1x80xi32, #tpu.memory_space<vmem>>
        %dma_start3A_61 = arith.constant 0 : i32
        %dma_start3A_62 = arith.constant 0 : i32
        %dma_start3A_63 = tpu.memref_slice %arg3[%arg1, %run_scoped3A, %dma_start3A_61, %dma_start3A_62] : memref<16x250x1x80xi32, #tpu.memory_space<hbm>> -> memref<1x1x1x80xi32, #tpu.memory_space<hbm>>
        %dma_start3A_64 = tpu.memref_squeeze %dma_start3A_63 : memref<1x1x1x80xi32, #tpu.memory_space<hbm>> -> memref<1x80xi32, #tpu.memory_space<hbm>>
        %dma_start3A_65 = arith.constant 0 : i32
        %dma_start3A_66 = arith.constant 0 : i32
        %dma_start3A_67 = tpu.memref_slice %arg7[%run_scoped3A_19, %dma_start3A_65, %dma_start3A_66] : memref<2x1x80xi32, #tpu.memory_space<vmem>> -> memref<1x1x80xi32, #tpu.memory_space<vmem>>
        %dma_start3A_68 = tpu.memref_squeeze %dma_start3A_67 : memref<1x1x80xi32, #tpu.memory_space<vmem>> -> memref<1x80xi32, #tpu.memory_space<vmem>>
        %dma_start3A_69 = arith.constant 0 : i32
        %dma_start3A_70 = arith.constant 0 : i32
        %dma_start3A_71 = tpu.memref_slice %arg3[%arg1, %run_scoped3A, %dma_start3A_69, %dma_start3A_70] : memref<16x250x1x80xi32, #tpu.memory_space<hbm>> -> memref<1x1x1x80xi32, #tpu.memory_space<hbm>>
        %dma_start3A_72 = tpu.memref_squeeze %dma_start3A_71 : memref<1x1x1x80xi32, #tpu.memory_space<hbm>> -> memref<1x80xi32, #tpu.memory_space<hbm>>
        tpu.enqueue_dma source(%dma_start3A_72 : memref<1x80xi32, #tpu.memory_space<hbm>>) target(%dma_start3A_68 : memref<1x80xi32, #tpu.memory_space<vmem>>) target_semaphore(%run_scoped3A_56 : memref<!tpu.dma_semaphore, #tpu.memory_space<semaphore_mem>>)
        %dma_wait3A_73 = arith.constant 0 : i32
        %dma_wait3A_74 = arith.constant 0 : i32
        %dma_wait3A_75 = tpu.memref_slice %arg7[%run_scoped3A_19, %dma_wait3A_73, %dma_wait3A_74] : memref<2x1x80xi32, #tpu.memory_space<vmem>> -> memref<1x1x80xi32, #tpu.memory_space<vmem>>
        %dma_wait3A_76 = tpu.memref_squeeze %dma_wait3A_75 : memref<1x1x80xi32, #tpu.memory_space<vmem>> -> memref<1x80xi32, #tpu.memory_space<vmem>>
        %dma_wait3A_77 = arith.constant 0 : i32
        %dma_wait3A_78 = arith.constant 0 : i32
        %dma_wait3A_79 = tpu.memref_slice %arg3[%arg1, %run_scoped3A, %dma_wait3A_77, %dma_wait3A_78] : memref<16x250x1x80xi32, #tpu.memory_space<hbm>> -> memref<1x1x1x80xi32, #tpu.memory_space<hbm>>
        %dma_wait3A_80 = tpu.memref_squeeze %dma_wait3A_79 : memref<1x1x1x80xi32, #tpu.memory_space<hbm>> -> memref<1x80xi32, #tpu.memory_space<hbm>>
        %dma_wait3A_81 = arith.constant 0 : i32
        %dma_wait3A_82 = arith.constant 0 : i32
        %dma_wait3A_83 = tpu.memref_slice %arg7[%run_scoped3A_19, %dma_wait3A_81, %dma_wait3A_82] : memref<2x1x80xi32, #tpu.memory_space<vmem>> -> memref<1x1x80xi32, #tpu.memory_space<vmem>>
        %dma_wait3A_84 = tpu.memref_squeeze %dma_wait3A_83 : memref<1x1x80xi32, #tpu.memory_space<vmem>> -> memref<1x80xi32, #tpu.memory_space<vmem>>
        %dma_wait3A_85 = arith.constant 0 : i32
        %dma_wait3A_86 = arith.constant 0 : i32
        %dma_wait3A_87 = tpu.memref_slice %arg3[%arg1, %run_scoped3A, %dma_wait3A_85, %dma_wait3A_86] : memref<16x250x1x80xi32, #tpu.memory_space<hbm>> -> memref<1x1x1x80xi32, #tpu.memory_space<hbm>>
        %dma_wait3A_88 = tpu.memref_squeeze %dma_wait3A_87 : memref<1x1x1x80xi32, #tpu.memory_space<hbm>> -> memref<1x80xi32, #tpu.memory_space<hbm>>
        tpu.wait_dma2 semaphore(%run_scoped3A_56 : memref<!tpu.dma_semaphore, #tpu.memory_space<semaphore_mem>>) src(%dma_wait3A_88 : memref<1x80xi32, #tpu.memory_space<hbm>>) dst(%dma_wait3A_84 : memref<1x80xi32, #tpu.memory_space<vmem>>)
        tpu.yield
      }) : () -> ()
      "tpu.region"() ({
        %run_scoped3A_56 = tpu.sem_alloc : memref<!tpu.dma_semaphore, #tpu.memory_space<semaphore_mem>>
        %dma_start3A_57 = arith.constant 0 : i32
        %dma_start3A_58 = tpu.memref_slice %arg2[%arg0, %mul3A_2, %dma_start3A_57] : memref<2x320000x128xf32, #tpu.memory_space<hbm>> -> memref<1x80x128xf32, #tpu.memory_space<hbm>>
        %dma_start3A_59 = tpu.memref_squeeze %dma_start3A_58 : memref<1x80x128xf32, #tpu.memory_space<hbm>> -> memref<80x128xf32, #tpu.memory_space<hbm>>
        %dma_start3A_60 = arith.constant 0 : i32
        %dma_start3A_61 = tpu.memref_slice %arg2[%arg0, %mul3A_2, %dma_start3A_60] : memref<2x320000x128xf32, #tpu.memory_space<hbm>> -> memref<1x80x128xf32, #tpu.memory_space<hbm>>
        %dma_start3A_62 = tpu.memref_squeeze %dma_start3A_61 : memref<1x80x128xf32, #tpu.memory_space<hbm>> -> memref<80x128xf32, #tpu.memory_space<hbm>>
        tpu.enqueue_dma source(%dma_start3A_62 : memref<80x128xf32, #tpu.memory_space<hbm>>) target(%arg8 : memref<80x128xf32, #tpu.memory_space<vmem>>) target_semaphore(%run_scoped3A_56 : memref<!tpu.dma_semaphore, #tpu.memory_space<semaphore_mem>>)
        %dma_wait3A_63 = arith.constant 0 : i32
        %dma_wait3A_64 = tpu.memref_slice %arg2[%arg0, %mul3A_2, %dma_wait3A_63] : memref<2x320000x128xf32, #tpu.memory_space<hbm>> -> memref<1x80x128xf32, #tpu.memory_space<hbm>>
        %dma_wait3A_65 = tpu.memref_squeeze %dma_wait3A_64 : memref<1x80x128xf32, #tpu.memory_space<hbm>> -> memref<80x128xf32, #tpu.memory_space<hbm>>
        %dma_wait3A_66 = arith.constant 0 : i32
        %dma_wait3A_67 = tpu.memref_slice %arg2[%arg0, %mul3A_2, %dma_wait3A_66] : memref<2x320000x128xf32, #tpu.memory_space<hbm>> -> memref<1x80x128xf32, #tpu.memory_space<hbm>>
        %dma_wait3A_68 = tpu.memref_squeeze %dma_wait3A_67 : memref<1x80x128xf32, #tpu.memory_space<hbm>> -> memref<80x128xf32, #tpu.memory_space<hbm>>
        tpu.wait_dma2 semaphore(%run_scoped3A_56 : memref<!tpu.dma_semaphore, #tpu.memory_space<semaphore_mem>>) src(%dma_wait3A_68 : memref<80x128xf32, #tpu.memory_space<hbm>>) dst(%arg8 : memref<80x128xf32, #tpu.memory_space<vmem>>)
        tpu.yield
      }) : () -> ()
      %dma_start3A = arith.constant 1 : i32
      %dma_start3A_20 = arith.constant 1 : i32
      %dma_start3A_21 = arith.constant 0 : i32
      %dma_start3A_22 = arith.constant 0 : i32
      %dma_start3A_23 = tpu.memref_slice %arg7[%dma_start3A_20, %dma_start3A_21, %dma_start3A_22] : memref<2x1x80xi32, #tpu.memory_space<vmem>> -> memref<1x1x80xi32, #tpu.memory_space<vmem>>
      %dma_start3A_24 = tpu.memref_squeeze %dma_start3A_23 : memref<1x1x80xi32, #tpu.memory_space<vmem>> -> memref<1x80xi32, #tpu.memory_space<vmem>>
      %dma_start3A_25 = arith.constant 0 : i32
      %dma_start3A_26 = arith.constant 0 : i32
      %dma_start3A_27 = tpu.memref_slice %arg3[%arg1, %dma_start3A, %dma_start3A_25, %dma_start3A_26] : memref<16x250x1x80xi32, #tpu.memory_space<hbm>> -> memref<1x1x1x80xi32, #tpu.memory_space<hbm>>
      %dma_start3A_28 = tpu.memref_squeeze %dma_start3A_27 : memref<1x1x1x80xi32, #tpu.memory_space<hbm>> -> memref<1x80xi32, #tpu.memory_space<hbm>>
      %dma_start3A_29 = arith.constant 0 : i32
      %dma_start3A_30 = arith.constant 0 : i32
      %dma_start3A_31 = tpu.memref_slice %arg7[%dma_start3A_20, %dma_start3A_29, %dma_start3A_30] : memref<2x1x80xi32, #tpu.memory_space<vmem>> -> memref<1x1x80xi32, #tpu.memory_space<vmem>>
      %dma_start3A_32 = tpu.memref_squeeze %dma_start3A_31 : memref<1x1x80xi32, #tpu.memory_space<vmem>> -> memref<1x80xi32, #tpu.memory_space<vmem>>
      %dma_start3A_33 = arith.constant 0 : i32
      %dma_start3A_34 = arith.constant 0 : i32
      %dma_start3A_35 = tpu.memref_slice %arg3[%arg1, %dma_start3A, %dma_start3A_33, %dma_start3A_34] : memref<16x250x1x80xi32, #tpu.memory_space<hbm>> -> memref<1x1x1x80xi32, #tpu.memory_space<hbm>>
      %dma_start3A_36 = tpu.memref_squeeze %dma_start3A_35 : memref<1x1x1x80xi32, #tpu.memory_space<hbm>> -> memref<1x80xi32, #tpu.memory_space<hbm>>
      tpu.enqueue_dma source(%dma_start3A_36 : memref<1x80xi32, #tpu.memory_space<hbm>>) target(%dma_start3A_32 : memref<1x80xi32, #tpu.memory_space<vmem>>) target_semaphore(%arg12 : memref<!tpu.dma_semaphore, #tpu.memory_space<semaphore_mem>>)
      %add3A = arith.constant 80 : i32
      %add3A_37 = arith.addi %mul3A_2, %add3A : i32
      %multiple_of3A = tpu.assume_multiple %add3A_37, 8 : i32
      %dma_start3A_38 = arith.constant 0 : i32
      %dma_start3A_39 = tpu.memref_slice %arg2[%arg0, %multiple_of3A, %dma_start3A_38] : memref<2x320000x128xf32, #tpu.memory_space<hbm>> -> memref<1x80x128xf32, #tpu.memory_space<hbm>>
      %dma_start3A_40 = tpu.memref_squeeze %dma_start3A_39 : memref<1x80x128xf32, #tpu.memory_space<hbm>> -> memref<80x128xf32, #tpu.memory_space<hbm>>
      %dma_start3A_41 = arith.constant 0 : i32
      %dma_start3A_42 = tpu.memref_slice %arg2[%arg0, %multiple_of3A, %dma_start3A_41] : memref<2x320000x128xf32, #tpu.memory_space<hbm>> -> memref<1x80x128xf32, #tpu.memory_space<hbm>>
      %dma_start3A_43 = tpu.memref_squeeze %dma_start3A_42 : memref<1x80x128xf32, #tpu.memory_space<hbm>> -> memref<80x128xf32, #tpu.memory_space<hbm>>
      tpu.enqueue_dma source(%dma_start3A_43 : memref<80x128xf32, #tpu.memory_space<hbm>>) target(%arg9 : memref<80x128xf32, #tpu.memory_space<vmem>>) target_semaphore(%arg16 : memref<!tpu.dma_semaphore, #tpu.memory_space<semaphore_mem>>)
      %scan3A = arith.constant 0 : i32
      %scan3A_44 = arith.constant 0 : i32
      %scan3A_45 = arith.constant 125 : i32
      %scan3A_46 = arith.addi %scan3A_44, %scan3A_45 : i32
      %scan3A_47 = arith.constant 1 : i32
      scf.for %scan3A_56 = %scan3A_44 to %scan3A_46 step %scan3A_47  : i32 {
        %mul3A_57 = arith.constant 2 : i32
        %mul3A_58 = arith.muli %mul3A_57, %scan3A_56 : i32
        %add3A_59 = arith.constant 0 : i32
        %add3A_60 = arith.addi %mul3A_58, %add3A_59 : i32
        %ge3A = arith.constant 1 : i32
        %ge3A_61 = arith.cmpi sge, %add3A_60, %ge3A : i32
        %convert_element_type3A_62 = arith.extui %ge3A_61 : i1 to i32
        %cond3A_63 = arith.constant 0 : i32
        %cond3A_64 = arith.cmpi ne, %convert_element_type3A_62, %cond3A_63 : i32
        scf.if %cond3A_64 {
          %dma_wait3A_128 = arith.constant 0 : i32
          %dma_wait3A_129 = arith.constant 0 : i32
          %dma_wait3A_130 = arith.constant 0 : i32
          %dma_wait3A_131 = arith.constant 0 : i32
          %dma_wait3A_132 = tpu.memref_slice %arg7[%dma_wait3A_129, %dma_wait3A_130, %dma_wait3A_131] : memref<2x1x80xi32, #tpu.memory_space<vmem>> -> memref<1x1x80xi32, #tpu.memory_space<vmem>>
          %dma_wait3A_133 = tpu.memref_squeeze %dma_wait3A_132 : memref<1x1x80xi32, #tpu.memory_space<vmem>> -> memref<1x80xi32, #tpu.memory_space<vmem>>
          %dma_wait3A_134 = arith.constant 0 : i32
          %dma_wait3A_135 = arith.constant 0 : i32
          %dma_wait3A_136 = tpu.memref_slice %arg3[%arg1, %dma_wait3A_128, %dma_wait3A_134, %dma_wait3A_135] : memref<16x250x1x80xi32, #tpu.memory_space<hbm>> -> memref<1x1x1x80xi32, #tpu.memory_space<hbm>>
          %dma_wait3A_137 = tpu.memref_squeeze %dma_wait3A_136 : memref<1x1x1x80xi32, #tpu.memory_space<hbm>> -> memref<1x80xi32, #tpu.memory_space<hbm>>
          %dma_wait3A_138 = arith.constant 0 : i32
          %dma_wait3A_139 = arith.constant 0 : i32
          %dma_wait3A_140 = tpu.memref_slice %arg7[%dma_wait3A_129, %dma_wait3A_138, %dma_wait3A_139] : memref<2x1x80xi32, #tpu.memory_space<vmem>> -> memref<1x1x80xi32, #tpu.memory_space<vmem>>
          %dma_wait3A_141 = tpu.memref_squeeze %dma_wait3A_140 : memref<1x1x80xi32, #tpu.memory_space<vmem>> -> memref<1x80xi32, #tpu.memory_space<vmem>>
          %dma_wait3A_142 = arith.constant 0 : i32
          %dma_wait3A_143 = arith.constant 0 : i32
          %dma_wait3A_144 = tpu.memref_slice %arg3[%arg1, %dma_wait3A_128, %dma_wait3A_142, %dma_wait3A_143] : memref<16x250x1x80xi32, #tpu.memory_space<hbm>> -> memref<1x1x1x80xi32, #tpu.memory_space<hbm>>
          %dma_wait3A_145 = tpu.memref_squeeze %dma_wait3A_144 : memref<1x1x1x80xi32, #tpu.memory_space<hbm>> -> memref<1x80xi32, #tpu.memory_space<hbm>>
          tpu.wait_dma2 semaphore(%arg11 : memref<!tpu.dma_semaphore, #tpu.memory_space<semaphore_mem>>) src(%dma_wait3A_145 : memref<1x80xi32, #tpu.memory_space<hbm>>) dst(%dma_wait3A_141 : memref<1x80xi32, #tpu.memory_space<vmem>>)
        } else {
        }
        %ge3A_65 = arith.constant 1 : i32
        %ge3A_66 = arith.cmpi sge, %add3A_60, %ge3A_65 : i32
        %convert_element_type3A_67 = arith.extui %ge3A_66 : i1 to i32
        %cond3A_68 = arith.constant 0 : i32
        %cond3A_69 = arith.cmpi ne, %convert_element_type3A_67, %cond3A_68 : i32
        scf.if %cond3A_69 {
          %dma_wait3A_128 = arith.constant 0 : i32
          %dma_wait3A_129 = tpu.memref_slice %arg2[%arg0, %mul3A_2, %dma_wait3A_128] : memref<2x320000x128xf32, #tpu.memory_space<hbm>> -> memref<1x80x128xf32, #tpu.memory_space<hbm>>
          %dma_wait3A_130 = tpu.memref_squeeze %dma_wait3A_129 : memref<1x80x128xf32, #tpu.memory_space<hbm>> -> memref<80x128xf32, #tpu.memory_space<hbm>>
          %dma_wait3A_131 = arith.constant 0 : i32
          %dma_wait3A_132 = tpu.memref_slice %arg2[%arg0, %mul3A_2, %dma_wait3A_131] : memref<2x320000x128xf32, #tpu.memory_space<hbm>> -> memref<1x80x128xf32, #tpu.memory_space<hbm>>
          %dma_wait3A_133 = tpu.memref_squeeze %dma_wait3A_132 : memref<1x80x128xf32, #tpu.memory_space<hbm>> -> memref<80x128xf32, #tpu.memory_space<hbm>>
          tpu.wait_dma2 semaphore(%arg15 : memref<!tpu.dma_semaphore, #tpu.memory_space<semaphore_mem>>) src(%dma_wait3A_133 : memref<80x128xf32, #tpu.memory_space<hbm>>) dst(%arg8 : memref<80x128xf32, #tpu.memory_space<vmem>>)
        } else {
        }
        %ge3A_70 = arith.constant 1 : i32
        %ge3A_71 = arith.cmpi sge, %add3A_60, %ge3A_70 : i32
        %convert_element_type3A_72 = arith.extui %ge3A_71 : i1 to i32
        %cond3A_73 = arith.constant 0 : i32
        %cond3A_74 = arith.cmpi ne, %convert_element_type3A_72, %cond3A_73 : i32
        scf.if %cond3A_74 {
          %dma_wait3A_128 = arith.constant 1 : i32
          %dma_wait3A_129 = arith.constant 0 : i32
          %dma_wait3A_130 = arith.constant 0 : i32
          %dma_wait3A_131 = tpu.memref_slice %arg7[%dma_wait3A_128, %dma_wait3A_129, %dma_wait3A_130] : memref<2x1x80xi32, #tpu.memory_space<vmem>> -> memref<1x1x80xi32, #tpu.memory_space<vmem>>
          %dma_wait3A_132 = tpu.memref_squeeze %dma_wait3A_131 : memref<1x1x80xi32, #tpu.memory_space<vmem>> -> memref<80xi32, #tpu.memory_space<vmem>>
          %dma_wait3A_133 = arith.constant 0 : i32
          %dma_wait3A_134 = arith.constant 0 : i32
          %dma_wait3A_135 = tpu.memref_slice %arg10[%dma_wait3A_133, %dma_wait3A_134] : memref<10000x128xf32, #tpu.memory_space<vmem_shared>> -> memref<10000x128xf32, #tpu.memory_space<vmem_shared>>
          tpu.wait_indirect_dma semaphore(%arg14 : memref<!tpu.dma_semaphore, #tpu.memory_space<semaphore_mem>>) src(%arg9 : memref<80x128xf32, #tpu.memory_space<vmem>>) dst(%dma_wait3A_135 : memref<10000x128xf32, #tpu.memory_space<vmem_shared>>)
        } else {
        }
        %dma_start3A_75 = arith.constant 0 : i32
        %dma_start3A_76 = arith.constant 0 : i32
        %dma_start3A_77 = arith.constant 0 : i32
        %dma_start3A_78 = tpu.memref_slice %arg7[%dma_start3A_75, %dma_start3A_76, %dma_start3A_77] : memref<2x1x80xi32, #tpu.memory_space<vmem>> -> memref<1x1x80xi32, #tpu.memory_space<vmem>>
        %dma_start3A_79 = tpu.memref_squeeze %dma_start3A_78 : memref<1x1x80xi32, #tpu.memory_space<vmem>> -> memref<80xi32, #tpu.memory_space<vmem>>
        %dma_start3A_80 = arith.constant 0 : i32
        %dma_start3A_81 = arith.constant 0 : i32
        %dma_start3A_82 = tpu.memref_slice %arg10[%dma_start3A_80, %dma_start3A_81] : memref<10000x128xf32, #tpu.memory_space<vmem_shared>> -> memref<10000x128xf32, #tpu.memory_space<vmem_shared>>
        tpu.enqueue_indirect_dma source(%arg8 : memref<80x128xf32, #tpu.memory_space<vmem>>) target(%dma_start3A_82 : memref<10000x128xf32, #tpu.memory_space<vmem_shared>>) offsets(%dma_start3A_79 : memref<80xi32, #tpu.memory_space<vmem>>) semaphore(%arg13 : memref<!tpu.dma_semaphore, #tpu.memory_space<semaphore_mem>>) {add = true}
        %ge3A_83 = arith.constant 1 : i32
        %ge3A_84 = arith.cmpi sge, %add3A_60, %ge3A_83 : i32
        %add3A_85 = arith.constant 1 : i32
        %add3A_86 = arith.addi %add3A_60, %add3A_85 : i32
        %lt3A = arith.constant 250 : i32
        %lt3A_87 = arith.cmpi slt, %add3A_86, %lt3A : i32
        %and3A = arith.andi %ge3A_84, %lt3A_87 : i1
        %convert_element_type3A_88 = arith.extui %and3A : i1 to i32
        %cond3A_89 = arith.constant 0 : i32
        %cond3A_90 = arith.cmpi ne, %convert_element_type3A_88, %cond3A_89 : i32
        scf.if %cond3A_90 {
          %add3A_128 = arith.constant 1 : i32
          %add3A_129 = arith.addi %add3A_60, %add3A_128 : i32
          %mul3A_130 = arith.constant 80 : i32
          %mul3A_131 = arith.muli %add3A_129, %mul3A_130 : i32
          %add3A_132 = arith.addi %mul3A_2, %mul3A_131 : i32
          %multiple_of3A_133 = tpu.assume_multiple %add3A_132, 8 : i32
          %add3A_134 = arith.constant 1 : i32
          %add3A_135 = arith.addi %add3A_60, %add3A_134 : i32
          %dma_start3A_136 = arith.constant 1 : i32
          %dma_start3A_137 = arith.constant 0 : i32
          %dma_start3A_138 = arith.constant 0 : i32
          %dma_start3A_139 = tpu.memref_slice %arg7[%dma_start3A_136, %dma_start3A_137, %dma_start3A_138] : memref<2x1x80xi32, #tpu.memory_space<vmem>> -> memref<1x1x80xi32, #tpu.memory_space<vmem>>
          %dma_start3A_140 = tpu.memref_squeeze %dma_start3A_139 : memref<1x1x80xi32, #tpu.memory_space<vmem>> -> memref<1x80xi32, #tpu.memory_space<vmem>>
          %dma_start3A_141 = arith.constant 0 : i32
          %dma_start3A_142 = arith.constant 0 : i32
          %dma_start3A_143 = tpu.memref_slice %arg3[%arg1, %add3A_135, %dma_start3A_141, %dma_start3A_142] : memref<16x250x1x80xi32, #tpu.memory_space<hbm>> -> memref<1x1x1x80xi32, #tpu.memory_space<hbm>>
          %dma_start3A_144 = tpu.memref_squeeze %dma_start3A_143 : memref<1x1x1x80xi32, #tpu.memory_space<hbm>> -> memref<1x80xi32, #tpu.memory_space<hbm>>
          %dma_start3A_145 = arith.constant 0 : i32
          %dma_start3A_146 = arith.constant 0 : i32
          %dma_start3A_147 = tpu.memref_slice %arg7[%dma_start3A_136, %dma_start3A_145, %dma_start3A_146] : memref<2x1x80xi32, #tpu.memory_space<vmem>> -> memref<1x1x80xi32, #tpu.memory_space<vmem>>
          %dma_start3A_148 = tpu.memref_squeeze %dma_start3A_147 : memref<1x1x80xi32, #tpu.memory_space<vmem>> -> memref<1x80xi32, #tpu.memory_space<vmem>>
          %dma_start3A_149 = arith.constant 0 : i32
          %dma_start3A_150 = arith.constant 0 : i32
          %dma_start3A_151 = tpu.memref_slice %arg3[%arg1, %add3A_135, %dma_start3A_149, %dma_start3A_150] : memref<16x250x1x80xi32, #tpu.memory_space<hbm>> -> memref<1x1x1x80xi32, #tpu.memory_space<hbm>>
          %dma_start3A_152 = tpu.memref_squeeze %dma_start3A_151 : memref<1x1x1x80xi32, #tpu.memory_space<hbm>> -> memref<1x80xi32, #tpu.memory_space<hbm>>
          tpu.enqueue_dma source(%dma_start3A_152 : memref<1x80xi32, #tpu.memory_space<hbm>>) target(%dma_start3A_148 : memref<1x80xi32, #tpu.memory_space<vmem>>) target_semaphore(%arg12 : memref<!tpu.dma_semaphore, #tpu.memory_space<semaphore_mem>>)
          %dma_start3A_153 = arith.constant 0 : i32
          %dma_start3A_154 = tpu.memref_slice %arg2[%arg0, %multiple_of3A_133, %dma_start3A_153] : memref<2x320000x128xf32, #tpu.memory_space<hbm>> -> memref<1x80x128xf32, #tpu.memory_space<hbm>>
          %dma_start3A_155 = tpu.memref_squeeze %dma_start3A_154 : memref<1x80x128xf32, #tpu.memory_space<hbm>> -> memref<80x128xf32, #tpu.memory_space<hbm>>
          %dma_start3A_156 = arith.constant 0 : i32
          %dma_start3A_157 = tpu.memref_slice %arg2[%arg0, %multiple_of3A_133, %dma_start3A_156] : memref<2x320000x128xf32, #tpu.memory_space<hbm>> -> memref<1x80x128xf32, #tpu.memory_space<hbm>>
          %dma_start3A_158 = tpu.memref_squeeze %dma_start3A_157 : memref<1x80x128xf32, #tpu.memory_space<hbm>> -> memref<80x128xf32, #tpu.memory_space<hbm>>
          tpu.enqueue_dma source(%dma_start3A_158 : memref<80x128xf32, #tpu.memory_space<hbm>>) target(%arg9 : memref<80x128xf32, #tpu.memory_space<vmem>>) target_semaphore(%arg16 : memref<!tpu.dma_semaphore, #tpu.memory_space<semaphore_mem>>)
        } else {
        }
        %mul3A_91 = arith.constant 2 : i32
        %mul3A_92 = arith.muli %mul3A_91, %scan3A_56 : i32
        %add3A_93 = arith.constant 1 : i32
        %add3A_94 = arith.addi %mul3A_92, %add3A_93 : i32
        %ge3A_95 = arith.constant 1 : i32
        %ge3A_96 = arith.cmpi sge, %add3A_94, %ge3A_95 : i32
        %convert_element_type3A_97 = arith.extui %ge3A_96 : i1 to i32
        %cond3A_98 = arith.constant 0 : i32
        %cond3A_99 = arith.cmpi ne, %convert_element_type3A_97, %cond3A_98 : i32
        scf.if %cond3A_99 {
          %dma_wait3A_128 = arith.constant 0 : i32
          %dma_wait3A_129 = arith.constant 1 : i32
          %dma_wait3A_130 = arith.constant 0 : i32
          %dma_wait3A_131 = arith.constant 0 : i32
          %dma_wait3A_132 = tpu.memref_slice %arg7[%dma_wait3A_129, %dma_wait3A_130, %dma_wait3A_131] : memref<2x1x80xi32, #tpu.memory_space<vmem>> -> memref<1x1x80xi32, #tpu.memory_space<vmem>>
          %dma_wait3A_133 = tpu.memref_squeeze %dma_wait3A_132 : memref<1x1x80xi32, #tpu.memory_space<vmem>> -> memref<1x80xi32, #tpu.memory_space<vmem>>
          %dma_wait3A_134 = arith.constant 0 : i32
          %dma_wait3A_135 = arith.constant 0 : i32
          %dma_wait3A_136 = tpu.memref_slice %arg3[%arg1, %dma_wait3A_128, %dma_wait3A_134, %dma_wait3A_135] : memref<16x250x1x80xi32, #tpu.memory_space<hbm>> -> memref<1x1x1x80xi32, #tpu.memory_space<hbm>>
          %dma_wait3A_137 = tpu.memref_squeeze %dma_wait3A_136 : memref<1x1x1x80xi32, #tpu.memory_space<hbm>> -> memref<1x80xi32, #tpu.memory_space<hbm>>
          %dma_wait3A_138 = arith.constant 0 : i32
          %dma_wait3A_139 = arith.constant 0 : i32
          %dma_wait3A_140 = tpu.memref_slice %arg7[%dma_wait3A_129, %dma_wait3A_138, %dma_wait3A_139] : memref<2x1x80xi32, #tpu.memory_space<vmem>> -> memref<1x1x80xi32, #tpu.memory_space<vmem>>
          %dma_wait3A_141 = tpu.memref_squeeze %dma_wait3A_140 : memref<1x1x80xi32, #tpu.memory_space<vmem>> -> memref<1x80xi32, #tpu.memory_space<vmem>>
          %dma_wait3A_142 = arith.constant 0 : i32
          %dma_wait3A_143 = arith.constant 0 : i32
          %dma_wait3A_144 = tpu.memref_slice %arg3[%arg1, %dma_wait3A_128, %dma_wait3A_142, %dma_wait3A_143] : memref<16x250x1x80xi32, #tpu.memory_space<hbm>> -> memref<1x1x1x80xi32, #tpu.memory_space<hbm>>
          %dma_wait3A_145 = tpu.memref_squeeze %dma_wait3A_144 : memref<1x1x1x80xi32, #tpu.memory_space<hbm>> -> memref<1x80xi32, #tpu.memory_space<hbm>>
          tpu.wait_dma2 semaphore(%arg12 : memref<!tpu.dma_semaphore, #tpu.memory_space<semaphore_mem>>) src(%dma_wait3A_145 : memref<1x80xi32, #tpu.memory_space<hbm>>) dst(%dma_wait3A_141 : memref<1x80xi32, #tpu.memory_space<vmem>>)
        } else {
        }
        %ge3A_100 = arith.constant 1 : i32
        %ge3A_101 = arith.cmpi sge, %add3A_94, %ge3A_100 : i32
        %convert_element_type3A_102 = arith.extui %ge3A_101 : i1 to i32
        %cond3A_103 = arith.constant 0 : i32
        %cond3A_104 = arith.cmpi ne, %convert_element_type3A_102, %cond3A_103 : i32
        scf.if %cond3A_104 {
          %dma_wait3A_128 = arith.constant 0 : i32
          %dma_wait3A_129 = tpu.memref_slice %arg2[%arg0, %mul3A_2, %dma_wait3A_128] : memref<2x320000x128xf32, #tpu.memory_space<hbm>> -> memref<1x80x128xf32, #tpu.memory_space<hbm>>
          %dma_wait3A_130 = tpu.memref_squeeze %dma_wait3A_129 : memref<1x80x128xf32, #tpu.memory_space<hbm>> -> memref<80x128xf32, #tpu.memory_space<hbm>>
          %dma_wait3A_131 = arith.constant 0 : i32
          %dma_wait3A_132 = tpu.memref_slice %arg2[%arg0, %mul3A_2, %dma_wait3A_131] : memref<2x320000x128xf32, #tpu.memory_space<hbm>> -> memref<1x80x128xf32, #tpu.memory_space<hbm>>
          %dma_wait3A_133 = tpu.memref_squeeze %dma_wait3A_132 : memref<1x80x128xf32, #tpu.memory_space<hbm>> -> memref<80x128xf32, #tpu.memory_space<hbm>>
          tpu.wait_dma2 semaphore(%arg16 : memref<!tpu.dma_semaphore, #tpu.memory_space<semaphore_mem>>) src(%dma_wait3A_133 : memref<80x128xf32, #tpu.memory_space<hbm>>) dst(%arg9 : memref<80x128xf32, #tpu.memory_space<vmem>>)
        } else {
        }
        %ge3A_105 = arith.constant 1 : i32
        %ge3A_106 = arith.cmpi sge, %add3A_94, %ge3A_105 : i32
        %convert_element_type3A_107 = arith.extui %ge3A_106 : i1 to i32
        %cond3A_108 = arith.constant 0 : i32
        %cond3A_109 = arith.cmpi ne, %convert_element_type3A_107, %cond3A_108 : i32
        scf.if %cond3A_109 {
          %dma_wait3A_128 = arith.constant 0 : i32
          %dma_wait3A_129 = arith.constant 0 : i32
          %dma_wait3A_130 = arith.constant 0 : i32
          %dma_wait3A_131 = tpu.memref_slice %arg7[%dma_wait3A_128, %dma_wait3A_129, %dma_wait3A_130] : memref<2x1x80xi32, #tpu.memory_space<vmem>> -> memref<1x1x80xi32, #tpu.memory_space<vmem>>
          %dma_wait3A_132 = tpu.memref_squeeze %dma_wait3A_131 : memref<1x1x80xi32, #tpu.memory_space<vmem>> -> memref<80xi32, #tpu.memory_space<vmem>>
          %dma_wait3A_133 = arith.constant 0 : i32
          %dma_wait3A_134 = arith.constant 0 : i32
          %dma_wait3A_135 = tpu.memref_slice %arg10[%dma_wait3A_133, %dma_wait3A_134] : memref<10000x128xf32, #tpu.memory_space<vmem_shared>> -> memref<10000x128xf32, #tpu.memory_space<vmem_shared>>
          tpu.wait_indirect_dma semaphore(%arg13 : memref<!tpu.dma_semaphore, #tpu.memory_space<semaphore_mem>>) src(%arg8 : memref<80x128xf32, #tpu.memory_space<vmem>>) dst(%dma_wait3A_135 : memref<10000x128xf32, #tpu.memory_space<vmem_shared>>)
        } else {
        }
        %dma_start3A_110 = arith.constant 1 : i32
        %dma_start3A_111 = arith.constant 0 : i32
        %dma_start3A_112 = arith.constant 0 : i32
        %dma_start3A_113 = tpu.memref_slice %arg7[%dma_start3A_110, %dma_start3A_111, %dma_start3A_112] : memref<2x1x80xi32, #tpu.memory_space<vmem>> -> memref<1x1x80xi32, #tpu.memory_space<vmem>>
        %dma_start3A_114 = tpu.memref_squeeze %dma_start3A_113 : memref<1x1x80xi32, #tpu.memory_space<vmem>> -> memref<80xi32, #tpu.memory_space<vmem>>
        %dma_start3A_115 = arith.constant 0 : i32
        %dma_start3A_116 = arith.constant 0 : i32
        %dma_start3A_117 = tpu.memref_slice %arg10[%dma_start3A_115, %dma_start3A_116] : memref<10000x128xf32, #tpu.memory_space<vmem_shared>> -> memref<10000x128xf32, #tpu.memory_space<vmem_shared>>
        tpu.enqueue_indirect_dma source(%arg9 : memref<80x128xf32, #tpu.memory_space<vmem>>) target(%dma_start3A_117 : memref<10000x128xf32, #tpu.memory_space<vmem_shared>>) offsets(%dma_start3A_114 : memref<80xi32, #tpu.memory_space<vmem>>) semaphore(%arg14 : memref<!tpu.dma_semaphore, #tpu.memory_space<semaphore_mem>>) {add = true}
        %ge3A_118 = arith.constant 1 : i32
        %ge3A_119 = arith.cmpi sge, %add3A_94, %ge3A_118 : i32
        %add3A_120 = arith.constant 1 : i32
        %add3A_121 = arith.addi %add3A_94, %add3A_120 : i32
        %lt3A_122 = arith.constant 250 : i32
        %lt3A_123 = arith.cmpi slt, %add3A_121, %lt3A_122 : i32
        %and3A_124 = arith.andi %ge3A_119, %lt3A_123 : i1
        %convert_element_type3A_125 = arith.extui %and3A_124 : i1 to i32
        %cond3A_126 = arith.constant 0 : i32
        %cond3A_127 = arith.cmpi ne, %convert_element_type3A_125, %cond3A_126 : i32
        scf.if %cond3A_127 {
          %add3A_128 = arith.constant 1 : i32
          %add3A_129 = arith.addi %add3A_94, %add3A_128 : i32
          %mul3A_130 = arith.constant 80 : i32
          %mul3A_131 = arith.muli %add3A_129, %mul3A_130 : i32
          %add3A_132 = arith.addi %mul3A_2, %mul3A_131 : i32
          %multiple_of3A_133 = tpu.assume_multiple %add3A_132, 8 : i32
          %add3A_134 = arith.constant 1 : i32
          %add3A_135 = arith.addi %add3A_94, %add3A_134 : i32
          %dma_start3A_136 = arith.constant 0 : i32
          %dma_start3A_137 = arith.constant 0 : i32
          %dma_start3A_138 = arith.constant 0 : i32
          %dma_start3A_139 = tpu.memref_slice %arg7[%dma_start3A_136, %dma_start3A_137, %dma_start3A_138] : memref<2x1x80xi32, #tpu.memory_space<vmem>> -> memref<1x1x80xi32, #tpu.memory_space<vmem>>
          %dma_start3A_140 = tpu.memref_squeeze %dma_start3A_139 : memref<1x1x80xi32, #tpu.memory_space<vmem>> -> memref<1x80xi32, #tpu.memory_space<vmem>>
          %dma_start3A_141 = arith.constant 0 : i32
          %dma_start3A_142 = arith.constant 0 : i32
          %dma_start3A_143 = tpu.memref_slice %arg3[%arg1, %add3A_135, %dma_start3A_141, %dma_start3A_142] : memref<16x250x1x80xi32, #tpu.memory_space<hbm>> -> memref<1x1x1x80xi32, #tpu.memory_space<hbm>>
          %dma_start3A_144 = tpu.memref_squeeze %dma_start3A_143 : memref<1x1x1x80xi32, #tpu.memory_space<hbm>> -> memref<1x80xi32, #tpu.memory_space<hbm>>
          %dma_start3A_145 = arith.constant 0 : i32
          %dma_start3A_146 = arith.constant 0 : i32
          %dma_start3A_147 = tpu.memref_slice %arg7[%dma_start3A_136, %dma_start3A_145, %dma_start3A_146] : memref<2x1x80xi32, #tpu.memory_space<vmem>> -> memref<1x1x80xi32, #tpu.memory_space<vmem>>
          %dma_start3A_148 = tpu.memref_squeeze %dma_start3A_147 : memref<1x1x80xi32, #tpu.memory_space<vmem>> -> memref<1x80xi32, #tpu.memory_space<vmem>>
          %dma_start3A_149 = arith.constant 0 : i32
          %dma_start3A_150 = arith.constant 0 : i32
          %dma_start3A_151 = tpu.memref_slice %arg3[%arg1, %add3A_135, %dma_start3A_149, %dma_start3A_150] : memref<16x250x1x80xi32, #tpu.memory_space<hbm>> -> memref<1x1x1x80xi32, #tpu.memory_space<hbm>>
          %dma_start3A_152 = tpu.memref_squeeze %dma_start3A_151 : memref<1x1x1x80xi32, #tpu.memory_space<hbm>> -> memref<1x80xi32, #tpu.memory_space<hbm>>
          tpu.enqueue_dma source(%dma_start3A_152 : memref<1x80xi32, #tpu.memory_space<hbm>>) target(%dma_start3A_148 : memref<1x80xi32, #tpu.memory_space<vmem>>) target_semaphore(%arg11 : memref<!tpu.dma_semaphore, #tpu.memory_space<semaphore_mem>>)
          %dma_start3A_153 = arith.constant 0 : i32
          %dma_start3A_154 = tpu.memref_slice %arg2[%arg0, %multiple_of3A_133, %dma_start3A_153] : memref<2x320000x128xf32, #tpu.memory_space<hbm>> -> memref<1x80x128xf32, #tpu.memory_space<hbm>>
          %dma_start3A_155 = tpu.memref_squeeze %dma_start3A_154 : memref<1x80x128xf32, #tpu.memory_space<hbm>> -> memref<80x128xf32, #tpu.memory_space<hbm>>
          %dma_start3A_156 = arith.constant 0 : i32
          %dma_start3A_157 = tpu.memref_slice %arg2[%arg0, %multiple_of3A_133, %dma_start3A_156] : memref<2x320000x128xf32, #tpu.memory_space<hbm>> -> memref<1x80x128xf32, #tpu.memory_space<hbm>>
          %dma_start3A_158 = tpu.memref_squeeze %dma_start3A_157 : memref<1x80x128xf32, #tpu.memory_space<hbm>> -> memref<80x128xf32, #tpu.memory_space<hbm>>
          tpu.enqueue_dma source(%dma_start3A_158 : memref<80x128xf32, #tpu.memory_space<hbm>>) target(%arg8 : memref<80x128xf32, #tpu.memory_space<vmem>>) target_semaphore(%arg15 : memref<!tpu.dma_semaphore, #tpu.memory_space<semaphore_mem>>)
        } else {
        }
      }
      %scan3A_48 = arith.constant 125 : i32
      %dma_wait3A = arith.constant 1 : i32
      %dma_wait3A_49 = arith.constant 0 : i32
      %dma_wait3A_50 = arith.constant 0 : i32
      %dma_wait3A_51 = tpu.memref_slice %arg7[%dma_wait3A, %dma_wait3A_49, %dma_wait3A_50] : memref<2x1x80xi32, #tpu.memory_space<vmem>> -> memref<1x1x80xi32, #tpu.memory_space<vmem>>
      %dma_wait3A_52 = tpu.memref_squeeze %dma_wait3A_51 : memref<1x1x80xi32, #tpu.memory_space<vmem>> -> memref<80xi32, #tpu.memory_space<vmem>>
      %dma_wait3A_53 = arith.constant 0 : i32
      %dma_wait3A_54 = arith.constant 0 : i32
      %dma_wait3A_55 = tpu.memref_slice %arg10[%dma_wait3A_53, %dma_wait3A_54] : memref<10000x128xf32, #tpu.memory_space<vmem_shared>> -> memref<10000x128xf32, #tpu.memory_space<vmem_shared>>
      tpu.wait_indirect_dma semaphore(%arg14 : memref<!tpu.dma_semaphore, #tpu.memory_space<semaphore_mem>>) src(%arg9 : memref<80x128xf32, #tpu.memory_space<vmem>>) dst(%dma_wait3A_55 : memref<10000x128xf32, #tpu.memory_space<vmem_shared>>)
    } else {
    }
    %eq3A_8 = arith.constant 1 : i32
    %eq3A_9 = arith.cmpi eq, %arg0, %eq3A_8 : i32
    %convert_element_type3A_10 = arith.extui %eq3A_9 : i1 to i32
    %cond3A_11 = arith.constant 0 : i32
    %cond3A_12 = arith.cmpi ne, %convert_element_type3A_10, %cond3A_11 : i32
    scf.if %cond3A_12 {
      %run_scoped3A = arith.constant 0 : i32
      %run_scoped3A_19 = arith.constant 0 : i32
      "tpu.region"() ({
        %run_scoped3A_56 = tpu.sem_alloc : memref<!tpu.dma_semaphore, #tpu.memory_space<semaphore_mem>>
        %dma_start3A_57 = arith.constant 0 : i32
        %dma_start3A_58 = arith.constant 0 : i32
        %dma_start3A_59 = tpu.memref_slice %arg7[%run_scoped3A_19, %dma_start3A_57, %dma_start3A_58] : memref<2x1x80xi32, #tpu.memory_space<vmem>> -> memref<1x1x80xi32, #tpu.memory_space<vmem>>
        %dma_start3A_60 = tpu.memref_squeeze %dma_start3A_59 : memref<1x1x80xi32, #tpu.memory_space<vmem>> -> memref<1x80xi32, #tpu.memory_space<vmem>>
        %dma_start3A_61 = arith.constant 0 : i32
        %dma_start3A_62 = arith.constant 0 : i32
        %dma_start3A_63 = tpu.memref_slice %arg4[%arg1, %run_scoped3A, %dma_start3A_61, %dma_start3A_62] : memref<16x250x1x80xi32, #tpu.memory_space<hbm>> -> memref<1x1x1x80xi32, #tpu.memory_space<hbm>>
        %dma_start3A_64 = tpu.memref_squeeze %dma_start3A_63 : memref<1x1x1x80xi32, #tpu.memory_space<hbm>> -> memref<1x80xi32, #tpu.memory_space<hbm>>
        %dma_start3A_65 = arith.constant 0 : i32
        %dma_start3A_66 = arith.constant 0 : i32
        %dma_start3A_67 = tpu.memref_slice %arg7[%run_scoped3A_19, %dma_start3A_65, %dma_start3A_66] : memref<2x1x80xi32, #tpu.memory_space<vmem>> -> memref<1x1x80xi32, #tpu.memory_space<vmem>>
        %dma_start3A_68 = tpu.memref_squeeze %dma_start3A_67 : memref<1x1x80xi32, #tpu.memory_space<vmem>> -> memref<1x80xi32, #tpu.memory_space<vmem>>
        %dma_start3A_69 = arith.constant 0 : i32
        %dma_start3A_70 = arith.constant 0 : i32
        %dma_start3A_71 = tpu.memref_slice %arg4[%arg1, %run_scoped3A, %dma_start3A_69, %dma_start3A_70] : memref<16x250x1x80xi32, #tpu.memory_space<hbm>> -> memref<1x1x1x80xi32, #tpu.memory_space<hbm>>
        %dma_start3A_72 = tpu.memref_squeeze %dma_start3A_71 : memref<1x1x1x80xi32, #tpu.memory_space<hbm>> -> memref<1x80xi32, #tpu.memory_space<hbm>>
        tpu.enqueue_dma source(%dma_start3A_72 : memref<1x80xi32, #tpu.memory_space<hbm>>) target(%dma_start3A_68 : memref<1x80xi32, #tpu.memory_space<vmem>>) target_semaphore(%run_scoped3A_56 : memref<!tpu.dma_semaphore, #tpu.memory_space<semaphore_mem>>)
        %dma_wait3A_73 = arith.constant 0 : i32
        %dma_wait3A_74 = arith.constant 0 : i32
        %dma_wait3A_75 = tpu.memref_slice %arg7[%run_scoped3A_19, %dma_wait3A_73, %dma_wait3A_74] : memref<2x1x80xi32, #tpu.memory_space<vmem>> -> memref<1x1x80xi32, #tpu.memory_space<vmem>>
        %dma_wait3A_76 = tpu.memref_squeeze %dma_wait3A_75 : memref<1x1x80xi32, #tpu.memory_space<vmem>> -> memref<1x80xi32, #tpu.memory_space<vmem>>
        %dma_wait3A_77 = arith.constant 0 : i32
        %dma_wait3A_78 = arith.constant 0 : i32
        %dma_wait3A_79 = tpu.memref_slice %arg4[%arg1, %run_scoped3A, %dma_wait3A_77, %dma_wait3A_78] : memref<16x250x1x80xi32, #tpu.memory_space<hbm>> -> memref<1x1x1x80xi32, #tpu.memory_space<hbm>>
        %dma_wait3A_80 = tpu.memref_squeeze %dma_wait3A_79 : memref<1x1x1x80xi32, #tpu.memory_space<hbm>> -> memref<1x80xi32, #tpu.memory_space<hbm>>
        %dma_wait3A_81 = arith.constant 0 : i32
        %dma_wait3A_82 = arith.constant 0 : i32
        %dma_wait3A_83 = tpu.memref_slice %arg7[%run_scoped3A_19, %dma_wait3A_81, %dma_wait3A_82] : memref<2x1x80xi32, #tpu.memory_space<vmem>> -> memref<1x1x80xi32, #tpu.memory_space<vmem>>
        %dma_wait3A_84 = tpu.memref_squeeze %dma_wait3A_83 : memref<1x1x80xi32, #tpu.memory_space<vmem>> -> memref<1x80xi32, #tpu.memory_space<vmem>>
        %dma_wait3A_85 = arith.constant 0 : i32
        %dma_wait3A_86 = arith.constant 0 : i32
        %dma_wait3A_87 = tpu.memref_slice %arg4[%arg1, %run_scoped3A, %dma_wait3A_85, %dma_wait3A_86] : memref<16x250x1x80xi32, #tpu.memory_space<hbm>> -> memref<1x1x1x80xi32, #tpu.memory_space<hbm>>
        %dma_wait3A_88 = tpu.memref_squeeze %dma_wait3A_87 : memref<1x1x1x80xi32, #tpu.memory_space<hbm>> -> memref<1x80xi32, #tpu.memory_space<hbm>>
        tpu.wait_dma2 semaphore(%run_scoped3A_56 : memref<!tpu.dma_semaphore, #tpu.memory_space<semaphore_mem>>) src(%dma_wait3A_88 : memref<1x80xi32, #tpu.memory_space<hbm>>) dst(%dma_wait3A_84 : memref<1x80xi32, #tpu.memory_space<vmem>>)
        tpu.yield
      }) : () -> ()
      "tpu.region"() ({
        %run_scoped3A_56 = tpu.sem_alloc : memref<!tpu.dma_semaphore, #tpu.memory_space<semaphore_mem>>
        %dma_start3A_57 = arith.constant 0 : i32
        %dma_start3A_58 = tpu.memref_slice %arg2[%arg0, %mul3A_2, %dma_start3A_57] : memref<2x320000x128xf32, #tpu.memory_space<hbm>> -> memref<1x80x128xf32, #tpu.memory_space<hbm>>
        %dma_start3A_59 = tpu.memref_squeeze %dma_start3A_58 : memref<1x80x128xf32, #tpu.memory_space<hbm>> -> memref<80x128xf32, #tpu.memory_space<hbm>>
        %dma_start3A_60 = arith.constant 0 : i32
        %dma_start3A_61 = tpu.memref_slice %arg2[%arg0, %mul3A_2, %dma_start3A_60] : memref<2x320000x128xf32, #tpu.memory_space<hbm>> -> memref<1x80x128xf32, #tpu.memory_space<hbm>>
        %dma_start3A_62 = tpu.memref_squeeze %dma_start3A_61 : memref<1x80x128xf32, #tpu.memory_space<hbm>> -> memref<80x128xf32, #tpu.memory_space<hbm>>
        tpu.enqueue_dma source(%dma_start3A_62 : memref<80x128xf32, #tpu.memory_space<hbm>>) target(%arg8 : memref<80x128xf32, #tpu.memory_space<vmem>>) target_semaphore(%run_scoped3A_56 : memref<!tpu.dma_semaphore, #tpu.memory_space<semaphore_mem>>)
        %dma_wait3A_63 = arith.constant 0 : i32
        %dma_wait3A_64 = tpu.memref_slice %arg2[%arg0, %mul3A_2, %dma_wait3A_63] : memref<2x320000x128xf32, #tpu.memory_space<hbm>> -> memref<1x80x128xf32, #tpu.memory_space<hbm>>
        %dma_wait3A_65 = tpu.memref_squeeze %dma_wait3A_64 : memref<1x80x128xf32, #tpu.memory_space<hbm>> -> memref<80x128xf32, #tpu.memory_space<hbm>>
        %dma_wait3A_66 = arith.constant 0 : i32
        %dma_wait3A_67 = tpu.memref_slice %arg2[%arg0, %mul3A_2, %dma_wait3A_66] : memref<2x320000x128xf32, #tpu.memory_space<hbm>> -> memref<1x80x128xf32, #tpu.memory_space<hbm>>
        %dma_wait3A_68 = tpu.memref_squeeze %dma_wait3A_67 : memref<1x80x128xf32, #tpu.memory_space<hbm>> -> memref<80x128xf32, #tpu.memory_space<hbm>>
        tpu.wait_dma2 semaphore(%run_scoped3A_56 : memref<!tpu.dma_semaphore, #tpu.memory_space<semaphore_mem>>) src(%dma_wait3A_68 : memref<80x128xf32, #tpu.memory_space<hbm>>) dst(%arg8 : memref<80x128xf32, #tpu.memory_space<vmem>>)
        tpu.yield
      }) : () -> ()
      %dma_start3A = arith.constant 1 : i32
      %dma_start3A_20 = arith.constant 1 : i32
      %dma_start3A_21 = arith.constant 0 : i32
      %dma_start3A_22 = arith.constant 0 : i32
      %dma_start3A_23 = tpu.memref_slice %arg7[%dma_start3A_20, %dma_start3A_21, %dma_start3A_22] : memref<2x1x80xi32, #tpu.memory_space<vmem>> -> memref<1x1x80xi32, #tpu.memory_space<vmem>>
      %dma_start3A_24 = tpu.memref_squeeze %dma_start3A_23 : memref<1x1x80xi32, #tpu.memory_space<vmem>> -> memref<1x80xi32, #tpu.memory_space<vmem>>
      %dma_start3A_25 = arith.constant 0 : i32
      %dma_start3A_26 = arith.constant 0 : i32
      %dma_start3A_27 = tpu.memref_slice %arg4[%arg1, %dma_start3A, %dma_start3A_25, %dma_start3A_26] : memref<16x250x1x80xi32, #tpu.memory_space<hbm>> -> memref<1x1x1x80xi32, #tpu.memory_space<hbm>>
      %dma_start3A_28 = tpu.memref_squeeze %dma_start3A_27 : memref<1x1x1x80xi32, #tpu.memory_space<hbm>> -> memref<1x80xi32, #tpu.memory_space<hbm>>
      %dma_start3A_29 = arith.constant 0 : i32
      %dma_start3A_30 = arith.constant 0 : i32
      %dma_start3A_31 = tpu.memref_slice %arg7[%dma_start3A_20, %dma_start3A_29, %dma_start3A_30] : memref<2x1x80xi32, #tpu.memory_space<vmem>> -> memref<1x1x80xi32, #tpu.memory_space<vmem>>
      %dma_start3A_32 = tpu.memref_squeeze %dma_start3A_31 : memref<1x1x80xi32, #tpu.memory_space<vmem>> -> memref<1x80xi32, #tpu.memory_space<vmem>>
      %dma_start3A_33 = arith.constant 0 : i32
      %dma_start3A_34 = arith.constant 0 : i32
      %dma_start3A_35 = tpu.memref_slice %arg4[%arg1, %dma_start3A, %dma_start3A_33, %dma_start3A_34] : memref<16x250x1x80xi32, #tpu.memory_space<hbm>> -> memref<1x1x1x80xi32, #tpu.memory_space<hbm>>
      %dma_start3A_36 = tpu.memref_squeeze %dma_start3A_35 : memref<1x1x1x80xi32, #tpu.memory_space<hbm>> -> memref<1x80xi32, #tpu.memory_space<hbm>>
      tpu.enqueue_dma source(%dma_start3A_36 : memref<1x80xi32, #tpu.memory_space<hbm>>) target(%dma_start3A_32 : memref<1x80xi32, #tpu.memory_space<vmem>>) target_semaphore(%arg12 : memref<!tpu.dma_semaphore, #tpu.memory_space<semaphore_mem>>)
      %add3A = arith.constant 80 : i32
      %add3A_37 = arith.addi %mul3A_2, %add3A : i32
      %multiple_of3A = tpu.assume_multiple %add3A_37, 8 : i32
      %dma_start3A_38 = arith.constant 0 : i32
      %dma_start3A_39 = tpu.memref_slice %arg2[%arg0, %multiple_of3A, %dma_start3A_38] : memref<2x320000x128xf32, #tpu.memory_space<hbm>> -> memref<1x80x128xf32, #tpu.memory_space<hbm>>
      %dma_start3A_40 = tpu.memref_squeeze %dma_start3A_39 : memref<1x80x128xf32, #tpu.memory_space<hbm>> -> memref<80x128xf32, #tpu.memory_space<hbm>>
      %dma_start3A_41 = arith.constant 0 : i32
      %dma_start3A_42 = tpu.memref_slice %arg2[%arg0, %multiple_of3A, %dma_start3A_41] : memref<2x320000x128xf32, #tpu.memory_space<hbm>> -> memref<1x80x128xf32, #tpu.memory_space<hbm>>
      %dma_start3A_43 = tpu.memref_squeeze %dma_start3A_42 : memref<1x80x128xf32, #tpu.memory_space<hbm>> -> memref<80x128xf32, #tpu.memory_space<hbm>>
      tpu.enqueue_dma source(%dma_start3A_43 : memref<80x128xf32, #tpu.memory_space<hbm>>) target(%arg9 : memref<80x128xf32, #tpu.memory_space<vmem>>) target_semaphore(%arg16 : memref<!tpu.dma_semaphore, #tpu.memory_space<semaphore_mem>>)
      %scan3A = arith.constant 0 : i32
      %scan3A_44 = arith.constant 0 : i32
      %scan3A_45 = arith.constant 125 : i32
      %scan3A_46 = arith.addi %scan3A_44, %scan3A_45 : i32
      %scan3A_47 = arith.constant 1 : i32
      scf.for %scan3A_56 = %scan3A_44 to %scan3A_46 step %scan3A_47  : i32 {
        %mul3A_57 = arith.constant 2 : i32
        %mul3A_58 = arith.muli %mul3A_57, %scan3A_56 : i32
        %add3A_59 = arith.constant 0 : i32
        %add3A_60 = arith.addi %mul3A_58, %add3A_59 : i32
        %ge3A = arith.constant 1 : i32
        %ge3A_61 = arith.cmpi sge, %add3A_60, %ge3A : i32
        %convert_element_type3A_62 = arith.extui %ge3A_61 : i1 to i32
        %cond3A_63 = arith.constant 0 : i32
        %cond3A_64 = arith.cmpi ne, %convert_element_type3A_62, %cond3A_63 : i32
        scf.if %cond3A_64 {
          %dma_wait3A_128 = arith.constant 0 : i32
          %dma_wait3A_129 = arith.constant 0 : i32
          %dma_wait3A_130 = arith.constant 0 : i32
          %dma_wait3A_131 = arith.constant 0 : i32
          %dma_wait3A_132 = tpu.memref_slice %arg7[%dma_wait3A_129, %dma_wait3A_130, %dma_wait3A_131] : memref<2x1x80xi32, #tpu.memory_space<vmem>> -> memref<1x1x80xi32, #tpu.memory_space<vmem>>
          %dma_wait3A_133 = tpu.memref_squeeze %dma_wait3A_132 : memref<1x1x80xi32, #tpu.memory_space<vmem>> -> memref<1x80xi32, #tpu.memory_space<vmem>>
          %dma_wait3A_134 = arith.constant 0 : i32
          %dma_wait3A_135 = arith.constant 0 : i32
          %dma_wait3A_136 = tpu.memref_slice %arg4[%arg1, %dma_wait3A_128, %dma_wait3A_134, %dma_wait3A_135] : memref<16x250x1x80xi32, #tpu.memory_space<hbm>> -> memref<1x1x1x80xi32, #tpu.memory_space<hbm>>
          %dma_wait3A_137 = tpu.memref_squeeze %dma_wait3A_136 : memref<1x1x1x80xi32, #tpu.memory_space<hbm>> -> memref<1x80xi32, #tpu.memory_space<hbm>>
          %dma_wait3A_138 = arith.constant 0 : i32
          %dma_wait3A_139 = arith.constant 0 : i32
          %dma_wait3A_140 = tpu.memref_slice %arg7[%dma_wait3A_129, %dma_wait3A_138, %dma_wait3A_139] : memref<2x1x80xi32, #tpu.memory_space<vmem>> -> memref<1x1x80xi32, #tpu.memory_space<vmem>>
          %dma_wait3A_141 = tpu.memref_squeeze %dma_wait3A_140 : memref<1x1x80xi32, #tpu.memory_space<vmem>> -> memref<1x80xi32, #tpu.memory_space<vmem>>
          %dma_wait3A_142 = arith.constant 0 : i32
          %dma_wait3A_143 = arith.constant 0 : i32
          %dma_wait3A_144 = tpu.memref_slice %arg4[%arg1, %dma_wait3A_128, %dma_wait3A_142, %dma_wait3A_143] : memref<16x250x1x80xi32, #tpu.memory_space<hbm>> -> memref<1x1x1x80xi32, #tpu.memory_space<hbm>>
          %dma_wait3A_145 = tpu.memref_squeeze %dma_wait3A_144 : memref<1x1x1x80xi32, #tpu.memory_space<hbm>> -> memref<1x80xi32, #tpu.memory_space<hbm>>
          tpu.wait_dma2 semaphore(%arg11 : memref<!tpu.dma_semaphore, #tpu.memory_space<semaphore_mem>>) src(%dma_wait3A_145 : memref<1x80xi32, #tpu.memory_space<hbm>>) dst(%dma_wait3A_141 : memref<1x80xi32, #tpu.memory_space<vmem>>)
        } else {
        }
        %ge3A_65 = arith.constant 1 : i32
        %ge3A_66 = arith.cmpi sge, %add3A_60, %ge3A_65 : i32
        %convert_element_type3A_67 = arith.extui %ge3A_66 : i1 to i32
        %cond3A_68 = arith.constant 0 : i32
        %cond3A_69 = arith.cmpi ne, %convert_element_type3A_67, %cond3A_68 : i32
        scf.if %cond3A_69 {
          %dma_wait3A_128 = arith.constant 0 : i32
          %dma_wait3A_129 = tpu.memref_slice %arg2[%arg0, %mul3A_2, %dma_wait3A_128] : memref<2x320000x128xf32, #tpu.memory_space<hbm>> -> memref<1x80x128xf32, #tpu.memory_space<hbm>>
          %dma_wait3A_130 = tpu.memref_squeeze %dma_wait3A_129 : memref<1x80x128xf32, #tpu.memory_space<hbm>> -> memref<80x128xf32, #tpu.memory_space<hbm>>
          %dma_wait3A_131 = arith.constant 0 : i32
          %dma_wait3A_132 = tpu.memref_slice %arg2[%arg0, %mul3A_2, %dma_wait3A_131] : memref<2x320000x128xf32, #tpu.memory_space<hbm>> -> memref<1x80x128xf32, #tpu.memory_space<hbm>>
          %dma_wait3A_133 = tpu.memref_squeeze %dma_wait3A_132 : memref<1x80x128xf32, #tpu.memory_space<hbm>> -> memref<80x128xf32, #tpu.memory_space<hbm>>
          tpu.wait_dma2 semaphore(%arg15 : memref<!tpu.dma_semaphore, #tpu.memory_space<semaphore_mem>>) src(%dma_wait3A_133 : memref<80x128xf32, #tpu.memory_space<hbm>>) dst(%arg8 : memref<80x128xf32, #tpu.memory_space<vmem>>)
        } else {
        }
        %ge3A_70 = arith.constant 1 : i32
        %ge3A_71 = arith.cmpi sge, %add3A_60, %ge3A_70 : i32
        %convert_element_type3A_72 = arith.extui %ge3A_71 : i1 to i32
        %cond3A_73 = arith.constant 0 : i32
        %cond3A_74 = arith.cmpi ne, %convert_element_type3A_72, %cond3A_73 : i32
        scf.if %cond3A_74 {
          %dma_wait3A_128 = arith.constant 1 : i32
          %dma_wait3A_129 = arith.constant 0 : i32
          %dma_wait3A_130 = arith.constant 0 : i32
          %dma_wait3A_131 = tpu.memref_slice %arg7[%dma_wait3A_128, %dma_wait3A_129, %dma_wait3A_130] : memref<2x1x80xi32, #tpu.memory_space<vmem>> -> memref<1x1x80xi32, #tpu.memory_space<vmem>>
          %dma_wait3A_132 = tpu.memref_squeeze %dma_wait3A_131 : memref<1x1x80xi32, #tpu.memory_space<vmem>> -> memref<80xi32, #tpu.memory_space<vmem>>
          %dma_wait3A_133 = arith.constant 0 : i32
          %dma_wait3A_134 = arith.constant 0 : i32
          %dma_wait3A_135 = tpu.memref_slice %arg10[%dma_wait3A_133, %dma_wait3A_134] : memref<10000x128xf32, #tpu.memory_space<vmem_shared>> -> memref<10000x128xf32, #tpu.memory_space<vmem_shared>>
          tpu.wait_indirect_dma semaphore(%arg14 : memref<!tpu.dma_semaphore, #tpu.memory_space<semaphore_mem>>) src(%arg9 : memref<80x128xf32, #tpu.memory_space<vmem>>) dst(%dma_wait3A_135 : memref<10000x128xf32, #tpu.memory_space<vmem_shared>>)
        } else {
        }
        %dma_start3A_75 = arith.constant 0 : i32
        %dma_start3A_76 = arith.constant 0 : i32
        %dma_start3A_77 = arith.constant 0 : i32
        %dma_start3A_78 = tpu.memref_slice %arg7[%dma_start3A_75, %dma_start3A_76, %dma_start3A_77] : memref<2x1x80xi32, #tpu.memory_space<vmem>> -> memref<1x1x80xi32, #tpu.memory_space<vmem>>
        %dma_start3A_79 = tpu.memref_squeeze %dma_start3A_78 : memref<1x1x80xi32, #tpu.memory_space<vmem>> -> memref<80xi32, #tpu.memory_space<vmem>>
        %dma_start3A_80 = arith.constant 0 : i32
        %dma_start3A_81 = arith.constant 0 : i32
        %dma_start3A_82 = tpu.memref_slice %arg10[%dma_start3A_80, %dma_start3A_81] : memref<10000x128xf32, #tpu.memory_space<vmem_shared>> -> memref<10000x128xf32, #tpu.memory_space<vmem_shared>>
        tpu.enqueue_indirect_dma source(%arg8 : memref<80x128xf32, #tpu.memory_space<vmem>>) target(%dma_start3A_82 : memref<10000x128xf32, #tpu.memory_space<vmem_shared>>) offsets(%dma_start3A_79 : memref<80xi32, #tpu.memory_space<vmem>>) semaphore(%arg13 : memref<!tpu.dma_semaphore, #tpu.memory_space<semaphore_mem>>) {add = true}
        %ge3A_83 = arith.constant 1 : i32
        %ge3A_84 = arith.cmpi sge, %add3A_60, %ge3A_83 : i32
        %add3A_85 = arith.constant 1 : i32
        %add3A_86 = arith.addi %add3A_60, %add3A_85 : i32
        %lt3A = arith.constant 250 : i32
        %lt3A_87 = arith.cmpi slt, %add3A_86, %lt3A : i32
        %and3A = arith.andi %ge3A_84, %lt3A_87 : i1
        %convert_element_type3A_88 = arith.extui %and3A : i1 to i32
        %cond3A_89 = arith.constant 0 : i32
        %cond3A_90 = arith.cmpi ne, %convert_element_type3A_88, %cond3A_89 : i32
        scf.if %cond3A_90 {
          %add3A_128 = arith.constant 1 : i32
          %add3A_129 = arith.addi %add3A_60, %add3A_128 : i32
          %mul3A_130 = arith.constant 80 : i32
          %mul3A_131 = arith.muli %add3A_129, %mul3A_130 : i32
          %add3A_132 = arith.addi %mul3A_2, %mul3A_131 : i32
          %multiple_of3A_133 = tpu.assume_multiple %add3A_132, 8 : i32
          %add3A_134 = arith.constant 1 : i32
          %add3A_135 = arith.addi %add3A_60, %add3A_134 : i32
          %dma_start3A_136 = arith.constant 1 : i32
          %dma_start3A_137 = arith.constant 0 : i32
          %dma_start3A_138 = arith.constant 0 : i32
          %dma_start3A_139 = tpu.memref_slice %arg7[%dma_start3A_136, %dma_start3A_137, %dma_start3A_138] : memref<2x1x80xi32, #tpu.memory_space<vmem>> -> memref<1x1x80xi32, #tpu.memory_space<vmem>>
          %dma_start3A_140 = tpu.memref_squeeze %dma_start3A_139 : memref<1x1x80xi32, #tpu.memory_space<vmem>> -> memref<1x80xi32, #tpu.memory_space<vmem>>
          %dma_start3A_141 = arith.constant 0 : i32
          %dma_start3A_142 = arith.constant 0 : i32
          %dma_start3A_143 = tpu.memref_slice %arg4[%arg1, %add3A_135, %dma_start3A_141, %dma_start3A_142] : memref<16x250x1x80xi32, #tpu.memory_space<hbm>> -> memref<1x1x1x80xi32, #tpu.memory_space<hbm>>
          %dma_start3A_144 = tpu.memref_squeeze %dma_start3A_143 : memref<1x1x1x80xi32, #tpu.memory_space<hbm>> -> memref<1x80xi32, #tpu.memory_space<hbm>>
          %dma_start3A_145 = arith.constant 0 : i32
          %dma_start3A_146 = arith.constant 0 : i32
          %dma_start3A_147 = tpu.memref_slice %arg7[%dma_start3A_136, %dma_start3A_145, %dma_start3A_146] : memref<2x1x80xi32, #tpu.memory_space<vmem>> -> memref<1x1x80xi32, #tpu.memory_space<vmem>>
          %dma_start3A_148 = tpu.memref_squeeze %dma_start3A_147 : memref<1x1x80xi32, #tpu.memory_space<vmem>> -> memref<1x80xi32, #tpu.memory_space<vmem>>
          %dma_start3A_149 = arith.constant 0 : i32
          %dma_start3A_150 = arith.constant 0 : i32
          %dma_start3A_151 = tpu.memref_slice %arg4[%arg1, %add3A_135, %dma_start3A_149, %dma_start3A_150] : memref<16x250x1x80xi32, #tpu.memory_space<hbm>> -> memref<1x1x1x80xi32, #tpu.memory_space<hbm>>
          %dma_start3A_152 = tpu.memref_squeeze %dma_start3A_151 : memref<1x1x1x80xi32, #tpu.memory_space<hbm>> -> memref<1x80xi32, #tpu.memory_space<hbm>>
          tpu.enqueue_dma source(%dma_start3A_152 : memref<1x80xi32, #tpu.memory_space<hbm>>) target(%dma_start3A_148 : memref<1x80xi32, #tpu.memory_space<vmem>>) target_semaphore(%arg12 : memref<!tpu.dma_semaphore, #tpu.memory_space<semaphore_mem>>)
          %dma_start3A_153 = arith.constant 0 : i32
          %dma_start3A_154 = tpu.memref_slice %arg2[%arg0, %multiple_of3A_133, %dma_start3A_153] : memref<2x320000x128xf32, #tpu.memory_space<hbm>> -> memref<1x80x128xf32, #tpu.memory_space<hbm>>
          %dma_start3A_155 = tpu.memref_squeeze %dma_start3A_154 : memref<1x80x128xf32, #tpu.memory_space<hbm>> -> memref<80x128xf32, #tpu.memory_space<hbm>>
          %dma_start3A_156 = arith.constant 0 : i32
          %dma_start3A_157 = tpu.memref_slice %arg2[%arg0, %multiple_of3A_133, %dma_start3A_156] : memref<2x320000x128xf32, #tpu.memory_space<hbm>> -> memref<1x80x128xf32, #tpu.memory_space<hbm>>
          %dma_start3A_158 = tpu.memref_squeeze %dma_start3A_157 : memref<1x80x128xf32, #tpu.memory_space<hbm>> -> memref<80x128xf32, #tpu.memory_space<hbm>>
          tpu.enqueue_dma source(%dma_start3A_158 : memref<80x128xf32, #tpu.memory_space<hbm>>) target(%arg9 : memref<80x128xf32, #tpu.memory_space<vmem>>) target_semaphore(%arg16 : memref<!tpu.dma_semaphore, #tpu.memory_space<semaphore_mem>>)
        } else {
        }
        %mul3A_91 = arith.constant 2 : i32
        %mul3A_92 = arith.muli %mul3A_91, %scan3A_56 : i32
        %add3A_93 = arith.constant 1 : i32
        %add3A_94 = arith.addi %mul3A_92, %add3A_93 : i32
        %ge3A_95 = arith.constant 1 : i32
        %ge3A_96 = arith.cmpi sge, %add3A_94, %ge3A_95 : i32
        %convert_element_type3A_97 = arith.extui %ge3A_96 : i1 to i32
        %cond3A_98 = arith.constant 0 : i32
        %cond3A_99 = arith.cmpi ne, %convert_element_type3A_97, %cond3A_98 : i32
        scf.if %cond3A_99 {
          %dma_wait3A_128 = arith.constant 0 : i32
          %dma_wait3A_129 = arith.constant 1 : i32
          %dma_wait3A_130 = arith.constant 0 : i32
          %dma_wait3A_131 = arith.constant 0 : i32
          %dma_wait3A_132 = tpu.memref_slice %arg7[%dma_wait3A_129, %dma_wait3A_130, %dma_wait3A_131] : memref<2x1x80xi32, #tpu.memory_space<vmem>> -> memref<1x1x80xi32, #tpu.memory_space<vmem>>
          %dma_wait3A_133 = tpu.memref_squeeze %dma_wait3A_132 : memref<1x1x80xi32, #tpu.memory_space<vmem>> -> memref<1x80xi32, #tpu.memory_space<vmem>>
          %dma_wait3A_134 = arith.constant 0 : i32
          %dma_wait3A_135 = arith.constant 0 : i32
          %dma_wait3A_136 = tpu.memref_slice %arg4[%arg1, %dma_wait3A_128, %dma_wait3A_134, %dma_wait3A_135] : memref<16x250x1x80xi32, #tpu.memory_space<hbm>> -> memref<1x1x1x80xi32, #tpu.memory_space<hbm>>
          %dma_wait3A_137 = tpu.memref_squeeze %dma_wait3A_136 : memref<1x1x1x80xi32, #tpu.memory_space<hbm>> -> memref<1x80xi32, #tpu.memory_space<hbm>>
          %dma_wait3A_138 = arith.constant 0 : i32
          %dma_wait3A_139 = arith.constant 0 : i32
          %dma_wait3A_140 = tpu.memref_slice %arg7[%dma_wait3A_129, %dma_wait3A_138, %dma_wait3A_139] : memref<2x1x80xi32, #tpu.memory_space<vmem>> -> memref<1x1x80xi32, #tpu.memory_space<vmem>>
          %dma_wait3A_141 = tpu.memref_squeeze %dma_wait3A_140 : memref<1x1x80xi32, #tpu.memory_space<vmem>> -> memref<1x80xi32, #tpu.memory_space<vmem>>
          %dma_wait3A_142 = arith.constant 0 : i32
          %dma_wait3A_143 = arith.constant 0 : i32
          %dma_wait3A_144 = tpu.memref_slice %arg4[%arg1, %dma_wait3A_128, %dma_wait3A_142, %dma_wait3A_143] : memref<16x250x1x80xi32, #tpu.memory_space<hbm>> -> memref<1x1x1x80xi32, #tpu.memory_space<hbm>>
          %dma_wait3A_145 = tpu.memref_squeeze %dma_wait3A_144 : memref<1x1x1x80xi32, #tpu.memory_space<hbm>> -> memref<1x80xi32, #tpu.memory_space<hbm>>
          tpu.wait_dma2 semaphore(%arg12 : memref<!tpu.dma_semaphore, #tpu.memory_space<semaphore_mem>>) src(%dma_wait3A_145 : memref<1x80xi32, #tpu.memory_space<hbm>>) dst(%dma_wait3A_141 : memref<1x80xi32, #tpu.memory_space<vmem>>)
        } else {
        }
        %ge3A_100 = arith.constant 1 : i32
        %ge3A_101 = arith.cmpi sge, %add3A_94, %ge3A_100 : i32
        %convert_element_type3A_102 = arith.extui %ge3A_101 : i1 to i32
        %cond3A_103 = arith.constant 0 : i32
        %cond3A_104 = arith.cmpi ne, %convert_element_type3A_102, %cond3A_103 : i32
        scf.if %cond3A_104 {
          %dma_wait3A_128 = arith.constant 0 : i32
          %dma_wait3A_129 = tpu.memref_slice %arg2[%arg0, %mul3A_2, %dma_wait3A_128] : memref<2x320000x128xf32, #tpu.memory_space<hbm>> -> memref<1x80x128xf32, #tpu.memory_space<hbm>>
          %dma_wait3A_130 = tpu.memref_squeeze %dma_wait3A_129 : memref<1x80x128xf32, #tpu.memory_space<hbm>> -> memref<80x128xf32, #tpu.memory_space<hbm>>
          %dma_wait3A_131 = arith.constant 0 : i32
          %dma_wait3A_132 = tpu.memref_slice %arg2[%arg0, %mul3A_2, %dma_wait3A_131] : memref<2x320000x128xf32, #tpu.memory_space<hbm>> -> memref<1x80x128xf32, #tpu.memory_space<hbm>>
          %dma_wait3A_133 = tpu.memref_squeeze %dma_wait3A_132 : memref<1x80x128xf32, #tpu.memory_space<hbm>> -> memref<80x128xf32, #tpu.memory_space<hbm>>
          tpu.wait_dma2 semaphore(%arg16 : memref<!tpu.dma_semaphore, #tpu.memory_space<semaphore_mem>>) src(%dma_wait3A_133 : memref<80x128xf32, #tpu.memory_space<hbm>>) dst(%arg9 : memref<80x128xf32, #tpu.memory_space<vmem>>)
        } else {
        }
        %ge3A_105 = arith.constant 1 : i32
        %ge3A_106 = arith.cmpi sge, %add3A_94, %ge3A_105 : i32
        %convert_element_type3A_107 = arith.extui %ge3A_106 : i1 to i32
        %cond3A_108 = arith.constant 0 : i32
        %cond3A_109 = arith.cmpi ne, %convert_element_type3A_107, %cond3A_108 : i32
        scf.if %cond3A_109 {
          %dma_wait3A_128 = arith.constant 0 : i32
          %dma_wait3A_129 = arith.constant 0 : i32
          %dma_wait3A_130 = arith.constant 0 : i32
          %dma_wait3A_131 = tpu.memref_slice %arg7[%dma_wait3A_128, %dma_wait3A_129, %dma_wait3A_130] : memref<2x1x80xi32, #tpu.memory_space<vmem>> -> memref<1x1x80xi32, #tpu.memory_space<vmem>>
          %dma_wait3A_132 = tpu.memref_squeeze %dma_wait3A_131 : memref<1x1x80xi32, #tpu.memory_space<vmem>> -> memref<80xi32, #tpu.memory_space<vmem>>
          %dma_wait3A_133 = arith.constant 0 : i32
          %dma_wait3A_134 = arith.constant 0 : i32
          %dma_wait3A_135 = tpu.memref_slice %arg10[%dma_wait3A_133, %dma_wait3A_134] : memref<10000x128xf32, #tpu.memory_space<vmem_shared>> -> memref<10000x128xf32, #tpu.memory_space<vmem_shared>>
          tpu.wait_indirect_dma semaphore(%arg13 : memref<!tpu.dma_semaphore, #tpu.memory_space<semaphore_mem>>) src(%arg8 : memref<80x128xf32, #tpu.memory_space<vmem>>) dst(%dma_wait3A_135 : memref<10000x128xf32, #tpu.memory_space<vmem_shared>>)
        } else {
        }
        %dma_start3A_110 = arith.constant 1 : i32
        %dma_start3A_111 = arith.constant 0 : i32
        %dma_start3A_112 = arith.constant 0 : i32
        %dma_start3A_113 = tpu.memref_slice %arg7[%dma_start3A_110, %dma_start3A_111, %dma_start3A_112] : memref<2x1x80xi32, #tpu.memory_space<vmem>> -> memref<1x1x80xi32, #tpu.memory_space<vmem>>
        %dma_start3A_114 = tpu.memref_squeeze %dma_start3A_113 : memref<1x1x80xi32, #tpu.memory_space<vmem>> -> memref<80xi32, #tpu.memory_space<vmem>>
        %dma_start3A_115 = arith.constant 0 : i32
        %dma_start3A_116 = arith.constant 0 : i32
        %dma_start3A_117 = tpu.memref_slice %arg10[%dma_start3A_115, %dma_start3A_116] : memref<10000x128xf32, #tpu.memory_space<vmem_shared>> -> memref<10000x128xf32, #tpu.memory_space<vmem_shared>>
        tpu.enqueue_indirect_dma source(%arg9 : memref<80x128xf32, #tpu.memory_space<vmem>>) target(%dma_start3A_117 : memref<10000x128xf32, #tpu.memory_space<vmem_shared>>) offsets(%dma_start3A_114 : memref<80xi32, #tpu.memory_space<vmem>>) semaphore(%arg14 : memref<!tpu.dma_semaphore, #tpu.memory_space<semaphore_mem>>) {add = true}
        %ge3A_118 = arith.constant 1 : i32
        %ge3A_119 = arith.cmpi sge, %add3A_94, %ge3A_118 : i32
        %add3A_120 = arith.constant 1 : i32
        %add3A_121 = arith.addi %add3A_94, %add3A_120 : i32
        %lt3A_122 = arith.constant 250 : i32
        %lt3A_123 = arith.cmpi slt, %add3A_121, %lt3A_122 : i32
        %and3A_124 = arith.andi %ge3A_119, %lt3A_123 : i1
        %convert_element_type3A_125 = arith.extui %and3A_124 : i1 to i32
        %cond3A_126 = arith.constant 0 : i32
        %cond3A_127 = arith.cmpi ne, %convert_element_type3A_125, %cond3A_126 : i32
        scf.if %cond3A_127 {
          %add3A_128 = arith.constant 1 : i32
          %add3A_129 = arith.addi %add3A_94, %add3A_128 : i32
          %mul3A_130 = arith.constant 80 : i32
          %mul3A_131 = arith.muli %add3A_129, %mul3A_130 : i32
          %add3A_132 = arith.addi %mul3A_2, %mul3A_131 : i32
          %multiple_of3A_133 = tpu.assume_multiple %add3A_132, 8 : i32
          %add3A_134 = arith.constant 1 : i32
          %add3A_135 = arith.addi %add3A_94, %add3A_134 : i32
          %dma_start3A_136 = arith.constant 0 : i32
          %dma_start3A_137 = arith.constant 0 : i32
          %dma_start3A_138 = arith.constant 0 : i32
          %dma_start3A_139 = tpu.memref_slice %arg7[%dma_start3A_136, %dma_start3A_137, %dma_start3A_138] : memref<2x1x80xi32, #tpu.memory_space<vmem>> -> memref<1x1x80xi32, #tpu.memory_space<vmem>>
          %dma_start3A_140 = tpu.memref_squeeze %dma_start3A_139 : memref<1x1x80xi32, #tpu.memory_space<vmem>> -> memref<1x80xi32, #tpu.memory_space<vmem>>
          %dma_start3A_141 = arith.constant 0 : i32
          %dma_start3A_142 = arith.constant 0 : i32
          %dma_start3A_143 = tpu.memref_slice %arg4[%arg1, %add3A_135, %dma_start3A_141, %dma_start3A_142] : memref<16x250x1x80xi32, #tpu.memory_space<hbm>> -> memref<1x1x1x80xi32, #tpu.memory_space<hbm>>
          %dma_start3A_144 = tpu.memref_squeeze %dma_start3A_143 : memref<1x1x1x80xi32, #tpu.memory_space<hbm>> -> memref<1x80xi32, #tpu.memory_space<hbm>>
          %dma_start3A_145 = arith.constant 0 : i32
          %dma_start3A_146 = arith.constant 0 : i32
          %dma_start3A_147 = tpu.memref_slice %arg7[%dma_start3A_136, %dma_start3A_145, %dma_start3A_146] : memref<2x1x80xi32, #tpu.memory_space<vmem>> -> memref<1x1x80xi32, #tpu.memory_space<vmem>>
          %dma_start3A_148 = tpu.memref_squeeze %dma_start3A_147 : memref<1x1x80xi32, #tpu.memory_space<vmem>> -> memref<1x80xi32, #tpu.memory_space<vmem>>
          %dma_start3A_149 = arith.constant 0 : i32
          %dma_start3A_150 = arith.constant 0 : i32
          %dma_start3A_151 = tpu.memref_slice %arg4[%arg1, %add3A_135, %dma_start3A_149, %dma_start3A_150] : memref<16x250x1x80xi32, #tpu.memory_space<hbm>> -> memref<1x1x1x80xi32, #tpu.memory_space<hbm>>
          %dma_start3A_152 = tpu.memref_squeeze %dma_start3A_151 : memref<1x1x1x80xi32, #tpu.memory_space<hbm>> -> memref<1x80xi32, #tpu.memory_space<hbm>>
          tpu.enqueue_dma source(%dma_start3A_152 : memref<1x80xi32, #tpu.memory_space<hbm>>) target(%dma_start3A_148 : memref<1x80xi32, #tpu.memory_space<vmem>>) target_semaphore(%arg11 : memref<!tpu.dma_semaphore, #tpu.memory_space<semaphore_mem>>)
          %dma_start3A_153 = arith.constant 0 : i32
          %dma_start3A_154 = tpu.memref_slice %arg2[%arg0, %multiple_of3A_133, %dma_start3A_153] : memref<2x320000x128xf32, #tpu.memory_space<hbm>> -> memref<1x80x128xf32, #tpu.memory_space<hbm>>
          %dma_start3A_155 = tpu.memref_squeeze %dma_start3A_154 : memref<1x80x128xf32, #tpu.memory_space<hbm>> -> memref<80x128xf32, #tpu.memory_space<hbm>>
          %dma_start3A_156 = arith.constant 0 : i32
          %dma_start3A_157 = tpu.memref_slice %arg2[%arg0, %multiple_of3A_133, %dma_start3A_156] : memref<2x320000x128xf32, #tpu.memory_space<hbm>> -> memref<1x80x128xf32, #tpu.memory_space<hbm>>
          %dma_start3A_158 = tpu.memref_squeeze %dma_start3A_157 : memref<1x80x128xf32, #tpu.memory_space<hbm>> -> memref<80x128xf32, #tpu.memory_space<hbm>>
          tpu.enqueue_dma source(%dma_start3A_158 : memref<80x128xf32, #tpu.memory_space<hbm>>) target(%arg8 : memref<80x128xf32, #tpu.memory_space<vmem>>) target_semaphore(%arg15 : memref<!tpu.dma_semaphore, #tpu.memory_space<semaphore_mem>>)
        } else {
        }
      }
      %scan3A_48 = arith.constant 125 : i32
      %dma_wait3A = arith.constant 1 : i32
      %dma_wait3A_49 = arith.constant 0 : i32
      %dma_wait3A_50 = arith.constant 0 : i32
      %dma_wait3A_51 = tpu.memref_slice %arg7[%dma_wait3A, %dma_wait3A_49, %dma_wait3A_50] : memref<2x1x80xi32, #tpu.memory_space<vmem>> -> memref<1x1x80xi32, #tpu.memory_space<vmem>>
      %dma_wait3A_52 = tpu.memref_squeeze %dma_wait3A_51 : memref<1x1x80xi32, #tpu.memory_space<vmem>> -> memref<80xi32, #tpu.memory_space<vmem>>
      %dma_wait3A_53 = arith.constant 0 : i32
      %dma_wait3A_54 = arith.constant 0 : i32
      %dma_wait3A_55 = tpu.memref_slice %arg10[%dma_wait3A_53, %dma_wait3A_54] : memref<10000x128xf32, #tpu.memory_space<vmem_shared>> -> memref<10000x128xf32, #tpu.memory_space<vmem_shared>>
      tpu.wait_indirect_dma semaphore(%arg14 : memref<!tpu.dma_semaphore, #tpu.memory_space<semaphore_mem>>) src(%arg9 : memref<80x128xf32, #tpu.memory_space<vmem>>) dst(%dma_wait3A_55 : memref<10000x128xf32, #tpu.memory_space<vmem_shared>>)
    } else {
    }
    %barrier3A_13 = arith.constant 0 : index
    tpu.barrier barrier_id(%barrier3A_13)
    %eq3A_14 = arith.constant 0 : i32
    %eq3A_15 = arith.cmpi eq, %arg1, %eq3A_14 : i32
    %convert_element_type3A_16 = arith.extui %eq3A_15 : i1 to i32
    %cond3A_17 = arith.constant 0 : i32
    %cond3A_18 = arith.cmpi ne, %convert_element_type3A_16, %cond3A_17 : i32
    scf.if %cond3A_18 {
      "tpu.region"() ({
        %run_scoped3A = tpu.sem_alloc : memref<!tpu.dma_semaphore, #tpu.memory_space<semaphore_mem>>
        %dma_start3A = arith.constant 0 : i32
        %dma_start3A_19 = arith.constant 0 : i32
        %dma_start3A_20 = tpu.memref_slice %arg6[%arg0, %dma_start3A, %dma_start3A_19] : memref<2x10000x128xf32, #tpu.memory_space<hbm>> -> memref<1x10000x128xf32, #tpu.memory_space<hbm>>
        %dma_start3A_21 = tpu.memref_squeeze %dma_start3A_20 : memref<1x10000x128xf32, #tpu.memory_space<hbm>> -> memref<10000x128xf32, #tpu.memory_space<hbm>>
        tpu.enqueue_dma source(%arg10 : memref<10000x128xf32, #tpu.memory_space<vmem_shared>>) target(%dma_start3A_21 : memref<10000x128xf32, #tpu.memory_space<hbm>>) target_semaphore(%run_scoped3A : memref<!tpu.dma_semaphore, #tpu.memory_space<semaphore_mem>>)
        %dma_wait3A = arith.constant 0 : i32
        %dma_wait3A_22 = arith.constant 0 : i32
        %dma_wait3A_23 = tpu.memref_slice %arg6[%arg0, %dma_wait3A, %dma_wait3A_22] : memref<2x10000x128xf32, #tpu.memory_space<hbm>> -> memref<1x10000x128xf32, #tpu.memory_space<hbm>>
        %dma_wait3A_24 = tpu.memref_squeeze %dma_wait3A_23 : memref<1x10000x128xf32, #tpu.memory_space<hbm>> -> memref<10000x128xf32, #tpu.memory_space<hbm>>
        tpu.wait_dma2 semaphore(%run_scoped3A : memref<!tpu.dma_semaphore, #tpu.memory_space<semaphore_mem>>) src(%arg10 : memref<10000x128xf32, #tpu.memory_space<vmem_shared>>) dst(%dma_wait3A_24 : memref<10000x128xf32, #tpu.memory_space<hbm>>)
        tpu.yield
      }) : () -> ()
    } else {
    }
    return
  }
}

module attributes {stable_mosaic.version = 14 : i64} {
  func.func @_edge_body(%arg0: i32, %arg1: memref<2x2000x128xf32, #tpu.memory_space<vmem>>, %arg2: memref<2000x128xf32, #tpu.memory_space<vmem>>, %arg3: memref<256x128xf32, #tpu.memory_space<vmem>>, %arg4: memref<1x128xf32, #tpu.memory_space<vmem>>, %arg5: memref<256x128xf32, #tpu.memory_space<vmem>>, %arg6: memref<1x128xf32, #tpu.memory_space<vmem>>, %arg7: memref<128x384xf32, #tpu.memory_space<vmem>>, %arg8: memref<128x384xf32, #tpu.memory_space<vmem>>, %arg9: memref<1x384xf32, #tpu.memory_space<vmem>>, %arg10: memref<1x384xf32, #tpu.memory_space<vmem>>, %arg11: memref<2x2000x128xf32, #tpu.memory_space<vmem>>, %arg12: memref<2000x128xf32, #tpu.memory_space<vmem>>) attributes {dimension_semantics = [#tpu.dimension_semantics<arbitrary>], iteration_bounds = array<i64: 160>, scalar_prefetch = 0 : i64, scratch_operands = 0 : i64, tpu.core_type = #tpu.core_type<tc>, window_params = [{transform_indices = @transform_0, window_bounds = array<i64: 2, 2000, 128>}, {transform_indices = @transform_1, window_bounds = array<i64: 2000, 128>}, {pipeline_mode = #tpu.pipeline_mode<synchronous>, transform_indices = @transform_2, window_bounds = array<i64: 256, 128>}, {pipeline_mode = #tpu.pipeline_mode<synchronous>, transform_indices = @transform_3, window_bounds = array<i64: 1, 128>}, {pipeline_mode = #tpu.pipeline_mode<synchronous>, transform_indices = @transform_4, window_bounds = array<i64: 256, 128>}, {pipeline_mode = #tpu.pipeline_mode<synchronous>, transform_indices = @transform_5, window_bounds = array<i64: 1, 128>}, {pipeline_mode = #tpu.pipeline_mode<synchronous>, transform_indices = @transform_6, window_bounds = array<i64: 128, 384>}, {pipeline_mode = #tpu.pipeline_mode<synchronous>, transform_indices = @transform_7, window_bounds = array<i64: 128, 384>}, {pipeline_mode = #tpu.pipeline_mode<synchronous>, transform_indices = @transform_8, window_bounds = array<i64: 1, 384>}, {pipeline_mode = #tpu.pipeline_mode<synchronous>, transform_indices = @transform_9, window_bounds = array<i64: 1, 384>}, {transform_indices = @transform_10, window_bounds = array<i64: 2, 2000, 128>}, {transform_indices = @transform_11, window_bounds = array<i64: 2000, 128>}]} {
    %get3A = arith.constant 0 : index
    %get3A_0 = arith.constant 0 : index
    %get3A_1 = arith.constant 0 : index
    %get3A_2 = vector.load %arg1[%get3A, %get3A_0, %get3A_1] : memref<2x2000x128xf32, #tpu.memory_space<vmem>>, vector<1x2000x128xf32>
    %get3A_3 = vector.shape_cast %get3A_2 : vector<1x2000x128xf32> to vector<2000x128xf32>
    %get3A_4 = arith.constant 1 : index
    %get3A_5 = arith.constant 0 : index
    %get3A_6 = arith.constant 0 : index
    %get3A_7 = vector.load %arg1[%get3A_4, %get3A_5, %get3A_6] : memref<2x2000x128xf32, #tpu.memory_space<vmem>>, vector<1x2000x128xf32>
    %get3A_8 = vector.shape_cast %get3A_7 : vector<1x2000x128xf32> to vector<2000x128xf32>
    %get3A_9 = arith.constant 0 : index
    %get3A_10 = arith.constant 0 : index
    %get3A_11 = vector.load %arg2[%get3A_9, %get3A_10] : memref<2000x128xf32, #tpu.memory_space<vmem>>, vector<2000x128xf32>
    %convert_element_type3A = arith.truncf %get3A_3 : vector<2000x128xf32> to vector<2000x128xbf16>
    %convert_element_type3A_12 = arith.truncf %get3A_8 : vector<2000x128xf32> to vector<2000x128xbf16>
    %convert_element_type3A_13 = arith.truncf %get3A_11 : vector<2000x128xf32> to vector<2000x128xbf16>
    %get3A_14 = arith.constant 0 : index
    %get3A_15 = arith.constant 0 : index
    %get3A_16 = vector.load %arg3[%get3A_14, %get3A_15] : memref<256x128xf32, #tpu.memory_space<vmem>>, vector<256x128xf32>
    %convert_element_type3A_17 = arith.truncf %get3A_16 : vector<256x128xf32> to vector<256x128xbf16>
    %get3A_18 = arith.constant 0 : index
    %get3A_19 = arith.constant 0 : index
    %get3A_20 = vector.load %arg5[%get3A_18, %get3A_19] : memref<256x128xf32, #tpu.memory_space<vmem>>, vector<256x128xf32>
    %convert_element_type3A_21 = arith.truncf %get3A_20 : vector<256x128xf32> to vector<256x128xbf16>
    %slice3A = vector.extract_strided_slice %convert_element_type3A_17 {offsets = [0, 0], sizes = [128, 128], strides = [1, 1]} : vector<256x128xbf16> to vector<128x128xbf16>
    %slice3A_22 = vector.extract_strided_slice %convert_element_type3A_17 {offsets = [128, 0], sizes = [128, 128], strides = [1, 1]} : vector<256x128xbf16> to vector<128x128xbf16>
    %slice3A_23 = vector.extract_strided_slice %convert_element_type3A_21 {offsets = [0, 0], sizes = [128, 128], strides = [1, 1]} : vector<256x128xbf16> to vector<128x128xbf16>
    %slice3A_24 = vector.extract_strided_slice %convert_element_type3A_21 {offsets = [128, 0], sizes = [128, 128], strides = [1, 1]} : vector<256x128xbf16> to vector<128x128xbf16>
    %dot_general3A = arith.constant dense<0.000000e+00> : vector<2000x128xf32>
    %dot_general3A_25 = tpu.matmul %convert_element_type3A_13, %slice3A_22, %dot_general3A {dimension_numbers = #tpu.dot_dimension_numbers<[1], [0], [0], [1], [0, 0, 1, 1], [], []>, transpose_lhs_hint = false} : vector<2000x128xbf16>, vector<128x128xbf16>, vector<2000x128xf32> -> vector<2000x128xf32>
    %get3A_26 = arith.constant 0 : index
    %get3A_27 = arith.constant 0 : index
    %get3A_28 = vector.load %arg4[%get3A_26, %get3A_27] : memref<1x128xf32, #tpu.memory_space<vmem>>, vector<1x128xf32>
    %add3A = vector.broadcast %get3A_28 : vector<1x128xf32> to vector<2000x128xf32>
    %add3A_29 = arith.addf %dot_general3A_25, %add3A : vector<2000x128xf32>
    %dot_general3A_30 = arith.constant dense<0.000000e+00> : vector<2000x128xf32>
    %dot_general3A_31 = tpu.matmul %convert_element_type3A, %slice3A, %dot_general3A_30 {dimension_numbers = #tpu.dot_dimension_numbers<[1], [0], [0], [1], [0, 0, 1, 1], [], []>, transpose_lhs_hint = false} : vector<2000x128xbf16>, vector<128x128xbf16>, vector<2000x128xf32> -> vector<2000x128xf32>
    %add3A_32 = arith.addf %dot_general3A_31, %add3A_29 : vector<2000x128xf32>
    %logistic3A = arith.negf %add3A_32 : vector<2000x128xf32>
    %logistic3A_33 = math.exp %logistic3A : vector<2000x128xf32>
    %logistic3A_34 = arith.constant 1.000000e+00 : f32
    %logistic3A_35 = vector.broadcast %logistic3A_34 : f32 to vector<2000x128xf32>
    %logistic3A_36 = arith.addf %logistic3A_35, %logistic3A_33 : vector<2000x128xf32>
    %logistic3A_37 = arith.divf %logistic3A_35, %logistic3A_36 : vector<2000x128xf32>
    %dot_general3A_38 = arith.constant dense<0.000000e+00> : vector<2000x128xf32>
    %dot_general3A_39 = tpu.matmul %convert_element_type3A_12, %slice3A, %dot_general3A_38 {dimension_numbers = #tpu.dot_dimension_numbers<[1], [0], [0], [1], [0, 0, 1, 1], [], []>, transpose_lhs_hint = false} : vector<2000x128xbf16>, vector<128x128xbf16>, vector<2000x128xf32> -> vector<2000x128xf32>
    %add3A_40 = arith.addf %dot_general3A_39, %add3A_29 : vector<2000x128xf32>
    %logistic3A_41 = arith.negf %add3A_40 : vector<2000x128xf32>
    %logistic3A_42 = math.exp %logistic3A_41 : vector<2000x128xf32>
    %logistic3A_43 = arith.constant 1.000000e+00 : f32
    %logistic3A_44 = vector.broadcast %logistic3A_43 : f32 to vector<2000x128xf32>
    %logistic3A_45 = arith.addf %logistic3A_44, %logistic3A_42 : vector<2000x128xf32>
    %logistic3A_46 = arith.divf %logistic3A_44, %logistic3A_45 : vector<2000x128xf32>
    %mul3A = arith.mulf %logistic3A_37, %get3A_11 : vector<2000x128xf32>
    %swap3A = arith.constant 0 : index
    %swap3A_47 = arith.constant 0 : index
    %swap3A_48 = arith.constant 0 : index
    %swap3A_49 = vector.load %arg11[%swap3A, %swap3A_47, %swap3A_48] : memref<2x2000x128xf32, #tpu.memory_space<vmem>>, vector<1x2000x128xf32>
    %swap3A_50 = vector.shape_cast %swap3A_49 : vector<1x2000x128xf32> to vector<2000x128xf32>
    %swap3A_51 = vector.shape_cast %mul3A : vector<2000x128xf32> to vector<1x2000x128xf32>
    tpu.vector_store %arg11[%swap3A, %swap3A_47, %swap3A_48], %swap3A_51 {strides = array<i32>} : memref<2x2000x128xf32, #tpu.memory_space<vmem>>, vector<1x2000x128xf32>,
    %mul3A_52 = arith.mulf %logistic3A_46, %get3A_11 : vector<2000x128xf32>
    %swap3A_53 = arith.constant 1 : index
    %swap3A_54 = arith.constant 0 : index
    %swap3A_55 = arith.constant 0 : index
    %swap3A_56 = vector.load %arg11[%swap3A_53, %swap3A_54, %swap3A_55] : memref<2x2000x128xf32, #tpu.memory_space<vmem>>, vector<1x2000x128xf32>
    %swap3A_57 = vector.shape_cast %swap3A_56 : vector<1x2000x128xf32> to vector<2000x128xf32>
    %swap3A_58 = vector.shape_cast %mul3A_52 : vector<2000x128xf32> to vector<1x2000x128xf32>
    tpu.vector_store %arg11[%swap3A_53, %swap3A_54, %swap3A_55], %swap3A_58 {strides = array<i32>} : memref<2x2000x128xf32, #tpu.memory_space<vmem>>, vector<1x2000x128xf32>,
    %dot_general3A_59 = arith.constant dense<0.000000e+00> : vector<2000x128xf32>
    %dot_general3A_60 = tpu.matmul %convert_element_type3A_13, %slice3A_23, %dot_general3A_59 {dimension_numbers = #tpu.dot_dimension_numbers<[1], [0], [0], [1], [0, 0, 1, 1], [], []>, transpose_lhs_hint = false} : vector<2000x128xbf16>, vector<128x128xbf16>, vector<2000x128xf32> -> vector<2000x128xf32>
    %get3A_61 = arith.constant 0 : index
    %get3A_62 = arith.constant 0 : index
    %get3A_63 = vector.load %arg6[%get3A_61, %get3A_62] : memref<1x128xf32, #tpu.memory_space<vmem>>, vector<1x128xf32>
    %add3A_64 = vector.broadcast %get3A_63 : vector<1x128xf32> to vector<2000x128xf32>
    %add3A_65 = arith.addf %dot_general3A_60, %add3A_64 : vector<2000x128xf32>
    %dot_general3A_66 = arith.constant dense<0.000000e+00> : vector<2000x128xf32>
    %dot_general3A_67 = tpu.matmul %convert_element_type3A, %slice3A_24, %dot_general3A_66 {dimension_numbers = #tpu.dot_dimension_numbers<[1], [0], [0], [1], [0, 0, 1, 1], [], []>, transpose_lhs_hint = false} : vector<2000x128xbf16>, vector<128x128xbf16>, vector<2000x128xf32> -> vector<2000x128xf32>
    %add3A_68 = arith.addf %add3A_65, %dot_general3A_67 : vector<2000x128xf32>
    %logistic3A_69 = arith.negf %add3A_68 : vector<2000x128xf32>
    %logistic3A_70 = math.exp %logistic3A_69 : vector<2000x128xf32>
    %logistic3A_71 = arith.constant 1.000000e+00 : f32
    %logistic3A_72 = vector.broadcast %logistic3A_71 : f32 to vector<2000x128xf32>
    %logistic3A_73 = arith.addf %logistic3A_72, %logistic3A_70 : vector<2000x128xf32>
    %logistic3A_74 = arith.divf %logistic3A_72, %logistic3A_73 : vector<2000x128xf32>
    %mul3A_75 = arith.mulf %logistic3A_74, %get3A_3 : vector<2000x128xf32>
    %dot_general3A_76 = arith.constant dense<0.000000e+00> : vector<2000x128xf32>
    %dot_general3A_77 = tpu.matmul %convert_element_type3A_12, %slice3A_24, %dot_general3A_76 {dimension_numbers = #tpu.dot_dimension_numbers<[1], [0], [0], [1], [0, 0, 1, 1], [], []>, transpose_lhs_hint = false} : vector<2000x128xbf16>, vector<128x128xbf16>, vector<2000x128xf32> -> vector<2000x128xf32>
    %add3A_78 = arith.addf %add3A_65, %dot_general3A_77 : vector<2000x128xf32>
    %logistic3A_79 = arith.negf %add3A_78 : vector<2000x128xf32>
    %logistic3A_80 = math.exp %logistic3A_79 : vector<2000x128xf32>
    %logistic3A_81 = arith.constant 1.000000e+00 : f32
    %logistic3A_82 = vector.broadcast %logistic3A_81 : f32 to vector<2000x128xf32>
    %logistic3A_83 = arith.addf %logistic3A_82, %logistic3A_80 : vector<2000x128xf32>
    %logistic3A_84 = arith.divf %logistic3A_82, %logistic3A_83 : vector<2000x128xf32>
    %mul3A_85 = arith.mulf %logistic3A_84, %get3A_8 : vector<2000x128xf32>
    %add3A_86 = arith.addf %mul3A_75, %mul3A_85 : vector<2000x128xf32>
    %convert_element_type3A_87 = arith.truncf %add3A_86 : vector<2000x128xf32> to vector<2000x128xbf16>
    %get3A_88 = arith.constant 0 : index
    %get3A_89 = arith.constant 0 : index
    %get3A_90 = vector.load %arg7[%get3A_88, %get3A_89] : memref<128x384xf32, #tpu.memory_space<vmem>>, vector<128x384xf32>
    %convert_element_type3A_91 = arith.truncf %get3A_90 : vector<128x384xf32> to vector<128x384xbf16>
    %dot_general3A_92 = arith.constant dense<0.000000e+00> : vector<2000x384xf32>
    %dot_general3A_93 = tpu.matmul %convert_element_type3A_87, %convert_element_type3A_91, %dot_general3A_92 {dimension_numbers = #tpu.dot_dimension_numbers<[1], [0], [0], [1], [0, 0, 1, 1], [], []>, transpose_lhs_hint = false} : vector<2000x128xbf16>, vector<128x384xbf16>, vector<2000x384xf32> -> vector<2000x384xf32>
    %get3A_94 = arith.constant 0 : index
    %get3A_95 = arith.constant 0 : index
    %get3A_96 = vector.load %arg9[%get3A_94, %get3A_95] : memref<1x384xf32, #tpu.memory_space<vmem>>, vector<1x384xf32>
    %add3A_97 = vector.broadcast %get3A_96 : vector<1x384xf32> to vector<2000x384xf32>
    %add3A_98 = arith.addf %dot_general3A_93, %add3A_97 : vector<2000x384xf32>
    %get3A_99 = arith.constant 0 : index
    %get3A_100 = arith.constant 0 : index
    %get3A_101 = vector.load %arg8[%get3A_99, %get3A_100] : memref<128x384xf32, #tpu.memory_space<vmem>>, vector<128x384xf32>
    %convert_element_type3A_102 = arith.truncf %get3A_101 : vector<128x384xf32> to vector<128x384xbf16>
    %dot_general3A_103 = arith.constant dense<0.000000e+00> : vector<2000x384xf32>
    %dot_general3A_104 = tpu.matmul %convert_element_type3A_13, %convert_element_type3A_102, %dot_general3A_103 {dimension_numbers = #tpu.dot_dimension_numbers<[1], [0], [0], [1], [0, 0, 1, 1], [], []>, transpose_lhs_hint = false} : vector<2000x128xbf16>, vector<128x384xbf16>, vector<2000x384xf32> -> vector<2000x384xf32>
    %get3A_105 = arith.constant 0 : index
    %get3A_106 = arith.constant 0 : index
    %get3A_107 = vector.load %arg10[%get3A_105, %get3A_106] : memref<1x384xf32, #tpu.memory_space<vmem>>, vector<1x384xf32>
    %add3A_108 = vector.broadcast %get3A_107 : vector<1x384xf32> to vector<2000x384xf32>
    %add3A_109 = arith.addf %dot_general3A_104, %add3A_108 : vector<2000x384xf32>
    %slice3A_110 = vector.extract_strided_slice %add3A_98 {offsets = [0, 0], sizes = [2000, 128], strides = [1, 1]} : vector<2000x384xf32> to vector<2000x128xf32>
    %slice3A_111 = vector.extract_strided_slice %add3A_109 {offsets = [0, 0], sizes = [2000, 128], strides = [1, 1]} : vector<2000x384xf32> to vector<2000x128xf32>
    %add3A_112 = arith.addf %slice3A_110, %slice3A_111 : vector<2000x128xf32>
    %logistic3A_113 = arith.negf %add3A_112 : vector<2000x128xf32>
    %logistic3A_114 = math.exp %logistic3A_113 : vector<2000x128xf32>
    %logistic3A_115 = arith.constant 1.000000e+00 : f32
    %logistic3A_116 = vector.broadcast %logistic3A_115 : f32 to vector<2000x128xf32>
    %logistic3A_117 = arith.addf %logistic3A_116, %logistic3A_114 : vector<2000x128xf32>
    %logistic3A_118 = arith.divf %logistic3A_116, %logistic3A_117 : vector<2000x128xf32>
    %slice3A_119 = vector.extract_strided_slice %add3A_98 {offsets = [0, 128], sizes = [2000, 128], strides = [1, 1]} : vector<2000x384xf32> to vector<2000x128xf32>
    %slice3A_120 = vector.extract_strided_slice %add3A_109 {offsets = [0, 128], sizes = [2000, 128], strides = [1, 1]} : vector<2000x384xf32> to vector<2000x128xf32>
    %add3A_121 = arith.addf %slice3A_119, %slice3A_120 : vector<2000x128xf32>
    %logistic3A_122 = arith.negf %add3A_121 : vector<2000x128xf32>
    %logistic3A_123 = math.exp %logistic3A_122 : vector<2000x128xf32>
    %logistic3A_124 = arith.constant 1.000000e+00 : f32
    %logistic3A_125 = vector.broadcast %logistic3A_124 : f32 to vector<2000x128xf32>
    %logistic3A_126 = arith.addf %logistic3A_125, %logistic3A_123 : vector<2000x128xf32>
    %logistic3A_127 = arith.divf %logistic3A_125, %logistic3A_126 : vector<2000x128xf32>
    %slice3A_128 = vector.extract_strided_slice %add3A_98 {offsets = [0, 256], sizes = [2000, 128], strides = [1, 1]} : vector<2000x384xf32> to vector<2000x128xf32>
    %slice3A_129 = vector.extract_strided_slice %add3A_109 {offsets = [0, 256], sizes = [2000, 128], strides = [1, 1]} : vector<2000x384xf32> to vector<2000x128xf32>
    %mul3A_130 = arith.mulf %logistic3A_118, %slice3A_129 : vector<2000x128xf32>
    %add3A_131 = arith.addf %slice3A_128, %mul3A_130 : vector<2000x128xf32>
    %tanh3A = math.tanh %add3A_131 : vector<2000x128xf32>
    %sub3A = arith.constant 1.000000e+00 : f32
    %sub3A_132 = vector.broadcast %sub3A : f32 to vector<2000x128xf32>
    %sub3A_133 = arith.subf %sub3A_132, %logistic3A_127 : vector<2000x128xf32>
    %mul3A_134 = arith.mulf %sub3A_133, %tanh3A : vector<2000x128xf32>
    %mul3A_135 = arith.mulf %logistic3A_127, %get3A_11 : vector<2000x128xf32>
    %add3A_136 = arith.addf %mul3A_134, %mul3A_135 : vector<2000x128xf32>
    %swap3A_137 = arith.constant 0 : index
    %swap3A_138 = arith.constant 0 : index
    %swap3A_139 = vector.load %arg12[%swap3A_137, %swap3A_138] : memref<2000x128xf32, #tpu.memory_space<vmem>>, vector<2000x128xf32>
    tpu.vector_store %arg12[%swap3A_137, %swap3A_138], %add3A_136 {strides = array<i32>} : memref<2000x128xf32, #tpu.memory_space<vmem>>, vector<2000x128xf32>,
    return
  }
  func.func @transform_0(%arg0: i32) -> (i32, i32, i32) {
    %c0_i32 = arith.constant 0 : i32
    %c0_i32_0 = arith.constant 0 : i32
    %c0_i32_1 = arith.constant 0 : i32
    return %c0_i32, %arg0, %c0_i32_0 : i32, i32, i32
  }
  func.func @transform_1(%arg0: i32) -> (i32, i32) {
    %c0_i32 = arith.constant 0 : i32
    %c0_i32_0 = arith.constant 0 : i32
    return %arg0, %c0_i32 : i32, i32
  }
  func.func @transform_2(%arg0: i32) -> (i32, i32) {
    %c0_i32 = arith.constant 0 : i32
    %c0_i32_0 = arith.constant 0 : i32
    %c0_i32_1 = arith.constant 0 : i32
    return %c0_i32, %c0_i32_0 : i32, i32
  }
  func.func @transform_3(%arg0: i32) -> (i32, i32) {
    %c0_i32 = arith.constant 0 : i32
    %c0_i32_0 = arith.constant 0 : i32
    %c0_i32_1 = arith.constant 0 : i32
    return %c0_i32, %c0_i32_0 : i32, i32
  }
  func.func @transform_4(%arg0: i32) -> (i32, i32) {
    %c0_i32 = arith.constant 0 : i32
    %c0_i32_0 = arith.constant 0 : i32
    %c0_i32_1 = arith.constant 0 : i32
    return %c0_i32, %c0_i32_0 : i32, i32
  }
  func.func @transform_5(%arg0: i32) -> (i32, i32) {
    %c0_i32 = arith.constant 0 : i32
    %c0_i32_0 = arith.constant 0 : i32
    %c0_i32_1 = arith.constant 0 : i32
    return %c0_i32, %c0_i32_0 : i32, i32
  }
  func.func @transform_6(%arg0: i32) -> (i32, i32) {
    %c0_i32 = arith.constant 0 : i32
    %c0_i32_0 = arith.constant 0 : i32
    %c0_i32_1 = arith.constant 0 : i32
    return %c0_i32, %c0_i32_0 : i32, i32
  }
  func.func @transform_7(%arg0: i32) -> (i32, i32) {
    %c0_i32 = arith.constant 0 : i32
    %c0_i32_0 = arith.constant 0 : i32
    %c0_i32_1 = arith.constant 0 : i32
    return %c0_i32, %c0_i32_0 : i32, i32
  }
  func.func @transform_8(%arg0: i32) -> (i32, i32) {
    %c0_i32 = arith.constant 0 : i32
    %c0_i32_0 = arith.constant 0 : i32
    %c0_i32_1 = arith.constant 0 : i32
    return %c0_i32, %c0_i32_0 : i32, i32
  }
  func.func @transform_9(%arg0: i32) -> (i32, i32) {
    %c0_i32 = arith.constant 0 : i32
    %c0_i32_0 = arith.constant 0 : i32
    %c0_i32_1 = arith.constant 0 : i32
    return %c0_i32, %c0_i32_0 : i32, i32
  }
  func.func @transform_10(%arg0: i32) -> (i32, i32, i32) {
    %c0_i32 = arith.constant 0 : i32
    %c0_i32_0 = arith.constant 0 : i32
    %c0_i32_1 = arith.constant 0 : i32
    return %c0_i32, %arg0, %c0_i32_0 : i32, i32, i32
  }
  func.func @transform_11(%arg0: i32) -> (i32, i32) {
    %c0_i32 = arith.constant 0 : i32
    %c0_i32_0 = arith.constant 0 : i32
    return %arg0, %c0_i32 : i32, i32
  }
}

module attributes {stable_mosaic.version = 14 : i64} {
  func.func @_node_body(%arg0: i32, %arg1: memref<2x2000x128xf32, #tpu.memory_space<vmem>>, %arg2: memref<2x2000x128xf32, #tpu.memory_space<vmem>>, %arg3: memref<2000x128xf32, #tpu.memory_space<vmem>>, %arg4: memref<128x384xf32, #tpu.memory_space<vmem>>, %arg5: memref<128x384xf32, #tpu.memory_space<vmem>>, %arg6: memref<1x384xf32, #tpu.memory_space<vmem>>, %arg7: memref<1x384xf32, #tpu.memory_space<vmem>>, %arg8: memref<2000x128xf32, #tpu.memory_space<vmem>>) attributes {dimension_semantics = [#tpu.dimension_semantics<arbitrary>], iteration_bounds = array<i64: 5>, scalar_prefetch = 0 : i64, scratch_operands = 0 : i64, tpu.core_type = #tpu.core_type<tc>, window_params = [{transform_indices = @transform_0, window_bounds = array<i64: 2, 2000, 128>}, {transform_indices = @transform_1, window_bounds = array<i64: 2, 2000, 128>}, {transform_indices = @transform_2, window_bounds = array<i64: 2000, 128>}, {pipeline_mode = #tpu.pipeline_mode<synchronous>, transform_indices = @transform_3, window_bounds = array<i64: 128, 384>}, {pipeline_mode = #tpu.pipeline_mode<synchronous>, transform_indices = @transform_4, window_bounds = array<i64: 128, 384>}, {pipeline_mode = #tpu.pipeline_mode<synchronous>, transform_indices = @transform_5, window_bounds = array<i64: 1, 384>}, {pipeline_mode = #tpu.pipeline_mode<synchronous>, transform_indices = @transform_6, window_bounds = array<i64: 1, 384>}, {transform_indices = @transform_7, window_bounds = array<i64: 2000, 128>}]} {
    %get3A = arith.constant 0 : index
    %get3A_0 = arith.constant 0 : index
    %get3A_1 = arith.constant 0 : index
    %get3A_2 = vector.load %arg2[%get3A, %get3A_0, %get3A_1] : memref<2x2000x128xf32, #tpu.memory_space<vmem>>, vector<1x2000x128xf32>
    %get3A_3 = vector.shape_cast %get3A_2 : vector<1x2000x128xf32> to vector<2000x128xf32>
    %slice3A = vector.extract_strided_slice %get3A_3 {offsets = [0, 0], sizes = [2000, 1], strides = [1, 1]} : vector<2000x128xf32> to vector<2000x1xf32>
    %max3A = arith.constant 1.000000e+00 : f32
    %max3A_4 = vector.broadcast %max3A : f32 to vector<2000x1xf32>
    %max3A_5 = arith.maximumf %slice3A, %max3A_4 : vector<2000x1xf32>
    %div3A = arith.constant 1.000000e+00 : f32
    %div3A_6 = vector.broadcast %div3A : f32 to vector<2000x1xf32>
    %div3A_7 = arith.divf %div3A_6, %max3A_5 : vector<2000x1xf32>
    %get3A_8 = arith.constant 1 : index
    %get3A_9 = arith.constant 0 : index
    %get3A_10 = arith.constant 0 : index
    %get3A_11 = vector.load %arg2[%get3A_8, %get3A_9, %get3A_10] : memref<2x2000x128xf32, #tpu.memory_space<vmem>>, vector<1x2000x128xf32>
    %get3A_12 = vector.shape_cast %get3A_11 : vector<1x2000x128xf32> to vector<2000x128xf32>
    %slice3A_13 = vector.extract_strided_slice %get3A_12 {offsets = [0, 0], sizes = [2000, 1], strides = [1, 1]} : vector<2000x128xf32> to vector<2000x1xf32>
    %max3A_14 = arith.constant 1.000000e+00 : f32
    %max3A_15 = vector.broadcast %max3A_14 : f32 to vector<2000x1xf32>
    %max3A_16 = arith.maximumf %slice3A_13, %max3A_15 : vector<2000x1xf32>
    %div3A_17 = arith.constant 1.000000e+00 : f32
    %div3A_18 = vector.broadcast %div3A_17 : f32 to vector<2000x1xf32>
    %div3A_19 = arith.divf %div3A_18, %max3A_16 : vector<2000x1xf32>
    %get3A_20 = arith.constant 0 : index
    %get3A_21 = arith.constant 0 : index
    %get3A_22 = arith.constant 0 : index
    %get3A_23 = vector.load %arg1[%get3A_20, %get3A_21, %get3A_22] : memref<2x2000x128xf32, #tpu.memory_space<vmem>>, vector<1x2000x128xf32>
    %get3A_24 = vector.shape_cast %get3A_23 : vector<1x2000x128xf32> to vector<2000x128xf32>
    %mul3A = vector.broadcast %div3A_7 : vector<2000x1xf32> to vector<2000x128xf32>
    %mul3A_25 = arith.mulf %get3A_24, %mul3A : vector<2000x128xf32>
    %get3A_26 = arith.constant 1 : index
    %get3A_27 = arith.constant 0 : index
    %get3A_28 = arith.constant 0 : index
    %get3A_29 = vector.load %arg1[%get3A_26, %get3A_27, %get3A_28] : memref<2x2000x128xf32, #tpu.memory_space<vmem>>, vector<1x2000x128xf32>
    %get3A_30 = vector.shape_cast %get3A_29 : vector<1x2000x128xf32> to vector<2000x128xf32>
    %mul3A_31 = vector.broadcast %div3A_19 : vector<2000x1xf32> to vector<2000x128xf32>
    %mul3A_32 = arith.mulf %get3A_30, %mul3A_31 : vector<2000x128xf32>
    %add3A = arith.addf %mul3A_25, %mul3A_32 : vector<2000x128xf32>
    %get3A_33 = arith.constant 0 : index
    %get3A_34 = arith.constant 0 : index
    %get3A_35 = vector.load %arg3[%get3A_33, %get3A_34] : memref<2000x128xf32, #tpu.memory_space<vmem>>, vector<2000x128xf32>
    %get3A_36 = arith.constant 0 : index
    %get3A_37 = arith.constant 0 : index
    %get3A_38 = vector.load %arg4[%get3A_36, %get3A_37] : memref<128x384xf32, #tpu.memory_space<vmem>>, vector<128x384xf32>
    %dot_general3A = arith.constant dense<0.000000e+00> : vector<2000x384xf32>
    %dot_general3A_39 = tpu.matmul %add3A, %get3A_38, %dot_general3A {dimension_numbers = #tpu.dot_dimension_numbers<[1], [0], [0], [1], [0, 0, 1, 1], [], []>, transpose_lhs_hint = false} : vector<2000x128xf32>, vector<128x384xf32>, vector<2000x384xf32> -> vector<2000x384xf32>
    %get3A_40 = arith.constant 0 : index
    %get3A_41 = arith.constant 0 : index
    %get3A_42 = vector.load %arg6[%get3A_40, %get3A_41] : memref<1x384xf32, #tpu.memory_space<vmem>>, vector<1x384xf32>
    %add3A_43 = vector.broadcast %get3A_42 : vector<1x384xf32> to vector<2000x384xf32>
    %add3A_44 = arith.addf %dot_general3A_39, %add3A_43 : vector<2000x384xf32>
    %get3A_45 = arith.constant 0 : index
    %get3A_46 = arith.constant 0 : index
    %get3A_47 = vector.load %arg5[%get3A_45, %get3A_46] : memref<128x384xf32, #tpu.memory_space<vmem>>, vector<128x384xf32>
    %dot_general3A_48 = arith.constant dense<0.000000e+00> : vector<2000x384xf32>
    %dot_general3A_49 = tpu.matmul %get3A_35, %get3A_47, %dot_general3A_48 {dimension_numbers = #tpu.dot_dimension_numbers<[1], [0], [0], [1], [0, 0, 1, 1], [], []>, transpose_lhs_hint = false} : vector<2000x128xf32>, vector<128x384xf32>, vector<2000x384xf32> -> vector<2000x384xf32>
    %get3A_50 = arith.constant 0 : index
    %get3A_51 = arith.constant 0 : index
    %get3A_52 = vector.load %arg7[%get3A_50, %get3A_51] : memref<1x384xf32, #tpu.memory_space<vmem>>, vector<1x384xf32>
    %add3A_53 = vector.broadcast %get3A_52 : vector<1x384xf32> to vector<2000x384xf32>
    %add3A_54 = arith.addf %dot_general3A_49, %add3A_53 : vector<2000x384xf32>
    %slice3A_55 = vector.extract_strided_slice %add3A_44 {offsets = [0, 0], sizes = [2000, 128], strides = [1, 1]} : vector<2000x384xf32> to vector<2000x128xf32>
    %slice3A_56 = vector.extract_strided_slice %add3A_54 {offsets = [0, 0], sizes = [2000, 128], strides = [1, 1]} : vector<2000x384xf32> to vector<2000x128xf32>
    %add3A_57 = arith.addf %slice3A_55, %slice3A_56 : vector<2000x128xf32>
    %logistic3A = arith.negf %add3A_57 : vector<2000x128xf32>
    %logistic3A_58 = math.exp %logistic3A : vector<2000x128xf32>
    %logistic3A_59 = arith.constant 1.000000e+00 : f32
    %logistic3A_60 = vector.broadcast %logistic3A_59 : f32 to vector<2000x128xf32>
    %logistic3A_61 = arith.addf %logistic3A_60, %logistic3A_58 : vector<2000x128xf32>
    %logistic3A_62 = arith.divf %logistic3A_60, %logistic3A_61 : vector<2000x128xf32>
    %slice3A_63 = vector.extract_strided_slice %add3A_44 {offsets = [0, 128], sizes = [2000, 128], strides = [1, 1]} : vector<2000x384xf32> to vector<2000x128xf32>
    %slice3A_64 = vector.extract_strided_slice %add3A_54 {offsets = [0, 128], sizes = [2000, 128], strides = [1, 1]} : vector<2000x384xf32> to vector<2000x128xf32>
    %add3A_65 = arith.addf %slice3A_63, %slice3A_64 : vector<2000x128xf32>
    %logistic3A_66 = arith.negf %add3A_65 : vector<2000x128xf32>
    %logistic3A_67 = math.exp %logistic3A_66 : vector<2000x128xf32>
    %logistic3A_68 = arith.constant 1.000000e+00 : f32
    %logistic3A_69 = vector.broadcast %logistic3A_68 : f32 to vector<2000x128xf32>
    %logistic3A_70 = arith.addf %logistic3A_69, %logistic3A_67 : vector<2000x128xf32>
    %logistic3A_71 = arith.divf %logistic3A_69, %logistic3A_70 : vector<2000x128xf32>
    %slice3A_72 = vector.extract_strided_slice %add3A_44 {offsets = [0, 256], sizes = [2000, 128], strides = [1, 1]} : vector<2000x384xf32> to vector<2000x128xf32>
    %slice3A_73 = vector.extract_strided_slice %add3A_54 {offsets = [0, 256], sizes = [2000, 128], strides = [1, 1]} : vector<2000x384xf32> to vector<2000x128xf32>
    %mul3A_74 = arith.mulf %logistic3A_62, %slice3A_73 : vector<2000x128xf32>
    %add3A_75 = arith.addf %slice3A_72, %mul3A_74 : vector<2000x128xf32>
    %tanh3A = math.tanh %add3A_75 : vector<2000x128xf32>
    %sub3A = arith.constant 1.000000e+00 : f32
    %sub3A_76 = vector.broadcast %sub3A : f32 to vector<2000x128xf32>
    %sub3A_77 = arith.subf %sub3A_76, %logistic3A_71 : vector<2000x128xf32>
    %mul3A_78 = arith.mulf %sub3A_77, %tanh3A : vector<2000x128xf32>
    %mul3A_79 = arith.mulf %logistic3A_71, %get3A_35 : vector<2000x128xf32>
    %add3A_80 = arith.addf %mul3A_78, %mul3A_79 : vector<2000x128xf32>
    %swap3A = arith.constant 0 : index
    %swap3A_81 = arith.constant 0 : index
    %swap3A_82 = vector.load %arg8[%swap3A, %swap3A_81] : memref<2000x128xf32, #tpu.memory_space<vmem>>, vector<2000x128xf32>
    tpu.vector_store %arg8[%swap3A, %swap3A_81], %add3A_80 {strides = array<i32>} : memref<2000x128xf32, #tpu.memory_space<vmem>>, vector<2000x128xf32>,
    return
  }
  func.func @transform_0(%arg0: i32) -> (i32, i32, i32) {
    %c0_i32 = arith.constant 0 : i32
    %c0_i32_0 = arith.constant 0 : i32
    %c0_i32_1 = arith.constant 0 : i32
    return %c0_i32, %arg0, %c0_i32_0 : i32, i32, i32
  }
  func.func @transform_1(%arg0: i32) -> (i32, i32, i32) {
    %c0_i32 = arith.constant 0 : i32
    %c0_i32_0 = arith.constant 0 : i32
    %c0_i32_1 = arith.constant 0 : i32
    return %c0_i32, %arg0, %c0_i32_0 : i32, i32, i32
  }
  func.func @transform_2(%arg0: i32) -> (i32, i32) {
    %c0_i32 = arith.constant 0 : i32
    %c0_i32_0 = arith.constant 0 : i32
    return %arg0, %c0_i32 : i32, i32
  }
  func.func @transform_3(%arg0: i32) -> (i32, i32) {
    %c0_i32 = arith.constant 0 : i32
    %c0_i32_0 = arith.constant 0 : i32
    %c0_i32_1 = arith.constant 0 : i32
    return %c0_i32, %c0_i32_0 : i32, i32
  }
  func.func @transform_4(%arg0: i32) -> (i32, i32) {
    %c0_i32 = arith.constant 0 : i32
    %c0_i32_0 = arith.constant 0 : i32
    %c0_i32_1 = arith.constant 0 : i32
    return %c0_i32, %c0_i32_0 : i32, i32
  }
  func.func @transform_5(%arg0: i32) -> (i32, i32) {
    %c0_i32 = arith.constant 0 : i32
    %c0_i32_0 = arith.constant 0 : i32
    %c0_i32_1 = arith.constant 0 : i32
    return %c0_i32, %c0_i32_0 : i32, i32
  }
  func.func @transform_6(%arg0: i32) -> (i32, i32) {
    %c0_i32 = arith.constant 0 : i32
    %c0_i32_0 = arith.constant 0 : i32
    %c0_i32_1 = arith.constant 0 : i32
    return %c0_i32, %c0_i32_0 : i32, i32
  }
  func.func @transform_7(%arg0: i32) -> (i32, i32) {
    %c0_i32 = arith.constant 0 : i32
    %c0_i32_0 = arith.constant 0 : i32
    return %arg0, %c0_i32 : i32, i32
  }
}

</mosaic_0001>

<sc_bundles>
// kernel: closed_call.18.cloned.1.call-start
scs
__scs_entry_jumppad:
0x0: {  	(pc) =	sbr.rel $0x88, $3  }
0x1: {  	(tag) =	ssettag $0x0;
	lr =	simm.s32 $0x1  }
0x2: {  	[smem:$0x3F96] =	sst lr;
	_ =	strace $0xD0000000  }
0x3: {  	_ = 	snop  }
0x4: {  	_ = 	snop  }
0x5: {  	_ = 	snop  }
0x6: {  	_ = 	snop  }
0x7: {  	_ = 	snop  }
__scs_overlays_trampoline_lowered:
0x8: {  	[smem:$0x3FA5] =	sst s0  }
0x9: {  	[smem:$0x3FA6] =	sst s1  }
0xa: {  	[smem:$0x3FA7] =	sst s2  }
0xb: {  	[smem:$0x3FA8] =	sst s3  }
0xc: {  	[smem:$0x3FA9] =	sst s4  }
0xd: {  	[smem:$0x3FAA] =	sst s5  }
0xe: {  	[smem:$0x3FAB] =	sst s6  }
0xf: {  	[smem:$0x3FAC] =	sst s7  }
0x10: {  	[smem:$0x3FAD] =	sst s8  }
0x11: {  	[smem:$0x3FAE] =	sst s9;
	s0 =	simm.s32 @!p0 $0x0  }
0x12: {  	s1 =	sld [smem:$0x3F94];
	s0 =	simm.s32 @p0 $0x1  }
0x13: {  	[smem:$0x3FAF] =	sst s0;
	s0 =	simm.s32 @!p1 $0x0  }
0x14: {  	s2 =	sld [smem:$0x3F93];
	s0 =	simm.s32 @p1 $0x1  }
0x15: {  	[smem:$0x3FB0] =	sst s0;
	s0 =	simm.s32 @!p2 $0x0  }
0x16: {  	s3 =	sld [smem:$0x3FDB];
	s0 =	simm.s32 @p2 $0x1  }
0x17: {  	s4 =	simm.s32 $0x1BF5;
	[smem:$0x3FB2] =	sst s0  }
0x18: {  	s0 =	sld [smem:$0x3F95];
	_ =	swait.ge [sflag:s4], $0x0  }
0x19: {  	s7 =	sld [smem:$0x3F96]  }
0x1a: {  	s8 =	sadd.s32 $0xFFFFE003, lr  }
0x1b: {  	s9 =	sadd.s32 $0xFFFFFEF7, lr;
	s5 =	simm.s32 $0xFFFFFFFF;
	p2 =	slt.u32 s8, $0xFFFFF086  }
0x1c: {  	p1 =	slt.u32 s9, $0xF7A;
	s5 =	simm.s32 @!p2 $0x0  }
0x1d: {  	s5 =	simm.s32 @p1 $0x1;
	p0 =	seq.s32 s7, s2  }
0x1e: {  	s7 =	smul.u32 @!p0 $0xF7A, s2;
	p2 =	seq.s32 @!p0 s5, $0x0  }
0x1f: {  	s9 =	smul.u32 $0xF7A, s1;
	s8 =	simm.s32 @!p0 $0x1BF5;
	p2 =	por !p2, p0  }
0x20: {  	[sflag:s8] =	ssyncset.s32 @!p0 $0xFFFFF086;
	s6 =	sadd.s32 @!p0 s3, s7;
	s7 =	simm.s32 @!p0 $0x108  }
0x21: {  	s3 =	sadd.s32 s3, s9;
	s6 =	sadd.s32 @!p0 $0x88, s6;
	s7 =	simm.s32 @p2 $0x1082  }
0x22: {  	[simem:s7], [sflag:s8] =	dma.local @!p0 [hbm:s6], $0xF7A  }
0x23: {  	s9 =	sor.u32 $0xD0000000, s2;
	s6 =	simm.s32 $0x108;
	_ =	swait.ge @!p0 [sflag:s8], $0x0  }
0x24: {  	s3 =	sadd.s32 $0x88, s3;
	s6 =	simm.s32 @!p1 $0x1082;
	[sflag:s4] =	ssyncset.s32 $0xFFFFF086  }
0x25: {  	[simem:s6], [sflag:s4] =	dma.local [hbm:s3], $0xF7A  }
0x26: {  	[smem:$0x3F96] =	sst s1;
	(tag) =	ssettag s2;
	_ =	strace s9  }
0x27: {  	s1 =	sld [smem:$0x3FA6]  }
0x28: {  	s2 =	sld [smem:$0x3FA7]  }
0x29: {  	s4 =	sld [smem:$0x3FA9]  }
0x2a: {  	p0 =	seq.s32 s5, $0x0;
	s5 =	sld [smem:$0x3FAA]  }
0x2b: {  	s6 =	sld [smem:$0x3FAB]  }
0x2c: {  	s7 =	sld [smem:$0x3FAC]  }
0x2d: {  	s3 =	simm.s32 $0x108;
	s8 =	sld [smem:$0x3FAD]  }
0x2e: {  	s3 =	simm.s32 @!p0 $0x1082;
	s9 =	sld [smem:$0x3FAE]  }
0x2f: {  	lr =	sadd.s32 s0, s3;
	s0 =	sld [smem:$0x3FA5]  }
0x30: {  	s3 =	sld [smem:$0x3FA8]  }
0x31: {  	[smem:$0x3FB1] =	sst s10  }
0x32: {  	s10 =	sld [smem:$0x3FAF];
	_ =	sdelay $0x3  }
0x33: {  	p0 =	seq.s32 s10, $0x1;
	s10 =	sld [smem:$0x3FB1];
	_ =	sdelay $0x3  }
0x34: {  	[smem:$0x3FB1] =	sst s10  }
0x35: {  	s10 =	sld [smem:$0x3FB0];
	_ =	sdelay $0x3  }
0x36: {  	p1 =	seq.s32 s10, $0x1;
	s10 =	sld [smem:$0x3FB1];
	_ =	sdelay $0x3  }
0x37: {  	[smem:$0x3FB1] =	sst s10  }
0x38: {  	s10 =	sld [smem:$0x3FB2]  }
0x39: {  	_ = 	snop;
	(pc) =	sbr.ind lr, $3  }
0x3a: {  	_ = 	snop  }
0x3b: {  	_ = 	snop  }
0x3c: {  	p2 =	seq.s32 s10, $0x1;
	s10 =	sld [smem:$0x3FB1]  }
0x3d: {  	_ =	shalt  }
0x3e: {  	_ =	shalt  }
0x3f: {  	_ =	shalt  }
0x40: {  	_ =	shalt  }
0x41: {  	_ =	shalt  }
0x42: {  	_ =	shalt  }
0x43: {  	_ =	shalt  }
0x44: {  	_ =	shalt  }
0x45: {  	_ =	shalt  }
0x46: {  	_ =	shalt  }
0x47: {  	_ =	shalt  }
0x48: {  	_ =	shalt  }
0x49: {  	_ =	shalt  }
0x4a: {  	_ =	shalt  }
0x4b: {  	_ =	shalt  }
0x4c: {  	_ =	shalt  }
0x4d: {  	_ =	shalt  }
0x4e: {  	_ =	shalt  }
0x4f: {  	_ =	shalt  }
0x50: {  	_ =	shalt  }
0x51: {  	_ =	shalt  }
0x52: {  	_ =	shalt  }
0x53: {  	_ =	shalt  }
0x54: {  	_ =	shalt  }
0x55: {  	_ =	shalt  }
0x56: {  	_ =	shalt  }
0x57: {  	_ =	shalt  }
0x58: {  	_ =	shalt  }
0x59: {  	_ =	shalt  }
0x5a: {  	_ =	shalt  }
0x5b: {  	_ =	shalt  }
0x5c: {  	_ =	shalt  }
0x5d: {  	_ =	shalt  }
0x5e: {  	_ =	shalt  }
0x5f: {  	_ =	shalt  }
0x60: {  	_ =	shalt  }
0x61: {  	_ =	shalt  }
0x62: {  	_ =	shalt  }
0x63: {  	_ =	shalt  }
0x64: {  	_ =	shalt  }
0x65: {  	_ =	shalt  }
0x66: {  	_ =	shalt  }
0x67: {  	_ =	shalt  }
0x68: {  	_ =	shalt  }
0x69: {  	_ =	shalt  }
0x6a: {  	_ =	shalt  }
0x6b: {  	_ =	shalt  }
0x6c: {  	_ =	shalt  }
0x6d: {  	_ =	shalt  }
0x6e: {  	_ =	shalt  }
0x6f: {  	_ =	shalt  }
0x70: {  	_ =	shalt  }
0x71: {  	_ =	shalt  }
0x72: {  	_ =	shalt  }
0x73: {  	_ =	shalt  }
0x74: {  	_ =	shalt  }
0x75: {  	_ =	shalt  }
0x76: {  	_ =	shalt  }
0x77: {  	_ =	shalt  }
0x78: {  	_ =	shalt  }
0x79: {  	_ =	shalt  }
0x7a: {  	_ =	shalt  }
0x7b: {  	_ =	shalt  }
0x7c: {  	_ =	shalt  }
0x7d: {  	_ =	shalt  }
0x7e: {  	_ =	shalt  }
0x7f: {  	_ =	shalt  }
0x80: {  	_ =	shalt  }
0x81: {  	_ =	shalt  }
0x82: {  	_ =	shalt  }
0x83: {  	_ =	shalt  }
0x84: {  	_ =	shalt  }
0x85: {  	_ =	shalt  }
0x86: {  	_ =	shalt  }
0x87: {  	_ =	shalt  }
.Lfunc_end0:
.L_simem_size_0:
called_computation_lowered:
.L_overlay_start_0:
0x88: {  	s2 =	sld [smem:$0x3FD9]  }
0x89: {  	s3 =	sld [smem:$0x3FFE];
	_ =	sdelay $0x1  }
0x8a: {  	s1 =	srdreg.scid  }
0x8b: {  	s0 =	sand.u32 $0x1, s1  }
0x8c: {  	s16 =	sshll.u32 s0, $0xA;
	s2 =	sadd.s32 s3, s2  }
0x8d: {  	s2 =	sadd.s32 s2, s16  }
0x8e: {  	[smem:$0x3FBD] =	sst s2  }
0x8f: {  	_ = 	snop  }
0x90: {  	(tm) =	ssettm $0x1  }
0x91: {  	s17 =	sld [smem:$0x3FFB];
	_ =	sdelay $0x3  }
0x92: {  	_ =	strace s17  }
0x93: {  	s2 =	sld [smem:$0x3FFC];
	_ =	sdelay $0x3  }
0x94: {  	_ =	strace s2  }
0x95: {  	s2 =	sld [smem:$0x3FFD];
	_ =	sdelay $0x3  }
0x96: {  	_ =	strace s2  }
0x97: {  	_ =	strace $0x8FFFFFFF  }
0x98: {  	s18 =	sld [smem:$0x3FDB];
	_ =	sdelay $0x1  }
0x99: {  	s19 =	simm.s32 $_scs_section_size  }
0x9a: {  	s4 =	simm.s32 $_size__tile_overlayer_lowered;
	s5 =	simm.s32 $_tile_overlayer_lowered  }
0x9b: {  	s22 =	simm.s32 $0x1BFF;
	s21 =	sshll.u32 s5, $0x1;
	s2 =	sadd.s32 s19, s18  }
0x9c: {  	s6 =	simm.s32 $0x0;
	s20 =	sshll.u32 s4, $0x1;
	s4 =	sadd.s32 s21, s2  }
0x9d: {  	[timem:s6], [sflag:s22] =	dma.local [hbm:s4], s20  }
0x9e: {  	_ =	swait.ge [sflag:s22], s20  }
0x9f: {  	s3 =	ssub.s32 $0x0, s20;
	[sflag:s22] =	ssyncset.done $0x0  }
0xa0: {  	[sflag:s22] =	ssyncadd.s32 s3;
	_ =	sdelay $0x1  }
0xa1: {  	s23 =	simm.s32 $0x1B8B  }
0xa2: {  	_ =	swait.ge [sflag:s23], $0x1  }
0xa3: {  	[sflag:s23] =	ssyncset.done $0x0  }
0xa4: {  	s25 =	simm.s32 $0x1B8E;
	s24 =	sld [smem:$0x3FFE];
	[sflag:s23] =	ssyncadd.s32 $0xFFFFFFFF  }
0xa5: {  	s26 =	simm.s32 $execute0_lowered;
	[smem:$0x3FD2] =	sst s25  }
0xa6: {  	s4 =	sshll.u32 s26, $0x1;
	_ =	strace $0x80000049;
	[dreg:$0x1] =	wrdreg $0xFFFFFFFF  }
0xa7: {  	s28 =	simm.s32 $_size_execute0_lowered;
	s2 =	sadd.s32 s2, s4;
	[dreg:$0x0] =	wrdreg $0x0  }
0xa8: {  	s4 =	sshll.u32 s28, $0x1;
	[dreg:$0x2] =	wrdreg s2  }
0xa9: {  	[dreg:$0x3] =	wrdreg s4  }
0xaa: {  	[dreg:$0x4] =	wrdreg $0xC0  }
0xab: {  	_ =	task [dreg:s6], $0x5FFFF  }
0xac: {  	[dreg:$0x1] =	wrdreg $0xFFFFFFFF  }
0xad: {  	[dreg:$0x0] =	wrdreg $0x60  }
0xae: {  	[dreg:$0x2] =	wrdreg s24  }
0xaf: {  	[dreg:$0x3] =	wrdreg $0x9  }
0xb0: {  	_ =	task.clear_ibuf [dreg:s6], $0x4FFFF;
	_ =	strace $0x90000049  }
0xb1: {  	s29 =	simm.s32 $0x9;
	_ =	strace $0x8000004B  }
0xb2: {  	_ =	swait.ge [sflag:s29], $0x1  }
0xb3: {  	[sflag:s29] =	ssyncadd.s32 $0xFFFFFFFF  }
0xb4: {  	_ =	strace $0x9000004B  }
0xb5: {  	_ =	sfence  }
0xb6: {  	s30 =	sld [smem:$0x0];
	_ =	sdelay $0x2  }
0xb7: {  	s31 =	sshll.u32 s1, $0xD;
	s1 =	sshrl.u32 s1, $0x2  }
0xb8: {  	s3 =	sand.u32 $0x4000, s31;
	s1 =	sadd.s32 s1, s30  }
0xb9: {  	s0 =	sor.u32 s3, s0;
	s1 =	sshll.u32 s1, $0x11  }
0xba: {  	s0 =	sor.u32 s1, s0  }
0xbb: {  	s0 =	sadd.s32 $0x8F2B, s0  }
0xbc: {  	[sflag:s0] =	ssyncadd.remote.s32 $0x1  }
0xbd: {  	_ =	sfence.sel $0xFFFF  }
0xbe: {  	[dreg:$0x0] =	wrdreg $0xFFFFFFFF;
	(pc) =	sbr.abs _section_cstart, $3  }
0xbf: {  	[dreg:$0x1] =	wrdreg $0xFFFFFFFF  }
0xc0: {  	_ =	task.clear_ibuf [dreg:s6], $0x2FFFF;
	_ =	strace $0x9FFFFFFF  }
0xc1: {  	(tm) =	ssettm $0x7FFFFFFF  }
tec
execute0_lowered:
.L_overlay_start_1:
0x0: {  	(tag) =	ssettag $0x1  }
0x1: {  	s0 =	rddreg [dreg:$0x0];
	s2 =	simm.s32 $0x0  }
0x2: {  	s4 =	srdreg.scid;
	s1 =	stileid.u32;
	s19 =	simm.s32 $0x50  }
0x3: {  	s20 =	simm.s32 $0x100;
	s21 =	simm.s32 $0x80;
	s22 =	simm.s32 $0x2  }
0x4: {  	s23 =	simm.s32 $0x3;
	s24 =	simm.s32 $0x2900;
	s28 =	simm.s32 $0x5  }
0x5: {  	s29 =	simm.s32 $0x6;
	s30 =	simm.s32 $0x0;
	s5 =	smul.u32 $0x7D00, s1  }
0x6: {  	[smem:$0x7FF] =	sst s2;
	s3 =	sadd.s32 $0x22000, s0;
	s10 =	smul.u32 $0x271000, s1  }
0x7: {  	s6 =	sand.u32 $0x1, s4;
	s15 =	sadd.s32 $0x2C00, s0;
	s12 =	smul.u32 $0x4E200, s1  }
0x8: {  	s16 =	sadd.s32 $0x12600, s0;
	s4 =	sadd.s32 $0xA5BA00, s0;
	s18 =	smul.u32 $0xFA0, s1  }
0x9: {  	_ =	strace $0x8000004A;
	s7 =	ssub.s32 $0x2, s6;
	p0 =	seq.s32 s6, $0x1  }
0xa: {  	s25 =	sshrl.u32 s7, $0x1;
	s11 =	sshrl.u32 s5, $0x3;
	s8 =	sadd.s32 $0x26E800, s10  }
0xb: {  	s10 =	sadd.s32 $0x297E800, s10;
	s12 =	sadd.s32 s4, s12;
	s31 =	sadd.s32 s18, s15  }
0xc: {  	s18 =	sadd.s32 s18, s16;
	s0 =	ssub.s32 s7, s25;
	s5 =	sadd.s32 s15, s11  }
.Ltmp0:
0xd: {  	s7 =	sadd.s32 s16, s11;
	s17 =	sadd.s32 $0x20, s11;
	(pc) =	sbr.rel .LBB2_1-.Ltmp0, $4  }
0xe: {  	s14 =	sadd.s32 $0x4E2000, s12;
	s25 =	simm.s32 $0x1;
	s26 =	sadd.s32 $0x10, s5  }
0xf: {  	s9 =	sadd.s32 $0x10, s7;
	s11 =	smax.u32 s0, $0x1;
	s13 =	sadd.s32 s15, s17  }
0x10: {  	s15 =	sadd.s32 s16, s17;
	s0 =	sadd.s32 $0x40, s31;
	s17 =	sadd.s32 $0x40, s18  }
0x11: {  	s18 =	simm.s32 $0x7;
	[dreg:$0x2] =	wrdreg s26;
	s26 =	simm.s32 $0x4  }
.LBB2_8:
0x12: {  	s16 =	smov.u32 s10  }
.LBB2_9:
0x13: {  	_ =	swait.ge [sflag:s26], $0x2800  }
0x14: {  	s1 =	sshrl.u32 s16, $0x3;
	[sflag:s26] =	ssyncset.done $0x0  }
0x15: {  	s30 =	sadd.s32 $0x1, s30;
	s1 =	sadd.s32 s4, s1;
	[sflag:s26] =	ssyncadd.s32 $0xFFFFD800  }
0x16: {  	[hbm4b:s1+s2] =	stream.linear.scatter [tilespmem:s24], [sflag:$0x6], $0x2800, $0x38;
	[tilespmem:$0x5100] =	vst v63  }
0x17: {  	p1 =	sne.s32 s30, s11;
	_ =	swait.ge [sflag:s28], $0x2800  }
.Ltmp1:
0x18: {  	[sflag:s28] =	ssyncset.done $0x0;
	(pc) =	sbr.rel @!p1 .LBB2_10-.Ltmp1, $4  }
0x19: {  	[sflag:s28] =	ssyncadd.s32 $0xFFFFD800  }
0x1a: {  	_ =	swait.ge [sflag:s29], $0x2800  }
0x1b: {  	[sflag:s29] =	ssyncset.done $0x0  }
0x1c: {  	[sflag:s29] =	ssyncadd.s32 $0xFFFFD800  }
.LBB2_1:
.Ltmp2:
0x1d: {  	(pc) =	sbr.rel @!p0 .LBB2_2-.Ltmp2, $2  }
0x1e: {  	_ =	sdelay $0x2  }
0x1f: {  	s31 =	simm.s32 $0x0  }
0x20: {  	[tilespmem:s31], [sflag:$0x7] =	stream.linear.gather [hbm4b:s7+s31], $0x80, $0x38;
	[tilespmem:$0x5100] =	vst v63  }
0x21: {  	_ =	swait.ge [sflag:s18], $0x80  }
0x22: {  	[sflag:s18] =	ssyncset.done $0x0  }
0x23: {  	[sflag:s18] =	ssyncadd.s32 $0xFFFFFF80  }
0x24: {  	[tilespmem:s20], [sflag:$0x3] =	stream.indirect.gather [hbm4b:s3+s19], $0x80, s31, s19, $0xb8;
	[tilespmem:$0x5100] =	vst v63  }
0x25: {  	_ = 	snop  }
0x26: {  	[tilespmem:s21], [sflag:$0x2] =	stream.linear.gather [hbm4b:s9+s31], $0x80, $0x38;
	[tilespmem:$0x5100] =	vst v63  }
0x27: {  	_ =	swait.ge [sflag:s22], $0x80  }
0x28: {  	[sflag:s22] =	ssyncset.done $0x0  }
0x29: {  	[sflag:s22] =	ssyncadd.s32 $0xFFFFFF80  }
0x2a: {  	_ =	swait.ge [sflag:s23], $0x2800  }
0x2b: {  	[sflag:s23] =	ssyncset.done $0x0  }
0x2c: {  	[sflag:s23] =	ssyncadd.s32 $0xFFFFD800  }
0x2d: {  	[hbm4b:s14+s31] =	stream.linear.scatter [tilespmem:s20], [sflag:$0x5], $0x2800, $0x38;
	[tilespmem:$0x5100] =	vst v63  }
0x2e: {  	_ = 	snop  }
0x2f: {  	[tilespmem:s24], [sflag:$0x4] =	stream.indirect.gather [hbm4b:s3+s19], $0x80, s21, s19, $0xb8;
	[tilespmem:$0x5100] =	vst v63  }
0x30: {  	s16 =	smov.u32 s17  }
0x31: {  	[tilespmem:s31], [sflag:$0x1] =	stream.linear.gather [hbm4b:s15+s31], $0x80, $0x38;
	[tilespmem:$0x5100] =	vst v63  }
.LBB2_7:
0x32: {  	_ =	swait.ge [sflag:s25], $0x80  }
0x33: {  	[sflag:s25] =	ssyncset.done $0x0  }
0x34: {  	[sflag:s25] =	ssyncadd.s32 $0xFFFFFF80  }
0x35: {  	_ =	swait.ge [sflag:s26], $0x2800  }
0x36: {  	s1 =	sadd.s32 s31, s12;
	[sflag:s26] =	ssyncset.done $0x0  }
0x37: {  	s6 =	sadd.s32 $0x4E2500, s1;
	[sflag:s26] =	ssyncadd.s32 $0xFFFFD800  }
0x38: {  	[hbm4b:s6+s2] =	stream.linear.scatter [tilespmem:s24], [sflag:$0x6], $0x2800, $0x38;
	[tilespmem:$0x5100] =	vst v63  }
0x39: {  	_ =	swait.ge [sflag:s28], $0x2800  }
0x3a: {  	[sflag:s28] =	ssyncset.done $0x0  }
0x3b: {  	[sflag:s28] =	ssyncadd.s32 $0xFFFFD800  }
0x3c: {  	[tilespmem:s20], [sflag:$0x3] =	stream.indirect.gather [hbm4b:s3+s19], $0x80, s2, s19, $0xb8;
	[tilespmem:$0x5100] =	vst v63  }
0x3d: {  	s6 =	sadd.s32 $0xFFFFFFF0, s16  }
0x3e: {  	[tilespmem:s21], [sflag:$0x2] =	stream.linear.gather [hbm4b:s6+s2], $0x80, $0x38;
	[tilespmem:$0x5100] =	vst v63  }
0x3f: {  	_ =	swait.ge [sflag:s22], $0x80  }
0x40: {  	[sflag:s22] =	ssyncset.done $0x0  }
0x41: {  	[sflag:s22] =	ssyncadd.s32 $0xFFFFFF80  }
0x42: {  	_ =	swait.ge [sflag:s23], $0x2800  }
0x43: {  	[sflag:s23] =	ssyncset.done $0x0  }
0x44: {  	p1 =	seq.s32 s31, $0x4CE00;
	s1 =	sadd.s32 $0x4E2A00, s1;
	[sflag:s23] =	ssyncadd.s32 $0xFFFFD800  }
0x45: {  	[hbm4b:s1+s2] =	stream.linear.scatter [tilespmem:s20], [sflag:$0x5], $0x2800, $0x38;
	[tilespmem:$0x5100] =	vst v63  }
.Ltmp3:
0x46: {  	_ = 	snop;
	(pc) =	sbr.rel @p1 .LBB2_8-.Ltmp3, $4  }
0x47: {  	_ =	swait.ge [sflag:s29], $0x2800  }
0x48: {  	[sflag:s29] =	ssyncset.done $0x0  }
0x49: {  	[sflag:s29] =	ssyncadd.s32 $0xFFFFD800  }
0x4a: {  	[tilespmem:s24], [sflag:$0x4] =	stream.indirect.gather [hbm4b:s3+s19], $0x80, s21, s19, $0xb8;
	[tilespmem:$0x5100] =	vst v63  }
.Ltmp4:
0x4b: {  	(pc) =	sbr.rel .LBB2_7-.Ltmp4, $3  }
0x4c: {  	_ =	sdelay $0x1  }
0x4d: {  	[tilespmem:s2], [sflag:$0x1] =	stream.linear.gather [hbm4b:s16+s2], $0x80, $0x38;
	[tilespmem:$0x5100] =	vst v63  }
0x4e: {  	s31 =	sadd.s32 $0xA00, s31;
	s16 =	sadd.s32 $0x20, s16  }
.LBB2_2:
0x4f: {  	[tilespmem:s31], [sflag:$0x7] =	stream.linear.gather [hbm4b:s5+s31], $0x80, $0x38;
	[tilespmem:$0x5100] =	vst v63  }
0x50: {  	_ =	swait.ge [sflag:s18], $0x80  }
0x51: {  	[sflag:s18] =	ssyncset.done $0x0  }
0x52: {  	[sflag:s18] =	ssyncadd.s32 $0xFFFFFF80  }
0x53: {  	[tilespmem:s20], [sflag:$0x3] =	stream.indirect.gather [hbm4b:s3+s19], $0x80, s31, s19, $0xb8;
	[tilespmem:$0x5100] =	vst v63  }
0x54: {  	s1 =	rddreg [dreg:$0x2]  }
0x55: {  	[tilespmem:s21], [sflag:$0x2] =	stream.linear.gather [hbm4b:s1+s31], $0x80, $0x38;
	[tilespmem:$0x5100] =	vst v63  }
0x56: {  	_ =	swait.ge [sflag:s22], $0x80  }
0x57: {  	[sflag:s22] =	ssyncset.done $0x0  }
0x58: {  	[sflag:s22] =	ssyncadd.s32 $0xFFFFFF80  }
0x59: {  	_ =	swait.ge [sflag:s23], $0x2800  }
0x5a: {  	[sflag:s23] =	ssyncset.done $0x0  }
0x5b: {  	[sflag:s23] =	ssyncadd.s32 $0xFFFFD800  }
0x5c: {  	[hbm4b:s12+s31] =	stream.linear.scatter [tilespmem:s20], [sflag:$0x5], $0x2800, $0x38;
	[tilespmem:$0x5100] =	vst v63  }
0x5d: {  	_ = 	snop  }
0x5e: {  	[tilespmem:s24], [sflag:$0x4] =	stream.indirect.gather [hbm4b:s3+s19], $0x80, s21, s19, $0xb8;
	[tilespmem:$0x5100] =	vst v63  }
0x5f: {  	s16 =	smov.u32 s0  }
0x60: {  	[tilespmem:s31], [sflag:$0x1] =	stream.linear.gather [hbm4b:s13+s31], $0x80, $0x38;
	[tilespmem:$0x5100] =	vst v63  }
.LBB2_3:
0x61: {  	_ =	swait.ge [sflag:s25], $0x80  }
0x62: {  	[sflag:s25] =	ssyncset.done $0x0  }
0x63: {  	[sflag:s25] =	ssyncadd.s32 $0xFFFFFF80  }
0x64: {  	_ =	swait.ge [sflag:s26], $0x2800  }
0x65: {  	s1 =	sadd.s32 s31, s12;
	[sflag:s26] =	ssyncset.done $0x0  }
0x66: {  	s6 =	sadd.s32 $0x500, s1;
	[sflag:s26] =	ssyncadd.s32 $0xFFFFD800  }
0x67: {  	[hbm4b:s6+s2] =	stream.linear.scatter [tilespmem:s24], [sflag:$0x6], $0x2800, $0x38;
	[tilespmem:$0x5100] =	vst v63  }
0x68: {  	_ =	swait.ge [sflag:s28], $0x2800  }
0x69: {  	[sflag:s28] =	ssyncset.done $0x0  }
0x6a: {  	[sflag:s28] =	ssyncadd.s32 $0xFFFFD800  }
0x6b: {  	[tilespmem:s20], [sflag:$0x3] =	stream.indirect.gather [hbm4b:s3+s19], $0x80, s2, s19, $0xb8;
	[tilespmem:$0x5100] =	vst v63  }
0x6c: {  	s6 =	sadd.s32 $0xFFFFFFF0, s16  }
0x6d: {  	[tilespmem:s21], [sflag:$0x2] =	stream.linear.gather [hbm4b:s6+s2], $0x80, $0x38;
	[tilespmem:$0x5100] =	vst v63  }
0x6e: {  	_ =	swait.ge [sflag:s22], $0x80  }
0x6f: {  	[sflag:s22] =	ssyncset.done $0x0  }
0x70: {  	[sflag:s22] =	ssyncadd.s32 $0xFFFFFF80  }
0x71: {  	_ =	swait.ge [sflag:s23], $0x2800  }
0x72: {  	[sflag:s23] =	ssyncset.done $0x0  }
0x73: {  	p1 =	seq.s32 s31, $0x4CE00;
	s1 =	sadd.s32 $0xA00, s1;
	[sflag:s23] =	ssyncadd.s32 $0xFFFFD800  }
0x74: {  	[hbm4b:s1+s2] =	stream.linear.scatter [tilespmem:s20], [sflag:$0x5], $0x2800, $0x38;
	[tilespmem:$0x5100] =	vst v63  }
.Ltmp5:
0x75: {  	_ = 	snop;
	(pc) =	sbr.rel @p1 .LBB2_4-.Ltmp5, $4  }
0x76: {  	_ =	swait.ge [sflag:s29], $0x2800  }
0x77: {  	[sflag:s29] =	ssyncset.done $0x0  }
0x78: {  	[sflag:s29] =	ssyncadd.s32 $0xFFFFD800  }
0x79: {  	[tilespmem:s24], [sflag:$0x4] =	stream.indirect.gather [hbm4b:s3+s19], $0x80, s21, s19, $0xb8;
	[tilespmem:$0x5100] =	vst v63  }
.Ltmp6:
0x7a: {  	(pc) =	sbr.rel .LBB2_3-.Ltmp6, $3  }
0x7b: {  	_ =	sdelay $0x1  }
0x7c: {  	[tilespmem:s2], [sflag:$0x1] =	stream.linear.gather [hbm4b:s16+s2], $0x80, $0x38;
	[tilespmem:$0x5100] =	vst v63  }
0x7d: {  	s31 =	sadd.s32 $0xA00, s31;
	s16 =	sadd.s32 $0x20, s16  }
.LBB2_4:
.Ltmp7:
0x7e: {  	(pc) =	sbr.rel .LBB2_9-.Ltmp7, $2  }
0x7f: {  	_ =	sdelay $0x2  }
0x80: {  	s16 =	smov.u32 s8  }
.LBB2_10:
0x81: {  	_ =	sfence.sel $0x180000  }
0x82: {  	[bflag:$0x0] =	sbarrier.arrive $0xFFFF  }
0x83: {  	_ =	strace $0x9000004A  }
0x84: {  	s0 =	stileid.u32;
	[bflag:$0x2] =	sbarrier.arrive $0xFFFF  }
0x85: {  	p0 =	sne.s32 s0, $0x0;
	s0 =	rddreg [dreg:$0x1]  }
0x86: {  	s0 =	sadd.s32 @!p0 $0x100000, s0  }
0x87: {  	[sflag:s0] =	ssyncadd.tile.s32 @!p0 $0x1;
	_ =	shalt  }
.Lfunc_end2:
_tile_overlayer_lowered:
.L_overlay_start_2:
0x88: {  	(tag) =	ssettag $0x2  }
0x89: {  	s0 =	rddreg [dreg:$0x0];
	s2 =	stileid.u32  }
0x8a: {  	s1 =	rddreg [dreg:$0x1];
	p0 =	sne.s32 s2, $0x0  }
0x8b: {  	s3 =	rddreg [dreg:$0x2];
	[bflag:$0x3] =	sbarrier.arrive $0xFFFF;
	s2 =	simm.s32 @!p0 $0x1C07  }
0x8c: {  	[timem:s3], [sflag:s2] =	dma.local @!p0 [hbm:s0], s1  }
0x8d: {  	s0 =	simm.s32 @!p0 $0x7  }
0x8e: {  	_ =	swait.ge @!p0 [sflag:s0], s1  }
0x8f: {  	s1 =	ssub.s32 @!p0 $0x0, s1;
	[sflag:s0] =	ssyncset.done @!p0 $0x0  }
0x90: {  	[sflag:s0] =	ssyncadd.s32 @!p0 s1  }
0x91: {  	[bflag:$0x3] =	sbarrier.arrive $0xFFFF  }
0x92: {  	_ =	shalt  }

// kernel: closed_call.21.cloned.1.call-start
scs
__scs_entry_jumppad:
0x0: {  	(pc) =	sbr.rel $0x88, $3  }
0x1: {  	(tag) =	ssettag $0x0;
	lr =	simm.s32 $0x1  }
0x2: {  	[smem:$0x3F96] =	sst lr;
	_ =	strace $0xD0000000  }
0x3: {  	_ = 	snop  }
0x4: {  	_ = 	snop  }
0x5: {  	_ = 	snop  }
0x6: {  	_ = 	snop  }
0x7: {  	_ = 	snop  }
__scs_overlays_trampoline_lowered:
0x8: {  	[smem:$0x3FA5] =	sst s0  }
0x9: {  	[smem:$0x3FA6] =	sst s1  }
0xa: {  	[smem:$0x3FA7] =	sst s2  }
0xb: {  	[smem:$0x3FA8] =	sst s3  }
0xc: {  	[smem:$0x3FA9] =	sst s4  }
0xd: {  	[smem:$0x3FAA] =	sst s5  }
0xe: {  	[smem:$0x3FAB] =	sst s6  }
0xf: {  	[smem:$0x3FAC] =	sst s7  }
0x10: {  	[smem:$0x3FAD] =	sst s8  }
0x11: {  	[smem:$0x3FAE] =	sst s9;
	s0 =	simm.s32 @!p0 $0x0  }
0x12: {  	s1 =	sld [smem:$0x3F94];
	s0 =	simm.s32 @p0 $0x1  }
0x13: {  	[smem:$0x3FAF] =	sst s0;
	s0 =	simm.s32 @!p1 $0x0  }
0x14: {  	s2 =	sld [smem:$0x3F93];
	s0 =	simm.s32 @p1 $0x1  }
0x15: {  	[smem:$0x3FB0] =	sst s0;
	s0 =	simm.s32 @!p2 $0x0  }
0x16: {  	s3 =	sld [smem:$0x3FDB];
	s0 =	simm.s32 @p2 $0x1  }
0x17: {  	s4 =	simm.s32 $0x1BF5;
	[smem:$0x3FB2] =	sst s0  }
0x18: {  	s0 =	sld [smem:$0x3F95];
	_ =	swait.ge [sflag:s4], $0x0  }
0x19: {  	s7 =	sld [smem:$0x3F96]  }
0x1a: {  	s8 =	sadd.s32 $0xFFFFE003, lr  }
0x1b: {  	s9 =	sadd.s32 $0xFFFFFEF7, lr;
	s5 =	simm.s32 $0xFFFFFFFF;
	p2 =	slt.u32 s8, $0xFFFFF086  }
0x1c: {  	p1 =	slt.u32 s9, $0xF7A;
	s5 =	simm.s32 @!p2 $0x0  }
0x1d: {  	s5 =	simm.s32 @p1 $0x1;
	p0 =	seq.s32 s7, s2  }
0x1e: {  	s7 =	smul.u32 @!p0 $0xF7A, s2;
	p2 =	seq.s32 @!p0 s5, $0x0  }
0x1f: {  	s9 =	smul.u32 $0xF7A, s1;
	s8 =	simm.s32 @!p0 $0x1BF5;
	p2 =	por !p2, p0  }
0x20: {  	[sflag:s8] =	ssyncset.s32 @!p0 $0xFFFFF086;
	s6 =	sadd.s32 @!p0 s3, s7;
	s7 =	simm.s32 @!p0 $0x108  }
0x21: {  	s3 =	sadd.s32 s3, s9;
	s6 =	sadd.s32 @!p0 $0x88, s6;
	s7 =	simm.s32 @p2 $0x1082  }
0x22: {  	[simem:s7], [sflag:s8] =	dma.local @!p0 [hbm:s6], $0xF7A  }
0x23: {  	s9 =	sor.u32 $0xD0000000, s2;
	s6 =	simm.s32 $0x108;
	_ =	swait.ge @!p0 [sflag:s8], $0x0  }
0x24: {  	s3 =	sadd.s32 $0x88, s3;
	s6 =	simm.s32 @!p1 $0x1082;
	[sflag:s4] =	ssyncset.s32 $0xFFFFF086  }
0x25: {  	[simem:s6], [sflag:s4] =	dma.local [hbm:s3], $0xF7A  }
0x26: {  	[smem:$0x3F96] =	sst s1;
	(tag) =	ssettag s2;
	_ =	strace s9  }
0x27: {  	s1 =	sld [smem:$0x3FA6]  }
0x28: {  	s2 =	sld [smem:$0x3FA7]  }
0x29: {  	s4 =	sld [smem:$0x3FA9]  }
0x2a: {  	p0 =	seq.s32 s5, $0x0;
	s5 =	sld [smem:$0x3FAA]  }
0x2b: {  	s6 =	sld [smem:$0x3FAB]  }
0x2c: {  	s7 =	sld [smem:$0x3FAC]  }
0x2d: {  	s3 =	simm.s32 $0x108;
	s8 =	sld [smem:$0x3FAD]  }
0x2e: {  	s3 =	simm.s32 @!p0 $0x1082;
	s9 =	sld [smem:$0x3FAE]  }
0x2f: {  	lr =	sadd.s32 s0, s3;
	s0 =	sld [smem:$0x3FA5]  }
0x30: {  	s3 =	sld [smem:$0x3FA8]  }
0x31: {  	[smem:$0x3FB1] =	sst s10  }
0x32: {  	s10 =	sld [smem:$0x3FAF];
	_ =	sdelay $0x3  }
0x33: {  	p0 =	seq.s32 s10, $0x1;
	s10 =	sld [smem:$0x3FB1];
	_ =	sdelay $0x3  }
0x34: {  	[smem:$0x3FB1] =	sst s10  }
0x35: {  	s10 =	sld [smem:$0x3FB0];
	_ =	sdelay $0x3  }
0x36: {  	p1 =	seq.s32 s10, $0x1;
	s10 =	sld [smem:$0x3FB1];
	_ =	sdelay $0x3  }
0x37: {  	[smem:$0x3FB1] =	sst s10  }
0x38: {  	s10 =	sld [smem:$0x3FB2]  }
0x39: {  	_ = 	snop;
	(pc) =	sbr.ind lr, $3  }
0x3a: {  	_ = 	snop  }
0x3b: {  	_ = 	snop  }
0x3c: {  	p2 =	seq.s32 s10, $0x1;
	s10 =	sld [smem:$0x3FB1]  }
0x3d: {  	_ =	shalt  }
0x3e: {  	_ =	shalt  }
0x3f: {  	_ =	shalt  }
0x40: {  	_ =	shalt  }
0x41: {  	_ =	shalt  }
0x42: {  	_ =	shalt  }
0x43: {  	_ =	shalt  }
0x44: {  	_ =	shalt  }
0x45: {  	_ =	shalt  }
0x46: {  	_ =	shalt  }
0x47: {  	_ =	shalt  }
0x48: {  	_ =	shalt  }
0x49: {  	_ =	shalt  }
0x4a: {  	_ =	shalt  }
0x4b: {  	_ =	shalt  }
0x4c: {  	_ =	shalt  }
0x4d: {  	_ =	shalt  }
0x4e: {  	_ =	shalt  }
0x4f: {  	_ =	shalt  }
0x50: {  	_ =	shalt  }
0x51: {  	_ =	shalt  }
0x52: {  	_ =	shalt  }
0x53: {  	_ =	shalt  }
0x54: {  	_ =	shalt  }
0x55: {  	_ =	shalt  }
0x56: {  	_ =	shalt  }
0x57: {  	_ =	shalt  }
0x58: {  	_ =	shalt  }
0x59: {  	_ =	shalt  }
0x5a: {  	_ =	shalt  }
0x5b: {  	_ =	shalt  }
0x5c: {  	_ =	shalt  }
0x5d: {  	_ =	shalt  }
0x5e: {  	_ =	shalt  }
0x5f: {  	_ =	shalt  }
0x60: {  	_ =	shalt  }
0x61: {  	_ =	shalt  }
0x62: {  	_ =	shalt  }
0x63: {  	_ =	shalt  }
0x64: {  	_ =	shalt  }
0x65: {  	_ =	shalt  }
0x66: {  	_ =	shalt  }
0x67: {  	_ =	shalt  }
0x68: {  	_ =	shalt  }
0x69: {  	_ =	shalt  }
0x6a: {  	_ =	shalt  }
0x6b: {  	_ =	shalt  }
0x6c: {  	_ =	shalt  }
0x6d: {  	_ =	shalt  }
0x6e: {  	_ =	shalt  }
0x6f: {  	_ =	shalt  }
0x70: {  	_ =	shalt  }
0x71: {  	_ =	shalt  }
0x72: {  	_ =	shalt  }
0x73: {  	_ =	shalt  }
0x74: {  	_ =	shalt  }
0x75: {  	_ =	shalt  }
0x76: {  	_ =	shalt  }
0x77: {  	_ =	shalt  }
0x78: {  	_ =	shalt  }
0x79: {  	_ =	shalt  }
0x7a: {  	_ =	shalt  }
0x7b: {  	_ =	shalt  }
0x7c: {  	_ =	shalt  }
0x7d: {  	_ =	shalt  }
0x7e: {  	_ =	shalt  }
0x7f: {  	_ =	shalt  }
0x80: {  	_ =	shalt  }
0x81: {  	_ =	shalt  }
0x82: {  	_ =	shalt  }
0x83: {  	_ =	shalt  }
0x84: {  	_ =	shalt  }
0x85: {  	_ =	shalt  }
0x86: {  	_ =	shalt  }
0x87: {  	_ =	shalt  }
.Lfunc_end0:
.L_simem_size_0:
called_computation.1_lowered:
.L_overlay_start_0:
0x88: {  	s2 =	sld [smem:$0x3FD9]  }
0x89: {  	s3 =	sld [smem:$0x3FFE];
	_ =	sdelay $0x1  }
0x8a: {  	s1 =	srdreg.scid  }
0x8b: {  	s0 =	sand.u32 $0x1, s1  }
0x8c: {  	s14 =	sshll.u32 s0, $0xA;
	s2 =	sadd.s32 s3, s2  }
0x8d: {  	s2 =	sadd.s32 s2, s14  }
0x8e: {  	[smem:$0x3FBD] =	sst s2  }
0x8f: {  	_ = 	snop  }
0x90: {  	s2 =	sld [smem:$0x3FD0];
	_ =	sdelay $0x2  }
0x91: {  	s15 =	simm.s32 $0xA;
	s4 =	simm.s32 $0x10  }
0x92: {  	[smem:s4], [sflag:s15] =	dma.local [hbm:s2], $0x1  }
0x93: {  	_ =	swait.eq [sflag:s15], $0x1  }
0x94: {  	[sflag:s15] =	ssyncset.done $0x0  }
0x95: {  	[sflag:s15] =	ssyncadd.s32 $0xFFFFFFFF  }
0x96: {  	s16 =	sld [smem:$0x10];
	(tm) =	ssettm $0x1  }
0x97: {  	s17 =	sld [smem:$0x3FFB];
	_ =	sdelay $0x3  }
0x98: {  	_ =	strace s17  }
0x99: {  	s3 =	sld [smem:$0x3FFC];
	_ =	sdelay $0x3  }
0x9a: {  	_ =	strace s3  }
0x9b: {  	s3 =	sld [smem:$0x3FFD];
	_ =	sdelay $0x3  }
0x9c: {  	_ =	strace s3  }
0x9d: {  	_ =	strace $0x8FFFFFFF  }
0x9e: {  	s18 =	sld [smem:$0x3FDB];
	_ =	sdelay $0x1  }
0x9f: {  	s19 =	simm.s32 $_scs_section_size  }
0xa0: {  	s5 =	simm.s32 $_size__tile_overlayer_lowered;
	s6 =	simm.s32 $_tile_overlayer_lowered  }
0xa1: {  	s22 =	simm.s32 $0x1BFF;
	s21 =	sshll.u32 s6, $0x1;
	s3 =	sadd.s32 s19, s18  }
0xa2: {  	s7 =	simm.s32 $0x0;
	s20 =	sshll.u32 s5, $0x1;
	s5 =	sadd.s32 s21, s3  }
0xa3: {  	[timem:s7], [sflag:s22] =	dma.local [hbm:s5], s20  }
0xa4: {  	_ =	swait.ge [sflag:s22], s20  }
0xa5: {  	s4 =	ssub.s32 $0x0, s20;
	[sflag:s22] =	ssyncset.done $0x0  }
0xa6: {  	[sflag:s22] =	ssyncadd.s32 s4;
	_ =	sdelay $0x1  }
0xa7: {  	s23 =	simm.s32 $0x1B8B  }
0xa8: {  	_ =	swait.ge [sflag:s23], $0x1  }
0xa9: {  	[sflag:s23] =	ssyncset.done $0x0  }
0xaa: {  	s25 =	simm.s32 $0x1B8E;
	s24 =	sld [smem:$0x3FFE];
	[sflag:s23] =	ssyncadd.s32 $0xFFFFFFFF  }
0xab: {  	s26 =	simm.s32 $execute0_lowered;
	[smem:$0x3FD2] =	sst s25  }
0xac: {  	s5 =	sshll.u32 s26, $0x1;
	_ =	strace $0x8000004C;
	[dreg:$0x1] =	wrdreg $0xFFFFFFFF  }
0xad: {  	s28 =	simm.s32 $_size_execute0_lowered;
	s3 =	sadd.s32 s3, s5;
	[dreg:$0x0] =	wrdreg $0x0  }
0xae: {  	s5 =	sshll.u32 s28, $0x1;
	[dreg:$0x2] =	wrdreg s3  }
0xaf: {  	[dreg:$0x3] =	wrdreg s5  }
0xb0: {  	[dreg:$0x4] =	wrdreg $0xC0  }
0xb1: {  	_ =	task [dreg:s7], $0x5FFFF  }
0xb2: {  	[dreg:$0x1] =	wrdreg $0xFFFFFFFF  }
0xb3: {  	[dreg:$0x0] =	wrdreg $0x60  }
0xb4: {  	[dreg:$0x2] =	wrdreg s24  }
0xb5: {  	[dreg:$0x3] =	wrdreg s16  }
0xb6: {  	[dreg:$0x4] =	wrdreg $0x51000  }
0xb7: {  	[dreg:$0x5] =	wrdreg $0x9  }
0xb8: {  	_ =	task.clear_ibuf [dreg:s7], $0x6FFFF;
	_ =	strace $0x9000004C  }
0xb9: {  	s29 =	simm.s32 $0x9;
	_ =	strace $0x8000004E  }
0xba: {  	_ =	swait.ge [sflag:s29], $0x1  }
0xbb: {  	[sflag:s29] =	ssyncadd.s32 $0xFFFFFFFF  }
0xbc: {  	_ =	strace $0x9000004E  }
0xbd: {  	_ =	sfence  }
0xbe: {  	s30 =	sld [smem:$0x0];
	_ =	sdelay $0x2  }
0xbf: {  	s31 =	sshll.u32 s1, $0xD;
	s1 =	sshrl.u32 s1, $0x2  }
0xc0: {  	s3 =	sand.u32 $0x4000, s31;
	s1 =	sadd.s32 s1, s30  }
0xc1: {  	s0 =	sor.u32 s3, s0;
	s1 =	sshll.u32 s1, $0x11  }
0xc2: {  	s0 =	sor.u32 s1, s0  }
0xc3: {  	s0 =	sadd.s32 $0x8F2B, s0  }
0xc4: {  	[sflag:s0] =	ssyncadd.remote.s32 $0x1  }
0xc5: {  	_ =	sfence.sel $0xFFFF  }
0xc6: {  	[dreg:$0x0] =	wrdreg $0xFFFFFFFF;
	(pc) =	sbr.abs _section_cstart, $3  }
0xc7: {  	[dreg:$0x1] =	wrdreg $0xFFFFFFFF  }
0xc8: {  	_ =	task.clear_ibuf [dreg:s7], $0x2FFFF;
	_ =	strace $0x9FFFFFFF  }
0xc9: {  	(tm) =	ssettm $0x7FFFFFFF  }
tec
execute0_lowered:
.L_overlay_start_1:
0x0: {  	(tag) =	ssettag $0x1  }
0x1: {  	s0 =	rddreg [dreg:$0x0]  }
0x2: {  	s2 =	rddreg [dreg:$0x2];
	s3 =	simm.s32 $0x0  }
0x3: {  	s1 =	srdreg.scid;
	s9 =	stileid.u32;
	s28 =	simm.s32 $0x2  }
0x4: {  	s29 =	simm.s32 $0x6;
	s30 =	simm.s32 $0x3;
	s8 =	smul.u32 $0x7D00, s9  }
0x5: {  	s31 =	simm.s32 $0x1;
	[smem:$0x7FF] =	sst s3;
	s10 =	smul.u32 $0x271000, s9  }
0x6: {  	s6 =	sadd.s32 $0x141FA00, s0;
	s1 =	sand.u32 $0x1, s1;
	s19 =	smul.u32 $0x4E200, s9  }
0x7: {  	s7 =	sadd.s32 $0x2C00, s0;
	s11 =	sadd.s32 $0x12600, s0;
	s26 =	smul.u32 $0xFA0, s9  }
0x8: {  	p1 =	sne.s32 s9, $0x0;
	s4 =	smul.u32 $0x27100, s1;
	s5 =	ssub.s32 $0x2, s1  }
0x9: {  	_ =	strace $0x8000004D;
	p0 =	seq.s32 s1, $0x1;
	s18 =	sshrl.u32 s5, $0x1  }
0xa: {  	s14 =	sshrl.u32 s8, $0x3;
	s21 =	sshrl.u32 s10, $0x3;
	s0 =	sadd.s32 s4, s0  }
0xb: {  	s13 =	ssub.s32 s5, s18;
	s20 =	sadd.s32 s7, s14;
	s5 =	sadd.s32 s6, s19  }
0xc: {  	s1 =	sadd.s32 s6, s21;
	s8 =	sadd.s32 s11, s14;
	s25 =	sadd.s32 $0x20, s14  }
0xd: {  	s18 =	sadd.s32 s26, s7;
	s6 =	simm.s32 $0x0;
	[dreg:$0x4] =	wrdreg s20  }
0xe: {  	s4 =	sadd.s32 $0x10, s20;
	s22 =	sadd.s32 $0x500, s1;
	s23 =	sadd.s32 $0x4E2000, s1  }
0xf: {  	s24 =	sadd.s32 $0x10, s8;
	s1 =	sadd.s32 $0x4E2500, s1;
	s12 =	sadd.s32 $0x49200, s0  }
0x10: {  	s13 =	smax.u32 s13, $0x1;
	s14 =	sadd.s32 s7, s25;
	s15 =	sadd.s32 $0xA00, s5  }
0x11: {  	s16 =	sadd.s32 s11, s25;
	s17 =	sadd.s32 $0x4E2A00, s5;
	[dreg:$0x5] =	wrdreg s4  }
.Ltmp0:
0x12: {  	s10 =	sadd.s32 $0xF00, s5;
	[dreg:$0x6] =	wrdreg s22;
	(pc) =	sbr.rel .LBB2_1-.Ltmp0, $4  }
0x13: {  	s20 =	sadd.s32 s26, s11;
	s21 =	sadd.s32 $0x4E2F00, s5;
	[dreg:$0x7] =	wrdreg s23  }
0x14: {  	s25 =	simm.s32 $0x2900;
	s26 =	simm.s32 $0x50;
	[dreg:$0x8] =	wrdreg s24  }
0x15: {  	s0 =	simm.s32 $0x5;
	[dreg:$0x9] =	wrdreg s1;
	s22 =	simm.s32 $0x7  }
0x16: {  	s23 =	simm.s32 $0x100;
	s24 =	simm.s32 $0x80;
	s1 =	simm.s32 $0x4  }
.LBB2_8:
0x17: {  	_ =	swait.ge [sflag:s1], $0x2800  }
0x18: {  	[sflag:s1] =	ssyncset.done $0x0  }
0x19: {  	s6 =	sadd.s32 $0x1, s6;
	[sflag:s1] =	ssyncadd.s32 $0xFFFFD800  }
0x1a: {  	s4 =	simm.s32 @!p1 $0x1C07;
	p2 =	sne.s32 s6, s13;
	[bflag:$0x0] =	sbarrier.arrive $0xFFFF  }
0x1b: {  	[hbm:s12], [sflag:s4] =	dma.local @!p1 [spmem:s7], $0x27100  }
.Ltmp1:
0x1c: {  	_ = 	snop;
	(pc) =	sbr.rel @!p2 .LBB2_9-.Ltmp1, $4  }
0x1d: {  	s4 =	simm.s32 @!p1 $0x7  }
0x1e: {  	_ =	swait.ge @!p1 [sflag:s4], $0x27100  }
0x1f: {  	[sflag:s4] =	ssyncset.done @!p1 $0x0  }
0x20: {  	[sflag:s4] =	ssyncadd.s32 @!p1 $0xFFFD8F00  }
.LBB2_1:
0x21: {  	s7 =	sshrl.u32 @!p1 s2, $0x3;
	s9 =	simm.s32 @!p1 $0x1C07;
	s4 =	rddreg [dreg:$0x1]  }
0x22: {  	[spmem:s7], [sflag:s9] =	dma.local @!p1 [hbm:s4], $0x27100  }
0x23: {  	s9 =	simm.s32 @!p1 $0x7  }
.Ltmp2:
0x24: {  	_ =	swait.ge @!p1 [sflag:s9], $0x27100;
	(pc) =	sbr.rel @!p0 .LBB2_2-.Ltmp2, $4  }
0x25: {  	[sflag:s9] =	ssyncset.done @!p1 $0x0  }
0x26: {  	[sflag:s9] =	ssyncadd.s32 @!p1 $0xFFFD8F00  }
0x27: {  	[bflag:$0x0] =	sbarrier.arrive $0xFFFF  }
0x28: {  	s9 =	simm.s32 $0x0  }
0x29: {  	[tilespmem:s9], [sflag:$0x7] =	stream.linear.gather [hbm4b:s8+s9], $0x80, $0x38;
	[tilespmem:$0x18980] =	vst v63  }
0x2a: {  	_ =	swait.ge [sflag:s22], $0x80  }
0x2b: {  	[sflag:s22] =	ssyncset.done $0x0  }
0x2c: {  	s4 =	rddreg [dreg:$0x7];
	[sflag:s22] =	ssyncadd.s32 $0xFFFFFF80  }
0x2d: {  	[tilespmem:s23], [sflag:$0x7] =	stream.linear.gather [hbm4b:s4+s9], $0x2800, $0x38;
	[tilespmem:$0x18980] =	vst v63  }
0x2e: {  	_ =	swait.ge [sflag:s22], $0x2800  }
0x2f: {  	[sflag:s22] =	ssyncset.done $0x0  }
0x30: {  	s11 =	rddreg [dreg:$0x8];
	[sflag:s22] =	ssyncadd.s32 $0xFFFFD800  }
0x31: {  	[tilespmem:s24], [sflag:$0x2] =	stream.linear.gather [hbm4b:s11+s9], $0x80, $0x38;
	[tilespmem:$0x18980] =	vst v63  }
0x32: {  	s19 =	rddreg [dreg:$0x9]  }
0x33: {  	[tilespmem:s25], [sflag:$0x6] =	stream.linear.gather [hbm4b:s19+s9], $0x2800, $0x38;
	[tilespmem:$0x18980] =	vst v63  }
0x34: {  	_ = 	snop  }
0x35: {  	[spmem:s2] =	stream.indirect.scatter.add.f32 [tilespmem:s23], [sflag:$0x3], $0x80, s9, s26, $0xb8;
	[tilespmem:$0x18980] =	vst v63  }
0x36: {  	_ =	swait.ge [sflag:s28], $0x80  }
0x37: {  	[sflag:s28] =	ssyncset.done $0x0  }
0x38: {  	[sflag:s28] =	ssyncadd.s32 $0xFFFFFF80  }
0x39: {  	_ =	swait.ge [sflag:s29], $0x2800  }
0x3a: {  	[sflag:s29] =	ssyncset.done $0x0  }
0x3b: {  	[sflag:s29] =	ssyncadd.s32 $0xFFFFD800  }
0x3c: {  	_ =	swait.ge [sflag:s30], $0x2800  }
0x3d: {  	[sflag:s30] =	ssyncset.done $0x0  }
0x3e: {  	[sflag:s30] =	ssyncadd.s32 $0xFFFFD800  }
0x3f: {  	[spmem:s2] =	stream.indirect.scatter.add.f32 [tilespmem:s25], [sflag:$0x4], $0x80, s24, s26, $0xb8;
	[tilespmem:$0x18980] =	vst v63  }
0x40: {  	_ = 	snop  }
0x41: {  	[tilespmem:s9], [sflag:$0x1] =	stream.linear.gather [hbm4b:s16+s9], $0x80, $0x38;
	[tilespmem:$0x18980] =	vst v63  }
0x42: {  	s19 =	smov.u32 s21  }
0x43: {  	[tilespmem:s23], [sflag:$0x5] =	stream.linear.gather [hbm4b:s17+s9], $0x2800, $0x38;
	[tilespmem:$0x18980] =	vst v63  }
.LBB2_6:
0x44: {  	_ =	swait.ge [sflag:s31], $0x80  }
0x45: {  	[sflag:s31] =	ssyncset.done $0x0  }
0x46: {  	[sflag:s31] =	ssyncadd.s32 $0xFFFFFF80  }
0x47: {  	_ =	swait.ge [sflag:s0], $0x2800  }
0x48: {  	[sflag:s0] =	ssyncset.done $0x0  }
0x49: {  	[sflag:s0] =	ssyncadd.s32 $0xFFFFD800  }
0x4a: {  	_ =	swait.ge [sflag:s1], $0x2800  }
0x4b: {  	[sflag:s1] =	ssyncset.done $0x0  }
0x4c: {  	s11 =	sadd.s32 s9, s20;
	[sflag:s1] =	ssyncadd.s32 $0xFFFFD800  }
0x4d: {  	[spmem:s2] =	stream.indirect.scatter.add.f32 [tilespmem:s23], [sflag:$0x3], $0x80, s3, s26, $0xb8;
	[tilespmem:$0x18980] =	vst v63  }
0x4e: {  	s4 =	sadd.s32 $0x30, s11  }
0x4f: {  	[tilespmem:s24], [sflag:$0x2] =	stream.linear.gather [hbm4b:s4+s3], $0x80, $0x38;
	[tilespmem:$0x18980] =	vst v63  }
0x50: {  	_ = 	snop  }
0x51: {  	[tilespmem:s25], [sflag:$0x6] =	stream.linear.gather [hbm4b:s19+s3], $0x2800, $0x38;
	[tilespmem:$0x18980] =	vst v63  }
0x52: {  	_ =	swait.ge [sflag:s28], $0x80  }
0x53: {  	[sflag:s28] =	ssyncset.done $0x0  }
0x54: {  	[sflag:s28] =	ssyncadd.s32 $0xFFFFFF80  }
0x55: {  	_ =	swait.ge [sflag:s29], $0x2800  }
0x56: {  	p2 =	seq.s32 s9, $0xF60;
	[sflag:s29] =	ssyncset.done $0x0  }
.Ltmp3:
0x57: {  	[sflag:s29] =	ssyncadd.s32 $0xFFFFD800;
	(pc) =	sbr.rel @p2 .LBB2_8-.Ltmp3, $4  }
0x58: {  	_ =	swait.ge [sflag:s30], $0x2800  }
0x59: {  	[sflag:s30] =	ssyncset.done $0x0  }
0x5a: {  	[sflag:s30] =	ssyncadd.s32 $0xFFFFD800  }
0x5b: {  	[spmem:s2] =	stream.indirect.scatter.add.f32 [tilespmem:s25], [sflag:$0x4], $0x80, s24, s26, $0xb8;
	[tilespmem:$0x18980] =	vst v63  }
.Ltmp4:
0x5c: {  	(pc) =	sbr.rel .LBB2_6-.Ltmp4, $4  }
0x5d: {  	s4 =	sadd.s32 $0x40, s11  }
0x5e: {  	[tilespmem:s3], [sflag:$0x1] =	stream.linear.gather [hbm4b:s4+s3], $0x80, $0x38;
	[tilespmem:$0x18980] =	vst v63  }
0x5f: {  	s11 =	sadd.s32 $0x500, s19;
	s9 =	sadd.s32 $0x20, s9;
	s19 =	sadd.s32 $0xA00, s19  }
0x60: {  	[tilespmem:s23], [sflag:$0x5] =	stream.linear.gather [hbm4b:s11+s3], $0x2800, $0x38;
	[tilespmem:$0x18980] =	vst v63  }
.LBB2_2:
0x61: {  	s4 =	rddreg [dreg:$0x4]  }
0x62: {  	[tilespmem:s9], [sflag:$0x7] =	stream.linear.gather [hbm4b:s4+s9], $0x80, $0x38;
	[tilespmem:$0x18980] =	vst v63  }
0x63: {  	_ =	swait.ge [sflag:s22], $0x80  }
0x64: {  	[sflag:s22] =	ssyncset.done $0x0  }
0x65: {  	[sflag:s22] =	ssyncadd.s32 $0xFFFFFF80  }
0x66: {  	[tilespmem:s23], [sflag:$0x7] =	stream.linear.gather [hbm4b:s5+s9], $0x2800, $0x38;
	[tilespmem:$0x18980] =	vst v63  }
0x67: {  	_ =	swait.ge [sflag:s22], $0x2800  }
0x68: {  	[sflag:s22] =	ssyncset.done $0x0  }
0x69: {  	s11 =	rddreg [dreg:$0x5];
	[sflag:s22] =	ssyncadd.s32 $0xFFFFD800  }
0x6a: {  	[tilespmem:s24], [sflag:$0x2] =	stream.linear.gather [hbm4b:s11+s9], $0x80, $0x38;
	[tilespmem:$0x18980] =	vst v63  }
0x6b: {  	s19 =	rddreg [dreg:$0x6]  }
0x6c: {  	[tilespmem:s25], [sflag:$0x6] =	stream.linear.gather [hbm4b:s19+s9], $0x2800, $0x38;
	[tilespmem:$0x18980] =	vst v63  }
0x6d: {  	_ = 	snop  }
0x6e: {  	[spmem:s2] =	stream.indirect.scatter.add.f32 [tilespmem:s23], [sflag:$0x3], $0x80, s9, s26, $0xb8;
	[tilespmem:$0x18980] =	vst v63  }
0x6f: {  	_ =	swait.ge [sflag:s28], $0x80  }
0x70: {  	[sflag:s28] =	ssyncset.done $0x0  }
0x71: {  	[sflag:s28] =	ssyncadd.s32 $0xFFFFFF80  }
0x72: {  	_ =	swait.ge [sflag:s29], $0x2800  }
0x73: {  	[sflag:s29] =	ssyncset.done $0x0  }
0x74: {  	[sflag:s29] =	ssyncadd.s32 $0xFFFFD800  }
0x75: {  	_ =	swait.ge [sflag:s30], $0x2800  }
0x76: {  	[sflag:s30] =	ssyncset.done $0x0  }
0x77: {  	[sflag:s30] =	ssyncadd.s32 $0xFFFFD800  }
0x78: {  	[spmem:s2] =	stream.indirect.scatter.add.f32 [tilespmem:s25], [sflag:$0x4], $0x80, s24, s26, $0xb8;
	[tilespmem:$0x18980] =	vst v63  }
0x79: {  	_ = 	snop  }
0x7a: {  	[tilespmem:s9], [sflag:$0x1] =	stream.linear.gather [hbm4b:s14+s9], $0x80, $0x38;
	[tilespmem:$0x18980] =	vst v63  }
0x7b: {  	s19 =	smov.u32 s10  }
0x7c: {  	[tilespmem:s23], [sflag:$0x5] =	stream.linear.gather [hbm4b:s15+s9], $0x2800, $0x38;
	[tilespmem:$0x18980] =	vst v63  }
.LBB2_3:
0x7d: {  	_ =	swait.ge [sflag:s31], $0x80  }
0x7e: {  	[sflag:s31] =	ssyncset.done $0x0  }
0x7f: {  	[sflag:s31] =	ssyncadd.s32 $0xFFFFFF80  }
0x80: {  	_ =	swait.ge [sflag:s0], $0x2800  }
0x81: {  	[sflag:s0] =	ssyncset.done $0x0  }
0x82: {  	[sflag:s0] =	ssyncadd.s32 $0xFFFFD800  }
0x83: {  	_ =	swait.ge [sflag:s1], $0x2800  }
0x84: {  	[sflag:s1] =	ssyncset.done $0x0  }
0x85: {  	s11 =	sadd.s32 s9, s18;
	[sflag:s1] =	ssyncadd.s32 $0xFFFFD800  }
0x86: {  	[spmem:s2] =	stream.indirect.scatter.add.f32 [tilespmem:s23], [sflag:$0x3], $0x80, s3, s26, $0xb8;
	[tilespmem:$0x18980] =	vst v63  }
0x87: {  	s4 =	sadd.s32 $0x30, s11  }
0x88: {  	[tilespmem:s24], [sflag:$0x2] =	stream.linear.gather [hbm4b:s4+s3], $0x80, $0x38;
	[tilespmem:$0x18980] =	vst v63  }
0x89: {  	_ = 	snop  }
0x8a: {  	[tilespmem:s25], [sflag:$0x6] =	stream.linear.gather [hbm4b:s19+s3], $0x2800, $0x38;
	[tilespmem:$0x18980] =	vst v63  }
0x8b: {  	_ =	swait.ge [sflag:s28], $0x80  }
0x8c: {  	[sflag:s28] =	ssyncset.done $0x0  }
0x8d: {  	[sflag:s28] =	ssyncadd.s32 $0xFFFFFF80  }
0x8e: {  	_ =	swait.ge [sflag:s29], $0x2800  }
0x8f: {  	p2 =	seq.s32 s9, $0xF60;
	[sflag:s29] =	ssyncset.done $0x0  }
.Ltmp5:
0x90: {  	[sflag:s29] =	ssyncadd.s32 $0xFFFFD800;
	(pc) =	sbr.rel @p2 .LBB2_8-.Ltmp5, $4  }
0x91: {  	_ =	swait.ge [sflag:s30], $0x2800  }
0x92: {  	[sflag:s30] =	ssyncset.done $0x0  }
0x93: {  	[sflag:s30] =	ssyncadd.s32 $0xFFFFD800  }
0x94: {  	[spmem:s2] =	stream.indirect.scatter.add.f32 [tilespmem:s25], [sflag:$0x4], $0x80, s24, s26, $0xb8;
	[tilespmem:$0x18980] =	vst v63  }
.Ltmp6:
0x95: {  	(pc) =	sbr.rel .LBB2_3-.Ltmp6, $4  }
0x96: {  	s4 =	sadd.s32 $0x40, s11  }
0x97: {  	[tilespmem:s3], [sflag:$0x1] =	stream.linear.gather [hbm4b:s4+s3], $0x80, $0x38;
	[tilespmem:$0x18980] =	vst v63  }
0x98: {  	s11 =	sadd.s32 $0x500, s19;
	s9 =	sadd.s32 $0x20, s9;
	s19 =	sadd.s32 $0xA00, s19  }
0x99: {  	[tilespmem:s23], [sflag:$0x5] =	stream.linear.gather [hbm4b:s11+s3], $0x2800, $0x38;
	[tilespmem:$0x18980] =	vst v63  }
.LBB2_9:
0x9a: {  	_ =	sfence.sel $0x180000  }
0x9b: {  	[bflag:$0x0] =	sbarrier.arrive $0xFFFF  }
0x9c: {  	_ =	strace $0x9000004D  }
0x9d: {  	[bflag:$0x2] =	sbarrier.arrive $0xFFFF  }
0x9e: {  	s0 =	rddreg [dreg:$0x3]  }
0x9f: {  	s0 =	sadd.s32 @!p1 $0x100000, s0  }
0xa0: {  	[sflag:s0] =	ssyncadd.tile.s32 @!p1 $0x1;
	_ =	shalt  }
.Lfunc_end2:
_tile_overlayer_lowered:
.L_overlay_start_2:
0xa1: {  	(tag) =	ssettag $0x2  }
0xa2: {  	s0 =	rddreg [dreg:$0x0];
	s2 =	stileid.u32  }
0xa3: {  	s1 =	rddreg [dreg:$0x1];
	p0 =	sne.s32 s2, $0x0  }
0xa4: {  	s3 =	rddreg [dreg:$0x2];
	[bflag:$0x3] =	sbarrier.arrive $0xFFFF;
	s2 =	simm.s32 @!p0 $0x1C07  }
0xa5: {  	[timem:s3], [sflag:s2] =	dma.local @!p0 [hbm:s0], s1  }
0xa6: {  	s0 =	simm.s32 @!p0 $0x7  }
0xa7: {  	_ =	swait.ge @!p0 [sflag:s0], s1  }
0xa8: {  	s1 =	ssub.s32 @!p0 $0x0, s1;
	[sflag:s0] =	ssyncset.done @!p0 $0x0  }
0xa9: {  	[sflag:s0] =	ssyncadd.s32 @!p0 s1  }
0xaa: {  	[bflag:$0x3] =	sbarrier.arrive $0xFFFF  }
0xab: {  	_ =	shalt  }

// kernel: kernel.3.cloned.1.call-start
scs
__scs_entry_jumppad:
0x0: {  	(pc) =	sbr.rel $0x88, $3  }
0x1: {  	(tag) =	ssettag $0x0;
	lr =	simm.s32 $0x1  }
0x2: {  	[smem:$0x3F96] =	sst lr;
	_ =	strace $0xD0000000  }
0x3: {  	_ = 	snop  }
0x4: {  	_ = 	snop  }
0x5: {  	_ = 	snop  }
0x6: {  	_ = 	snop  }
0x7: {  	_ = 	snop  }
__scs_overlays_trampoline_lowered:
0x8: {  	[smem:$0x3FA5] =	sst s0  }
0x9: {  	[smem:$0x3FA6] =	sst s1  }
0xa: {  	[smem:$0x3FA7] =	sst s2  }
0xb: {  	[smem:$0x3FA8] =	sst s3  }
0xc: {  	[smem:$0x3FA9] =	sst s4  }
0xd: {  	[smem:$0x3FAA] =	sst s5  }
0xe: {  	[smem:$0x3FAB] =	sst s6  }
0xf: {  	[smem:$0x3FAC] =	sst s7  }
0x10: {  	[smem:$0x3FAD] =	sst s8  }
0x11: {  	[smem:$0x3FAE] =	sst s9;
	s0 =	simm.s32 @!p0 $0x0  }
0x12: {  	s1 =	sld [smem:$0x3F94];
	s0 =	simm.s32 @p0 $0x1  }
0x13: {  	[smem:$0x3FAF] =	sst s0;
	s0 =	simm.s32 @!p1 $0x0  }
0x14: {  	s2 =	sld [smem:$0x3F93];
	s0 =	simm.s32 @p1 $0x1  }
0x15: {  	[smem:$0x3FB0] =	sst s0;
	s0 =	simm.s32 @!p2 $0x0  }
0x16: {  	s3 =	sld [smem:$0x3FDB];
	s0 =	simm.s32 @p2 $0x1  }
0x17: {  	s4 =	simm.s32 $0x1BF5;
	[smem:$0x3FB2] =	sst s0  }
0x18: {  	s0 =	sld [smem:$0x3F95];
	_ =	swait.ge [sflag:s4], $0x0  }
0x19: {  	s7 =	sld [smem:$0x3F96]  }
0x1a: {  	s8 =	sadd.s32 $0xFFFFE003, lr  }
0x1b: {  	s9 =	sadd.s32 $0xFFFFFEF7, lr;
	s5 =	simm.s32 $0xFFFFFFFF;
	p2 =	slt.u32 s8, $0xFFFFF086  }
0x1c: {  	p1 =	slt.u32 s9, $0xF7A;
	s5 =	simm.s32 @!p2 $0x0  }
0x1d: {  	s5 =	simm.s32 @p1 $0x1;
	p0 =	seq.s32 s7, s2  }
0x1e: {  	s7 =	smul.u32 @!p0 $0xF7A, s2;
	p2 =	seq.s32 @!p0 s5, $0x0  }
0x1f: {  	s9 =	smul.u32 $0xF7A, s1;
	s8 =	simm.s32 @!p0 $0x1BF5;
	p2 =	por !p2, p0  }
0x20: {  	[sflag:s8] =	ssyncset.s32 @!p0 $0xFFFFF086;
	s6 =	sadd.s32 @!p0 s3, s7;
	s7 =	simm.s32 @!p0 $0x108  }
0x21: {  	s3 =	sadd.s32 s3, s9;
	s6 =	sadd.s32 @!p0 $0x88, s6;
	s7 =	simm.s32 @p2 $0x1082  }
0x22: {  	[simem:s7], [sflag:s8] =	dma.local @!p0 [hbm:s6], $0xF7A  }
0x23: {  	s9 =	sor.u32 $0xD0000000, s2;
	s6 =	simm.s32 $0x108;
	_ =	swait.ge @!p0 [sflag:s8], $0x0  }
0x24: {  	s3 =	sadd.s32 $0x88, s3;
	s6 =	simm.s32 @!p1 $0x1082;
	[sflag:s4] =	ssyncset.s32 $0xFFFFF086  }
0x25: {  	[simem:s6], [sflag:s4] =	dma.local [hbm:s3], $0xF7A  }
0x26: {  	[smem:$0x3F96] =	sst s1;
	(tag) =	ssettag s2;
	_ =	strace s9  }
0x27: {  	s1 =	sld [smem:$0x3FA6]  }
0x28: {  	s2 =	sld [smem:$0x3FA7]  }
0x29: {  	s4 =	sld [smem:$0x3FA9]  }
0x2a: {  	p0 =	seq.s32 s5, $0x0;
	s5 =	sld [smem:$0x3FAA]  }
0x2b: {  	s6 =	sld [smem:$0x3FAB]  }
0x2c: {  	s7 =	sld [smem:$0x3FAC]  }
0x2d: {  	s3 =	simm.s32 $0x108;
	s8 =	sld [smem:$0x3FAD]  }
0x2e: {  	s3 =	simm.s32 @!p0 $0x1082;
	s9 =	sld [smem:$0x3FAE]  }
0x2f: {  	lr =	sadd.s32 s0, s3;
	s0 =	sld [smem:$0x3FA5]  }
0x30: {  	s3 =	sld [smem:$0x3FA8]  }
0x31: {  	[smem:$0x3FB1] =	sst s10  }
0x32: {  	s10 =	sld [smem:$0x3FAF];
	_ =	sdelay $0x3  }
0x33: {  	p0 =	seq.s32 s10, $0x1;
	s10 =	sld [smem:$0x3FB1];
	_ =	sdelay $0x3  }
0x34: {  	[smem:$0x3FB1] =	sst s10  }
0x35: {  	s10 =	sld [smem:$0x3FB0];
	_ =	sdelay $0x3  }
0x36: {  	p1 =	seq.s32 s10, $0x1;
	s10 =	sld [smem:$0x3FB1];
	_ =	sdelay $0x3  }
0x37: {  	[smem:$0x3FB1] =	sst s10  }
0x38: {  	s10 =	sld [smem:$0x3FB2]  }
0x39: {  	_ = 	snop;
	(pc) =	sbr.ind lr, $3  }
0x3a: {  	_ = 	snop  }
0x3b: {  	_ = 	snop  }
0x3c: {  	p2 =	seq.s32 s10, $0x1;
	s10 =	sld [smem:$0x3FB1]  }
0x3d: {  	_ =	shalt  }
0x3e: {  	_ =	shalt  }
0x3f: {  	_ =	shalt  }
0x40: {  	_ =	shalt  }
0x41: {  	_ =	shalt  }
0x42: {  	_ =	shalt  }
0x43: {  	_ =	shalt  }
0x44: {  	_ =	shalt  }
0x45: {  	_ =	shalt  }
0x46: {  	_ =	shalt  }
0x47: {  	_ =	shalt  }
0x48: {  	_ =	shalt  }
0x49: {  	_ =	shalt  }
0x4a: {  	_ =	shalt  }
0x4b: {  	_ =	shalt  }
0x4c: {  	_ =	shalt  }
0x4d: {  	_ =	shalt  }
0x4e: {  	_ =	shalt  }
0x4f: {  	_ =	shalt  }
0x50: {  	_ =	shalt  }
0x51: {  	_ =	shalt  }
0x52: {  	_ =	shalt  }
0x53: {  	_ =	shalt  }
0x54: {  	_ =	shalt  }
0x55: {  	_ =	shalt  }
0x56: {  	_ =	shalt  }
0x57: {  	_ =	shalt  }
0x58: {  	_ =	shalt  }
0x59: {  	_ =	shalt  }
0x5a: {  	_ =	shalt  }
0x5b: {  	_ =	shalt  }
0x5c: {  	_ =	shalt  }
0x5d: {  	_ =	shalt  }
0x5e: {  	_ =	shalt  }
0x5f: {  	_ =	shalt  }
0x60: {  	_ =	shalt  }
0x61: {  	_ =	shalt  }
0x62: {  	_ =	shalt  }
0x63: {  	_ =	shalt  }
0x64: {  	_ =	shalt  }
0x65: {  	_ =	shalt  }
0x66: {  	_ =	shalt  }
0x67: {  	_ =	shalt  }
0x68: {  	_ =	shalt  }
0x69: {  	_ =	shalt  }
0x6a: {  	_ =	shalt  }
0x6b: {  	_ =	shalt  }
0x6c: {  	_ =	shalt  }
0x6d: {  	_ =	shalt  }
0x6e: {  	_ =	shalt  }
0x6f: {  	_ =	shalt  }
0x70: {  	_ =	shalt  }
0x71: {  	_ =	shalt  }
0x72: {  	_ =	shalt  }
0x73: {  	_ =	shalt  }
0x74: {  	_ =	shalt  }
0x75: {  	_ =	shalt  }
0x76: {  	_ =	shalt  }
0x77: {  	_ =	shalt  }
0x78: {  	_ =	shalt  }
0x79: {  	_ =	shalt  }
0x7a: {  	_ =	shalt  }
0x7b: {  	_ =	shalt  }
0x7c: {  	_ =	shalt  }
0x7d: {  	_ =	shalt  }
0x7e: {  	_ =	shalt  }
0x7f: {  	_ =	shalt  }
0x80: {  	_ =	shalt  }
0x81: {  	_ =	shalt  }
0x82: {  	_ =	shalt  }
0x83: {  	_ =	shalt  }
0x84: {  	_ =	shalt  }
0x85: {  	_ =	shalt  }
0x86: {  	_ =	shalt  }
0x87: {  	_ =	shalt  }
.Lfunc_end0:
.L_simem_size_0:
called_computation.2_lowered:
.L_overlay_start_0:
0x88: {  	s2 =	sld [smem:$0x3FD9]  }
0x89: {  	s3 =	sld [smem:$0x3FFE];
	_ =	sdelay $0x1  }
0x8a: {  	s1 =	srdreg.scid  }
0x8b: {  	s0 =	sand.u32 $0x1, s1  }
0x8c: {  	s16 =	sshll.u32 s0, $0xA;
	s2 =	sadd.s32 s3, s2  }
0x8d: {  	s2 =	sadd.s32 s2, s16  }
0x8e: {  	[smem:$0x3FBD] =	sst s2  }
0x8f: {  	_ = 	snop  }
0x90: {  	(tm) =	ssettm $0x1  }
0x91: {  	s17 =	sld [smem:$0x3FFB];
	_ =	sdelay $0x3  }
0x92: {  	_ =	strace s17  }
0x93: {  	s2 =	sld [smem:$0x3FFC];
	_ =	sdelay $0x3  }
0x94: {  	_ =	strace s2  }
0x95: {  	s2 =	sld [smem:$0x3FFD];
	_ =	sdelay $0x3  }
0x96: {  	_ =	strace s2  }
0x97: {  	_ =	strace $0x8FFFFFFF  }
0x98: {  	s18 =	sld [smem:$0x3FDB];
	_ =	sdelay $0x1  }
0x99: {  	s19 =	simm.s32 $_scs_section_size  }
0x9a: {  	s4 =	simm.s32 $_size__tile_overlayer_lowered;
	s5 =	simm.s32 $_tile_overlayer_lowered  }
0x9b: {  	s22 =	simm.s32 $0x1BFF;
	s21 =	sshll.u32 s5, $0x1;
	s2 =	sadd.s32 s19, s18  }
0x9c: {  	s6 =	simm.s32 $0x0;
	s20 =	sshll.u32 s4, $0x1;
	s4 =	sadd.s32 s21, s2  }
0x9d: {  	[timem:s6], [sflag:s22] =	dma.local [hbm:s4], s20  }
0x9e: {  	_ =	swait.ge [sflag:s22], s20  }
0x9f: {  	s3 =	ssub.s32 $0x0, s20;
	[sflag:s22] =	ssyncset.done $0x0  }
0xa0: {  	[sflag:s22] =	ssyncadd.s32 s3;
	_ =	sdelay $0x1  }
0xa1: {  	s23 =	simm.s32 $0x1B8B  }
0xa2: {  	_ =	swait.ge [sflag:s23], $0x1  }
0xa3: {  	[sflag:s23] =	ssyncset.done $0x0  }
0xa4: {  	s25 =	simm.s32 $0x1B8E;
	s24 =	sld [smem:$0x3FFE];
	[sflag:s23] =	ssyncadd.s32 $0xFFFFFFFF  }
0xa5: {  	s26 =	simm.s32 $execute0_lowered;
	[smem:$0x3FD2] =	sst s25  }
0xa6: {  	s4 =	sshll.u32 s26, $0x1;
	_ =	strace $0x80000046;
	[dreg:$0x1] =	wrdreg $0xFFFFFFFF  }
0xa7: {  	s28 =	simm.s32 $_size_execute0_lowered;
	s2 =	sadd.s32 s2, s4;
	[dreg:$0x0] =	wrdreg $0x0  }
0xa8: {  	s4 =	sshll.u32 s28, $0x1;
	[dreg:$0x2] =	wrdreg s2  }
0xa9: {  	[dreg:$0x3] =	wrdreg s4  }
0xaa: {  	[dreg:$0x4] =	wrdreg $0xC0  }
0xab: {  	_ =	task [dreg:s6], $0x5FFFF  }
0xac: {  	[dreg:$0x1] =	wrdreg $0xFFFFFFFF  }
0xad: {  	[dreg:$0x0] =	wrdreg $0x60  }
0xae: {  	[dreg:$0x2] =	wrdreg s24  }
0xaf: {  	[dreg:$0x3] =	wrdreg $0x51000  }
0xb0: {  	[dreg:$0x4] =	wrdreg $0x9  }
0xb1: {  	_ =	task.clear_ibuf [dreg:s6], $0x5FFFF;
	_ =	strace $0x90000046  }
0xb2: {  	s29 =	simm.s32 $0x9;
	_ =	strace $0x80000048  }
0xb3: {  	_ =	swait.ge [sflag:s29], $0x1  }
0xb4: {  	[sflag:s29] =	ssyncadd.s32 $0xFFFFFFFF  }
0xb5: {  	_ =	strace $0x90000048  }
0xb6: {  	_ =	sfence  }
0xb7: {  	s30 =	sld [smem:$0x0];
	_ =	sdelay $0x2  }
0xb8: {  	s31 =	sshll.u32 s1, $0xD;
	s1 =	sshrl.u32 s1, $0x2  }
0xb9: {  	s3 =	sand.u32 $0x4000, s31;
	s1 =	sadd.s32 s1, s30  }
0xba: {  	s0 =	sor.u32 s3, s0;
	s1 =	sshll.u32 s1, $0x11  }
0xbb: {  	s0 =	sor.u32 s1, s0  }
0xbc: {  	s0 =	sadd.s32 $0x8F2B, s0  }
0xbd: {  	[sflag:s0] =	ssyncadd.remote.s32 $0x1  }
0xbe: {  	_ =	sfence.sel $0xFFFF  }
0xbf: {  	[dreg:$0x0] =	wrdreg $0xFFFFFFFF;
	(pc) =	sbr.abs _section_cstart, $3  }
0xc0: {  	[dreg:$0x1] =	wrdreg $0xFFFFFFFF  }
0xc1: {  	_ =	task.clear_ibuf [dreg:s6], $0x2FFFF;
	_ =	strace $0x9FFFFFFF  }
0xc2: {  	(tm) =	ssettm $0x7FFFFFFF  }
0xc3: {  	_ =	shalt  }
tec
execute0_lowered:
.L_overlay_start_1:
0x0: {  	(tag) =	ssettag $0x1  }
0x1: {  	s0 =	rddreg [dreg:$0x0]  }
0x2: {  	s1 =	rddreg [dreg:$0x1]  }
0x3: {  	s2 =	simm.s32 $0x0;
	s3 =	srdreg.scid;
	s9 =	stileid.u32  }
0x4: {  	s28 =	simm.s32 $0x2;
	s29 =	simm.s32 $0x6;
	s30 =	simm.s32 $0x3  }
0x5: {  	s31 =	simm.s32 $0x1;
	[smem:$0x7FF] =	sst s2;
	s11 =	smul.u32 $0x7D00, s9  }
0x6: {  	s4 =	sadd.s32 $0x22000, s0;
	s6 =	sadd.s32 $0x2C00, s0;
	s12 =	smul.u32 $0x271000, s9  }
0x7: {  	s5 =	sand.u32 $0x1, s3;
	s7 =	sadd.s32 $0x12600, s0;
	s20 =	smul.u32 $0x4E200, s9  }
0x8: {  	s3 =	sadd.s32 $0x9E6000, s0;
	s25 =	smul.u32 $0xFA0, s9;
	p1 =	sne.s32 s9, $0x0  }
0x9: {  	_ =	strace $0x80000047;
	s8 =	smul.u32 $0x27100, s5;
	s10 =	ssub.s32 $0x2, s5  }
0xa: {  	p0 =	seq.s32 s5, $0x1;
	s19 =	sshrl.u32 s10, $0x1;
	s11 =	sshrl.u32 s11, $0x3  }
0xb: {  	s12 =	sshrl.u32 s12, $0x3;
	s5 =	sadd.s32 s4, s20;
	s18 =	sadd.s32 s25, s6  }
0xc: {  	s20 =	sadd.s32 s25, s7;
	s25 =	simm.s32 $0x2900;
	s0 =	sadd.s32 s8, s0  }
0xd: {  	s10 =	ssub.s32 s10, s19;
	s13 =	sadd.s32 s6, s11;
	s4 =	sadd.s32 s4, s12  }
0xe: {  	s8 =	sadd.s32 s7, s11;
	s24 =	sadd.s32 $0x20, s11;
	s15 =	sadd.s32 $0xA00, s5  }
0xf: {  	s17 =	sadd.s32 $0x4E2A00, s5;
	s11 =	sadd.s32 $0xF00, s5;
	[dreg:$0x3] =	wrdreg s13  }
0x10: {  	s21 =	sadd.s32 $0x10, s13;
	s22 =	sadd.s32 $0x500, s4;
	s12 =	sadd.s32 $0x4E2000, s4  }
0x11: {  	s23 =	sadd.s32 $0x10, s8;
	s4 =	sadd.s32 $0x4E2500, s4;
	[dreg:$0x4] =	wrdreg s21  }
0x12: {  	s13 =	smax.u32 s10, $0x1;
	s26 =	sadd.s32 s6, s24;
	[dreg:$0x5] =	wrdreg s22  }
.Ltmp0:
0x13: {  	s16 =	sadd.s32 s7, s24;
	[dreg:$0x6] =	wrdreg s12;
	(pc) =	sbr.rel .LBB2_1-.Ltmp0, $4  }
0x14: {  	s24 =	simm.s32 $0x80;
	s6 =	simm.s32 $0x4;
	[dreg:$0x7] =	wrdreg s23  }
0x15: {  	s7 =	simm.s32 $0x0;
	[dreg:$0x8] =	wrdreg s4;
	s12 =	sadd.s32 $0xA0D200, s0  }
0x16: {  	[dreg:$0x9] =	wrdreg s26;
	s21 =	sadd.s32 $0x4E2F00, s5;
	s22 =	simm.s32 $0x7  }
0x17: {  	s23 =	simm.s32 $0x100;
	s26 =	simm.s32 $0x50;
	s0 =	simm.s32 $0x5  }
.LBB2_8:
0x18: {  	_ =	swait.ge [sflag:s6], $0x2800  }
0x19: {  	[sflag:s6] =	ssyncset.done $0x0  }
0x1a: {  	s7 =	sadd.s32 $0x1, s7;
	[sflag:s6] =	ssyncadd.s32 $0xFFFFD800  }
0x1b: {  	s4 =	simm.s32 @!p1 $0x1C07;
	p2 =	sne.s32 s7, s13;
	[bflag:$0x0] =	sbarrier.arrive $0xFFFF  }
0x1c: {  	[hbm:s12], [sflag:s4] =	dma.local @!p1 [spmem:s9], $0x27100  }
.Ltmp1:
0x1d: {  	_ = 	snop;
	(pc) =	sbr.rel @!p2 .LBB2_9-.Ltmp1, $4  }
0x1e: {  	s4 =	simm.s32 @!p1 $0x7  }
0x1f: {  	_ =	swait.ge @!p1 [sflag:s4], $0x27100  }
0x20: {  	[sflag:s4] =	ssyncset.done @!p1 $0x0  }
0x21: {  	[sflag:s4] =	ssyncadd.s32 @!p1 $0xFFFD8F00  }
.LBB2_1:
0x22: {  	s9 =	sshrl.u32 @!p1 s1, $0x3;
	s4 =	simm.s32 @!p1 $0x1C07  }
0x23: {  	[spmem:s9], [sflag:s4] =	dma.local @!p1 [hbm:s3], $0x27100  }
0x24: {  	s4 =	simm.s32 @!p1 $0x7  }
.Ltmp2:
0x25: {  	_ =	swait.ge @!p1 [sflag:s4], $0x27100;
	(pc) =	sbr.rel @!p0 .LBB2_2-.Ltmp2, $4  }
0x26: {  	[sflag:s4] =	ssyncset.done @!p1 $0x0  }
0x27: {  	[sflag:s4] =	ssyncadd.s32 @!p1 $0xFFFD8F00  }
0x28: {  	[bflag:$0x0] =	sbarrier.arrive $0xFFFF  }
0x29: {  	s10 =	simm.s32 $0x0  }
0x2a: {  	[tilespmem:s10], [sflag:$0x7] =	stream.linear.gather [hbm4b:s8+s10], $0x80, $0x38;
	[tilespmem:$0x18980] =	vst v63  }
0x2b: {  	_ =	swait.ge [sflag:s22], $0x80  }
0x2c: {  	[sflag:s22] =	ssyncset.done $0x0  }
0x2d: {  	s4 =	rddreg [dreg:$0x6];
	[sflag:s22] =	ssyncadd.s32 $0xFFFFFF80  }
0x2e: {  	[tilespmem:s23], [sflag:$0x7] =	stream.linear.gather [hbm4b:s4+s10], $0x2800, $0x38;
	[tilespmem:$0x18980] =	vst v63  }
0x2f: {  	_ =	swait.ge [sflag:s22], $0x2800  }
0x30: {  	[sflag:s22] =	ssyncset.done $0x0  }
0x31: {  	s14 =	rddreg [dreg:$0x7];
	[sflag:s22] =	ssyncadd.s32 $0xFFFFD800  }
0x32: {  	[tilespmem:s24], [sflag:$0x2] =	stream.linear.gather [hbm4b:s14+s10], $0x80, $0x38;
	[tilespmem:$0x18980] =	vst v63  }
0x33: {  	s19 =	rddreg [dreg:$0x8]  }
0x34: {  	[tilespmem:s25], [sflag:$0x6] =	stream.linear.gather [hbm4b:s19+s10], $0x2800, $0x38;
	[tilespmem:$0x18980] =	vst v63  }
0x35: {  	_ = 	snop  }
0x36: {  	[spmem:s1] =	stream.indirect.scatter.add.f32 [tilespmem:s23], [sflag:$0x3], $0x80, s10, s26, $0xb8;
	[tilespmem:$0x18980] =	vst v63  }
0x37: {  	_ =	swait.ge [sflag:s28], $0x80  }
0x38: {  	[sflag:s28] =	ssyncset.done $0x0  }
0x39: {  	[sflag:s28] =	ssyncadd.s32 $0xFFFFFF80  }
0x3a: {  	_ =	swait.ge [sflag:s29], $0x2800  }
0x3b: {  	[sflag:s29] =	ssyncset.done $0x0  }
0x3c: {  	[sflag:s29] =	ssyncadd.s32 $0xFFFFD800  }
0x3d: {  	_ =	swait.ge [sflag:s30], $0x2800  }
0x3e: {  	[sflag:s30] =	ssyncset.done $0x0  }
0x3f: {  	[sflag:s30] =	ssyncadd.s32 $0xFFFFD800  }
0x40: {  	[spmem:s1] =	stream.indirect.scatter.add.f32 [tilespmem:s25], [sflag:$0x4], $0x80, s24, s26, $0xb8;
	[tilespmem:$0x18980] =	vst v63  }
0x41: {  	_ = 	snop  }
0x42: {  	[tilespmem:s10], [sflag:$0x1] =	stream.linear.gather [hbm4b:s16+s10], $0x80, $0x38;
	[tilespmem:$0x18980] =	vst v63  }
0x43: {  	s19 =	smov.u32 s21  }
0x44: {  	[tilespmem:s23], [sflag:$0x5] =	stream.linear.gather [hbm4b:s17+s10], $0x2800, $0x38;
	[tilespmem:$0x18980] =	vst v63  }
.LBB2_6:
0x45: {  	_ =	swait.ge [sflag:s31], $0x80  }
0x46: {  	[sflag:s31] =	ssyncset.done $0x0  }
0x47: {  	[sflag:s31] =	ssyncadd.s32 $0xFFFFFF80  }
0x48: {  	_ =	swait.ge [sflag:s0], $0x2800  }
0x49: {  	[sflag:s0] =	ssyncset.done $0x0  }
0x4a: {  	[sflag:s0] =	ssyncadd.s32 $0xFFFFD800  }
0x4b: {  	_ =	swait.ge [sflag:s6], $0x2800  }
0x4c: {  	[sflag:s6] =	ssyncset.done $0x0  }
0x4d: {  	s4 =	sadd.s32 s10, s20;
	[sflag:s6] =	ssyncadd.s32 $0xFFFFD800  }
0x4e: {  	[spmem:s1] =	stream.indirect.scatter.add.f32 [tilespmem:s23], [sflag:$0x3], $0x80, s2, s26, $0xb8;
	[tilespmem:$0x18980] =	vst v63  }
0x4f: {  	s14 =	sadd.s32 $0x30, s4  }
0x50: {  	[tilespmem:s24], [sflag:$0x2] =	stream.linear.gather [hbm4b:s14+s2], $0x80, $0x38;
	[tilespmem:$0x18980] =	vst v63  }
0x51: {  	_ = 	snop  }
0x52: {  	[tilespmem:s25], [sflag:$0x6] =	stream.linear.gather [hbm4b:s19+s2], $0x2800, $0x38;
	[tilespmem:$0x18980] =	vst v63  }
0x53: {  	_ =	swait.ge [sflag:s28], $0x80  }
0x54: {  	[sflag:s28] =	ssyncset.done $0x0  }
0x55: {  	[sflag:s28] =	ssyncadd.s32 $0xFFFFFF80  }
0x56: {  	_ =	swait.ge [sflag:s29], $0x2800  }
0x57: {  	p2 =	seq.s32 s10, $0xF60;
	[sflag:s29] =	ssyncset.done $0x0  }
.Ltmp3:
0x58: {  	[sflag:s29] =	ssyncadd.s32 $0xFFFFD800;
	(pc) =	sbr.rel @p2 .LBB2_8-.Ltmp3, $4  }
0x59: {  	_ =	swait.ge [sflag:s30], $0x2800  }
0x5a: {  	[sflag:s30] =	ssyncset.done $0x0  }
0x5b: {  	[sflag:s30] =	ssyncadd.s32 $0xFFFFD800  }
0x5c: {  	[spmem:s1] =	stream.indirect.scatter.add.f32 [tilespmem:s25], [sflag:$0x4], $0x80, s24, s26, $0xb8;
	[tilespmem:$0x18980] =	vst v63  }
.Ltmp4:
0x5d: {  	(pc) =	sbr.rel .LBB2_6-.Ltmp4, $4  }
0x5e: {  	s4 =	sadd.s32 $0x40, s4  }
0x5f: {  	[tilespmem:s2], [sflag:$0x1] =	stream.linear.gather [hbm4b:s4+s2], $0x80, $0x38;
	[tilespmem:$0x18980] =	vst v63  }
0x60: {  	s14 =	sadd.s32 $0x500, s19;
	s10 =	sadd.s32 $0x20, s10;
	s19 =	sadd.s32 $0xA00, s19  }
0x61: {  	[tilespmem:s23], [sflag:$0x5] =	stream.linear.gather [hbm4b:s14+s2], $0x2800, $0x38;
	[tilespmem:$0x18980] =	vst v63  }
.LBB2_2:
0x62: {  	s4 =	rddreg [dreg:$0x3]  }
0x63: {  	[tilespmem:s10], [sflag:$0x7] =	stream.linear.gather [hbm4b:s4+s10], $0x80, $0x38;
	[tilespmem:$0x18980] =	vst v63  }
0x64: {  	_ =	swait.ge [sflag:s22], $0x80  }
0x65: {  	[sflag:s22] =	ssyncset.done $0x0  }
0x66: {  	[sflag:s22] =	ssyncadd.s32 $0xFFFFFF80  }
0x67: {  	[tilespmem:s23], [sflag:$0x7] =	stream.linear.gather [hbm4b:s5+s10], $0x2800, $0x38;
	[tilespmem:$0x18980] =	vst v63  }
0x68: {  	_ =	swait.ge [sflag:s22], $0x2800  }
0x69: {  	[sflag:s22] =	ssyncset.done $0x0  }
0x6a: {  	s19 =	rddreg [dreg:$0x4];
	[sflag:s22] =	ssyncadd.s32 $0xFFFFD800  }
0x6b: {  	[tilespmem:s24], [sflag:$0x2] =	stream.linear.gather [hbm4b:s19+s10], $0x80, $0x38;
	[tilespmem:$0x18980] =	vst v63  }
0x6c: {  	s14 =	rddreg [dreg:$0x5]  }
0x6d: {  	[tilespmem:s25], [sflag:$0x6] =	stream.linear.gather [hbm4b:s14+s10], $0x2800, $0x38;
	[tilespmem:$0x18980] =	vst v63  }
0x6e: {  	_ = 	snop  }
0x6f: {  	[spmem:s1] =	stream.indirect.scatter.add.f32 [tilespmem:s23], [sflag:$0x3], $0x80, s10, s26, $0xb8;
	[tilespmem:$0x18980] =	vst v63  }
0x70: {  	_ =	swait.ge [sflag:s28], $0x80  }
0x71: {  	[sflag:s28] =	ssyncset.done $0x0  }
0x72: {  	[sflag:s28] =	ssyncadd.s32 $0xFFFFFF80  }
0x73: {  	_ =	swait.ge [sflag:s29], $0x2800  }
0x74: {  	[sflag:s29] =	ssyncset.done $0x0  }
0x75: {  	[sflag:s29] =	ssyncadd.s32 $0xFFFFD800  }
0x76: {  	_ =	swait.ge [sflag:s30], $0x2800  }
0x77: {  	[sflag:s30] =	ssyncset.done $0x0  }
0x78: {  	[sflag:s30] =	ssyncadd.s32 $0xFFFFD800  }
0x79: {  	[spmem:s1] =	stream.indirect.scatter.add.f32 [tilespmem:s25], [sflag:$0x4], $0x80, s24, s26, $0xb8;
	[tilespmem:$0x18980] =	vst v63  }
0x7a: {  	s19 =	rddreg [dreg:$0x9]  }
0x7b: {  	[tilespmem:s10], [sflag:$0x1] =	stream.linear.gather [hbm4b:s19+s10], $0x80, $0x38;
	[tilespmem:$0x18980] =	vst v63  }
0x7c: {  	s19 =	smov.u32 s11  }
0x7d: {  	[tilespmem:s23], [sflag:$0x5] =	stream.linear.gather [hbm4b:s15+s10], $0x2800, $0x38;
	[tilespmem:$0x18980] =	vst v63  }
.LBB2_3:
0x7e: {  	_ =	swait.ge [sflag:s31], $0x80  }
0x7f: {  	[sflag:s31] =	ssyncset.done $0x0  }
0x80: {  	[sflag:s31] =	ssyncadd.s32 $0xFFFFFF80  }
0x81: {  	_ =	swait.ge [sflag:s0], $0x2800  }
0x82: {  	[sflag:s0] =	ssyncset.done $0x0  }
0x83: {  	[sflag:s0] =	ssyncadd.s32 $0xFFFFD800  }
0x84: {  	_ =	swait.ge [sflag:s6], $0x2800  }
0x85: {  	[sflag:s6] =	ssyncset.done $0x0  }
0x86: {  	s4 =	sadd.s32 s10, s18;
	[sflag:s6] =	ssyncadd.s32 $0xFFFFD800  }
0x87: {  	[spmem:s1] =	stream.indirect.scatter.add.f32 [tilespmem:s23], [sflag:$0x3], $0x80, s2, s26, $0xb8;
	[tilespmem:$0x18980] =	vst v63  }
0x88: {  	s14 =	sadd.s32 $0x30, s4  }
0x89: {  	[tilespmem:s24], [sflag:$0x2] =	stream.linear.gather [hbm4b:s14+s2], $0x80, $0x38;
	[tilespmem:$0x18980] =	vst v63  }
0x8a: {  	_ = 	snop  }
0x8b: {  	[tilespmem:s25], [sflag:$0x6] =	stream.linear.gather [hbm4b:s19+s2], $0x2800, $0x38;
	[tilespmem:$0x18980] =	vst v63  }
0x8c: {  	_ =	swait.ge [sflag:s28], $0x80  }
0x8d: {  	[sflag:s28] =	ssyncset.done $0x0  }
0x8e: {  	[sflag:s28] =	ssyncadd.s32 $0xFFFFFF80  }
0x8f: {  	_ =	swait.ge [sflag:s29], $0x2800  }
0x90: {  	p2 =	seq.s32 s10, $0xF60;
	[sflag:s29] =	ssyncset.done $0x0  }
.Ltmp5:
0x91: {  	[sflag:s29] =	ssyncadd.s32 $0xFFFFD800;
	(pc) =	sbr.rel @p2 .LBB2_8-.Ltmp5, $4  }
0x92: {  	_ =	swait.ge [sflag:s30], $0x2800  }
0x93: {  	[sflag:s30] =	ssyncset.done $0x0  }
0x94: {  	[sflag:s30] =	ssyncadd.s32 $0xFFFFD800  }
0x95: {  	[spmem:s1] =	stream.indirect.scatter.add.f32 [tilespmem:s25], [sflag:$0x4], $0x80, s24, s26, $0xb8;
	[tilespmem:$0x18980] =	vst v63  }
.Ltmp6:
0x96: {  	(pc) =	sbr.rel .LBB2_3-.Ltmp6, $4  }
0x97: {  	s4 =	sadd.s32 $0x40, s4  }
0x98: {  	[tilespmem:s2], [sflag:$0x1] =	stream.linear.gather [hbm4b:s4+s2], $0x80, $0x38;
	[tilespmem:$0x18980] =	vst v63  }
0x99: {  	s14 =	sadd.s32 $0x500, s19;
	s10 =	sadd.s32 $0x20, s10;
	s19 =	sadd.s32 $0xA00, s19  }
0x9a: {  	[tilespmem:s23], [sflag:$0x5] =	stream.linear.gather [hbm4b:s14+s2], $0x2800, $0x38;
	[tilespmem:$0x18980] =	vst v63  }
.LBB2_9:
0x9b: {  	_ =	sfence.sel $0x180000  }
0x9c: {  	[bflag:$0x0] =	sbarrier.arrive $0xFFFF  }
0x9d: {  	_ =	strace $0x90000047  }
0x9e: {  	[bflag:$0x2] =	sbarrier.arrive $0xFFFF  }
0x9f: {  	s0 =	rddreg [dreg:$0x2]  }
0xa0: {  	s0 =	sadd.s32 @!p1 $0x100000, s0  }
0xa1: {  	[sflag:s0] =	ssyncadd.tile.s32 @!p1 $0x1;
	_ =	shalt  }
.Lfunc_end2:
_tile_overlayer_lowered:
.L_overlay_start_2:
0xa2: {  	(tag) =	ssettag $0x2  }
0xa3: {  	s0 =	rddreg [dreg:$0x0];
	s2 =	stileid.u32  }
0xa4: {  	s1 =	rddreg [dreg:$0x1];
	p0 =	sne.s32 s2, $0x0  }
0xa5: {  	s3 =	rddreg [dreg:$0x2];
	[bflag:$0x3] =	sbarrier.arrive $0xFFFF;
	s2 =	simm.s32 @!p0 $0x1C07  }
0xa6: {  	[timem:s3], [sflag:s2] =	dma.local @!p0 [hbm:s0], s1  }
0xa7: {  	s0 =	simm.s32 @!p0 $0x7  }
0xa8: {  	_ =	swait.ge @!p0 [sflag:s0], s1  }
0xa9: {  	s1 =	ssub.s32 @!p0 $0x0, s1;
	[sflag:s0] =	ssyncset.done @!p0 $0x0  }
0xaa: {  	[sflag:s0] =	ssyncadd.s32 @!p0 s1  }
0xab: {  	[bflag:$0x3] =	sbarrier.arrive $0xFFFF  }
0xac: {  	_ =	shalt  }

</sc_bundles>
